<compile_context>
chip_gen: v7x
topology: tpu7x:2x2x1
jax: 0.10.2.dev20260603
libtpu: 0.0.44.dev20260713+nightly
codegen_flags: <defaults>
</compile_context>

<pallas_src>
import functools

import jax
import jax.numpy as jnp
from jax import lax
from jax.experimental import pallas as pl
from jax.experimental.pallas import tpu as pltpu
from jax.experimental.pallas import tpu_sc as plsc

_VOCAB = 1000000
_DIM = 32
_B = 16384
_NEG = 20

_info = plsc.get_sparse_core_info()
_NC, _NS, _L = _info.num_cores, _info.num_subcores, _info.num_lanes
_NW = _NC * _NS
_BPW = _B // _NW
_CB = 16
_NCHUNK = _BPW // _CB
_NPAIR = _NCHUNK // 2
_CE = _CB * _NEG
_NSPLIT = [(0, 128), (128, 128), (256, 64)]

_CIN = 16384
_M = _CIN // 512
_GRID = -(-_VOCAB // _CIN)
_Q = _GRID * (_CIN // 4)


def _compact2(ut, vt):

    def one(in_ref, out_ref):
        for m in range(_M):
            x = in_ref[:, m * 512:(m + 1) * 512]
            y = x.T
            z = jnp.concatenate(
                [y[0:128], y[128:256], y[256:384], y[384:512]], axis=1)
            out_ref[m * 128:(m + 1) * 128, :] = z

    def body(u_ref, v_ref, uo_ref, vo_ref):
        one(u_ref, uo_ref)
        one(v_ref, vo_ref)

    return pl.pallas_call(
        body,
        grid=(_GRID,),
        in_specs=[pl.BlockSpec((_DIM, _CIN), lambda j: (0, j)),
                  pl.BlockSpec((_DIM, _CIN), lambda j: (0, j))],
        out_specs=[pl.BlockSpec((_CIN // 4, 128), lambda j: (j, 0)),
                   pl.BlockSpec((_CIN // 4, 128), lambda j: (j, 0))],
        out_shape=[jax.ShapeDtypeStruct((_Q, 128), jnp.float32),
                   jax.ShapeDtypeStruct((_Q, 128), jnp.float32)],
    )(ut, vt)


def _sc_scores(u_c, v_c, logp, pos_u, pos_v, neg_flat):
    mesh = plsc.VectorSubcoreMesh(core_axis_name="c", subcore_axis_name="s")

    @functools.partial(
        pl.kernel,
        mesh=mesh,
        compiler_params=pltpu.CompilerParams(
            needs_layout_passes=False, use_tc_tiling_on_sc=False),
        out_type=[
            jax.ShapeDtypeStruct((_B,), jnp.float32),
            jax.ShapeDtypeStruct((_B * _NEG,), jnp.float32),
        ],
        scratch_types=[
            pltpu.VMEM((_BPW,), jnp.int32),
            pltpu.VMEM((_BPW,), jnp.int32),
            pltpu.VMEM((_BPW * _NEG,), jnp.int32),
            pltpu.VMEM((_BPW,), jnp.int32),
            pltpu.VMEM((_BPW,), jnp.int32),
            pltpu.VMEM((_BPW * _NEG,), jnp.int32),
            pltpu.VMEM((_BPW,), jnp.int32),
            pltpu.VMEM((_BPW,), jnp.int32),
            pltpu.VMEM((_BPW * _NEG,), jnp.int32),
            pltpu.VMEM((2, _CB, 128), jnp.float32),
            pltpu.VMEM((2, _CB, 128), jnp.float32),
            pltpu.VMEM((2, _CE, 128), jnp.float32),
            pltpu.VMEM((_BPW,), jnp.float32),
            pltpu.VMEM((2, _CB), jnp.float32),
            pltpu.VMEM((2, _CE), jnp.float32),
            pltpu.SemaphoreType.DMA,
            pltpu.SemaphoreType.DMA,
            pltpu.SemaphoreType.DMA,
            pltpu.SemaphoreType.DMA,
        ],
    )
    def sc_k(u_hbm, v_hbm, lp_hbm, pu_hbm, pv_hbm, nf_hbm,
             pos_out, neg_out,
             ridx_u, ridx_v, ridx_n, q_u, q_v, q_n, o_u, o_v, o_n,
             u_rows, v_rows, n_rows, lp_v, pos_st, neg_st,
             gsem0, gsem1, osem0, osem1):
        wid = lax.axis_index("s") * _NC + lax.axis_index("c")
        lane = lax.iota(jnp.int32, _L)
        wbase = wid * _BPW

        pltpu.sync_copy(pu_hbm.at[pl.ds(wbase, _BPW)], ridx_u)
        pltpu.sync_copy(pv_hbm.at[pl.ds(wbase, _BPW)], ridx_v)
        pltpu.sync_copy(nf_hbm.at[pl.ds(wbase * _NEG, _BPW * _NEG)], ridx_n)
        cp_lp = pltpu.async_copy(lp_hbm.at[ridx_u], lp_v, gsem0)

        def pack_ids(raw_ref, q_ref, o_ref, count):
            def grp(i, c):
                sl = pl.ds(i * _L, _L)
                r = raw_ref[sl]
                q_ref[sl] = ((r >> 9) << 7) | (r & 127)
                o_ref[sl] = ((r >> 7) & 3) << 5
                return c
            lax.fori_loop(0, count // _L, grp, 0)

        pack_ids(ridx_u, q_u, o_u, _BPW)
        pack_ids(ridx_v, q_v, o_v, _BPW)
        pack_ids(ridx_n, q_n, o_n, _BPW * _NEG)
        cp_lp.wait()

        def gather_copies(ci, slot, gsem, make_only):
            mk = pltpu.make_async_copy if make_only else pltpu.async_copy
            cb0 = ci * _CB
            cps = [
                mk(u_hbm.at[q_u.at[pl.ds(cb0, _CB)]], u_rows.at[slot], gsem),
                mk(v_hbm.at[q_v.at[pl.ds(cb0, _CB)]], v_rows.at[slot], gsem),
            ]
            for j0, jn in _NSPLIT:
                cps.append(mk(
                    v_hbm.at[q_n.at[pl.ds(cb0 * _NEG + j0, jn)]],
                    n_rows.at[slot].at[pl.ds(j0, jn)], gsem))
            return cps

        def fire(ci, slot, gsem):
            gather_copies(ci, slot, gsem, make_only=False)

        def drain(ci, slot, gsem):
            for cp in gather_copies(ci, slot, gsem, make_only=True):
                cp.wait()

        def wait_out(slot, osem):
            pltpu.make_async_copy(
                pos_st.at[slot], pos_out.at[pl.ds(0, _CB)], osem).wait()
            pltpu.make_async_copy(
                neg_st.at[slot], neg_out.at[pl.ds(0, _CE)], osem).wait()

        def compute(ci, slot, osem, first):
            base = wbase + ci * _CB
            cb0 = ci * _CB
            gsl = pl.ds(cb0, _L)
            bvec = lane
            su = o_u[gsl]
            sv = o_v[gsl]
            ur = u_rows.at[slot]
            vr = v_rows.at[slot]
            nr = n_rows.at[slot]
            us = [plsc.load_gather(ur, [bvec, su + d]) for d in range(_DIM)]
            quad_h = us[0] * us[0]
            for d in range(1, _DIM):
                quad_h = quad_h + us[d] * us[d]
            linacc = us[0] * plsc.load_gather(vr, [bvec, sv])
            for d in range(1, _DIM):
                linacc = linacc + us[d] * plsc.load_gather(vr, [bvec, sv + d])
            bias = lp_v[gsl] - 0.5 * quad_h

            @pl.when(jnp.logical_not(first))
            def _():
                wait_out(slot, osem)

            pos_st[slot] = linacc + bias

            def n_body(n, carry3):
                evec = bvec * _NEG + n
                sn = plsc.load_gather(o_n, [cb0 * _NEG + evec])
                acc = us[0] * plsc.load_gather(nr, [evec, sn])
                for d in range(1, _DIM):
                    acc = acc + us[d] * plsc.load_gather(nr, [evec, sn + d])
                plsc.store_scatter(neg_st.at[slot], [evec], acc + bias)
                return carry3

            lax.fori_loop(0, _NEG, n_body, 0)
            pltpu.async_copy(pos_st.at[slot], pos_out.at[pl.ds(base, _CB)],
                             osem)
            pltpu.async_copy(neg_st.at[slot],
                             neg_out.at[pl.ds(base * _NEG, _CE)], osem)

        fire(0, 0, gsem0)

        def pair_body(cp, carry):
            ci0 = 2 * cp
            fire(ci0 + 1, 1, gsem1)
            drain(ci0, 0, gsem0)
            compute(ci0, 0, osem0, cp == 0)

            @pl.when(cp < _NPAIR - 1)
            def _():
                fire(ci0 + 2, 0, gsem0)

            drain(ci0 + 1, 1, gsem1)
            compute(ci0 + 1, 1, osem1, cp == 0)
            return carry

        lax.fori_loop(0, _NPAIR, pair_body, 0)
        wait_out(0, osem0)
        wait_out(1, osem1)

    return sc_k(u_c, v_c, logp, pos_u, pos_v, neg_flat)


def _tc_reduce(pos_raw, neg_raw):
    def body(pos_ref, neg_ref, out_ref):
        p = jnp.clip(pos_ref[...], -10.0, 10.0)
        q = jnp.clip(neg_ref[...], -10.0, 10.0)
        tot = jnp.sum(jnp.log1p(jnp.exp(-p))) + jnp.sum(jnp.log1p(jnp.exp(q)))
        out_ref[0, 0] = tot * (1.0 / _B)

    return pl.pallas_call(
        body,
        out_shape=jax.ShapeDtypeStruct((1, 1), jnp.float32),
        out_specs=pl.BlockSpec(memory_space=pltpu.SMEM),
    )(pos_raw, neg_raw)


def kernel(u_weight, v_weight, log_priors, pos_u, pos_v, neg_v):
    u_c, v_c = _compact2(u_weight.T, v_weight.T)
    neg_flat = neg_v.reshape(-1).astype(jnp.int32)
    pos_raw, neg_raw = _sc_scores(
        u_c, v_c, log_priors,
        pos_u.astype(jnp.int32), pos_v.astype(jnp.int32), neg_flat)
    out = _tc_reduce(pos_raw.reshape(_B // 128, 128),
                     neg_raw.reshape(_B * _NEG // 128, 128))
    return out.reshape(())

# --- scband reference (transcript-rebuilt; emitter-appended) ---
"""Pipeline reference for scband-ldaskip-gram-model-42039139893977 (READ-ONLY COPY).

The authoritative reference and input builder live on the scoring server;
editing this copy changes nothing except your own understanding.
"""

import jax, jax.numpy as jnp
import numpy as np

VOCAB = 1000000
DIM = 32
B = 16384
NEG = 20

def setup_inputs(seed: int = 0) -> dict:
    key = jax.random.key(seed)
    k1, k2, k3, k4, k5, k6 = jax.random.split(key, 6)
    initrange = 1.0 / DIM
    u_weight = jax.random.uniform(k1, (VOCAB, DIM), dtype=jnp.float32, minval=-initrange, maxval=initrange)
    # use small random v-embeddings / priors instead of exact zeros so the math is nontrivial
    v_weight = jax.random.uniform(k2, (VOCAB, DIM), dtype=jnp.float32, minval=-initrange, maxval=initrange)
    log_priors = jax.random.normal(k3, (VOCAB,), dtype=jnp.float32) * 0.01
    pos_u = jax.random.randint(k4, (B,), 0, VOCAB, dtype=jnp.int64 if jax.config.read('jax_enable_x64') else jnp.int32)
    pos_v = jax.random.randint(k5, (B,), 0, VOCAB, dtype=jnp.int64 if jax.config.read('jax_enable_x64') else jnp.int32)
    neg_v = jax.random.randint(k6, (B, NEG), 0, VOCAB, dtype=jnp.int64 if jax.config.read('jax_enable_x64') else jnp.int32)
    return {"u_weight": u_weight, "v_weight": v_weight, "log_priors": log_priors,
            "pos_u": pos_u, "pos_v": pos_v, "neg_v": neg_v}

def reference(u_weight, v_weight, log_priors, pos_u, pos_v, neg_v):
    emb_u = jnp.take(u_weight, pos_u, axis=0)            # [B, D]
    emb_v = jnp.take(v_weight, pos_v, axis=0)            # [B, D]
    emb_neg_v = jnp.take(v_weight, neg_v, axis=0)        # [B, NEG, D]
    log_prior_u = jnp.take(log_priors, pos_u, axis=0)    # [B]

    linear = jnp.sum(emb_u * emb_v, axis=1)
    quad = 0.5 * jnp.sum(emb_u * emb_u, axis=1)
    score = linear - quad + log_prior_u
    score = jnp.clip(score, -10.0, 10.0)
    score = -jax.nn.log_sigmoid(score)

    neg_linear = jnp.einsum('bnd,bd->bn', emb_neg_v, emb_u)  # bmm(emb_neg_v, emb_u.unsqueeze(2)).squeeze()
    neg_score = neg_linear - quad[:, None] + log_prior_u[:, None]
    neg_score = jnp.clip(neg_score, -10.0, 10.0)
    neg_score = -jnp.sum(jax.nn.log_sigmoid(-neg_score), axis=1)

    return jnp.mean(score + neg_score)

if __name__ == "__main__":
    import jax
    _d = setup_inputs()
    print(jax.jit(kernel)(*tuple(_d.values())))

</pallas_src>

<mosaic_0001>
#map = affine_map<(d0, d1) -> (0, 0)>
#map1 = affine_map<(d0, d1) -> (0)>
module attributes {stable_mosaic.version = 14 : i64} {
  func.func @sc_k(%arg0: i32, %arg1: i32, %arg2: memref<253952x128xf32, #tpu.memory_space<hbm>>, %arg3: memref<253952x128xf32, #tpu.memory_space<hbm>>, %arg4: memref<1000000xf32, #tpu.memory_space<hbm>>, %arg5: memref<16384xi32, #tpu.memory_space<hbm>>, %arg6: memref<16384xi32, #tpu.memory_space<hbm>>, %arg7: memref<327680xi32, #tpu.memory_space<hbm>>, %arg8: memref<16384xf32, #tpu.memory_space<hbm>>, %arg9: memref<327680xf32, #tpu.memory_space<hbm>>, %arg10: memref<512xi32, #tpu.memory_space<vmem>>, %arg11: memref<512xi32, #tpu.memory_space<vmem>>, %arg12: memref<10240xi32, #tpu.memory_space<vmem>>, %arg13: memref<512xi32, #tpu.memory_space<vmem>>, %arg14: memref<512xi32, #tpu.memory_space<vmem>>, %arg15: memref<10240xi32, #tpu.memory_space<vmem>>, %arg16: memref<512xi32, #tpu.memory_space<vmem>>, %arg17: memref<512xi32, #tpu.memory_space<vmem>>, %arg18: memref<10240xi32, #tpu.memory_space<vmem>>, %arg19: memref<2x16x128xf32, #tpu.memory_space<vmem>>, %arg20: memref<2x16x128xf32, #tpu.memory_space<vmem>>, %arg21: memref<2x320x128xf32, #tpu.memory_space<vmem>>, %arg22: memref<512xf32, #tpu.memory_space<vmem>>, %arg23: memref<2x16xf32, #tpu.memory_space<vmem>>, %arg24: memref<2x320xf32, #tpu.memory_space<vmem>>, %arg25: memref<!tpu.dma_semaphore, #tpu.memory_space<semaphore_mem>>, %arg26: memref<!tpu.dma_semaphore, #tpu.memory_space<semaphore_mem>>, %arg27: memref<!tpu.dma_semaphore, #tpu.memory_space<semaphore_mem>>, %arg28: memref<!tpu.dma_semaphore, #tpu.memory_space<semaphore_mem>>) attributes {dimension_semantics = [#tpu.dimension_semantics<core_parallel>, #tpu.dimension_semantics<subcore_parallel>], iteration_bounds = array<i64: 2, 16>, scalar_prefetch = 0 : i64, scratch_operands = 19 : i64, tpu.core_type = #tpu.core_type<sc_vector_subcore>, window_params = [{transform_indices = #map}, {transform_indices = #map}, {transform_indices = #map1}, {transform_indices = #map1}, {transform_indices = #map1}, {transform_indices = #map1}, {transform_indices = #map1}, {transform_indices = #map1}]} {
    %mul3A = arith.constant 2 : i32
    %mul3A_0 = arith.muli %arg1, %mul3A : i32
    %add3A = arith.addi %mul3A_0, %arg0 : i32
    %iota3A = tpu.iota {dimensions = array<i32: 0>} : vector<16xi32>
    %mul3A_1 = arith.constant 512 : i32
    %mul3A_2 = arith.muli %add3A, %mul3A_1 : i32
    "tpu.region"() ({
      %run_scoped3A = tpu.sem_alloc : memref<!tpu.dma_semaphore, #tpu.memory_space<semaphore_mem>>
      %dma_start3A_133 = tpu.memref_slice %arg5[%mul3A_2] : memref<16384xi32, #tpu.memory_space<hbm>> -> memref<512xi32, #tpu.memory_space<hbm>>
      %dma_start3A_134 = tpu.memref_slice %arg5[%mul3A_2] : memref<16384xi32, #tpu.memory_space<hbm>> -> memref<512xi32, #tpu.memory_space<hbm>>
      tpu.enqueue_dma source(%dma_start3A_134 : memref<512xi32, #tpu.memory_space<hbm>>) target(%arg10 : memref<512xi32, #tpu.memory_space<vmem>>) target_semaphore(%run_scoped3A : memref<!tpu.dma_semaphore, #tpu.memory_space<semaphore_mem>>)
      %dma_wait3A_135 = tpu.memref_slice %arg5[%mul3A_2] : memref<16384xi32, #tpu.memory_space<hbm>> -> memref<512xi32, #tpu.memory_space<hbm>>
      %dma_wait3A_136 = tpu.memref_slice %arg5[%mul3A_2] : memref<16384xi32, #tpu.memory_space<hbm>> -> memref<512xi32, #tpu.memory_space<hbm>>
      tpu.wait_dma2 semaphore(%run_scoped3A : memref<!tpu.dma_semaphore, #tpu.memory_space<semaphore_mem>>) src(%dma_wait3A_136 : memref<512xi32, #tpu.memory_space<hbm>>) dst(%arg10 : memref<512xi32, #tpu.memory_space<vmem>>)
      tpu.yield
    }) : () -> ()
    "tpu.region"() ({
      %run_scoped3A = tpu.sem_alloc : memref<!tpu.dma_semaphore, #tpu.memory_space<semaphore_mem>>
      %dma_start3A_133 = tpu.memref_slice %arg6[%mul3A_2] : memref<16384xi32, #tpu.memory_space<hbm>> -> memref<512xi32, #tpu.memory_space<hbm>>
      %dma_start3A_134 = tpu.memref_slice %arg6[%mul3A_2] : memref<16384xi32, #tpu.memory_space<hbm>> -> memref<512xi32, #tpu.memory_space<hbm>>
      tpu.enqueue_dma source(%dma_start3A_134 : memref<512xi32, #tpu.memory_space<hbm>>) target(%arg11 : memref<512xi32, #tpu.memory_space<vmem>>) target_semaphore(%run_scoped3A : memref<!tpu.dma_semaphore, #tpu.memory_space<semaphore_mem>>)
      %dma_wait3A_135 = tpu.memref_slice %arg6[%mul3A_2] : memref<16384xi32, #tpu.memory_space<hbm>> -> memref<512xi32, #tpu.memory_space<hbm>>
      %dma_wait3A_136 = tpu.memref_slice %arg6[%mul3A_2] : memref<16384xi32, #tpu.memory_space<hbm>> -> memref<512xi32, #tpu.memory_space<hbm>>
      tpu.wait_dma2 semaphore(%run_scoped3A : memref<!tpu.dma_semaphore, #tpu.memory_space<semaphore_mem>>) src(%dma_wait3A_136 : memref<512xi32, #tpu.memory_space<hbm>>) dst(%arg11 : memref<512xi32, #tpu.memory_space<vmem>>)
      tpu.yield
    }) : () -> ()
    %mul3A_3 = arith.constant 20 : i32
    %mul3A_4 = arith.muli %mul3A_2, %mul3A_3 : i32
    "tpu.region"() ({
      %run_scoped3A = tpu.sem_alloc : memref<!tpu.dma_semaphore, #tpu.memory_space<semaphore_mem>>
      %dma_start3A_133 = tpu.memref_slice %arg7[%mul3A_4] : memref<327680xi32, #tpu.memory_space<hbm>> -> memref<10240xi32, #tpu.memory_space<hbm>>
      %dma_start3A_134 = tpu.memref_slice %arg7[%mul3A_4] : memref<327680xi32, #tpu.memory_space<hbm>> -> memref<10240xi32, #tpu.memory_space<hbm>>
      tpu.enqueue_dma source(%dma_start3A_134 : memref<10240xi32, #tpu.memory_space<hbm>>) target(%arg12 : memref<10240xi32, #tpu.memory_space<vmem>>) target_semaphore(%run_scoped3A : memref<!tpu.dma_semaphore, #tpu.memory_space<semaphore_mem>>)
      %dma_wait3A_135 = tpu.memref_slice %arg7[%mul3A_4] : memref<327680xi32, #tpu.memory_space<hbm>> -> memref<10240xi32, #tpu.memory_space<hbm>>
      %dma_wait3A_136 = tpu.memref_slice %arg7[%mul3A_4] : memref<327680xi32, #tpu.memory_space<hbm>> -> memref<10240xi32, #tpu.memory_space<hbm>>
      tpu.wait_dma2 semaphore(%run_scoped3A : memref<!tpu.dma_semaphore, #tpu.memory_space<semaphore_mem>>) src(%dma_wait3A_136 : memref<10240xi32, #tpu.memory_space<hbm>>) dst(%arg12 : memref<10240xi32, #tpu.memory_space<vmem>>)
      tpu.yield
    }) : () -> ()
    %dma_start3A = arith.constant 0 : i32
    %dma_start3A_5 = tpu.memref_slice %arg4[%dma_start3A] : memref<1000000xf32, #tpu.memory_space<hbm>> -> memref<1000000xf32, #tpu.memory_space<hbm>>
    tpu.enqueue_indirect_dma source(%dma_start3A_5 : memref<1000000xf32, #tpu.memory_space<hbm>>) target(%arg22 : memref<512xf32, #tpu.memory_space<vmem>>) offsets(%arg10 : memref<512xi32, #tpu.memory_space<vmem>>) semaphore(%arg25 : memref<!tpu.dma_semaphore, #tpu.memory_space<semaphore_mem>>)
    %scan3A = arith.constant 0 : i32
    %scan3A_6 = arith.constant 0 : i32
    %scan3A_7 = arith.constant 32 : i32
    %scan3A_8 = arith.addi %scan3A_6, %scan3A_7 : i32
    %scan3A_9 = arith.constant 1 : i32
    scf.for %scan3A_133 = %scan3A_6 to %scan3A_8 step %scan3A_9  : i32 {
      %mul3A_134 = arith.constant 16 : i32
      %mul3A_135 = arith.muli %scan3A_133, %mul3A_134 : i32
      %get3A = arith.index_cast %mul3A_135 : i32 to index
      %get3A_136 = tpu.vector_load %arg10[%get3A] {strides = array<i32>} : memref<512xi32, #tpu.memory_space<vmem>>, vector<16xi32>,
      %shift_right_arithmetic3A = arith.constant 9 : i32
      %shift_right_arithmetic3A_137 = vector.broadcast %shift_right_arithmetic3A : i32 to vector<16xi32>
      %shift_right_arithmetic3A_138 = arith.shrsi %get3A_136, %shift_right_arithmetic3A_137 : vector<16xi32>
      %shift_left3A = arith.constant 7 : i32
      %shift_left3A_139 = vector.broadcast %shift_left3A : i32 to vector<16xi32>
      %shift_left3A_140 = arith.shli %shift_right_arithmetic3A_138, %shift_left3A_139 : vector<16xi32>
      %and3A = arith.constant 127 : i32
      %and3A_141 = vector.broadcast %and3A : i32 to vector<16xi32>
      %and3A_142 = arith.andi %get3A_136, %and3A_141 : vector<16xi32>
      %or3A = arith.ori %shift_left3A_140, %and3A_142 : vector<16xi32>
      %swap3A = arith.index_cast %mul3A_135 : i32 to index
      %swap3A_143 = tpu.vector_load %arg13[%swap3A] {strides = array<i32>} : memref<512xi32, #tpu.memory_space<vmem>>, vector<16xi32>,
      tpu.vector_store %arg13[%swap3A], %or3A {strides = array<i32>} : memref<512xi32, #tpu.memory_space<vmem>>, vector<16xi32>,
      %shift_right_arithmetic3A_144 = arith.constant 7 : i32
      %shift_right_arithmetic3A_145 = vector.broadcast %shift_right_arithmetic3A_144 : i32 to vector<16xi32>
      %shift_right_arithmetic3A_146 = arith.shrsi %get3A_136, %shift_right_arithmetic3A_145 : vector<16xi32>
      %and3A_147 = arith.constant 3 : i32
      %and3A_148 = vector.broadcast %and3A_147 : i32 to vector<16xi32>
      %and3A_149 = arith.andi %shift_right_arithmetic3A_146, %and3A_148 : vector<16xi32>
      %shift_left3A_150 = arith.constant 5 : i32
      %shift_left3A_151 = vector.broadcast %shift_left3A_150 : i32 to vector<16xi32>
      %shift_left3A_152 = arith.shli %and3A_149, %shift_left3A_151 : vector<16xi32>
      %swap3A_153 = arith.index_cast %mul3A_135 : i32 to index
      %swap3A_154 = tpu.vector_load %arg16[%swap3A_153] {strides = array<i32>} : memref<512xi32, #tpu.memory_space<vmem>>, vector<16xi32>,
      tpu.vector_store %arg16[%swap3A_153], %shift_left3A_152 {strides = array<i32>} : memref<512xi32, #tpu.memory_space<vmem>>, vector<16xi32>,
    }
    %scan3A_10 = arith.constant 32 : i32
    %scan3A_11 = arith.constant 0 : i32
    %scan3A_12 = arith.constant 0 : i32
    %scan3A_13 = arith.constant 32 : i32
    %scan3A_14 = arith.addi %scan3A_12, %scan3A_13 : i32
    %scan3A_15 = arith.constant 1 : i32
    scf.for %scan3A_133 = %scan3A_12 to %scan3A_14 step %scan3A_15  : i32 {
      %mul3A_134 = arith.constant 16 : i32
      %mul3A_135 = arith.muli %scan3A_133, %mul3A_134 : i32
      %get3A = arith.index_cast %mul3A_135 : i32 to index
      %get3A_136 = tpu.vector_load %arg11[%get3A] {strides = array<i32>} : memref<512xi32, #tpu.memory_space<vmem>>, vector<16xi32>,
      %shift_right_arithmetic3A = arith.constant 9 : i32
      %shift_right_arithmetic3A_137 = vector.broadcast %shift_right_arithmetic3A : i32 to vector<16xi32>
      %shift_right_arithmetic3A_138 = arith.shrsi %get3A_136, %shift_right_arithmetic3A_137 : vector<16xi32>
      %shift_left3A = arith.constant 7 : i32
      %shift_left3A_139 = vector.broadcast %shift_left3A : i32 to vector<16xi32>
      %shift_left3A_140 = arith.shli %shift_right_arithmetic3A_138, %shift_left3A_139 : vector<16xi32>
      %and3A = arith.constant 127 : i32
      %and3A_141 = vector.broadcast %and3A : i32 to vector<16xi32>
      %and3A_142 = arith.andi %get3A_136, %and3A_141 : vector<16xi32>
      %or3A = arith.ori %shift_left3A_140, %and3A_142 : vector<16xi32>
      %swap3A = arith.index_cast %mul3A_135 : i32 to index
      %swap3A_143 = tpu.vector_load %arg14[%swap3A] {strides = array<i32>} : memref<512xi32, #tpu.memory_space<vmem>>, vector<16xi32>,
      tpu.vector_store %arg14[%swap3A], %or3A {strides = array<i32>} : memref<512xi32, #tpu.memory_space<vmem>>, vector<16xi32>,
      %shift_right_arithmetic3A_144 = arith.constant 7 : i32
      %shift_right_arithmetic3A_145 = vector.broadcast %shift_right_arithmetic3A_144 : i32 to vector<16xi32>
      %shift_right_arithmetic3A_146 = arith.shrsi %get3A_136, %shift_right_arithmetic3A_145 : vector<16xi32>
      %and3A_147 = arith.constant 3 : i32
      %and3A_148 = vector.broadcast %and3A_147 : i32 to vector<16xi32>
      %and3A_149 = arith.andi %shift_right_arithmetic3A_146, %and3A_148 : vector<16xi32>
      %shift_left3A_150 = arith.constant 5 : i32
      %shift_left3A_151 = vector.broadcast %shift_left3A_150 : i32 to vector<16xi32>
      %shift_left3A_152 = arith.shli %and3A_149, %shift_left3A_151 : vector<16xi32>
      %swap3A_153 = arith.index_cast %mul3A_135 : i32 to index
      %swap3A_154 = tpu.vector_load %arg17[%swap3A_153] {strides = array<i32>} : memref<512xi32, #tpu.memory_space<vmem>>, vector<16xi32>,
      tpu.vector_store %arg17[%swap3A_153], %shift_left3A_152 {strides = array<i32>} : memref<512xi32, #tpu.memory_space<vmem>>, vector<16xi32>,
    }
    %scan3A_16 = arith.constant 32 : i32
    %scan3A_17 = arith.constant 0 : i32
    %scan3A_18 = arith.constant 0 : i32
    %scan3A_19 = arith.constant 640 : i32
    %scan3A_20 = arith.addi %scan3A_18, %scan3A_19 : i32
    %scan3A_21 = arith.constant 1 : i32
    scf.for %scan3A_133 = %scan3A_18 to %scan3A_20 step %scan3A_21  : i32 {
      %mul3A_134 = arith.constant 16 : i32
      %mul3A_135 = arith.muli %scan3A_133, %mul3A_134 : i32
      %get3A = arith.index_cast %mul3A_135 : i32 to index
      %get3A_136 = tpu.vector_load %arg12[%get3A] {strides = array<i32>} : memref<10240xi32, #tpu.memory_space<vmem>>, vector<16xi32>,
      %shift_right_arithmetic3A = arith.constant 9 : i32
      %shift_right_arithmetic3A_137 = vector.broadcast %shift_right_arithmetic3A : i32 to vector<16xi32>
      %shift_right_arithmetic3A_138 = arith.shrsi %get3A_136, %shift_right_arithmetic3A_137 : vector<16xi32>
      %shift_left3A = arith.constant 7 : i32
      %shift_left3A_139 = vector.broadcast %shift_left3A : i32 to vector<16xi32>
      %shift_left3A_140 = arith.shli %shift_right_arithmetic3A_138, %shift_left3A_139 : vector<16xi32>
      %and3A = arith.constant 127 : i32
      %and3A_141 = vector.broadcast %and3A : i32 to vector<16xi32>
      %and3A_142 = arith.andi %get3A_136, %and3A_141 : vector<16xi32>
      %or3A = arith.ori %shift_left3A_140, %and3A_142 : vector<16xi32>
      %swap3A = arith.index_cast %mul3A_135 : i32 to index
      %swap3A_143 = tpu.vector_load %arg15[%swap3A] {strides = array<i32>} : memref<10240xi32, #tpu.memory_space<vmem>>, vector<16xi32>,
      tpu.vector_store %arg15[%swap3A], %or3A {strides = array<i32>} : memref<10240xi32, #tpu.memory_space<vmem>>, vector<16xi32>,
      %shift_right_arithmetic3A_144 = arith.constant 7 : i32
      %shift_right_arithmetic3A_145 = vector.broadcast %shift_right_arithmetic3A_144 : i32 to vector<16xi32>
      %shift_right_arithmetic3A_146 = arith.shrsi %get3A_136, %shift_right_arithmetic3A_145 : vector<16xi32>
      %and3A_147 = arith.constant 3 : i32
      %and3A_148 = vector.broadcast %and3A_147 : i32 to vector<16xi32>
      %and3A_149 = arith.andi %shift_right_arithmetic3A_146, %and3A_148 : vector<16xi32>
      %shift_left3A_150 = arith.constant 5 : i32
      %shift_left3A_151 = vector.broadcast %shift_left3A_150 : i32 to vector<16xi32>
      %shift_left3A_152 = arith.shli %and3A_149, %shift_left3A_151 : vector<16xi32>
      %swap3A_153 = arith.index_cast %mul3A_135 : i32 to index
      %swap3A_154 = tpu.vector_load %arg18[%swap3A_153] {strides = array<i32>} : memref<10240xi32, #tpu.memory_space<vmem>>, vector<16xi32>,
      tpu.vector_store %arg18[%swap3A_153], %shift_left3A_152 {strides = array<i32>} : memref<10240xi32, #tpu.memory_space<vmem>>, vector<16xi32>,
    }
    %scan3A_22 = arith.constant 640 : i32
    %dma_wait3A = arith.constant 0 : i32
    %dma_wait3A_23 = tpu.memref_slice %arg4[%dma_wait3A] : memref<1000000xf32, #tpu.memory_space<hbm>> -> memref<1000000xf32, #tpu.memory_space<hbm>>
    tpu.wait_indirect_dma semaphore(%arg25 : memref<!tpu.dma_semaphore, #tpu.memory_space<semaphore_mem>>) src(%dma_wait3A_23 : memref<1000000xf32, #tpu.memory_space<hbm>>) dst(%arg22 : memref<512xf32, #tpu.memory_space<vmem>>)
    %dma_start3A_24 = arith.constant 0 : i32
    %dma_start3A_25 = arith.constant 0 : i32
    %dma_start3A_26 = arith.constant 0 : i32
    %dma_start3A_27 = tpu.memref_slice %arg19[%dma_start3A_24, %dma_start3A_25, %dma_start3A_26] : memref<2x16x128xf32, #tpu.memory_space<vmem>> -> memref<1x16x128xf32, #tpu.memory_space<vmem>>
    %dma_start3A_28 = tpu.memref_squeeze %dma_start3A_27 : memref<1x16x128xf32, #tpu.memory_space<vmem>> -> memref<16x128xf32, #tpu.memory_space<vmem>>
    %dma_start3A_29 = arith.constant 0 : i32
    %dma_start3A_30 = tpu.memref_slice %arg13[%dma_start3A_29] : memref<512xi32, #tpu.memory_space<vmem>> -> memref<16xi32, #tpu.memory_space<vmem>>
    %dma_start3A_31 = arith.constant 0 : i32
    %dma_start3A_32 = arith.constant 0 : i32
    %dma_start3A_33 = tpu.memref_slice %arg2[%dma_start3A_31, %dma_start3A_32] : memref<253952x128xf32, #tpu.memory_space<hbm>> -> memref<253952x128xf32, #tpu.memory_space<hbm>>
    tpu.enqueue_indirect_dma source(%dma_start3A_33 : memref<253952x128xf32, #tpu.memory_space<hbm>>) target(%dma_start3A_28 : memref<16x128xf32, #tpu.memory_space<vmem>>) offsets(%dma_start3A_30 : memref<16xi32, #tpu.memory_space<vmem>>) semaphore(%arg25 : memref<!tpu.dma_semaphore, #tpu.memory_space<semaphore_mem>>)
    %dma_start3A_34 = arith.constant 0 : i32
    %dma_start3A_35 = arith.constant 0 : i32
    %dma_start3A_36 = arith.constant 0 : i32
    %dma_start3A_37 = tpu.memref_slice %arg20[%dma_start3A_34, %dma_start3A_35, %dma_start3A_36] : memref<2x16x128xf32, #tpu.memory_space<vmem>> -> memref<1x16x128xf32, #tpu.memory_space<vmem>>
    %dma_start3A_38 = tpu.memref_squeeze %dma_start3A_37 : memref<1x16x128xf32, #tpu.memory_space<vmem>> -> memref<16x128xf32, #tpu.memory_space<vmem>>
    %dma_start3A_39 = arith.constant 0 : i32
    %dma_start3A_40 = tpu.memref_slice %arg14[%dma_start3A_39] : memref<512xi32, #tpu.memory_space<vmem>> -> memref<16xi32, #tpu.memory_space<vmem>>
    %dma_start3A_41 = arith.constant 0 : i32
    %dma_start3A_42 = arith.constant 0 : i32
    %dma_start3A_43 = tpu.memref_slice %arg3[%dma_start3A_41, %dma_start3A_42] : memref<253952x128xf32, #tpu.memory_space<hbm>> -> memref<253952x128xf32, #tpu.memory_space<hbm>>
    tpu.enqueue_indirect_dma source(%dma_start3A_43 : memref<253952x128xf32, #tpu.memory_space<hbm>>) target(%dma_start3A_38 : memref<16x128xf32, #tpu.memory_space<vmem>>) offsets(%dma_start3A_40 : memref<16xi32, #tpu.memory_space<vmem>>) semaphore(%arg25 : memref<!tpu.dma_semaphore, #tpu.memory_space<semaphore_mem>>)
    %dma_start3A_44 = arith.constant 0 : i32
    %dma_start3A_45 = arith.constant 0 : i32
    %dma_start3A_46 = arith.constant 0 : i32
    %dma_start3A_47 = tpu.memref_slice %arg21[%dma_start3A_44, %dma_start3A_45, %dma_start3A_46] : memref<2x320x128xf32, #tpu.memory_space<vmem>> -> memref<1x320x128xf32, #tpu.memory_space<vmem>>
    %dma_start3A_48 = tpu.memref_squeeze %dma_start3A_47 : memref<1x320x128xf32, #tpu.memory_space<vmem>> -> memref<320x128xf32, #tpu.memory_space<vmem>>
    %dma_start3A_49 = arith.constant 0 : i32
    %dma_start3A_50 = arith.constant 0 : i32
    %dma_start3A_51 = tpu.memref_slice %dma_start3A_48[%dma_start3A_49, %dma_start3A_50] : memref<320x128xf32, #tpu.memory_space<vmem>> -> memref<128x128xf32, #tpu.memory_space<vmem>>
    %dma_start3A_52 = arith.constant 0 : i32
    %dma_start3A_53 = tpu.memref_slice %arg15[%dma_start3A_52] : memref<10240xi32, #tpu.memory_space<vmem>> -> memref<128xi32, #tpu.memory_space<vmem>>
    %dma_start3A_54 = arith.constant 0 : i32
    %dma_start3A_55 = arith.constant 0 : i32
    %dma_start3A_56 = tpu.memref_slice %arg3[%dma_start3A_54, %dma_start3A_55] : memref<253952x128xf32, #tpu.memory_space<hbm>> -> memref<253952x128xf32, #tpu.memory_space<hbm>>
    tpu.enqueue_indirect_dma source(%dma_start3A_56 : memref<253952x128xf32, #tpu.memory_space<hbm>>) target(%dma_start3A_51 : memref<128x128xf32, #tpu.memory_space<vmem>>) offsets(%dma_start3A_53 : memref<128xi32, #tpu.memory_space<vmem>>) semaphore(%arg25 : memref<!tpu.dma_semaphore, #tpu.memory_space<semaphore_mem>>)
    %dma_start3A_57 = arith.constant 0 : i32
    %dma_start3A_58 = arith.constant 0 : i32
    %dma_start3A_59 = arith.constant 0 : i32
    %dma_start3A_60 = tpu.memref_slice %arg21[%dma_start3A_57, %dma_start3A_58, %dma_start3A_59] : memref<2x320x128xf32, #tpu.memory_space<vmem>> -> memref<1x320x128xf32, #tpu.memory_space<vmem>>
    %dma_start3A_61 = tpu.memref_squeeze %dma_start3A_60 : memref<1x320x128xf32, #tpu.memory_space<vmem>> -> memref<320x128xf32, #tpu.memory_space<vmem>>
    %dma_start3A_62 = arith.constant 128 : i32
    %dma_start3A_63 = arith.constant 0 : i32
    %dma_start3A_64 = tpu.memref_slice %dma_start3A_61[%dma_start3A_62, %dma_start3A_63] : memref<320x128xf32, #tpu.memory_space<vmem>> -> memref<128x128xf32, #tpu.memory_space<vmem>>
    %dma_start3A_65 = arith.constant 128 : i32
    %dma_start3A_66 = tpu.memref_slice %arg15[%dma_start3A_65] : memref<10240xi32, #tpu.memory_space<vmem>> -> memref<128xi32, #tpu.memory_space<vmem>>
    %dma_start3A_67 = arith.constant 0 : i32
    %dma_start3A_68 = arith.constant 0 : i32
    %dma_start3A_69 = tpu.memref_slice %arg3[%dma_start3A_67, %dma_start3A_68] : memref<253952x128xf32, #tpu.memory_space<hbm>> -> memref<253952x128xf32, #tpu.memory_space<hbm>>
    tpu.enqueue_indirect_dma source(%dma_start3A_69 : memref<253952x128xf32, #tpu.memory_space<hbm>>) target(%dma_start3A_64 : memref<128x128xf32, #tpu.memory_space<vmem>>) offsets(%dma_start3A_66 : memref<128xi32, #tpu.memory_space<vmem>>) semaphore(%arg25 : memref<!tpu.dma_semaphore, #tpu.memory_space<semaphore_mem>>)
    %dma_start3A_70 = arith.constant 0 : i32
    %dma_start3A_71 = arith.constant 0 : i32
    %dma_start3A_72 = arith.constant 0 : i32
    %dma_start3A_73 = tpu.memref_slice %arg21[%dma_start3A_70, %dma_start3A_71, %dma_start3A_72] : memref<2x320x128xf32, #tpu.memory_space<vmem>> -> memref<1x320x128xf32, #tpu.memory_space<vmem>>
    %dma_start3A_74 = tpu.memref_squeeze %dma_start3A_73 : memref<1x320x128xf32, #tpu.memory_space<vmem>> -> memref<320x128xf32, #tpu.memory_space<vmem>>
    %dma_start3A_75 = arith.constant 256 : i32
    %dma_start3A_76 = arith.constant 0 : i32
    %dma_start3A_77 = tpu.memref_slice %dma_start3A_74[%dma_start3A_75, %dma_start3A_76] : memref<320x128xf32, #tpu.memory_space<vmem>> -> memref<64x128xf32, #tpu.memory_space<vmem>>
    %dma_start3A_78 = arith.constant 256 : i32
    %dma_start3A_79 = tpu.memref_slice %arg15[%dma_start3A_78] : memref<10240xi32, #tpu.memory_space<vmem>> -> memref<64xi32, #tpu.memory_space<vmem>>
    %dma_start3A_80 = arith.constant 0 : i32
    %dma_start3A_81 = arith.constant 0 : i32
    %dma_start3A_82 = tpu.memref_slice %arg3[%dma_start3A_80, %dma_start3A_81] : memref<253952x128xf32, #tpu.memory_space<hbm>> -> memref<253952x128xf32, #tpu.memory_space<hbm>>
    tpu.enqueue_indirect_dma source(%dma_start3A_82 : memref<253952x128xf32, #tpu.memory_space<hbm>>) target(%dma_start3A_77 : memref<64x128xf32, #tpu.memory_space<vmem>>) offsets(%dma_start3A_79 : memref<64xi32, #tpu.memory_space<vmem>>) semaphore(%arg25 : memref<!tpu.dma_semaphore, #tpu.memory_space<semaphore_mem>>)
    %scan3A_83 = arith.constant 0 : i32
    %scan3A_84 = arith.constant 0 : i32
    %scan3A_85 = arith.constant 16 : i32
    %scan3A_86 = arith.addi %scan3A_84, %scan3A_85 : i32
    %scan3A_87 = arith.constant 1 : i32
    scf.for %scan3A_133 = %scan3A_84 to %scan3A_86 step %scan3A_87  : i32 {
      %mul3A_134 = arith.constant 2 : i32
      %mul3A_135 = arith.muli %mul3A_134, %scan3A_133 : i32
      %add3A_136 = arith.constant 1 : i32
      %add3A_137 = arith.addi %mul3A_135, %add3A_136 : i32
      %mul3A_138 = arith.constant 16 : i32
      %mul3A_139 = arith.muli %add3A_137, %mul3A_138 : i32
      %dma_start3A_140 = arith.constant 1 : i32
      %dma_start3A_141 = arith.constant 0 : i32
      %dma_start3A_142 = arith.constant 0 : i32
      %dma_start3A_143 = tpu.memref_slice %arg19[%dma_start3A_140, %dma_start3A_141, %dma_start3A_142] : memref<2x16x128xf32, #tpu.memory_space<vmem>> -> memref<1x16x128xf32, #tpu.memory_space<vmem>>
      %dma_start3A_144 = tpu.memref_squeeze %dma_start3A_143 : memref<1x16x128xf32, #tpu.memory_space<vmem>> -> memref<16x128xf32, #tpu.memory_space<vmem>>
      %dma_start3A_145 = tpu.memref_slice %arg13[%mul3A_139] : memref<512xi32, #tpu.memory_space<vmem>> -> memref<16xi32, #tpu.memory_space<vmem>>
      %dma_start3A_146 = arith.constant 0 : i32
      %dma_start3A_147 = arith.constant 0 : i32
      %dma_start3A_148 = tpu.memref_slice %arg2[%dma_start3A_146, %dma_start3A_147] : memref<253952x128xf32, #tpu.memory_space<hbm>> -> memref<253952x128xf32, #tpu.memory_space<hbm>>
      tpu.enqueue_indirect_dma source(%dma_start3A_148 : memref<253952x128xf32, #tpu.memory_space<hbm>>) target(%dma_start3A_144 : memref<16x128xf32, #tpu.memory_space<vmem>>) offsets(%dma_start3A_145 : memref<16xi32, #tpu.memory_space<vmem>>) semaphore(%arg26 : memref<!tpu.dma_semaphore, #tpu.memory_space<semaphore_mem>>)
      %dma_start3A_149 = arith.constant 1 : i32
      %dma_start3A_150 = arith.constant 0 : i32
      %dma_start3A_151 = arith.constant 0 : i32
      %dma_start3A_152 = tpu.memref_slice %arg20[%dma_start3A_149, %dma_start3A_150, %dma_start3A_151] : memref<2x16x128xf32, #tpu.memory_space<vmem>> -> memref<1x16x128xf32, #tpu.memory_space<vmem>>
      %dma_start3A_153 = tpu.memref_squeeze %dma_start3A_152 : memref<1x16x128xf32, #tpu.memory_space<vmem>> -> memref<16x128xf32, #tpu.memory_space<vmem>>
      %dma_start3A_154 = tpu.memref_slice %arg14[%mul3A_139] : memref<512xi32, #tpu.memory_space<vmem>> -> memref<16xi32, #tpu.memory_space<vmem>>
      %dma_start3A_155 = arith.constant 0 : i32
      %dma_start3A_156 = arith.constant 0 : i32
      %dma_start3A_157 = tpu.memref_slice %arg3[%dma_start3A_155, %dma_start3A_156] : memref<253952x128xf32, #tpu.memory_space<hbm>> -> memref<253952x128xf32, #tpu.memory_space<hbm>>
      tpu.enqueue_indirect_dma source(%dma_start3A_157 : memref<253952x128xf32, #tpu.memory_space<hbm>>) target(%dma_start3A_153 : memref<16x128xf32, #tpu.memory_space<vmem>>) offsets(%dma_start3A_154 : memref<16xi32, #tpu.memory_space<vmem>>) semaphore(%arg26 : memref<!tpu.dma_semaphore, #tpu.memory_space<semaphore_mem>>)
      %mul3A_158 = arith.constant 20 : i32
      %mul3A_159 = arith.muli %mul3A_139, %mul3A_158 : i32
      %add3A_160 = arith.constant 0 : i32
      %add3A_161 = arith.addi %mul3A_159, %add3A_160 : i32
      %dma_start3A_162 = arith.constant 1 : i32
      %dma_start3A_163 = arith.constant 0 : i32
      %dma_start3A_164 = arith.constant 0 : i32
      %dma_start3A_165 = tpu.memref_slice %arg21[%dma_start3A_162, %dma_start3A_163, %dma_start3A_164] : memref<2x320x128xf32, #tpu.memory_space<vmem>> -> memref<1x320x128xf32, #tpu.memory_space<vmem>>
      %dma_start3A_166 = tpu.memref_squeeze %dma_start3A_165 : memref<1x320x128xf32, #tpu.memory_space<vmem>> -> memref<320x128xf32, #tpu.memory_space<vmem>>
      %dma_start3A_167 = arith.constant 0 : i32
      %dma_start3A_168 = arith.constant 0 : i32
      %dma_start3A_169 = tpu.memref_slice %dma_start3A_166[%dma_start3A_167, %dma_start3A_168] : memref<320x128xf32, #tpu.memory_space<vmem>> -> memref<128x128xf32, #tpu.memory_space<vmem>>
      %dma_start3A_170 = tpu.memref_slice %arg15[%add3A_161] : memref<10240xi32, #tpu.memory_space<vmem>> -> memref<128xi32, #tpu.memory_space<vmem>>
      %dma_start3A_171 = arith.constant 0 : i32
      %dma_start3A_172 = arith.constant 0 : i32
      %dma_start3A_173 = tpu.memref_slice %arg3[%dma_start3A_171, %dma_start3A_172] : memref<253952x128xf32, #tpu.memory_space<hbm>> -> memref<253952x128xf32, #tpu.memory_space<hbm>>
      tpu.enqueue_indirect_dma source(%dma_start3A_173 : memref<253952x128xf32, #tpu.memory_space<hbm>>) target(%dma_start3A_169 : memref<128x128xf32, #tpu.memory_space<vmem>>) offsets(%dma_start3A_170 : memref<128xi32, #tpu.memory_space<vmem>>) semaphore(%arg26 : memref<!tpu.dma_semaphore, #tpu.memory_space<semaphore_mem>>)
      %mul3A_174 = arith.constant 20 : i32
      %mul3A_175 = arith.muli %mul3A_139, %mul3A_174 : i32
      %add3A_176 = arith.constant 128 : i32
      %add3A_177 = arith.addi %mul3A_175, %add3A_176 : i32
      %dma_start3A_178 = arith.constant 1 : i32
      %dma_start3A_179 = arith.constant 0 : i32
      %dma_start3A_180 = arith.constant 0 : i32
      %dma_start3A_181 = tpu.memref_slice %arg21[%dma_start3A_178, %dma_start3A_179, %dma_start3A_180] : memref<2x320x128xf32, #tpu.memory_space<vmem>> -> memref<1x320x128xf32, #tpu.memory_space<vmem>>
      %dma_start3A_182 = tpu.memref_squeeze %dma_start3A_181 : memref<1x320x128xf32, #tpu.memory_space<vmem>> -> memref<320x128xf32, #tpu.memory_space<vmem>>
      %dma_start3A_183 = arith.constant 128 : i32
      %dma_start3A_184 = arith.constant 0 : i32
      %dma_start3A_185 = tpu.memref_slice %dma_start3A_182[%dma_start3A_183, %dma_start3A_184] : memref<320x128xf32, #tpu.memory_space<vmem>> -> memref<128x128xf32, #tpu.memory_space<vmem>>
      %dma_start3A_186 = tpu.memref_slice %arg15[%add3A_177] : memref<10240xi32, #tpu.memory_space<vmem>> -> memref<128xi32, #tpu.memory_space<vmem>>
      %dma_start3A_187 = arith.constant 0 : i32
      %dma_start3A_188 = arith.constant 0 : i32
      %dma_start3A_189 = tpu.memref_slice %arg3[%dma_start3A_187, %dma_start3A_188] : memref<253952x128xf32, #tpu.memory_space<hbm>> -> memref<253952x128xf32, #tpu.memory_space<hbm>>
      tpu.enqueue_indirect_dma source(%dma_start3A_189 : memref<253952x128xf32, #tpu.memory_space<hbm>>) target(%dma_start3A_185 : memref<128x128xf32, #tpu.memory_space<vmem>>) offsets(%dma_start3A_186 : memref<128xi32, #tpu.memory_space<vmem>>) semaphore(%arg26 : memref<!tpu.dma_semaphore, #tpu.memory_space<semaphore_mem>>)
      %mul3A_190 = arith.constant 20 : i32
      %mul3A_191 = arith.muli %mul3A_139, %mul3A_190 : i32
      %add3A_192 = arith.constant 256 : i32
      %add3A_193 = arith.addi %mul3A_191, %add3A_192 : i32
      %dma_start3A_194 = arith.constant 1 : i32
      %dma_start3A_195 = arith.constant 0 : i32
      %dma_start3A_196 = arith.constant 0 : i32
      %dma_start3A_197 = tpu.memref_slice %arg21[%dma_start3A_194, %dma_start3A_195, %dma_start3A_196] : memref<2x320x128xf32, #tpu.memory_space<vmem>> -> memref<1x320x128xf32, #tpu.memory_space<vmem>>
      %dma_start3A_198 = tpu.memref_squeeze %dma_start3A_197 : memref<1x320x128xf32, #tpu.memory_space<vmem>> -> memref<320x128xf32, #tpu.memory_space<vmem>>
      %dma_start3A_199 = arith.constant 256 : i32
      %dma_start3A_200 = arith.constant 0 : i32
      %dma_start3A_201 = tpu.memref_slice %dma_start3A_198[%dma_start3A_199, %dma_start3A_200] : memref<320x128xf32, #tpu.memory_space<vmem>> -> memref<64x128xf32, #tpu.memory_space<vmem>>
      %dma_start3A_202 = tpu.memref_slice %arg15[%add3A_193] : memref<10240xi32, #tpu.memory_space<vmem>> -> memref<64xi32, #tpu.memory_space<vmem>>
      %dma_start3A_203 = arith.constant 0 : i32
      %dma_start3A_204 = arith.constant 0 : i32
      %dma_start3A_205 = tpu.memref_slice %arg3[%dma_start3A_203, %dma_start3A_204] : memref<253952x128xf32, #tpu.memory_space<hbm>> -> memref<253952x128xf32, #tpu.memory_space<hbm>>
      tpu.enqueue_indirect_dma source(%dma_start3A_205 : memref<253952x128xf32, #tpu.memory_space<hbm>>) target(%dma_start3A_201 : memref<64x128xf32, #tpu.memory_space<vmem>>) offsets(%dma_start3A_202 : memref<64xi32, #tpu.memory_space<vmem>>) semaphore(%arg26 : memref<!tpu.dma_semaphore, #tpu.memory_space<semaphore_mem>>)
      %mul3A_206 = arith.constant 16 : i32
      %mul3A_207 = arith.muli %mul3A_135, %mul3A_206 : i32
      %mul3A_208 = arith.constant 20 : i32
      %mul3A_209 = arith.muli %mul3A_207, %mul3A_208 : i32
      %add3A_210 = arith.constant 0 : i32
      %add3A_211 = arith.addi %mul3A_209, %add3A_210 : i32
      %mul3A_212 = arith.constant 20 : i32
      %mul3A_213 = arith.muli %mul3A_207, %mul3A_212 : i32
      %add3A_214 = arith.constant 128 : i32
      %add3A_215 = arith.addi %mul3A_213, %add3A_214 : i32
      %mul3A_216 = arith.constant 20 : i32
      %mul3A_217 = arith.muli %mul3A_207, %mul3A_216 : i32
      %add3A_218 = arith.constant 256 : i32
      %add3A_219 = arith.addi %mul3A_217, %add3A_218 : i32
      %dma_wait3A_220 = arith.constant 0 : i32
      %dma_wait3A_221 = arith.constant 0 : i32
      %dma_wait3A_222 = arith.constant 0 : i32
      %dma_wait3A_223 = tpu.memref_slice %arg19[%dma_wait3A_220, %dma_wait3A_221, %dma_wait3A_222] : memref<2x16x128xf32, #tpu.memory_space<vmem>> -> memref<1x16x128xf32, #tpu.memory_space<vmem>>
      %dma_wait3A_224 = tpu.memref_squeeze %dma_wait3A_223 : memref<1x16x128xf32, #tpu.memory_space<vmem>> -> memref<16x128xf32, #tpu.memory_space<vmem>>
      %dma_wait3A_225 = tpu.memref_slice %arg13[%mul3A_207] : memref<512xi32, #tpu.memory_space<vmem>> -> memref<16xi32, #tpu.memory_space<vmem>>
      %dma_wait3A_226 = arith.constant 0 : i32
      %dma_wait3A_227 = arith.constant 0 : i32
      %dma_wait3A_228 = tpu.memref_slice %arg2[%dma_wait3A_226, %dma_wait3A_227] : memref<253952x128xf32, #tpu.memory_space<hbm>> -> memref<253952x128xf32, #tpu.memory_space<hbm>>
      tpu.wait_indirect_dma semaphore(%arg25 : memref<!tpu.dma_semaphore, #tpu.memory_space<semaphore_mem>>) src(%dma_wait3A_228 : memref<253952x128xf32, #tpu.memory_space<hbm>>) dst(%dma_wait3A_224 : memref<16x128xf32, #tpu.memory_space<vmem>>)
      %dma_wait3A_229 = arith.constant 0 : i32
      %dma_wait3A_230 = arith.constant 0 : i32
      %dma_wait3A_231 = arith.constant 0 : i32
      %dma_wait3A_232 = tpu.memref_slice %arg20[%dma_wait3A_229, %dma_wait3A_230, %dma_wait3A_231] : memref<2x16x128xf32, #tpu.memory_space<vmem>> -> memref<1x16x128xf32, #tpu.memory_space<vmem>>
      %dma_wait3A_233 = tpu.memref_squeeze %dma_wait3A_232 : memref<1x16x128xf32, #tpu.memory_space<vmem>> -> memref<16x128xf32, #tpu.memory_space<vmem>>
      %dma_wait3A_234 = tpu.memref_slice %arg14[%mul3A_207] : memref<512xi32, #tpu.memory_space<vmem>> -> memref<16xi32, #tpu.memory_space<vmem>>
      %dma_wait3A_235 = arith.constant 0 : i32
      %dma_wait3A_236 = arith.constant 0 : i32
      %dma_wait3A_237 = tpu.memref_slice %arg3[%dma_wait3A_235, %dma_wait3A_236] : memref<253952x128xf32, #tpu.memory_space<hbm>> -> memref<253952x128xf32, #tpu.memory_space<hbm>>
      tpu.wait_indirect_dma semaphore(%arg25 : memref<!tpu.dma_semaphore, #tpu.memory_space<semaphore_mem>>) src(%dma_wait3A_237 : memref<253952x128xf32, #tpu.memory_space<hbm>>) dst(%dma_wait3A_233 : memref<16x128xf32, #tpu.memory_space<vmem>>)
      %dma_wait3A_238 = arith.constant 0 : i32
      %dma_wait3A_239 = arith.constant 0 : i32
      %dma_wait3A_240 = arith.constant 0 : i32
      %dma_wait3A_241 = tpu.memref_slice %arg21[%dma_wait3A_238, %dma_wait3A_239, %dma_wait3A_240] : memref<2x320x128xf32, #tpu.memory_space<vmem>> -> memref<1x320x128xf32, #tpu.memory_space<vmem>>
      %dma_wait3A_242 = tpu.memref_squeeze %dma_wait3A_241 : memref<1x320x128xf32, #tpu.memory_space<vmem>> -> memref<320x128xf32, #tpu.memory_space<vmem>>
      %dma_wait3A_243 = arith.constant 0 : i32
      %dma_wait3A_244 = arith.constant 0 : i32
      %dma_wait3A_245 = tpu.memref_slice %dma_wait3A_242[%dma_wait3A_243, %dma_wait3A_244] : memref<320x128xf32, #tpu.memory_space<vmem>> -> memref<128x128xf32, #tpu.memory_space<vmem>>
      %dma_wait3A_246 = tpu.memref_slice %arg15[%add3A_211] : memref<10240xi32, #tpu.memory_space<vmem>> -> memref<128xi32, #tpu.memory_space<vmem>>
      %dma_wait3A_247 = arith.constant 0 : i32
      %dma_wait3A_248 = arith.constant 0 : i32
      %dma_wait3A_249 = tpu.memref_slice %arg3[%dma_wait3A_247, %dma_wait3A_248] : memref<253952x128xf32, #tpu.memory_space<hbm>> -> memref<253952x128xf32, #tpu.memory_space<hbm>>
      tpu.wait_indirect_dma semaphore(%arg25 : memref<!tpu.dma_semaphore, #tpu.memory_space<semaphore_mem>>) src(%dma_wait3A_249 : memref<253952x128xf32, #tpu.memory_space<hbm>>) dst(%dma_wait3A_245 : memref<128x128xf32, #tpu.memory_space<vmem>>)
      %dma_wait3A_250 = arith.constant 0 : i32
      %dma_wait3A_251 = arith.constant 0 : i32
      %dma_wait3A_252 = arith.constant 0 : i32
      %dma_wait3A_253 = tpu.memref_slice %arg21[%dma_wait3A_250, %dma_wait3A_251, %dma_wait3A_252] : memref<2x320x128xf32, #tpu.memory_space<vmem>> -> memref<1x320x128xf32, #tpu.memory_space<vmem>>
      %dma_wait3A_254 = tpu.memref_squeeze %dma_wait3A_253 : memref<1x320x128xf32, #tpu.memory_space<vmem>> -> memref<320x128xf32, #tpu.memory_space<vmem>>
      %dma_wait3A_255 = arith.constant 128 : i32
      %dma_wait3A_256 = arith.constant 0 : i32
      %dma_wait3A_257 = tpu.memref_slice %dma_wait3A_254[%dma_wait3A_255, %dma_wait3A_256] : memref<320x128xf32, #tpu.memory_space<vmem>> -> memref<128x128xf32, #tpu.memory_space<vmem>>
      %dma_wait3A_258 = tpu.memref_slice %arg15[%add3A_215] : memref<10240xi32, #tpu.memory_space<vmem>> -> memref<128xi32, #tpu.memory_space<vmem>>
      %dma_wait3A_259 = arith.constant 0 : i32
      %dma_wait3A_260 = arith.constant 0 : i32
      %dma_wait3A_261 = tpu.memref_slice %arg3[%dma_wait3A_259, %dma_wait3A_260] : memref<253952x128xf32, #tpu.memory_space<hbm>> -> memref<253952x128xf32, #tpu.memory_space<hbm>>
      tpu.wait_indirect_dma semaphore(%arg25 : memref<!tpu.dma_semaphore, #tpu.memory_space<semaphore_mem>>) src(%dma_wait3A_261 : memref<253952x128xf32, #tpu.memory_space<hbm>>) dst(%dma_wait3A_257 : memref<128x128xf32, #tpu.memory_space<vmem>>)
      %dma_wait3A_262 = arith.constant 0 : i32
      %dma_wait3A_263 = arith.constant 0 : i32
      %dma_wait3A_264 = arith.constant 0 : i32
      %dma_wait3A_265 = tpu.memref_slice %arg21[%dma_wait3A_262, %dma_wait3A_263, %dma_wait3A_264] : memref<2x320x128xf32, #tpu.memory_space<vmem>> -> memref<1x320x128xf32, #tpu.memory_space<vmem>>
      %dma_wait3A_266 = tpu.memref_squeeze %dma_wait3A_265 : memref<1x320x128xf32, #tpu.memory_space<vmem>> -> memref<320x128xf32, #tpu.memory_space<vmem>>
      %dma_wait3A_267 = arith.constant 256 : i32
      %dma_wait3A_268 = arith.constant 0 : i32
      %dma_wait3A_269 = tpu.memref_slice %dma_wait3A_266[%dma_wait3A_267, %dma_wait3A_268] : memref<320x128xf32, #tpu.memory_space<vmem>> -> memref<64x128xf32, #tpu.memory_space<vmem>>
      %dma_wait3A_270 = tpu.memref_slice %arg15[%add3A_219] : memref<10240xi32, #tpu.memory_space<vmem>> -> memref<64xi32, #tpu.memory_space<vmem>>
      %dma_wait3A_271 = arith.constant 0 : i32
      %dma_wait3A_272 = arith.constant 0 : i32
      %dma_wait3A_273 = tpu.memref_slice %arg3[%dma_wait3A_271, %dma_wait3A_272] : memref<253952x128xf32, #tpu.memory_space<hbm>> -> memref<253952x128xf32, #tpu.memory_space<hbm>>
      tpu.wait_indirect_dma semaphore(%arg25 : memref<!tpu.dma_semaphore, #tpu.memory_space<semaphore_mem>>) src(%dma_wait3A_273 : memref<253952x128xf32, #tpu.memory_space<hbm>>) dst(%dma_wait3A_269 : memref<64x128xf32, #tpu.memory_space<vmem>>)
      %eq3A = arith.constant 0 : i32
      %eq3A_274 = arith.cmpi eq, %scan3A_133, %eq3A : i32
      %mul3A_275 = arith.constant 16 : i32
      %mul3A_276 = arith.muli %mul3A_135, %mul3A_275 : i32
      %add3A_277 = arith.addi %mul3A_2, %mul3A_276 : i32
      %mul3A_278 = arith.constant 16 : i32
      %mul3A_279 = arith.muli %mul3A_135, %mul3A_278 : i32
      %get3A = arith.index_cast %mul3A_279 : i32 to index
      %get3A_280 = tpu.vector_load %arg16[%get3A] {strides = array<i32>} : memref<512xi32, #tpu.memory_space<vmem>>, vector<16xi32>,
      %get3A_281 = arith.index_cast %mul3A_279 : i32 to index
      %get3A_282 = tpu.vector_load %arg17[%get3A_281] {strides = array<i32>} : memref<512xi32, #tpu.memory_space<vmem>>, vector<16xi32>,
      %add3A_283 = arith.constant 0 : i32
      %add3A_284 = vector.broadcast %add3A_283 : i32 to vector<16xi32>
      %add3A_285 = arith.addi %get3A_280, %add3A_284 : vector<16xi32>
      %gather3A = arith.constant 0 : i32
      %gather3A_286 = arith.constant 0 : i32
      %gather3A_287 = arith.constant 0 : i32
      %gather3A_288 = tpu.memref_slice %arg19[%gather3A, %gather3A_286, %gather3A_287] : memref<2x16x128xf32, #tpu.memory_space<vmem>> -> memref<1x16x128xf32, #tpu.memory_space<vmem>>
      %gather3A_289 = tpu.memref_squeeze %gather3A_288 : memref<1x16x128xf32, #tpu.memory_space<vmem>> -> memref<16x128xf32, #tpu.memory_space<vmem>>
      %gather3A_290 = tpu.vector_load_idx %gather3A_289[%iota3A, %add3A_285] : memref<16x128xf32, #tpu.memory_space<vmem>>[vector<16xi32>, vector<16xi32>], vector<16xf32>,
      %add3A_291 = arith.constant 1 : i32
      %add3A_292 = vector.broadcast %add3A_291 : i32 to vector<16xi32>
      %add3A_293 = arith.addi %get3A_280, %add3A_292 : vector<16xi32>
      %gather3A_294 = arith.constant 0 : i32
      %gather3A_295 = arith.constant 0 : i32
      %gather3A_296 = arith.constant 0 : i32
      %gather3A_297 = tpu.memref_slice %arg19[%gather3A_294, %gather3A_295, %gather3A_296] : memref<2x16x128xf32, #tpu.memory_space<vmem>> -> memref<1x16x128xf32, #tpu.memory_space<vmem>>
      %gather3A_298 = tpu.memref_squeeze %gather3A_297 : memref<1x16x128xf32, #tpu.memory_space<vmem>> -> memref<16x128xf32, #tpu.memory_space<vmem>>
      %gather3A_299 = tpu.vector_load_idx %gather3A_298[%iota3A, %add3A_293] : memref<16x128xf32, #tpu.memory_space<vmem>>[vector<16xi32>, vector<16xi32>], vector<16xf32>,
      %add3A_300 = arith.constant 2 : i32
      %add3A_301 = vector.broadcast %add3A_300 : i32 to vector<16xi32>
      %add3A_302 = arith.addi %get3A_280, %add3A_301 : vector<16xi32>
      %gather3A_303 = arith.constant 0 : i32
      %gather3A_304 = arith.constant 0 : i32
      %gather3A_305 = arith.constant 0 : i32
      %gather3A_306 = tpu.memref_slice %arg19[%gather3A_303, %gather3A_304, %gather3A_305] : memref<2x16x128xf32, #tpu.memory_space<vmem>> -> memref<1x16x128xf32, #tpu.memory_space<vmem>>
      %gather3A_307 = tpu.memref_squeeze %gather3A_306 : memref<1x16x128xf32, #tpu.memory_space<vmem>> -> memref<16x128xf32, #tpu.memory_space<vmem>>
      %gather3A_308 = tpu.vector_load_idx %gather3A_307[%iota3A, %add3A_302] : memref<16x128xf32, #tpu.memory_space<vmem>>[vector<16xi32>, vector<16xi32>], vector<16xf32>,
      %add3A_309 = arith.constant 3 : i32
      %add3A_310 = vector.broadcast %add3A_309 : i32 to vector<16xi32>
      %add3A_311 = arith.addi %get3A_280, %add3A_310 : vector<16xi32>
      %gather3A_312 = arith.constant 0 : i32
      %gather3A_313 = arith.constant 0 : i32
      %gather3A_314 = arith.constant 0 : i32
      %gather3A_315 = tpu.memref_slice %arg19[%gather3A_312, %gather3A_313, %gather3A_314] : memref<2x16x128xf32, #tpu.memory_space<vmem>> -> memref<1x16x128xf32, #tpu.memory_space<vmem>>
      %gather3A_316 = tpu.memref_squeeze %gather3A_315 : memref<1x16x128xf32, #tpu.memory_space<vmem>> -> memref<16x128xf32, #tpu.memory_space<vmem>>
      %gather3A_317 = tpu.vector_load_idx %gather3A_316[%iota3A, %add3A_311] : memref<16x128xf32, #tpu.memory_space<vmem>>[vector<16xi32>, vector<16xi32>], vector<16xf32>,
      %add3A_318 = arith.constant 4 : i32
      %add3A_319 = vector.broadcast %add3A_318 : i32 to vector<16xi32>
      %add3A_320 = arith.addi %get3A_280, %add3A_319 : vector<16xi32>
      %gather3A_321 = arith.constant 0 : i32
      %gather3A_322 = arith.constant 0 : i32
      %gather3A_323 = arith.constant 0 : i32
      %gather3A_324 = tpu.memref_slice %arg19[%gather3A_321, %gather3A_322, %gather3A_323] : memref<2x16x128xf32, #tpu.memory_space<vmem>> -> memref<1x16x128xf32, #tpu.memory_space<vmem>>
      %gather3A_325 = tpu.memref_squeeze %gather3A_324 : memref<1x16x128xf32, #tpu.memory_space<vmem>> -> memref<16x128xf32, #tpu.memory_space<vmem>>
      %gather3A_326 = tpu.vector_load_idx %gather3A_325[%iota3A, %add3A_320] : memref<16x128xf32, #tpu.memory_space<vmem>>[vector<16xi32>, vector<16xi32>], vector<16xf32>,
      %add3A_327 = arith.constant 5 : i32
      %add3A_328 = vector.broadcast %add3A_327 : i32 to vector<16xi32>
      %add3A_329 = arith.addi %get3A_280, %add3A_328 : vector<16xi32>
      %gather3A_330 = arith.constant 0 : i32
      %gather3A_331 = arith.constant 0 : i32
      %gather3A_332 = arith.constant 0 : i32
      %gather3A_333 = tpu.memref_slice %arg19[%gather3A_330, %gather3A_331, %gather3A_332] : memref<2x16x128xf32, #tpu.memory_space<vmem>> -> memref<1x16x128xf32, #tpu.memory_space<vmem>>
      %gather3A_334 = tpu.memref_squeeze %gather3A_333 : memref<1x16x128xf32, #tpu.memory_space<vmem>> -> memref<16x128xf32, #tpu.memory_space<vmem>>
      %gather3A_335 = tpu.vector_load_idx %gather3A_334[%iota3A, %add3A_329] : memref<16x128xf32, #tpu.memory_space<vmem>>[vector<16xi32>, vector<16xi32>], vector<16xf32>,
      %add3A_336 = arith.constant 6 : i32
      %add3A_337 = vector.broadcast %add3A_336 : i32 to vector<16xi32>
      %add3A_338 = arith.addi %get3A_280, %add3A_337 : vector<16xi32>
      %gather3A_339 = arith.constant 0 : i32
      %gather3A_340 = arith.constant 0 : i32
      %gather3A_341 = arith.constant 0 : i32
      %gather3A_342 = tpu.memref_slice %arg19[%gather3A_339, %gather3A_340, %gather3A_341] : memref<2x16x128xf32, #tpu.memory_space<vmem>> -> memref<1x16x128xf32, #tpu.memory_space<vmem>>
      %gather3A_343 = tpu.memref_squeeze %gather3A_342 : memref<1x16x128xf32, #tpu.memory_space<vmem>> -> memref<16x128xf32, #tpu.memory_space<vmem>>
      %gather3A_344 = tpu.vector_load_idx %gather3A_343[%iota3A, %add3A_338] : memref<16x128xf32, #tpu.memory_space<vmem>>[vector<16xi32>, vector<16xi32>], vector<16xf32>,
      %add3A_345 = arith.constant 7 : i32
      %add3A_346 = vector.broadcast %add3A_345 : i32 to vector<16xi32>
      %add3A_347 = arith.addi %get3A_280, %add3A_346 : vector<16xi32>
      %gather3A_348 = arith.constant 0 : i32
      %gather3A_349 = arith.constant 0 : i32
      %gather3A_350 = arith.constant 0 : i32
      %gather3A_351 = tpu.memref_slice %arg19[%gather3A_348, %gather3A_349, %gather3A_350] : memref<2x16x128xf32, #tpu.memory_space<vmem>> -> memref<1x16x128xf32, #tpu.memory_space<vmem>>
      %gather3A_352 = tpu.memref_squeeze %gather3A_351 : memref<1x16x128xf32, #tpu.memory_space<vmem>> -> memref<16x128xf32, #tpu.memory_space<vmem>>
      %gather3A_353 = tpu.vector_load_idx %gather3A_352[%iota3A, %add3A_347] : memref<16x128xf32, #tpu.memory_space<vmem>>[vector<16xi32>, vector<16xi32>], vector<16xf32>,
      %add3A_354 = arith.constant 8 : i32
      %add3A_355 = vector.broadcast %add3A_354 : i32 to vector<16xi32>
      %add3A_356 = arith.addi %get3A_280, %add3A_355 : vector<16xi32>
      %gather3A_357 = arith.constant 0 : i32
      %gather3A_358 = arith.constant 0 : i32
      %gather3A_359 = arith.constant 0 : i32
      %gather3A_360 = tpu.memref_slice %arg19[%gather3A_357, %gather3A_358, %gather3A_359] : memref<2x16x128xf32, #tpu.memory_space<vmem>> -> memref<1x16x128xf32, #tpu.memory_space<vmem>>
      %gather3A_361 = tpu.memref_squeeze %gather3A_360 : memref<1x16x128xf32, #tpu.memory_space<vmem>> -> memref<16x128xf32, #tpu.memory_space<vmem>>
      %gather3A_362 = tpu.vector_load_idx %gather3A_361[%iota3A, %add3A_356] : memref<16x128xf32, #tpu.memory_space<vmem>>[vector<16xi32>, vector<16xi32>], vector<16xf32>,
      %add3A_363 = arith.constant 9 : i32
      %add3A_364 = vector.broadcast %add3A_363 : i32 to vector<16xi32>
      %add3A_365 = arith.addi %get3A_280, %add3A_364 : vector<16xi32>
      %gather3A_366 = arith.constant 0 : i32
      %gather3A_367 = arith.constant 0 : i32
      %gather3A_368 = arith.constant 0 : i32
      %gather3A_369 = tpu.memref_slice %arg19[%gather3A_366, %gather3A_367, %gather3A_368] : memref<2x16x128xf32, #tpu.memory_space<vmem>> -> memref<1x16x128xf32, #tpu.memory_space<vmem>>
      %gather3A_370 = tpu.memref_squeeze %gather3A_369 : memref<1x16x128xf32, #tpu.memory_space<vmem>> -> memref<16x128xf32, #tpu.memory_space<vmem>>
      %gather3A_371 = tpu.vector_load_idx %gather3A_370[%iota3A, %add3A_365] : memref<16x128xf32, #tpu.memory_space<vmem>>[vector<16xi32>, vector<16xi32>], vector<16xf32>,
      %add3A_372 = arith.constant 10 : i32
      %add3A_373 = vector.broadcast %add3A_372 : i32 to vector<16xi32>
      %add3A_374 = arith.addi %get3A_280, %add3A_373 : vector<16xi32>
      %gather3A_375 = arith.constant 0 : i32
      %gather3A_376 = arith.constant 0 : i32
      %gather3A_377 = arith.constant 0 : i32
      %gather3A_378 = tpu.memref_slice %arg19[%gather3A_375, %gather3A_376, %gather3A_377] : memref<2x16x128xf32, #tpu.memory_space<vmem>> -> memref<1x16x128xf32, #tpu.memory_space<vmem>>
      %gather3A_379 = tpu.memref_squeeze %gather3A_378 : memref<1x16x128xf32, #tpu.memory_space<vmem>> -> memref<16x128xf32, #tpu.memory_space<vmem>>
      %gather3A_380 = tpu.vector_load_idx %gather3A_379[%iota3A, %add3A_374] : memref<16x128xf32, #tpu.memory_space<vmem>>[vector<16xi32>, vector<16xi32>], vector<16xf32>,
      %add3A_381 = arith.constant 11 : i32
      %add3A_382 = vector.broadcast %add3A_381 : i32 to vector<16xi32>
      %add3A_383 = arith.addi %get3A_280, %add3A_382 : vector<16xi32>
      %gather3A_384 = arith.constant 0 : i32
      %gather3A_385 = arith.constant 0 : i32
      %gather3A_386 = arith.constant 0 : i32
      %gather3A_387 = tpu.memref_slice %arg19[%gather3A_384, %gather3A_385, %gather3A_386] : memref<2x16x128xf32, #tpu.memory_space<vmem>> -> memref<1x16x128xf32, #tpu.memory_space<vmem>>
      %gather3A_388 = tpu.memref_squeeze %gather3A_387 : memref<1x16x128xf32, #tpu.memory_space<vmem>> -> memref<16x128xf32, #tpu.memory_space<vmem>>
      %gather3A_389 = tpu.vector_load_idx %gather3A_388[%iota3A, %add3A_383] : memref<16x128xf32, #tpu.memory_space<vmem>>[vector<16xi32>, vector<16xi32>], vector<16xf32>,
      %add3A_390 = arith.constant 12 : i32
      %add3A_391 = vector.broadcast %add3A_390 : i32 to vector<16xi32>
      %add3A_392 = arith.addi %get3A_280, %add3A_391 : vector<16xi32>
      %gather3A_393 = arith.constant 0 : i32
      %gather3A_394 = arith.constant 0 : i32
      %gather3A_395 = arith.constant 0 : i32
      %gather3A_396 = tpu.memref_slice %arg19[%gather3A_393, %gather3A_394, %gather3A_395] : memref<2x16x128xf32, #tpu.memory_space<vmem>> -> memref<1x16x128xf32, #tpu.memory_space<vmem>>
      %gather3A_397 = tpu.memref_squeeze %gather3A_396 : memref<1x16x128xf32, #tpu.memory_space<vmem>> -> memref<16x128xf32, #tpu.memory_space<vmem>>
      %gather3A_398 = tpu.vector_load_idx %gather3A_397[%iota3A, %add3A_392] : memref<16x128xf32, #tpu.memory_space<vmem>>[vector<16xi32>, vector<16xi32>], vector<16xf32>,
      %add3A_399 = arith.constant 13 : i32
      %add3A_400 = vector.broadcast %add3A_399 : i32 to vector<16xi32>
      %add3A_401 = arith.addi %get3A_280, %add3A_400 : vector<16xi32>
      %gather3A_402 = arith.constant 0 : i32
      %gather3A_403 = arith.constant 0 : i32
      %gather3A_404 = arith.constant 0 : i32
      %gather3A_405 = tpu.memref_slice %arg19[%gather3A_402, %gather3A_403, %gather3A_404] : memref<2x16x128xf32, #tpu.memory_space<vmem>> -> memref<1x16x128xf32, #tpu.memory_space<vmem>>
      %gather3A_406 = tpu.memref_squeeze %gather3A_405 : memref<1x16x128xf32, #tpu.memory_space<vmem>> -> memref<16x128xf32, #tpu.memory_space<vmem>>
      %gather3A_407 = tpu.vector_load_idx %gather3A_406[%iota3A, %add3A_401] : memref<16x128xf32, #tpu.memory_space<vmem>>[vector<16xi32>, vector<16xi32>], vector<16xf32>,
      %add3A_408 = arith.constant 14 : i32
      %add3A_409 = vector.broadcast %add3A_408 : i32 to vector<16xi32>
      %add3A_410 = arith.addi %get3A_280, %add3A_409 : vector<16xi32>
      %gather3A_411 = arith.constant 0 : i32
      %gather3A_412 = arith.constant 0 : i32
      %gather3A_413 = arith.constant 0 : i32
      %gather3A_414 = tpu.memref_slice %arg19[%gather3A_411, %gather3A_412, %gather3A_413] : memref<2x16x128xf32, #tpu.memory_space<vmem>> -> memref<1x16x128xf32, #tpu.memory_space<vmem>>
      %gather3A_415 = tpu.memref_squeeze %gather3A_414 : memref<1x16x128xf32, #tpu.memory_space<vmem>> -> memref<16x128xf32, #tpu.memory_space<vmem>>
      %gather3A_416 = tpu.vector_load_idx %gather3A_415[%iota3A, %add3A_410] : memref<16x128xf32, #tpu.memory_space<vmem>>[vector<16xi32>, vector<16xi32>], vector<16xf32>,
      %add3A_417 = arith.constant 15 : i32
      %add3A_418 = vector.broadcast %add3A_417 : i32 to vector<16xi32>
      %add3A_419 = arith.addi %get3A_280, %add3A_418 : vector<16xi32>
      %gather3A_420 = arith.constant 0 : i32
      %gather3A_421 = arith.constant 0 : i32
      %gather3A_422 = arith.constant 0 : i32
      %gather3A_423 = tpu.memref_slice %arg19[%gather3A_420, %gather3A_421, %gather3A_422] : memref<2x16x128xf32, #tpu.memory_space<vmem>> -> memref<1x16x128xf32, #tpu.memory_space<vmem>>
      %gather3A_424 = tpu.memref_squeeze %gather3A_423 : memref<1x16x128xf32, #tpu.memory_space<vmem>> -> memref<16x128xf32, #tpu.memory_space<vmem>>
      %gather3A_425 = tpu.vector_load_idx %gather3A_424[%iota3A, %add3A_419] : memref<16x128xf32, #tpu.memory_space<vmem>>[vector<16xi32>, vector<16xi32>], vector<16xf32>,
      %add3A_426 = arith.constant 16 : i32
      %add3A_427 = vector.broadcast %add3A_426 : i32 to vector<16xi32>
      %add3A_428 = arith.addi %get3A_280, %add3A_427 : vector<16xi32>
      %gather3A_429 = arith.constant 0 : i32
      %gather3A_430 = arith.constant 0 : i32
      %gather3A_431 = arith.constant 0 : i32
      %gather3A_432 = tpu.memref_slice %arg19[%gather3A_429, %gather3A_430, %gather3A_431] : memref<2x16x128xf32, #tpu.memory_space<vmem>> -> memref<1x16x128xf32, #tpu.memory_space<vmem>>
      %gather3A_433 = tpu.memref_squeeze %gather3A_432 : memref<1x16x128xf32, #tpu.memory_space<vmem>> -> memref<16x128xf32, #tpu.memory_space<vmem>>
      %gather3A_434 = tpu.vector_load_idx %gather3A_433[%iota3A, %add3A_428] : memref<16x128xf32, #tpu.memory_space<vmem>>[vector<16xi32>, vector<16xi32>], vector<16xf32>,
      %add3A_435 = arith.constant 17 : i32
      %add3A_436 = vector.broadcast %add3A_435 : i32 to vector<16xi32>
      %add3A_437 = arith.addi %get3A_280, %add3A_436 : vector<16xi32>
      %gather3A_438 = arith.constant 0 : i32
      %gather3A_439 = arith.constant 0 : i32
      %gather3A_440 = arith.constant 0 : i32
      %gather3A_441 = tpu.memref_slice %arg19[%gather3A_438, %gather3A_439, %gather3A_440] : memref<2x16x128xf32, #tpu.memory_space<vmem>> -> memref<1x16x128xf32, #tpu.memory_space<vmem>>
      %gather3A_442 = tpu.memref_squeeze %gather3A_441 : memref<1x16x128xf32, #tpu.memory_space<vmem>> -> memref<16x128xf32, #tpu.memory_space<vmem>>
      %gather3A_443 = tpu.vector_load_idx %gather3A_442[%iota3A, %add3A_437] : memref<16x128xf32, #tpu.memory_space<vmem>>[vector<16xi32>, vector<16xi32>], vector<16xf32>,
      %add3A_444 = arith.constant 18 : i32
      %add3A_445 = vector.broadcast %add3A_444 : i32 to vector<16xi32>
      %add3A_446 = arith.addi %get3A_280, %add3A_445 : vector<16xi32>
      %gather3A_447 = arith.constant 0 : i32
      %gather3A_448 = arith.constant 0 : i32
      %gather3A_449 = arith.constant 0 : i32
      %gather3A_450 = tpu.memref_slice %arg19[%gather3A_447, %gather3A_448, %gather3A_449] : memref<2x16x128xf32, #tpu.memory_space<vmem>> -> memref<1x16x128xf32, #tpu.memory_space<vmem>>
      %gather3A_451 = tpu.memref_squeeze %gather3A_450 : memref<1x16x128xf32, #tpu.memory_space<vmem>> -> memref<16x128xf32, #tpu.memory_space<vmem>>
      %gather3A_452 = tpu.vector_load_idx %gather3A_451[%iota3A, %add3A_446] : memref<16x128xf32, #tpu.memory_space<vmem>>[vector<16xi32>, vector<16xi32>], vector<16xf32>,
      %add3A_453 = arith.constant 19 : i32
      %add3A_454 = vector.broadcast %add3A_453 : i32 to vector<16xi32>
      %add3A_455 = arith.addi %get3A_280, %add3A_454 : vector<16xi32>
      %gather3A_456 = arith.constant 0 : i32
      %gather3A_457 = arith.constant 0 : i32
      %gather3A_458 = arith.constant 0 : i32
      %gather3A_459 = tpu.memref_slice %arg19[%gather3A_456, %gather3A_457, %gather3A_458] : memref<2x16x128xf32, #tpu.memory_space<vmem>> -> memref<1x16x128xf32, #tpu.memory_space<vmem>>
      %gather3A_460 = tpu.memref_squeeze %gather3A_459 : memref<1x16x128xf32, #tpu.memory_space<vmem>> -> memref<16x128xf32, #tpu.memory_space<vmem>>
      %gather3A_461 = tpu.vector_load_idx %gather3A_460[%iota3A, %add3A_455] : memref<16x128xf32, #tpu.memory_space<vmem>>[vector<16xi32>, vector<16xi32>], vector<16xf32>,
      %add3A_462 = arith.constant 20 : i32
      %add3A_463 = vector.broadcast %add3A_462 : i32 to vector<16xi32>
      %add3A_464 = arith.addi %get3A_280, %add3A_463 : vector<16xi32>
      %gather3A_465 = arith.constant 0 : i32
      %gather3A_466 = arith.constant 0 : i32
      %gather3A_467 = arith.constant 0 : i32
      %gather3A_468 = tpu.memref_slice %arg19[%gather3A_465, %gather3A_466, %gather3A_467] : memref<2x16x128xf32, #tpu.memory_space<vmem>> -> memref<1x16x128xf32, #tpu.memory_space<vmem>>
      %gather3A_469 = tpu.memref_squeeze %gather3A_468 : memref<1x16x128xf32, #tpu.memory_space<vmem>> -> memref<16x128xf32, #tpu.memory_space<vmem>>
      %gather3A_470 = tpu.vector_load_idx %gather3A_469[%iota3A, %add3A_464] : memref<16x128xf32, #tpu.memory_space<vmem>>[vector<16xi32>, vector<16xi32>], vector<16xf32>,
      %add3A_471 = arith.constant 21 : i32
      %add3A_472 = vector.broadcast %add3A_471 : i32 to vector<16xi32>
      %add3A_473 = arith.addi %get3A_280, %add3A_472 : vector<16xi32>
      %gather3A_474 = arith.constant 0 : i32
      %gather3A_475 = arith.constant 0 : i32
      %gather3A_476 = arith.constant 0 : i32
      %gather3A_477 = tpu.memref_slice %arg19[%gather3A_474, %gather3A_475, %gather3A_476] : memref<2x16x128xf32, #tpu.memory_space<vmem>> -> memref<1x16x128xf32, #tpu.memory_space<vmem>>
      %gather3A_478 = tpu.memref_squeeze %gather3A_477 : memref<1x16x128xf32, #tpu.memory_space<vmem>> -> memref<16x128xf32, #tpu.memory_space<vmem>>
      %gather3A_479 = tpu.vector_load_idx %gather3A_478[%iota3A, %add3A_473] : memref<16x128xf32, #tpu.memory_space<vmem>>[vector<16xi32>, vector<16xi32>], vector<16xf32>,
      %add3A_480 = arith.constant 22 : i32
      %add3A_481 = vector.broadcast %add3A_480 : i32 to vector<16xi32>
      %add3A_482 = arith.addi %get3A_280, %add3A_481 : vector<16xi32>
      %gather3A_483 = arith.constant 0 : i32
      %gather3A_484 = arith.constant 0 : i32
      %gather3A_485 = arith.constant 0 : i32
      %gather3A_486 = tpu.memref_slice %arg19[%gather3A_483, %gather3A_484, %gather3A_485] : memref<2x16x128xf32, #tpu.memory_space<vmem>> -> memref<1x16x128xf32, #tpu.memory_space<vmem>>
      %gather3A_487 = tpu.memref_squeeze %gather3A_486 : memref<1x16x128xf32, #tpu.memory_space<vmem>> -> memref<16x128xf32, #tpu.memory_space<vmem>>
      %gather3A_488 = tpu.vector_load_idx %gather3A_487[%iota3A, %add3A_482] : memref<16x128xf32, #tpu.memory_space<vmem>>[vector<16xi32>, vector<16xi32>], vector<16xf32>,
      %add3A_489 = arith.constant 23 : i32
      %add3A_490 = vector.broadcast %add3A_489 : i32 to vector<16xi32>
      %add3A_491 = arith.addi %get3A_280, %add3A_490 : vector<16xi32>
      %gather3A_492 = arith.constant 0 : i32
      %gather3A_493 = arith.constant 0 : i32
      %gather3A_494 = arith.constant 0 : i32
      %gather3A_495 = tpu.memref_slice %arg19[%gather3A_492, %gather3A_493, %gather3A_494] : memref<2x16x128xf32, #tpu.memory_space<vmem>> -> memref<1x16x128xf32, #tpu.memory_space<vmem>>
      %gather3A_496 = tpu.memref_squeeze %gather3A_495 : memref<1x16x128xf32, #tpu.memory_space<vmem>> -> memref<16x128xf32, #tpu.memory_space<vmem>>
      %gather3A_497 = tpu.vector_load_idx %gather3A_496[%iota3A, %add3A_491] : memref<16x128xf32, #tpu.memory_space<vmem>>[vector<16xi32>, vector<16xi32>], vector<16xf32>,
      %add3A_498 = arith.constant 24 : i32
      %add3A_499 = vector.broadcast %add3A_498 : i32 to vector<16xi32>
      %add3A_500 = arith.addi %get3A_280, %add3A_499 : vector<16xi32>
      %gather3A_501 = arith.constant 0 : i32
      %gather3A_502 = arith.constant 0 : i32
      %gather3A_503 = arith.constant 0 : i32
      %gather3A_504 = tpu.memref_slice %arg19[%gather3A_501, %gather3A_502, %gather3A_503] : memref<2x16x128xf32, #tpu.memory_space<vmem>> -> memref<1x16x128xf32, #tpu.memory_space<vmem>>
      %gather3A_505 = tpu.memref_squeeze %gather3A_504 : memref<1x16x128xf32, #tpu.memory_space<vmem>> -> memref<16x128xf32, #tpu.memory_space<vmem>>
      %gather3A_506 = tpu.vector_load_idx %gather3A_505[%iota3A, %add3A_500] : memref<16x128xf32, #tpu.memory_space<vmem>>[vector<16xi32>, vector<16xi32>], vector<16xf32>,
      %add3A_507 = arith.constant 25 : i32
      %add3A_508 = vector.broadcast %add3A_507 : i32 to vector<16xi32>
      %add3A_509 = arith.addi %get3A_280, %add3A_508 : vector<16xi32>
      %gather3A_510 = arith.constant 0 : i32
      %gather3A_511 = arith.constant 0 : i32
      %gather3A_512 = arith.constant 0 : i32
      %gather3A_513 = tpu.memref_slice %arg19[%gather3A_510, %gather3A_511, %gather3A_512] : memref<2x16x128xf32, #tpu.memory_space<vmem>> -> memref<1x16x128xf32, #tpu.memory_space<vmem>>
      %gather3A_514 = tpu.memref_squeeze %gather3A_513 : memref<1x16x128xf32, #tpu.memory_space<vmem>> -> memref<16x128xf32, #tpu.memory_space<vmem>>
      %gather3A_515 = tpu.vector_load_idx %gather3A_514[%iota3A, %add3A_509] : memref<16x128xf32, #tpu.memory_space<vmem>>[vector<16xi32>, vector<16xi32>], vector<16xf32>,
      %add3A_516 = arith.constant 26 : i32
      %add3A_517 = vector.broadcast %add3A_516 : i32 to vector<16xi32>
      %add3A_518 = arith.addi %get3A_280, %add3A_517 : vector<16xi32>
      %gather3A_519 = arith.constant 0 : i32
      %gather3A_520 = arith.constant 0 : i32
      %gather3A_521 = arith.constant 0 : i32
      %gather3A_522 = tpu.memref_slice %arg19[%gather3A_519, %gather3A_520, %gather3A_521] : memref<2x16x128xf32, #tpu.memory_space<vmem>> -> memref<1x16x128xf32, #tpu.memory_space<vmem>>
      %gather3A_523 = tpu.memref_squeeze %gather3A_522 : memref<1x16x128xf32, #tpu.memory_space<vmem>> -> memref<16x128xf32, #tpu.memory_space<vmem>>
      %gather3A_524 = tpu.vector_load_idx %gather3A_523[%iota3A, %add3A_518] : memref<16x128xf32, #tpu.memory_space<vmem>>[vector<16xi32>, vector<16xi32>], vector<16xf32>,
      %add3A_525 = arith.constant 27 : i32
      %add3A_526 = vector.broadcast %add3A_525 : i32 to vector<16xi32>
      %add3A_527 = arith.addi %get3A_280, %add3A_526 : vector<16xi32>
      %gather3A_528 = arith.constant 0 : i32
      %gather3A_529 = arith.constant 0 : i32
      %gather3A_530 = arith.constant 0 : i32
      %gather3A_531 = tpu.memref_slice %arg19[%gather3A_528, %gather3A_529, %gather3A_530] : memref<2x16x128xf32, #tpu.memory_space<vmem>> -> memref<1x16x128xf32, #tpu.memory_space<vmem>>
      %gather3A_532 = tpu.memref_squeeze %gather3A_531 : memref<1x16x128xf32, #tpu.memory_space<vmem>> -> memref<16x128xf32, #tpu.memory_space<vmem>>
      %gather3A_533 = tpu.vector_load_idx %gather3A_532[%iota3A, %add3A_527] : memref<16x128xf32, #tpu.memory_space<vmem>>[vector<16xi32>, vector<16xi32>], vector<16xf32>,
      %add3A_534 = arith.constant 28 : i32
      %add3A_535 = vector.broadcast %add3A_534 : i32 to vector<16xi32>
      %add3A_536 = arith.addi %get3A_280, %add3A_535 : vector<16xi32>
      %gather3A_537 = arith.constant 0 : i32
      %gather3A_538 = arith.constant 0 : i32
      %gather3A_539 = arith.constant 0 : i32
      %gather3A_540 = tpu.memref_slice %arg19[%gather3A_537, %gather3A_538, %gather3A_539] : memref<2x16x128xf32, #tpu.memory_space<vmem>> -> memref<1x16x128xf32, #tpu.memory_space<vmem>>
      %gather3A_541 = tpu.memref_squeeze %gather3A_540 : memref<1x16x128xf32, #tpu.memory_space<vmem>> -> memref<16x128xf32, #tpu.memory_space<vmem>>
      %gather3A_542 = tpu.vector_load_idx %gather3A_541[%iota3A, %add3A_536] : memref<16x128xf32, #tpu.memory_space<vmem>>[vector<16xi32>, vector<16xi32>], vector<16xf32>,
      %add3A_543 = arith.constant 29 : i32
      %add3A_544 = vector.broadcast %add3A_543 : i32 to vector<16xi32>
      %add3A_545 = arith.addi %get3A_280, %add3A_544 : vector<16xi32>
      %gather3A_546 = arith.constant 0 : i32
      %gather3A_547 = arith.constant 0 : i32
      %gather3A_548 = arith.constant 0 : i32
      %gather3A_549 = tpu.memref_slice %arg19[%gather3A_546, %gather3A_547, %gather3A_548] : memref<2x16x128xf32, #tpu.memory_space<vmem>> -> memref<1x16x128xf32, #tpu.memory_space<vmem>>
      %gather3A_550 = tpu.memref_squeeze %gather3A_549 : memref<1x16x128xf32, #tpu.memory_space<vmem>> -> memref<16x128xf32, #tpu.memory_space<vmem>>
      %gather3A_551 = tpu.vector_load_idx %gather3A_550[%iota3A, %add3A_545] : memref<16x128xf32, #tpu.memory_space<vmem>>[vector<16xi32>, vector<16xi32>], vector<16xf32>,
      %add3A_552 = arith.constant 30 : i32
      %add3A_553 = vector.broadcast %add3A_552 : i32 to vector<16xi32>
      %add3A_554 = arith.addi %get3A_280, %add3A_553 : vector<16xi32>
      %gather3A_555 = arith.constant 0 : i32
      %gather3A_556 = arith.constant 0 : i32
      %gather3A_557 = arith.constant 0 : i32
      %gather3A_558 = tpu.memref_slice %arg19[%gather3A_555, %gather3A_556, %gather3A_557] : memref<2x16x128xf32, #tpu.memory_space<vmem>> -> memref<1x16x128xf32, #tpu.memory_space<vmem>>
      %gather3A_559 = tpu.memref_squeeze %gather3A_558 : memref<1x16x128xf32, #tpu.memory_space<vmem>> -> memref<16x128xf32, #tpu.memory_space<vmem>>
      %gather3A_560 = tpu.vector_load_idx %gather3A_559[%iota3A, %add3A_554] : memref<16x128xf32, #tpu.memory_space<vmem>>[vector<16xi32>, vector<16xi32>], vector<16xf32>,
      %add3A_561 = arith.constant 31 : i32
      %add3A_562 = vector.broadcast %add3A_561 : i32 to vector<16xi32>
      %add3A_563 = arith.addi %get3A_280, %add3A_562 : vector<16xi32>
      %gather3A_564 = arith.constant 0 : i32
      %gather3A_565 = arith.constant 0 : i32
      %gather3A_566 = arith.constant 0 : i32
      %gather3A_567 = tpu.memref_slice %arg19[%gather3A_564, %gather3A_565, %gather3A_566] : memref<2x16x128xf32, #tpu.memory_space<vmem>> -> memref<1x16x128xf32, #tpu.memory_space<vmem>>
      %gather3A_568 = tpu.memref_squeeze %gather3A_567 : memref<1x16x128xf32, #tpu.memory_space<vmem>> -> memref<16x128xf32, #tpu.memory_space<vmem>>
      %gather3A_569 = tpu.vector_load_idx %gather3A_568[%iota3A, %add3A_563] : memref<16x128xf32, #tpu.memory_space<vmem>>[vector<16xi32>, vector<16xi32>], vector<16xf32>,
      %mul3A_570 = arith.mulf %gather3A_290, %gather3A_290 : vector<16xf32>
      %mul3A_571 = arith.mulf %gather3A_299, %gather3A_299 : vector<16xf32>
      %add3A_572 = arith.addf %mul3A_570, %mul3A_571 : vector<16xf32>
      %mul3A_573 = arith.mulf %gather3A_308, %gather3A_308 : vector<16xf32>
      %add3A_574 = arith.addf %add3A_572, %mul3A_573 : vector<16xf32>
      %mul3A_575 = arith.mulf %gather3A_317, %gather3A_317 : vector<16xf32>
      %add3A_576 = arith.addf %add3A_574, %mul3A_575 : vector<16xf32>
      %mul3A_577 = arith.mulf %gather3A_326, %gather3A_326 : vector<16xf32>
      %add3A_578 = arith.addf %add3A_576, %mul3A_577 : vector<16xf32>
      %mul3A_579 = arith.mulf %gather3A_335, %gather3A_335 : vector<16xf32>
      %add3A_580 = arith.addf %add3A_578, %mul3A_579 : vector<16xf32>
      %mul3A_581 = arith.mulf %gather3A_344, %gather3A_344 : vector<16xf32>
      %add3A_582 = arith.addf %add3A_580, %mul3A_581 : vector<16xf32>
      %mul3A_583 = arith.mulf %gather3A_353, %gather3A_353 : vector<16xf32>
      %add3A_584 = arith.addf %add3A_582, %mul3A_583 : vector<16xf32>
      %mul3A_585 = arith.mulf %gather3A_362, %gather3A_362 : vector<16xf32>
      %add3A_586 = arith.addf %add3A_584, %mul3A_585 : vector<16xf32>
      %mul3A_587 = arith.mulf %gather3A_371, %gather3A_371 : vector<16xf32>
      %add3A_588 = arith.addf %add3A_586, %mul3A_587 : vector<16xf32>
      %mul3A_589 = arith.mulf %gather3A_380, %gather3A_380 : vector<16xf32>
      %add3A_590 = arith.addf %add3A_588, %mul3A_589 : vector<16xf32>
      %mul3A_591 = arith.mulf %gather3A_389, %gather3A_389 : vector<16xf32>
      %add3A_592 = arith.addf %add3A_590, %mul3A_591 : vector<16xf32>
      %mul3A_593 = arith.mulf %gather3A_398, %gather3A_398 : vector<16xf32>
      %add3A_594 = arith.addf %add3A_592, %mul3A_593 : vector<16xf32>
      %mul3A_595 = arith.mulf %gather3A_407, %gather3A_407 : vector<16xf32>
      %add3A_596 = arith.addf %add3A_594, %mul3A_595 : vector<16xf32>
      %mul3A_597 = arith.mulf %gather3A_416, %gather3A_416 : vector<16xf32>
      %add3A_598 = arith.addf %add3A_596, %mul3A_597 : vector<16xf32>
      %mul3A_599 = arith.mulf %gather3A_425, %gather3A_425 : vector<16xf32>
      %add3A_600 = arith.addf %add3A_598, %mul3A_599 : vector<16xf32>
      %mul3A_601 = arith.mulf %gather3A_434, %gather3A_434 : vector<16xf32>
      %add3A_602 = arith.addf %add3A_600, %mul3A_601 : vector<16xf32>
      %mul3A_603 = arith.mulf %gather3A_443, %gather3A_443 : vector<16xf32>
      %add3A_604 = arith.addf %add3A_602, %mul3A_603 : vector<16xf32>
      %mul3A_605 = arith.mulf %gather3A_452, %gather3A_452 : vector<16xf32>
      %add3A_606 = arith.addf %add3A_604, %mul3A_605 : vector<16xf32>
      %mul3A_607 = arith.mulf %gather3A_461, %gather3A_461 : vector<16xf32>
      %add3A_608 = arith.addf %add3A_606, %mul3A_607 : vector<16xf32>
      %mul3A_609 = arith.mulf %gather3A_470, %gather3A_470 : vector<16xf32>
      %add3A_610 = arith.addf %add3A_608, %mul3A_609 : vector<16xf32>
      %mul3A_611 = arith.mulf %gather3A_479, %gather3A_479 : vector<16xf32>
      %add3A_612 = arith.addf %add3A_610, %mul3A_611 : vector<16xf32>
      %mul3A_613 = arith.mulf %gather3A_488, %gather3A_488 : vector<16xf32>
      %add3A_614 = arith.addf %add3A_612, %mul3A_613 : vector<16xf32>
      %mul3A_615 = arith.mulf %gather3A_497, %gather3A_497 : vector<16xf32>
      %add3A_616 = arith.addf %add3A_614, %mul3A_615 : vector<16xf32>
      %mul3A_617 = arith.mulf %gather3A_506, %gather3A_506 : vector<16xf32>
      %add3A_618 = arith.addf %add3A_616, %mul3A_617 : vector<16xf32>
      %mul3A_619 = arith.mulf %gather3A_515, %gather3A_515 : vector<16xf32>
      %add3A_620 = arith.addf %add3A_618, %mul3A_619 : vector<16xf32>
      %mul3A_621 = arith.mulf %gather3A_524, %gather3A_524 : vector<16xf32>
      %add3A_622 = arith.addf %add3A_620, %mul3A_621 : vector<16xf32>
      %mul3A_623 = arith.mulf %gather3A_533, %gather3A_533 : vector<16xf32>
      %add3A_624 = arith.addf %add3A_622, %mul3A_623 : vector<16xf32>
      %mul3A_625 = arith.mulf %gather3A_542, %gather3A_542 : vector<16xf32>
      %add3A_626 = arith.addf %add3A_624, %mul3A_625 : vector<16xf32>
      %mul3A_627 = arith.mulf %gather3A_551, %gather3A_551 : vector<16xf32>
      %add3A_628 = arith.addf %add3A_626, %mul3A_627 : vector<16xf32>
      %mul3A_629 = arith.mulf %gather3A_560, %gather3A_560 : vector<16xf32>
      %add3A_630 = arith.addf %add3A_628, %mul3A_629 : vector<16xf32>
      %mul3A_631 = arith.mulf %gather3A_569, %gather3A_569 : vector<16xf32>
      %add3A_632 = arith.addf %add3A_630, %mul3A_631 : vector<16xf32>
      %gather3A_633 = arith.constant 0 : i32
      %gather3A_634 = arith.constant 0 : i32
      %gather3A_635 = arith.constant 0 : i32
      %gather3A_636 = tpu.memref_slice %arg20[%gather3A_633, %gather3A_634, %gather3A_635] : memref<2x16x128xf32, #tpu.memory_space<vmem>> -> memref<1x16x128xf32, #tpu.memory_space<vmem>>
      %gather3A_637 = tpu.memref_squeeze %gather3A_636 : memref<1x16x128xf32, #tpu.memory_space<vmem>> -> memref<16x128xf32, #tpu.memory_space<vmem>>
      %gather3A_638 = tpu.vector_load_idx %gather3A_637[%iota3A, %get3A_282] : memref<16x128xf32, #tpu.memory_space<vmem>>[vector<16xi32>, vector<16xi32>], vector<16xf32>,
      %mul3A_639 = arith.mulf %gather3A_290, %gather3A_638 : vector<16xf32>
      %add3A_640 = arith.constant 1 : i32
      %add3A_641 = vector.broadcast %add3A_640 : i32 to vector<16xi32>
      %add3A_642 = arith.addi %get3A_282, %add3A_641 : vector<16xi32>
      %gather3A_643 = arith.constant 0 : i32
      %gather3A_644 = arith.constant 0 : i32
      %gather3A_645 = arith.constant 0 : i32
      %gather3A_646 = tpu.memref_slice %arg20[%gather3A_643, %gather3A_644, %gather3A_645] : memref<2x16x128xf32, #tpu.memory_space<vmem>> -> memref<1x16x128xf32, #tpu.memory_space<vmem>>
      %gather3A_647 = tpu.memref_squeeze %gather3A_646 : memref<1x16x128xf32, #tpu.memory_space<vmem>> -> memref<16x128xf32, #tpu.memory_space<vmem>>
      %gather3A_648 = tpu.vector_load_idx %gather3A_647[%iota3A, %add3A_642] : memref<16x128xf32, #tpu.memory_space<vmem>>[vector<16xi32>, vector<16xi32>], vector<16xf32>,
      %mul3A_649 = arith.mulf %gather3A_299, %gather3A_648 : vector<16xf32>
      %add3A_650 = arith.addf %mul3A_639, %mul3A_649 : vector<16xf32>
      %add3A_651 = arith.constant 2 : i32
      %add3A_652 = vector.broadcast %add3A_651 : i32 to vector<16xi32>
      %add3A_653 = arith.addi %get3A_282, %add3A_652 : vector<16xi32>
      %gather3A_654 = arith.constant 0 : i32
      %gather3A_655 = arith.constant 0 : i32
      %gather3A_656 = arith.constant 0 : i32
      %gather3A_657 = tpu.memref_slice %arg20[%gather3A_654, %gather3A_655, %gather3A_656] : memref<2x16x128xf32, #tpu.memory_space<vmem>> -> memref<1x16x128xf32, #tpu.memory_space<vmem>>
      %gather3A_658 = tpu.memref_squeeze %gather3A_657 : memref<1x16x128xf32, #tpu.memory_space<vmem>> -> memref<16x128xf32, #tpu.memory_space<vmem>>
      %gather3A_659 = tpu.vector_load_idx %gather3A_658[%iota3A, %add3A_653] : memref<16x128xf32, #tpu.memory_space<vmem>>[vector<16xi32>, vector<16xi32>], vector<16xf32>,
      %mul3A_660 = arith.mulf %gather3A_308, %gather3A_659 : vector<16xf32>
      %add3A_661 = arith.addf %add3A_650, %mul3A_660 : vector<16xf32>
      %add3A_662 = arith.constant 3 : i32
      %add3A_663 = vector.broadcast %add3A_662 : i32 to vector<16xi32>
      %add3A_664 = arith.addi %get3A_282, %add3A_663 : vector<16xi32>
      %gather3A_665 = arith.constant 0 : i32
      %gather3A_666 = arith.constant 0 : i32
      %gather3A_667 = arith.constant 0 : i32
      %gather3A_668 = tpu.memref_slice %arg20[%gather3A_665, %gather3A_666, %gather3A_667] : memref<2x16x128xf32, #tpu.memory_space<vmem>> -> memref<1x16x128xf32, #tpu.memory_space<vmem>>
      %gather3A_669 = tpu.memref_squeeze %gather3A_668 : memref<1x16x128xf32, #tpu.memory_space<vmem>> -> memref<16x128xf32, #tpu.memory_space<vmem>>
      %gather3A_670 = tpu.vector_load_idx %gather3A_669[%iota3A, %add3A_664] : memref<16x128xf32, #tpu.memory_space<vmem>>[vector<16xi32>, vector<16xi32>], vector<16xf32>,
      %mul3A_671 = arith.mulf %gather3A_317, %gather3A_670 : vector<16xf32>
      %add3A_672 = arith.addf %add3A_661, %mul3A_671 : vector<16xf32>
      %add3A_673 = arith.constant 4 : i32
      %add3A_674 = vector.broadcast %add3A_673 : i32 to vector<16xi32>
      %add3A_675 = arith.addi %get3A_282, %add3A_674 : vector<16xi32>
      %gather3A_676 = arith.constant 0 : i32
      %gather3A_677 = arith.constant 0 : i32
      %gather3A_678 = arith.constant 0 : i32
      %gather3A_679 = tpu.memref_slice %arg20[%gather3A_676, %gather3A_677, %gather3A_678] : memref<2x16x128xf32, #tpu.memory_space<vmem>> -> memref<1x16x128xf32, #tpu.memory_space<vmem>>
      %gather3A_680 = tpu.memref_squeeze %gather3A_679 : memref<1x16x128xf32, #tpu.memory_space<vmem>> -> memref<16x128xf32, #tpu.memory_space<vmem>>
      %gather3A_681 = tpu.vector_load_idx %gather3A_680[%iota3A, %add3A_675] : memref<16x128xf32, #tpu.memory_space<vmem>>[vector<16xi32>, vector<16xi32>], vector<16xf32>,
      %mul3A_682 = arith.mulf %gather3A_326, %gather3A_681 : vector<16xf32>
      %add3A_683 = arith.addf %add3A_672, %mul3A_682 : vector<16xf32>
      %add3A_684 = arith.constant 5 : i32
      %add3A_685 = vector.broadcast %add3A_684 : i32 to vector<16xi32>
      %add3A_686 = arith.addi %get3A_282, %add3A_685 : vector<16xi32>
      %gather3A_687 = arith.constant 0 : i32
      %gather3A_688 = arith.constant 0 : i32
      %gather3A_689 = arith.constant 0 : i32
      %gather3A_690 = tpu.memref_slice %arg20[%gather3A_687, %gather3A_688, %gather3A_689] : memref<2x16x128xf32, #tpu.memory_space<vmem>> -> memref<1x16x128xf32, #tpu.memory_space<vmem>>
      %gather3A_691 = tpu.memref_squeeze %gather3A_690 : memref<1x16x128xf32, #tpu.memory_space<vmem>> -> memref<16x128xf32, #tpu.memory_space<vmem>>
      %gather3A_692 = tpu.vector_load_idx %gather3A_691[%iota3A, %add3A_686] : memref<16x128xf32, #tpu.memory_space<vmem>>[vector<16xi32>, vector<16xi32>], vector<16xf32>,
      %mul3A_693 = arith.mulf %gather3A_335, %gather3A_692 : vector<16xf32>
      %add3A_694 = arith.addf %add3A_683, %mul3A_693 : vector<16xf32>
      %add3A_695 = arith.constant 6 : i32
      %add3A_696 = vector.broadcast %add3A_695 : i32 to vector<16xi32>
      %add3A_697 = arith.addi %get3A_282, %add3A_696 : vector<16xi32>
      %gather3A_698 = arith.constant 0 : i32
      %gather3A_699 = arith.constant 0 : i32
      %gather3A_700 = arith.constant 0 : i32
      %gather3A_701 = tpu.memref_slice %arg20[%gather3A_698, %gather3A_699, %gather3A_700] : memref<2x16x128xf32, #tpu.memory_space<vmem>> -> memref<1x16x128xf32, #tpu.memory_space<vmem>>
      %gather3A_702 = tpu.memref_squeeze %gather3A_701 : memref<1x16x128xf32, #tpu.memory_space<vmem>> -> memref<16x128xf32, #tpu.memory_space<vmem>>
      %gather3A_703 = tpu.vector_load_idx %gather3A_702[%iota3A, %add3A_697] : memref<16x128xf32, #tpu.memory_space<vmem>>[vector<16xi32>, vector<16xi32>], vector<16xf32>,
      %mul3A_704 = arith.mulf %gather3A_344, %gather3A_703 : vector<16xf32>
      %add3A_705 = arith.addf %add3A_694, %mul3A_704 : vector<16xf32>
      %add3A_706 = arith.constant 7 : i32
      %add3A_707 = vector.broadcast %add3A_706 : i32 to vector<16xi32>
      %add3A_708 = arith.addi %get3A_282, %add3A_707 : vector<16xi32>
      %gather3A_709 = arith.constant 0 : i32
      %gather3A_710 = arith.constant 0 : i32
      %gather3A_711 = arith.constant 0 : i32
      %gather3A_712 = tpu.memref_slice %arg20[%gather3A_709, %gather3A_710, %gather3A_711] : memref<2x16x128xf32, #tpu.memory_space<vmem>> -> memref<1x16x128xf32, #tpu.memory_space<vmem>>
      %gather3A_713 = tpu.memref_squeeze %gather3A_712 : memref<1x16x128xf32, #tpu.memory_space<vmem>> -> memref<16x128xf32, #tpu.memory_space<vmem>>
      %gather3A_714 = tpu.vector_load_idx %gather3A_713[%iota3A, %add3A_708] : memref<16x128xf32, #tpu.memory_space<vmem>>[vector<16xi32>, vector<16xi32>], vector<16xf32>,
      %mul3A_715 = arith.mulf %gather3A_353, %gather3A_714 : vector<16xf32>
      %add3A_716 = arith.addf %add3A_705, %mul3A_715 : vector<16xf32>
      %add3A_717 = arith.constant 8 : i32
      %add3A_718 = vector.broadcast %add3A_717 : i32 to vector<16xi32>
      %add3A_719 = arith.addi %get3A_282, %add3A_718 : vector<16xi32>
      %gather3A_720 = arith.constant 0 : i32
      %gather3A_721 = arith.constant 0 : i32
      %gather3A_722 = arith.constant 0 : i32
      %gather3A_723 = tpu.memref_slice %arg20[%gather3A_720, %gather3A_721, %gather3A_722] : memref<2x16x128xf32, #tpu.memory_space<vmem>> -> memref<1x16x128xf32, #tpu.memory_space<vmem>>
      %gather3A_724 = tpu.memref_squeeze %gather3A_723 : memref<1x16x128xf32, #tpu.memory_space<vmem>> -> memref<16x128xf32, #tpu.memory_space<vmem>>
      %gather3A_725 = tpu.vector_load_idx %gather3A_724[%iota3A, %add3A_719] : memref<16x128xf32, #tpu.memory_space<vmem>>[vector<16xi32>, vector<16xi32>], vector<16xf32>,
      %mul3A_726 = arith.mulf %gather3A_362, %gather3A_725 : vector<16xf32>
      %add3A_727 = arith.addf %add3A_716, %mul3A_726 : vector<16xf32>
      %add3A_728 = arith.constant 9 : i32
      %add3A_729 = vector.broadcast %add3A_728 : i32 to vector<16xi32>
      %add3A_730 = arith.addi %get3A_282, %add3A_729 : vector<16xi32>
      %gather3A_731 = arith.constant 0 : i32
      %gather3A_732 = arith.constant 0 : i32
      %gather3A_733 = arith.constant 0 : i32
      %gather3A_734 = tpu.memref_slice %arg20[%gather3A_731, %gather3A_732, %gather3A_733] : memref<2x16x128xf32, #tpu.memory_space<vmem>> -> memref<1x16x128xf32, #tpu.memory_space<vmem>>
      %gather3A_735 = tpu.memref_squeeze %gather3A_734 : memref<1x16x128xf32, #tpu.memory_space<vmem>> -> memref<16x128xf32, #tpu.memory_space<vmem>>
      %gather3A_736 = tpu.vector_load_idx %gather3A_735[%iota3A, %add3A_730] : memref<16x128xf32, #tpu.memory_space<vmem>>[vector<16xi32>, vector<16xi32>], vector<16xf32>,
      %mul3A_737 = arith.mulf %gather3A_371, %gather3A_736 : vector<16xf32>
      %add3A_738 = arith.addf %add3A_727, %mul3A_737 : vector<16xf32>
      %add3A_739 = arith.constant 10 : i32
      %add3A_740 = vector.broadcast %add3A_739 : i32 to vector<16xi32>
      %add3A_741 = arith.addi %get3A_282, %add3A_740 : vector<16xi32>
      %gather3A_742 = arith.constant 0 : i32
      %gather3A_743 = arith.constant 0 : i32
      %gather3A_744 = arith.constant 0 : i32
      %gather3A_745 = tpu.memref_slice %arg20[%gather3A_742, %gather3A_743, %gather3A_744] : memref<2x16x128xf32, #tpu.memory_space<vmem>> -> memref<1x16x128xf32, #tpu.memory_space<vmem>>
      %gather3A_746 = tpu.memref_squeeze %gather3A_745 : memref<1x16x128xf32, #tpu.memory_space<vmem>> -> memref<16x128xf32, #tpu.memory_space<vmem>>
      %gather3A_747 = tpu.vector_load_idx %gather3A_746[%iota3A, %add3A_741] : memref<16x128xf32, #tpu.memory_space<vmem>>[vector<16xi32>, vector<16xi32>], vector<16xf32>,
      %mul3A_748 = arith.mulf %gather3A_380, %gather3A_747 : vector<16xf32>
      %add3A_749 = arith.addf %add3A_738, %mul3A_748 : vector<16xf32>
      %add3A_750 = arith.constant 11 : i32
      %add3A_751 = vector.broadcast %add3A_750 : i32 to vector<16xi32>
      %add3A_752 = arith.addi %get3A_282, %add3A_751 : vector<16xi32>
      %gather3A_753 = arith.constant 0 : i32
      %gather3A_754 = arith.constant 0 : i32
      %gather3A_755 = arith.constant 0 : i32
      %gather3A_756 = tpu.memref_slice %arg20[%gather3A_753, %gather3A_754, %gather3A_755] : memref<2x16x128xf32, #tpu.memory_space<vmem>> -> memref<1x16x128xf32, #tpu.memory_space<vmem>>
      %gather3A_757 = tpu.memref_squeeze %gather3A_756 : memref<1x16x128xf32, #tpu.memory_space<vmem>> -> memref<16x128xf32, #tpu.memory_space<vmem>>
      %gather3A_758 = tpu.vector_load_idx %gather3A_757[%iota3A, %add3A_752] : memref<16x128xf32, #tpu.memory_space<vmem>>[vector<16xi32>, vector<16xi32>], vector<16xf32>,
      %mul3A_759 = arith.mulf %gather3A_389, %gather3A_758 : vector<16xf32>
      %add3A_760 = arith.addf %add3A_749, %mul3A_759 : vector<16xf32>
      %add3A_761 = arith.constant 12 : i32
      %add3A_762 = vector.broadcast %add3A_761 : i32 to vector<16xi32>
      %add3A_763 = arith.addi %get3A_282, %add3A_762 : vector<16xi32>
      %gather3A_764 = arith.constant 0 : i32
      %gather3A_765 = arith.constant 0 : i32
      %gather3A_766 = arith.constant 0 : i32
      %gather3A_767 = tpu.memref_slice %arg20[%gather3A_764, %gather3A_765, %gather3A_766] : memref<2x16x128xf32, #tpu.memory_space<vmem>> -> memref<1x16x128xf32, #tpu.memory_space<vmem>>
      %gather3A_768 = tpu.memref_squeeze %gather3A_767 : memref<1x16x128xf32, #tpu.memory_space<vmem>> -> memref<16x128xf32, #tpu.memory_space<vmem>>
      %gather3A_769 = tpu.vector_load_idx %gather3A_768[%iota3A, %add3A_763] : memref<16x128xf32, #tpu.memory_space<vmem>>[vector<16xi32>, vector<16xi32>], vector<16xf32>,
      %mul3A_770 = arith.mulf %gather3A_398, %gather3A_769 : vector<16xf32>
      %add3A_771 = arith.addf %add3A_760, %mul3A_770 : vector<16xf32>
      %add3A_772 = arith.constant 13 : i32
      %add3A_773 = vector.broadcast %add3A_772 : i32 to vector<16xi32>
      %add3A_774 = arith.addi %get3A_282, %add3A_773 : vector<16xi32>
      %gather3A_775 = arith.constant 0 : i32
      %gather3A_776 = arith.constant 0 : i32
      %gather3A_777 = arith.constant 0 : i32
      %gather3A_778 = tpu.memref_slice %arg20[%gather3A_775, %gather3A_776, %gather3A_777] : memref<2x16x128xf32, #tpu.memory_space<vmem>> -> memref<1x16x128xf32, #tpu.memory_space<vmem>>
      %gather3A_779 = tpu.memref_squeeze %gather3A_778 : memref<1x16x128xf32, #tpu.memory_space<vmem>> -> memref<16x128xf32, #tpu.memory_space<vmem>>
      %gather3A_780 = tpu.vector_load_idx %gather3A_779[%iota3A, %add3A_774] : memref<16x128xf32, #tpu.memory_space<vmem>>[vector<16xi32>, vector<16xi32>], vector<16xf32>,
      %mul3A_781 = arith.mulf %gather3A_407, %gather3A_780 : vector<16xf32>
      %add3A_782 = arith.addf %add3A_771, %mul3A_781 : vector<16xf32>
      %add3A_783 = arith.constant 14 : i32
      %add3A_784 = vector.broadcast %add3A_783 : i32 to vector<16xi32>
      %add3A_785 = arith.addi %get3A_282, %add3A_784 : vector<16xi32>
      %gather3A_786 = arith.constant 0 : i32
      %gather3A_787 = arith.constant 0 : i32
      %gather3A_788 = arith.constant 0 : i32
      %gather3A_789 = tpu.memref_slice %arg20[%gather3A_786, %gather3A_787, %gather3A_788] : memref<2x16x128xf32, #tpu.memory_space<vmem>> -> memref<1x16x128xf32, #tpu.memory_space<vmem>>
      %gather3A_790 = tpu.memref_squeeze %gather3A_789 : memref<1x16x128xf32, #tpu.memory_space<vmem>> -> memref<16x128xf32, #tpu.memory_space<vmem>>
      %gather3A_791 = tpu.vector_load_idx %gather3A_790[%iota3A, %add3A_785] : memref<16x128xf32, #tpu.memory_space<vmem>>[vector<16xi32>, vector<16xi32>], vector<16xf32>,
      %mul3A_792 = arith.mulf %gather3A_416, %gather3A_791 : vector<16xf32>
      %add3A_793 = arith.addf %add3A_782, %mul3A_792 : vector<16xf32>
      %add3A_794 = arith.constant 15 : i32
      %add3A_795 = vector.broadcast %add3A_794 : i32 to vector<16xi32>
      %add3A_796 = arith.addi %get3A_282, %add3A_795 : vector<16xi32>
      %gather3A_797 = arith.constant 0 : i32
      %gather3A_798 = arith.constant 0 : i32
      %gather3A_799 = arith.constant 0 : i32
      %gather3A_800 = tpu.memref_slice %arg20[%gather3A_797, %gather3A_798, %gather3A_799] : memref<2x16x128xf32, #tpu.memory_space<vmem>> -> memref<1x16x128xf32, #tpu.memory_space<vmem>>
      %gather3A_801 = tpu.memref_squeeze %gather3A_800 : memref<1x16x128xf32, #tpu.memory_space<vmem>> -> memref<16x128xf32, #tpu.memory_space<vmem>>
      %gather3A_802 = tpu.vector_load_idx %gather3A_801[%iota3A, %add3A_796] : memref<16x128xf32, #tpu.memory_space<vmem>>[vector<16xi32>, vector<16xi32>], vector<16xf32>,
      %mul3A_803 = arith.mulf %gather3A_425, %gather3A_802 : vector<16xf32>
      %add3A_804 = arith.addf %add3A_793, %mul3A_803 : vector<16xf32>
      %add3A_805 = arith.constant 16 : i32
      %add3A_806 = vector.broadcast %add3A_805 : i32 to vector<16xi32>
      %add3A_807 = arith.addi %get3A_282, %add3A_806 : vector<16xi32>
      %gather3A_808 = arith.constant 0 : i32
      %gather3A_809 = arith.constant 0 : i32
      %gather3A_810 = arith.constant 0 : i32
      %gather3A_811 = tpu.memref_slice %arg20[%gather3A_808, %gather3A_809, %gather3A_810] : memref<2x16x128xf32, #tpu.memory_space<vmem>> -> memref<1x16x128xf32, #tpu.memory_space<vmem>>
      %gather3A_812 = tpu.memref_squeeze %gather3A_811 : memref<1x16x128xf32, #tpu.memory_space<vmem>> -> memref<16x128xf32, #tpu.memory_space<vmem>>
      %gather3A_813 = tpu.vector_load_idx %gather3A_812[%iota3A, %add3A_807] : memref<16x128xf32, #tpu.memory_space<vmem>>[vector<16xi32>, vector<16xi32>], vector<16xf32>,
      %mul3A_814 = arith.mulf %gather3A_434, %gather3A_813 : vector<16xf32>
      %add3A_815 = arith.addf %add3A_804, %mul3A_814 : vector<16xf32>
      %add3A_816 = arith.constant 17 : i32
      %add3A_817 = vector.broadcast %add3A_816 : i32 to vector<16xi32>
      %add3A_818 = arith.addi %get3A_282, %add3A_817 : vector<16xi32>
      %gather3A_819 = arith.constant 0 : i32
      %gather3A_820 = arith.constant 0 : i32
      %gather3A_821 = arith.constant 0 : i32
      %gather3A_822 = tpu.memref_slice %arg20[%gather3A_819, %gather3A_820, %gather3A_821] : memref<2x16x128xf32, #tpu.memory_space<vmem>> -> memref<1x16x128xf32, #tpu.memory_space<vmem>>
      %gather3A_823 = tpu.memref_squeeze %gather3A_822 : memref<1x16x128xf32, #tpu.memory_space<vmem>> -> memref<16x128xf32, #tpu.memory_space<vmem>>
      %gather3A_824 = tpu.vector_load_idx %gather3A_823[%iota3A, %add3A_818] : memref<16x128xf32, #tpu.memory_space<vmem>>[vector<16xi32>, vector<16xi32>], vector<16xf32>,
      %mul3A_825 = arith.mulf %gather3A_443, %gather3A_824 : vector<16xf32>
      %add3A_826 = arith.addf %add3A_815, %mul3A_825 : vector<16xf32>
      %add3A_827 = arith.constant 18 : i32
      %add3A_828 = vector.broadcast %add3A_827 : i32 to vector<16xi32>
      %add3A_829 = arith.addi %get3A_282, %add3A_828 : vector<16xi32>
      %gather3A_830 = arith.constant 0 : i32
      %gather3A_831 = arith.constant 0 : i32
      %gather3A_832 = arith.constant 0 : i32
      %gather3A_833 = tpu.memref_slice %arg20[%gather3A_830, %gather3A_831, %gather3A_832] : memref<2x16x128xf32, #tpu.memory_space<vmem>> -> memref<1x16x128xf32, #tpu.memory_space<vmem>>
      %gather3A_834 = tpu.memref_squeeze %gather3A_833 : memref<1x16x128xf32, #tpu.memory_space<vmem>> -> memref<16x128xf32, #tpu.memory_space<vmem>>
      %gather3A_835 = tpu.vector_load_idx %gather3A_834[%iota3A, %add3A_829] : memref<16x128xf32, #tpu.memory_space<vmem>>[vector<16xi32>, vector<16xi32>], vector<16xf32>,
      %mul3A_836 = arith.mulf %gather3A_452, %gather3A_835 : vector<16xf32>
      %add3A_837 = arith.addf %add3A_826, %mul3A_836 : vector<16xf32>
      %add3A_838 = arith.constant 19 : i32
      %add3A_839 = vector.broadcast %add3A_838 : i32 to vector<16xi32>
      %add3A_840 = arith.addi %get3A_282, %add3A_839 : vector<16xi32>
      %gather3A_841 = arith.constant 0 : i32
      %gather3A_842 = arith.constant 0 : i32
      %gather3A_843 = arith.constant 0 : i32
      %gather3A_844 = tpu.memref_slice %arg20[%gather3A_841, %gather3A_842, %gather3A_843] : memref<2x16x128xf32, #tpu.memory_space<vmem>> -> memref<1x16x128xf32, #tpu.memory_space<vmem>>
      %gather3A_845 = tpu.memref_squeeze %gather3A_844 : memref<1x16x128xf32, #tpu.memory_space<vmem>> -> memref<16x128xf32, #tpu.memory_space<vmem>>
      %gather3A_846 = tpu.vector_load_idx %gather3A_845[%iota3A, %add3A_840] : memref<16x128xf32, #tpu.memory_space<vmem>>[vector<16xi32>, vector<16xi32>], vector<16xf32>,
      %mul3A_847 = arith.mulf %gather3A_461, %gather3A_846 : vector<16xf32>
      %add3A_848 = arith.addf %add3A_837, %mul3A_847 : vector<16xf32>
      %add3A_849 = arith.constant 20 : i32
      %add3A_850 = vector.broadcast %add3A_849 : i32 to vector<16xi32>
      %add3A_851 = arith.addi %get3A_282, %add3A_850 : vector<16xi32>
      %gather3A_852 = arith.constant 0 : i32
      %gather3A_853 = arith.constant 0 : i32
      %gather3A_854 = arith.constant 0 : i32
      %gather3A_855 = tpu.memref_slice %arg20[%gather3A_852, %gather3A_853, %gather3A_854] : memref<2x16x128xf32, #tpu.memory_space<vmem>> -> memref<1x16x128xf32, #tpu.memory_space<vmem>>
      %gather3A_856 = tpu.memref_squeeze %gather3A_855 : memref<1x16x128xf32, #tpu.memory_space<vmem>> -> memref<16x128xf32, #tpu.memory_space<vmem>>
      %gather3A_857 = tpu.vector_load_idx %gather3A_856[%iota3A, %add3A_851] : memref<16x128xf32, #tpu.memory_space<vmem>>[vector<16xi32>, vector<16xi32>], vector<16xf32>,
      %mul3A_858 = arith.mulf %gather3A_470, %gather3A_857 : vector<16xf32>
      %add3A_859 = arith.addf %add3A_848, %mul3A_858 : vector<16xf32>
      %add3A_860 = arith.constant 21 : i32
      %add3A_861 = vector.broadcast %add3A_860 : i32 to vector<16xi32>
      %add3A_862 = arith.addi %get3A_282, %add3A_861 : vector<16xi32>
      %gather3A_863 = arith.constant 0 : i32
      %gather3A_864 = arith.constant 0 : i32
      %gather3A_865 = arith.constant 0 : i32
      %gather3A_866 = tpu.memref_slice %arg20[%gather3A_863, %gather3A_864, %gather3A_865] : memref<2x16x128xf32, #tpu.memory_space<vmem>> -> memref<1x16x128xf32, #tpu.memory_space<vmem>>
      %gather3A_867 = tpu.memref_squeeze %gather3A_866 : memref<1x16x128xf32, #tpu.memory_space<vmem>> -> memref<16x128xf32, #tpu.memory_space<vmem>>
      %gather3A_868 = tpu.vector_load_idx %gather3A_867[%iota3A, %add3A_862] : memref<16x128xf32, #tpu.memory_space<vmem>>[vector<16xi32>, vector<16xi32>], vector<16xf32>,
      %mul3A_869 = arith.mulf %gather3A_479, %gather3A_868 : vector<16xf32>
      %add3A_870 = arith.addf %add3A_859, %mul3A_869 : vector<16xf32>
      %add3A_871 = arith.constant 22 : i32
      %add3A_872 = vector.broadcast %add3A_871 : i32 to vector<16xi32>
      %add3A_873 = arith.addi %get3A_282, %add3A_872 : vector<16xi32>
      %gather3A_874 = arith.constant 0 : i32
      %gather3A_875 = arith.constant 0 : i32
      %gather3A_876 = arith.constant 0 : i32
      %gather3A_877 = tpu.memref_slice %arg20[%gather3A_874, %gather3A_875, %gather3A_876] : memref<2x16x128xf32, #tpu.memory_space<vmem>> -> memref<1x16x128xf32, #tpu.memory_space<vmem>>
      %gather3A_878 = tpu.memref_squeeze %gather3A_877 : memref<1x16x128xf32, #tpu.memory_space<vmem>> -> memref<16x128xf32, #tpu.memory_space<vmem>>
      %gather3A_879 = tpu.vector_load_idx %gather3A_878[%iota3A, %add3A_873] : memref<16x128xf32, #tpu.memory_space<vmem>>[vector<16xi32>, vector<16xi32>], vector<16xf32>,
      %mul3A_880 = arith.mulf %gather3A_488, %gather3A_879 : vector<16xf32>
      %add3A_881 = arith.addf %add3A_870, %mul3A_880 : vector<16xf32>
      %add3A_882 = arith.constant 23 : i32
      %add3A_883 = vector.broadcast %add3A_882 : i32 to vector<16xi32>
      %add3A_884 = arith.addi %get3A_282, %add3A_883 : vector<16xi32>
      %gather3A_885 = arith.constant 0 : i32
      %gather3A_886 = arith.constant 0 : i32
      %gather3A_887 = arith.constant 0 : i32
      %gather3A_888 = tpu.memref_slice %arg20[%gather3A_885, %gather3A_886, %gather3A_887] : memref<2x16x128xf32, #tpu.memory_space<vmem>> -> memref<1x16x128xf32, #tpu.memory_space<vmem>>
      %gather3A_889 = tpu.memref_squeeze %gather3A_888 : memref<1x16x128xf32, #tpu.memory_space<vmem>> -> memref<16x128xf32, #tpu.memory_space<vmem>>
      %gather3A_890 = tpu.vector_load_idx %gather3A_889[%iota3A, %add3A_884] : memref<16x128xf32, #tpu.memory_space<vmem>>[vector<16xi32>, vector<16xi32>], vector<16xf32>,
      %mul3A_891 = arith.mulf %gather3A_497, %gather3A_890 : vector<16xf32>
      %add3A_892 = arith.addf %add3A_881, %mul3A_891 : vector<16xf32>
      %add3A_893 = arith.constant 24 : i32
      %add3A_894 = vector.broadcast %add3A_893 : i32 to vector<16xi32>
      %add3A_895 = arith.addi %get3A_282, %add3A_894 : vector<16xi32>
      %gather3A_896 = arith.constant 0 : i32
      %gather3A_897 = arith.constant 0 : i32
      %gather3A_898 = arith.constant 0 : i32
      %gather3A_899 = tpu.memref_slice %arg20[%gather3A_896, %gather3A_897, %gather3A_898] : memref<2x16x128xf32, #tpu.memory_space<vmem>> -> memref<1x16x128xf32, #tpu.memory_space<vmem>>
      %gather3A_900 = tpu.memref_squeeze %gather3A_899 : memref<1x16x128xf32, #tpu.memory_space<vmem>> -> memref<16x128xf32, #tpu.memory_space<vmem>>
      %gather3A_901 = tpu.vector_load_idx %gather3A_900[%iota3A, %add3A_895] : memref<16x128xf32, #tpu.memory_space<vmem>>[vector<16xi32>, vector<16xi32>], vector<16xf32>,
      %mul3A_902 = arith.mulf %gather3A_506, %gather3A_901 : vector<16xf32>
      %add3A_903 = arith.addf %add3A_892, %mul3A_902 : vector<16xf32>
      %add3A_904 = arith.constant 25 : i32
      %add3A_905 = vector.broadcast %add3A_904 : i32 to vector<16xi32>
      %add3A_906 = arith.addi %get3A_282, %add3A_905 : vector<16xi32>
      %gather3A_907 = arith.constant 0 : i32
      %gather3A_908 = arith.constant 0 : i32
      %gather3A_909 = arith.constant 0 : i32
      %gather3A_910 = tpu.memref_slice %arg20[%gather3A_907, %gather3A_908, %gather3A_909] : memref<2x16x128xf32, #tpu.memory_space<vmem>> -> memref<1x16x128xf32, #tpu.memory_space<vmem>>
      %gather3A_911 = tpu.memref_squeeze %gather3A_910 : memref<1x16x128xf32, #tpu.memory_space<vmem>> -> memref<16x128xf32, #tpu.memory_space<vmem>>
      %gather3A_912 = tpu.vector_load_idx %gather3A_911[%iota3A, %add3A_906] : memref<16x128xf32, #tpu.memory_space<vmem>>[vector<16xi32>, vector<16xi32>], vector<16xf32>,
      %mul3A_913 = arith.mulf %gather3A_515, %gather3A_912 : vector<16xf32>
      %add3A_914 = arith.addf %add3A_903, %mul3A_913 : vector<16xf32>
      %add3A_915 = arith.constant 26 : i32
      %add3A_916 = vector.broadcast %add3A_915 : i32 to vector<16xi32>
      %add3A_917 = arith.addi %get3A_282, %add3A_916 : vector<16xi32>
      %gather3A_918 = arith.constant 0 : i32
      %gather3A_919 = arith.constant 0 : i32
      %gather3A_920 = arith.constant 0 : i32
      %gather3A_921 = tpu.memref_slice %arg20[%gather3A_918, %gather3A_919, %gather3A_920] : memref<2x16x128xf32, #tpu.memory_space<vmem>> -> memref<1x16x128xf32, #tpu.memory_space<vmem>>
      %gather3A_922 = tpu.memref_squeeze %gather3A_921 : memref<1x16x128xf32, #tpu.memory_space<vmem>> -> memref<16x128xf32, #tpu.memory_space<vmem>>
      %gather3A_923 = tpu.vector_load_idx %gather3A_922[%iota3A, %add3A_917] : memref<16x128xf32, #tpu.memory_space<vmem>>[vector<16xi32>, vector<16xi32>], vector<16xf32>,
      %mul3A_924 = arith.mulf %gather3A_524, %gather3A_923 : vector<16xf32>
      %add3A_925 = arith.addf %add3A_914, %mul3A_924 : vector<16xf32>
      %add3A_926 = arith.constant 27 : i32
      %add3A_927 = vector.broadcast %add3A_926 : i32 to vector<16xi32>
      %add3A_928 = arith.addi %get3A_282, %add3A_927 : vector<16xi32>
      %gather3A_929 = arith.constant 0 : i32
      %gather3A_930 = arith.constant 0 : i32
      %gather3A_931 = arith.constant 0 : i32
      %gather3A_932 = tpu.memref_slice %arg20[%gather3A_929, %gather3A_930, %gather3A_931] : memref<2x16x128xf32, #tpu.memory_space<vmem>> -> memref<1x16x128xf32, #tpu.memory_space<vmem>>
      %gather3A_933 = tpu.memref_squeeze %gather3A_932 : memref<1x16x128xf32, #tpu.memory_space<vmem>> -> memref<16x128xf32, #tpu.memory_space<vmem>>
      %gather3A_934 = tpu.vector_load_idx %gather3A_933[%iota3A, %add3A_928] : memref<16x128xf32, #tpu.memory_space<vmem>>[vector<16xi32>, vector<16xi32>], vector<16xf32>,
      %mul3A_935 = arith.mulf %gather3A_533, %gather3A_934 : vector<16xf32>
      %add3A_936 = arith.addf %add3A_925, %mul3A_935 : vector<16xf32>
      %add3A_937 = arith.constant 28 : i32
      %add3A_938 = vector.broadcast %add3A_937 : i32 to vector<16xi32>
      %add3A_939 = arith.addi %get3A_282, %add3A_938 : vector<16xi32>
      %gather3A_940 = arith.constant 0 : i32
      %gather3A_941 = arith.constant 0 : i32
      %gather3A_942 = arith.constant 0 : i32
      %gather3A_943 = tpu.memref_slice %arg20[%gather3A_940, %gather3A_941, %gather3A_942] : memref<2x16x128xf32, #tpu.memory_space<vmem>> -> memref<1x16x128xf32, #tpu.memory_space<vmem>>
      %gather3A_944 = tpu.memref_squeeze %gather3A_943 : memref<1x16x128xf32, #tpu.memory_space<vmem>> -> memref<16x128xf32, #tpu.memory_space<vmem>>
      %gather3A_945 = tpu.vector_load_idx %gather3A_944[%iota3A, %add3A_939] : memref<16x128xf32, #tpu.memory_space<vmem>>[vector<16xi32>, vector<16xi32>], vector<16xf32>,
      %mul3A_946 = arith.mulf %gather3A_542, %gather3A_945 : vector<16xf32>
      %add3A_947 = arith.addf %add3A_936, %mul3A_946 : vector<16xf32>
      %add3A_948 = arith.constant 29 : i32
      %add3A_949 = vector.broadcast %add3A_948 : i32 to vector<16xi32>
      %add3A_950 = arith.addi %get3A_282, %add3A_949 : vector<16xi32>
      %gather3A_951 = arith.constant 0 : i32
      %gather3A_952 = arith.constant 0 : i32
      %gather3A_953 = arith.constant 0 : i32
      %gather3A_954 = tpu.memref_slice %arg20[%gather3A_951, %gather3A_952, %gather3A_953] : memref<2x16x128xf32, #tpu.memory_space<vmem>> -> memref<1x16x128xf32, #tpu.memory_space<vmem>>
      %gather3A_955 = tpu.memref_squeeze %gather3A_954 : memref<1x16x128xf32, #tpu.memory_space<vmem>> -> memref<16x128xf32, #tpu.memory_space<vmem>>
      %gather3A_956 = tpu.vector_load_idx %gather3A_955[%iota3A, %add3A_950] : memref<16x128xf32, #tpu.memory_space<vmem>>[vector<16xi32>, vector<16xi32>], vector<16xf32>,
      %mul3A_957 = arith.mulf %gather3A_551, %gather3A_956 : vector<16xf32>
      %add3A_958 = arith.addf %add3A_947, %mul3A_957 : vector<16xf32>
      %add3A_959 = arith.constant 30 : i32
      %add3A_960 = vector.broadcast %add3A_959 : i32 to vector<16xi32>
      %add3A_961 = arith.addi %get3A_282, %add3A_960 : vector<16xi32>
      %gather3A_962 = arith.constant 0 : i32
      %gather3A_963 = arith.constant 0 : i32
      %gather3A_964 = arith.constant 0 : i32
      %gather3A_965 = tpu.memref_slice %arg20[%gather3A_962, %gather3A_963, %gather3A_964] : memref<2x16x128xf32, #tpu.memory_space<vmem>> -> memref<1x16x128xf32, #tpu.memory_space<vmem>>
      %gather3A_966 = tpu.memref_squeeze %gather3A_965 : memref<1x16x128xf32, #tpu.memory_space<vmem>> -> memref<16x128xf32, #tpu.memory_space<vmem>>
      %gather3A_967 = tpu.vector_load_idx %gather3A_966[%iota3A, %add3A_961] : memref<16x128xf32, #tpu.memory_space<vmem>>[vector<16xi32>, vector<16xi32>], vector<16xf32>,
      %mul3A_968 = arith.mulf %gather3A_560, %gather3A_967 : vector<16xf32>
      %add3A_969 = arith.addf %add3A_958, %mul3A_968 : vector<16xf32>
      %add3A_970 = arith.constant 31 : i32
      %add3A_971 = vector.broadcast %add3A_970 : i32 to vector<16xi32>
      %add3A_972 = arith.addi %get3A_282, %add3A_971 : vector<16xi32>
      %gather3A_973 = arith.constant 0 : i32
      %gather3A_974 = arith.constant 0 : i32
      %gather3A_975 = arith.constant 0 : i32
      %gather3A_976 = tpu.memref_slice %arg20[%gather3A_973, %gather3A_974, %gather3A_975] : memref<2x16x128xf32, #tpu.memory_space<vmem>> -> memref<1x16x128xf32, #tpu.memory_space<vmem>>
      %gather3A_977 = tpu.memref_squeeze %gather3A_976 : memref<1x16x128xf32, #tpu.memory_space<vmem>> -> memref<16x128xf32, #tpu.memory_space<vmem>>
      %gather3A_978 = tpu.vector_load_idx %gather3A_977[%iota3A, %add3A_972] : memref<16x128xf32, #tpu.memory_space<vmem>>[vector<16xi32>, vector<16xi32>], vector<16xf32>,
      %mul3A_979 = arith.mulf %gather3A_569, %gather3A_978 : vector<16xf32>
      %add3A_980 = arith.addf %add3A_969, %mul3A_979 : vector<16xf32>
      %get3A_981 = arith.index_cast %mul3A_279 : i32 to index
      %get3A_982 = tpu.vector_load %arg22[%get3A_981] {strides = array<i32>} : memref<512xf32, #tpu.memory_space<vmem>>, vector<16xf32>,
      %mul3A_983 = arith.constant 5.000000e-01 : f32
      %mul3A_984 = vector.broadcast %mul3A_983 : f32 to vector<16xf32>
      %mul3A_985 = arith.mulf %mul3A_984, %add3A_632 : vector<16xf32>
      %sub3A = arith.subf %get3A_982, %mul3A_985 : vector<16xf32>
      %not3A = arith.constant true
      %not3A_986 = arith.xori %eq3A_274, %not3A : i1
      %convert_element_type3A = arith.extui %not3A_986 : i1 to i32
      %cond3A = arith.constant 0 : i32
      %cond3A_987 = arith.cmpi ne, %convert_element_type3A, %cond3A : i32
      scf.if %cond3A_987 {
        %dma_wait3A_1848 = arith.constant 0 : i32
        %dma_wait3A_1849 = arith.constant 0 : i32
        %dma_wait3A_1850 = tpu.memref_slice %arg23[%dma_wait3A_1848, %dma_wait3A_1849] : memref<2x16xf32, #tpu.memory_space<vmem>> -> memref<1x16xf32, #tpu.memory_space<vmem>>
        %dma_wait3A_1851 = tpu.memref_squeeze %dma_wait3A_1850 : memref<1x16xf32, #tpu.memory_space<vmem>> -> memref<16xf32, #tpu.memory_space<vmem>>
        %dma_wait3A_1852 = arith.constant 0 : i32
        %dma_wait3A_1853 = tpu.memref_slice %arg8[%dma_wait3A_1852] : memref<16384xf32, #tpu.memory_space<hbm>> -> memref<16xf32, #tpu.memory_space<hbm>>
        %dma_wait3A_1854 = arith.constant 0 : i32
        %dma_wait3A_1855 = tpu.memref_slice %arg8[%dma_wait3A_1854] : memref<16384xf32, #tpu.memory_space<hbm>> -> memref<16xf32, #tpu.memory_space<hbm>>
        %dma_wait3A_1856 = arith.constant 0 : i32
        %dma_wait3A_1857 = tpu.memref_slice %arg23[%dma_wait3A_1848, %dma_wait3A_1856] : memref<2x16xf32, #tpu.memory_space<vmem>> -> memref<1x16xf32, #tpu.memory_space<vmem>>
        %dma_wait3A_1858 = tpu.memref_squeeze %dma_wait3A_1857 : memref<1x16xf32, #tpu.memory_space<vmem>> -> memref<16xf32, #tpu.memory_space<vmem>>
        tpu.wait_dma2 semaphore(%arg27 : memref<!tpu.dma_semaphore, #tpu.memory_space<semaphore_mem>>) src(%dma_wait3A_1858 : memref<16xf32, #tpu.memory_space<vmem>>) dst(%dma_wait3A_1855 : memref<16xf32, #tpu.memory_space<hbm>>)
        %dma_wait3A_1859 = arith.constant 0 : i32
        %dma_wait3A_1860 = arith.constant 0 : i32
        %dma_wait3A_1861 = tpu.memref_slice %arg24[%dma_wait3A_1859, %dma_wait3A_1860] : memref<2x320xf32, #tpu.memory_space<vmem>> -> memref<1x320xf32, #tpu.memory_space<vmem>>
        %dma_wait3A_1862 = tpu.memref_squeeze %dma_wait3A_1861 : memref<1x320xf32, #tpu.memory_space<vmem>> -> memref<320xf32, #tpu.memory_space<vmem>>
        %dma_wait3A_1863 = arith.constant 0 : i32
        %dma_wait3A_1864 = tpu.memref_slice %arg9[%dma_wait3A_1863] : memref<327680xf32, #tpu.memory_space<hbm>> -> memref<320xf32, #tpu.memory_space<hbm>>
        %dma_wait3A_1865 = arith.constant 0 : i32
        %dma_wait3A_1866 = tpu.memref_slice %arg9[%dma_wait3A_1865] : memref<327680xf32, #tpu.memory_space<hbm>> -> memref<320xf32, #tpu.memory_space<hbm>>
        %dma_wait3A_1867 = arith.constant 0 : i32
        %dma_wait3A_1868 = tpu.memref_slice %arg24[%dma_wait3A_1859, %dma_wait3A_1867] : memref<2x320xf32, #tpu.memory_space<vmem>> -> memref<1x320xf32, #tpu.memory_space<vmem>>
        %dma_wait3A_1869 = tpu.memref_squeeze %dma_wait3A_1868 : memref<1x320xf32, #tpu.memory_space<vmem>> -> memref<320xf32, #tpu.memory_space<vmem>>
        tpu.wait_dma2 semaphore(%arg27 : memref<!tpu.dma_semaphore, #tpu.memory_space<semaphore_mem>>) src(%dma_wait3A_1869 : memref<320xf32, #tpu.memory_space<vmem>>) dst(%dma_wait3A_1866 : memref<320xf32, #tpu.memory_space<hbm>>)
      } else {
      }
      %add3A_988 = arith.addf %add3A_980, %sub3A : vector<16xf32>
      %swap3A = arith.constant 0 : i32
      %swap3A_989 = arith.index_cast %swap3A : i32 to index
      %swap3A_990 = arith.constant 0 : index
      %swap3A_991 = tpu.vector_load %arg23[%swap3A_989, %swap3A_990] {strides = array<i32>} : memref<2x16xf32, #tpu.memory_space<vmem>>, vector<16xf32>,
      tpu.vector_store %arg23[%swap3A_989, %swap3A_990], %add3A_988 {strides = array<i32>} : memref<2x16xf32, #tpu.memory_space<vmem>>, vector<16xf32>,
      %scan3A_992 = arith.constant 0 : i32
      %scan3A_993 = arith.constant 0 : i32
      %scan3A_994 = arith.constant 0 : i32
      %scan3A_995 = arith.constant 20 : i32
      %scan3A_996 = arith.addi %scan3A_994, %scan3A_995 : i32
      %scan3A_997 = arith.constant 1 : i32
      scf.for %scan3A_1848 = %scan3A_994 to %scan3A_996 step %scan3A_997  : i32 {
        %mul3A_1849 = arith.constant 20 : i32
        %mul3A_1850 = vector.broadcast %mul3A_1849 : i32 to vector<16xi32>
        %mul3A_1851 = arith.muli %iota3A, %mul3A_1850 : vector<16xi32>
        %add3A_1852 = vector.broadcast %scan3A_1848 : i32 to vector<16xi32>
        %add3A_1853 = arith.addi %mul3A_1851, %add3A_1852 : vector<16xi32>
        %mul3A_1854 = arith.constant 20 : i32
        %mul3A_1855 = arith.muli %mul3A_279, %mul3A_1854 : i32
        %add3A_1856 = vector.broadcast %mul3A_1855 : i32 to vector<16xi32>
        %add3A_1857 = arith.addi %add3A_1856, %add3A_1853 : vector<16xi32>
        %gather3A_1858 = tpu.vector_load_idx %arg18[%add3A_1857] : memref<10240xi32, #tpu.memory_space<vmem>>[vector<16xi32>], vector<16xi32>,
        %gather3A_1859 = arith.constant 0 : i32
        %gather3A_1860 = arith.constant 0 : i32
        %gather3A_1861 = tpu.memref_slice %arg21[%scan3A_993, %gather3A_1859, %gather3A_1860] : memref<2x320x128xf32, #tpu.memory_space<vmem>> -> memref<1x320x128xf32, #tpu.memory_space<vmem>>
        %gather3A_1862 = tpu.memref_squeeze %gather3A_1861 : memref<1x320x128xf32, #tpu.memory_space<vmem>> -> memref<320x128xf32, #tpu.memory_space<vmem>>
        %gather3A_1863 = tpu.vector_load_idx %gather3A_1862[%add3A_1853, %gather3A_1858] : memref<320x128xf32, #tpu.memory_space<vmem>>[vector<16xi32>, vector<16xi32>], vector<16xf32>,
        %mul3A_1864 = arith.mulf %gather3A_290, %gather3A_1863 : vector<16xf32>
        %add3A_1865 = arith.constant 1 : i32
        %add3A_1866 = vector.broadcast %add3A_1865 : i32 to vector<16xi32>
        %add3A_1867 = arith.addi %gather3A_1858, %add3A_1866 : vector<16xi32>
        %gather3A_1868 = arith.constant 0 : i32
        %gather3A_1869 = arith.constant 0 : i32
        %gather3A_1870 = tpu.memref_slice %arg21[%scan3A_993, %gather3A_1868, %gather3A_1869] : memref<2x320x128xf32, #tpu.memory_space<vmem>> -> memref<1x320x128xf32, #tpu.memory_space<vmem>>
        %gather3A_1871 = tpu.memref_squeeze %gather3A_1870 : memref<1x320x128xf32, #tpu.memory_space<vmem>> -> memref<320x128xf32, #tpu.memory_space<vmem>>
        %gather3A_1872 = tpu.vector_load_idx %gather3A_1871[%add3A_1853, %add3A_1867] : memref<320x128xf32, #tpu.memory_space<vmem>>[vector<16xi32>, vector<16xi32>], vector<16xf32>,
        %mul3A_1873 = arith.mulf %gather3A_299, %gather3A_1872 : vector<16xf32>
        %add3A_1874 = arith.addf %mul3A_1864, %mul3A_1873 : vector<16xf32>
        %add3A_1875 = arith.constant 2 : i32
        %add3A_1876 = vector.broadcast %add3A_1875 : i32 to vector<16xi32>
        %add3A_1877 = arith.addi %gather3A_1858, %add3A_1876 : vector<16xi32>
        %gather3A_1878 = arith.constant 0 : i32
        %gather3A_1879 = arith.constant 0 : i32
        %gather3A_1880 = tpu.memref_slice %arg21[%scan3A_993, %gather3A_1878, %gather3A_1879] : memref<2x320x128xf32, #tpu.memory_space<vmem>> -> memref<1x320x128xf32, #tpu.memory_space<vmem>>
        %gather3A_1881 = tpu.memref_squeeze %gather3A_1880 : memref<1x320x128xf32, #tpu.memory_space<vmem>> -> memref<320x128xf32, #tpu.memory_space<vmem>>
        %gather3A_1882 = tpu.vector_load_idx %gather3A_1881[%add3A_1853, %add3A_1877] : memref<320x128xf32, #tpu.memory_space<vmem>>[vector<16xi32>, vector<16xi32>], vector<16xf32>,
        %mul3A_1883 = arith.mulf %gather3A_308, %gather3A_1882 : vector<16xf32>
        %add3A_1884 = arith.addf %add3A_1874, %mul3A_1883 : vector<16xf32>
        %add3A_1885 = arith.constant 3 : i32
        %add3A_1886 = vector.broadcast %add3A_1885 : i32 to vector<16xi32>
        %add3A_1887 = arith.addi %gather3A_1858, %add3A_1886 : vector<16xi32>
        %gather3A_1888 = arith.constant 0 : i32
        %gather3A_1889 = arith.constant 0 : i32
        %gather3A_1890 = tpu.memref_slice %arg21[%scan3A_993, %gather3A_1888, %gather3A_1889] : memref<2x320x128xf32, #tpu.memory_space<vmem>> -> memref<1x320x128xf32, #tpu.memory_space<vmem>>
        %gather3A_1891 = tpu.memref_squeeze %gather3A_1890 : memref<1x320x128xf32, #tpu.memory_space<vmem>> -> memref<320x128xf32, #tpu.memory_space<vmem>>
        %gather3A_1892 = tpu.vector_load_idx %gather3A_1891[%add3A_1853, %add3A_1887] : memref<320x128xf32, #tpu.memory_space<vmem>>[vector<16xi32>, vector<16xi32>], vector<16xf32>,
        %mul3A_1893 = arith.mulf %gather3A_317, %gather3A_1892 : vector<16xf32>
        %add3A_1894 = arith.addf %add3A_1884, %mul3A_1893 : vector<16xf32>
        %add3A_1895 = arith.constant 4 : i32
        %add3A_1896 = vector.broadcast %add3A_1895 : i32 to vector<16xi32>
        %add3A_1897 = arith.addi %gather3A_1858, %add3A_1896 : vector<16xi32>
        %gather3A_1898 = arith.constant 0 : i32
        %gather3A_1899 = arith.constant 0 : i32
        %gather3A_1900 = tpu.memref_slice %arg21[%scan3A_993, %gather3A_1898, %gather3A_1899] : memref<2x320x128xf32, #tpu.memory_space<vmem>> -> memref<1x320x128xf32, #tpu.memory_space<vmem>>
        %gather3A_1901 = tpu.memref_squeeze %gather3A_1900 : memref<1x320x128xf32, #tpu.memory_space<vmem>> -> memref<320x128xf32, #tpu.memory_space<vmem>>
        %gather3A_1902 = tpu.vector_load_idx %gather3A_1901[%add3A_1853, %add3A_1897] : memref<320x128xf32, #tpu.memory_space<vmem>>[vector<16xi32>, vector<16xi32>], vector<16xf32>,
        %mul3A_1903 = arith.mulf %gather3A_326, %gather3A_1902 : vector<16xf32>
        %add3A_1904 = arith.addf %add3A_1894, %mul3A_1903 : vector<16xf32>
        %add3A_1905 = arith.constant 5 : i32
        %add3A_1906 = vector.broadcast %add3A_1905 : i32 to vector<16xi32>
        %add3A_1907 = arith.addi %gather3A_1858, %add3A_1906 : vector<16xi32>
        %gather3A_1908 = arith.constant 0 : i32
        %gather3A_1909 = arith.constant 0 : i32
        %gather3A_1910 = tpu.memref_slice %arg21[%scan3A_993, %gather3A_1908, %gather3A_1909] : memref<2x320x128xf32, #tpu.memory_space<vmem>> -> memref<1x320x128xf32, #tpu.memory_space<vmem>>
        %gather3A_1911 = tpu.memref_squeeze %gather3A_1910 : memref<1x320x128xf32, #tpu.memory_space<vmem>> -> memref<320x128xf32, #tpu.memory_space<vmem>>
        %gather3A_1912 = tpu.vector_load_idx %gather3A_1911[%add3A_1853, %add3A_1907] : memref<320x128xf32, #tpu.memory_space<vmem>>[vector<16xi32>, vector<16xi32>], vector<16xf32>,
        %mul3A_1913 = arith.mulf %gather3A_335, %gather3A_1912 : vector<16xf32>
        %add3A_1914 = arith.addf %add3A_1904, %mul3A_1913 : vector<16xf32>
        %add3A_1915 = arith.constant 6 : i32
        %add3A_1916 = vector.broadcast %add3A_1915 : i32 to vector<16xi32>
        %add3A_1917 = arith.addi %gather3A_1858, %add3A_1916 : vector<16xi32>
        %gather3A_1918 = arith.constant 0 : i32
        %gather3A_1919 = arith.constant 0 : i32
        %gather3A_1920 = tpu.memref_slice %arg21[%scan3A_993, %gather3A_1918, %gather3A_1919] : memref<2x320x128xf32, #tpu.memory_space<vmem>> -> memref<1x320x128xf32, #tpu.memory_space<vmem>>
        %gather3A_1921 = tpu.memref_squeeze %gather3A_1920 : memref<1x320x128xf32, #tpu.memory_space<vmem>> -> memref<320x128xf32, #tpu.memory_space<vmem>>
        %gather3A_1922 = tpu.vector_load_idx %gather3A_1921[%add3A_1853, %add3A_1917] : memref<320x128xf32, #tpu.memory_space<vmem>>[vector<16xi32>, vector<16xi32>], vector<16xf32>,
        %mul3A_1923 = arith.mulf %gather3A_344, %gather3A_1922 : vector<16xf32>
        %add3A_1924 = arith.addf %add3A_1914, %mul3A_1923 : vector<16xf32>
        %add3A_1925 = arith.constant 7 : i32
        %add3A_1926 = vector.broadcast %add3A_1925 : i32 to vector<16xi32>
        %add3A_1927 = arith.addi %gather3A_1858, %add3A_1926 : vector<16xi32>
        %gather3A_1928 = arith.constant 0 : i32
        %gather3A_1929 = arith.constant 0 : i32
        %gather3A_1930 = tpu.memref_slice %arg21[%scan3A_993, %gather3A_1928, %gather3A_1929] : memref<2x320x128xf32, #tpu.memory_space<vmem>> -> memref<1x320x128xf32, #tpu.memory_space<vmem>>
        %gather3A_1931 = tpu.memref_squeeze %gather3A_1930 : memref<1x320x128xf32, #tpu.memory_space<vmem>> -> memref<320x128xf32, #tpu.memory_space<vmem>>
        %gather3A_1932 = tpu.vector_load_idx %gather3A_1931[%add3A_1853, %add3A_1927] : memref<320x128xf32, #tpu.memory_space<vmem>>[vector<16xi32>, vector<16xi32>], vector<16xf32>,
        %mul3A_1933 = arith.mulf %gather3A_353, %gather3A_1932 : vector<16xf32>
        %add3A_1934 = arith.addf %add3A_1924, %mul3A_1933 : vector<16xf32>
        %add3A_1935 = arith.constant 8 : i32
        %add3A_1936 = vector.broadcast %add3A_1935 : i32 to vector<16xi32>
        %add3A_1937 = arith.addi %gather3A_1858, %add3A_1936 : vector<16xi32>
        %gather3A_1938 = arith.constant 0 : i32
        %gather3A_1939 = arith.constant 0 : i32
        %gather3A_1940 = tpu.memref_slice %arg21[%scan3A_993, %gather3A_1938, %gather3A_1939] : memref<2x320x128xf32, #tpu.memory_space<vmem>> -> memref<1x320x128xf32, #tpu.memory_space<vmem>>
        %gather3A_1941 = tpu.memref_squeeze %gather3A_1940 : memref<1x320x128xf32, #tpu.memory_space<vmem>> -> memref<320x128xf32, #tpu.memory_space<vmem>>
        %gather3A_1942 = tpu.vector_load_idx %gather3A_1941[%add3A_1853, %add3A_1937] : memref<320x128xf32, #tpu.memory_space<vmem>>[vector<16xi32>, vector<16xi32>], vector<16xf32>,
        %mul3A_1943 = arith.mulf %gather3A_362, %gather3A_1942 : vector<16xf32>
        %add3A_1944 = arith.addf %add3A_1934, %mul3A_1943 : vector<16xf32>
        %add3A_1945 = arith.constant 9 : i32
        %add3A_1946 = vector.broadcast %add3A_1945 : i32 to vector<16xi32>
        %add3A_1947 = arith.addi %gather3A_1858, %add3A_1946 : vector<16xi32>
        %gather3A_1948 = arith.constant 0 : i32
        %gather3A_1949 = arith.constant 0 : i32
        %gather3A_1950 = tpu.memref_slice %arg21[%scan3A_993, %gather3A_1948, %gather3A_1949] : memref<2x320x128xf32, #tpu.memory_space<vmem>> -> memref<1x320x128xf32, #tpu.memory_space<vmem>>
        %gather3A_1951 = tpu.memref_squeeze %gather3A_1950 : memref<1x320x128xf32, #tpu.memory_space<vmem>> -> memref<320x128xf32, #tpu.memory_space<vmem>>
        %gather3A_1952 = tpu.vector_load_idx %gather3A_1951[%add3A_1853, %add3A_1947] : memref<320x128xf32, #tpu.memory_space<vmem>>[vector<16xi32>, vector<16xi32>], vector<16xf32>,
        %mul3A_1953 = arith.mulf %gather3A_371, %gather3A_1952 : vector<16xf32>
        %add3A_1954 = arith.addf %add3A_1944, %mul3A_1953 : vector<16xf32>
        %add3A_1955 = arith.constant 10 : i32
        %add3A_1956 = vector.broadcast %add3A_1955 : i32 to vector<16xi32>
        %add3A_1957 = arith.addi %gather3A_1858, %add3A_1956 : vector<16xi32>
        %gather3A_1958 = arith.constant 0 : i32
        %gather3A_1959 = arith.constant 0 : i32
        %gather3A_1960 = tpu.memref_slice %arg21[%scan3A_993, %gather3A_1958, %gather3A_1959] : memref<2x320x128xf32, #tpu.memory_space<vmem>> -> memref<1x320x128xf32, #tpu.memory_space<vmem>>
        %gather3A_1961 = tpu.memref_squeeze %gather3A_1960 : memref<1x320x128xf32, #tpu.memory_space<vmem>> -> memref<320x128xf32, #tpu.memory_space<vmem>>
        %gather3A_1962 = tpu.vector_load_idx %gather3A_1961[%add3A_1853, %add3A_1957] : memref<320x128xf32, #tpu.memory_space<vmem>>[vector<16xi32>, vector<16xi32>], vector<16xf32>,
        %mul3A_1963 = arith.mulf %gather3A_380, %gather3A_1962 : vector<16xf32>
        %add3A_1964 = arith.addf %add3A_1954, %mul3A_1963 : vector<16xf32>
        %add3A_1965 = arith.constant 11 : i32
        %add3A_1966 = vector.broadcast %add3A_1965 : i32 to vector<16xi32>
        %add3A_1967 = arith.addi %gather3A_1858, %add3A_1966 : vector<16xi32>
        %gather3A_1968 = arith.constant 0 : i32
        %gather3A_1969 = arith.constant 0 : i32
        %gather3A_1970 = tpu.memref_slice %arg21[%scan3A_993, %gather3A_1968, %gather3A_1969] : memref<2x320x128xf32, #tpu.memory_space<vmem>> -> memref<1x320x128xf32, #tpu.memory_space<vmem>>
        %gather3A_1971 = tpu.memref_squeeze %gather3A_1970 : memref<1x320x128xf32, #tpu.memory_space<vmem>> -> memref<320x128xf32, #tpu.memory_space<vmem>>
        %gather3A_1972 = tpu.vector_load_idx %gather3A_1971[%add3A_1853, %add3A_1967] : memref<320x128xf32, #tpu.memory_space<vmem>>[vector<16xi32>, vector<16xi32>], vector<16xf32>,
        %mul3A_1973 = arith.mulf %gather3A_389, %gather3A_1972 : vector<16xf32>
        %add3A_1974 = arith.addf %add3A_1964, %mul3A_1973 : vector<16xf32>
        %add3A_1975 = arith.constant 12 : i32
        %add3A_1976 = vector.broadcast %add3A_1975 : i32 to vector<16xi32>
        %add3A_1977 = arith.addi %gather3A_1858, %add3A_1976 : vector<16xi32>
        %gather3A_1978 = arith.constant 0 : i32
        %gather3A_1979 = arith.constant 0 : i32
        %gather3A_1980 = tpu.memref_slice %arg21[%scan3A_993, %gather3A_1978, %gather3A_1979] : memref<2x320x128xf32, #tpu.memory_space<vmem>> -> memref<1x320x128xf32, #tpu.memory_space<vmem>>
        %gather3A_1981 = tpu.memref_squeeze %gather3A_1980 : memref<1x320x128xf32, #tpu.memory_space<vmem>> -> memref<320x128xf32, #tpu.memory_space<vmem>>
        %gather3A_1982 = tpu.vector_load_idx %gather3A_1981[%add3A_1853, %add3A_1977] : memref<320x128xf32, #tpu.memory_space<vmem>>[vector<16xi32>, vector<16xi32>], vector<16xf32>,
        %mul3A_1983 = arith.mulf %gather3A_398, %gather3A_1982 : vector<16xf32>
        %add3A_1984 = arith.addf %add3A_1974, %mul3A_1983 : vector<16xf32>
        %add3A_1985 = arith.constant 13 : i32
        %add3A_1986 = vector.broadcast %add3A_1985 : i32 to vector<16xi32>
        %add3A_1987 = arith.addi %gather3A_1858, %add3A_1986 : vector<16xi32>
        %gather3A_1988 = arith.constant 0 : i32
        %gather3A_1989 = arith.constant 0 : i32
        %gather3A_1990 = tpu.memref_slice %arg21[%scan3A_993, %gather3A_1988, %gather3A_1989] : memref<2x320x128xf32, #tpu.memory_space<vmem>> -> memref<1x320x128xf32, #tpu.memory_space<vmem>>
        %gather3A_1991 = tpu.memref_squeeze %gather3A_1990 : memref<1x320x128xf32, #tpu.memory_space<vmem>> -> memref<320x128xf32, #tpu.memory_space<vmem>>
        %gather3A_1992 = tpu.vector_load_idx %gather3A_1991[%add3A_1853, %add3A_1987] : memref<320x128xf32, #tpu.memory_space<vmem>>[vector<16xi32>, vector<16xi32>], vector<16xf32>,
        %mul3A_1993 = arith.mulf %gather3A_407, %gather3A_1992 : vector<16xf32>
        %add3A_1994 = arith.addf %add3A_1984, %mul3A_1993 : vector<16xf32>
        %add3A_1995 = arith.constant 14 : i32
        %add3A_1996 = vector.broadcast %add3A_1995 : i32 to vector<16xi32>
        %add3A_1997 = arith.addi %gather3A_1858, %add3A_1996 : vector<16xi32>
        %gather3A_1998 = arith.constant 0 : i32
        %gather3A_1999 = arith.constant 0 : i32
        %gather3A_2000 = tpu.memref_slice %arg21[%scan3A_993, %gather3A_1998, %gather3A_1999] : memref<2x320x128xf32, #tpu.memory_space<vmem>> -> memref<1x320x128xf32, #tpu.memory_space<vmem>>
        %gather3A_2001 = tpu.memref_squeeze %gather3A_2000 : memref<1x320x128xf32, #tpu.memory_space<vmem>> -> memref<320x128xf32, #tpu.memory_space<vmem>>
        %gather3A_2002 = tpu.vector_load_idx %gather3A_2001[%add3A_1853, %add3A_1997] : memref<320x128xf32, #tpu.memory_space<vmem>>[vector<16xi32>, vector<16xi32>], vector<16xf32>,
        %mul3A_2003 = arith.mulf %gather3A_416, %gather3A_2002 : vector<16xf32>
        %add3A_2004 = arith.addf %add3A_1994, %mul3A_2003 : vector<16xf32>
        %add3A_2005 = arith.constant 15 : i32
        %add3A_2006 = vector.broadcast %add3A_2005 : i32 to vector<16xi32>
        %add3A_2007 = arith.addi %gather3A_1858, %add3A_2006 : vector<16xi32>
        %gather3A_2008 = arith.constant 0 : i32
        %gather3A_2009 = arith.constant 0 : i32
        %gather3A_2010 = tpu.memref_slice %arg21[%scan3A_993, %gather3A_2008, %gather3A_2009] : memref<2x320x128xf32, #tpu.memory_space<vmem>> -> memref<1x320x128xf32, #tpu.memory_space<vmem>>
        %gather3A_2011 = tpu.memref_squeeze %gather3A_2010 : memref<1x320x128xf32, #tpu.memory_space<vmem>> -> memref<320x128xf32, #tpu.memory_space<vmem>>
        %gather3A_2012 = tpu.vector_load_idx %gather3A_2011[%add3A_1853, %add3A_2007] : memref<320x128xf32, #tpu.memory_space<vmem>>[vector<16xi32>, vector<16xi32>], vector<16xf32>,
        %mul3A_2013 = arith.mulf %gather3A_425, %gather3A_2012 : vector<16xf32>
        %add3A_2014 = arith.addf %add3A_2004, %mul3A_2013 : vector<16xf32>
        %add3A_2015 = arith.constant 16 : i32
        %add3A_2016 = vector.broadcast %add3A_2015 : i32 to vector<16xi32>
        %add3A_2017 = arith.addi %gather3A_1858, %add3A_2016 : vector<16xi32>
        %gather3A_2018 = arith.constant 0 : i32
        %gather3A_2019 = arith.constant 0 : i32
        %gather3A_2020 = tpu.memref_slice %arg21[%scan3A_993, %gather3A_2018, %gather3A_2019] : memref<2x320x128xf32, #tpu.memory_space<vmem>> -> memref<1x320x128xf32, #tpu.memory_space<vmem>>
        %gather3A_2021 = tpu.memref_squeeze %gather3A_2020 : memref<1x320x128xf32, #tpu.memory_space<vmem>> -> memref<320x128xf32, #tpu.memory_space<vmem>>
        %gather3A_2022 = tpu.vector_load_idx %gather3A_2021[%add3A_1853, %add3A_2017] : memref<320x128xf32, #tpu.memory_space<vmem>>[vector<16xi32>, vector<16xi32>], vector<16xf32>,
        %mul3A_2023 = arith.mulf %gather3A_434, %gather3A_2022 : vector<16xf32>
        %add3A_2024 = arith.addf %add3A_2014, %mul3A_2023 : vector<16xf32>
        %add3A_2025 = arith.constant 17 : i32
        %add3A_2026 = vector.broadcast %add3A_2025 : i32 to vector<16xi32>
        %add3A_2027 = arith.addi %gather3A_1858, %add3A_2026 : vector<16xi32>
        %gather3A_2028 = arith.constant 0 : i32
        %gather3A_2029 = arith.constant 0 : i32
        %gather3A_2030 = tpu.memref_slice %arg21[%scan3A_993, %gather3A_2028, %gather3A_2029] : memref<2x320x128xf32, #tpu.memory_space<vmem>> -> memref<1x320x128xf32, #tpu.memory_space<vmem>>
        %gather3A_2031 = tpu.memref_squeeze %gather3A_2030 : memref<1x320x128xf32, #tpu.memory_space<vmem>> -> memref<320x128xf32, #tpu.memory_space<vmem>>
        %gather3A_2032 = tpu.vector_load_idx %gather3A_2031[%add3A_1853, %add3A_2027] : memref<320x128xf32, #tpu.memory_space<vmem>>[vector<16xi32>, vector<16xi32>], vector<16xf32>,
        %mul3A_2033 = arith.mulf %gather3A_443, %gather3A_2032 : vector<16xf32>
        %add3A_2034 = arith.addf %add3A_2024, %mul3A_2033 : vector<16xf32>
        %add3A_2035 = arith.constant 18 : i32
        %add3A_2036 = vector.broadcast %add3A_2035 : i32 to vector<16xi32>
        %add3A_2037 = arith.addi %gather3A_1858, %add3A_2036 : vector<16xi32>
        %gather3A_2038 = arith.constant 0 : i32
        %gather3A_2039 = arith.constant 0 : i32
        %gather3A_2040 = tpu.memref_slice %arg21[%scan3A_993, %gather3A_2038, %gather3A_2039] : memref<2x320x128xf32, #tpu.memory_space<vmem>> -> memref<1x320x128xf32, #tpu.memory_space<vmem>>
        %gather3A_2041 = tpu.memref_squeeze %gather3A_2040 : memref<1x320x128xf32, #tpu.memory_space<vmem>> -> memref<320x128xf32, #tpu.memory_space<vmem>>
        %gather3A_2042 = tpu.vector_load_idx %gather3A_2041[%add3A_1853, %add3A_2037] : memref<320x128xf32, #tpu.memory_space<vmem>>[vector<16xi32>, vector<16xi32>], vector<16xf32>,
        %mul3A_2043 = arith.mulf %gather3A_452, %gather3A_2042 : vector<16xf32>
        %add3A_2044 = arith.addf %add3A_2034, %mul3A_2043 : vector<16xf32>
        %add3A_2045 = arith.constant 19 : i32
        %add3A_2046 = vector.broadcast %add3A_2045 : i32 to vector<16xi32>
        %add3A_2047 = arith.addi %gather3A_1858, %add3A_2046 : vector<16xi32>
        %gather3A_2048 = arith.constant 0 : i32
        %gather3A_2049 = arith.constant 0 : i32
        %gather3A_2050 = tpu.memref_slice %arg21[%scan3A_993, %gather3A_2048, %gather3A_2049] : memref<2x320x128xf32, #tpu.memory_space<vmem>> -> memref<1x320x128xf32, #tpu.memory_space<vmem>>
        %gather3A_2051 = tpu.memref_squeeze %gather3A_2050 : memref<1x320x128xf32, #tpu.memory_space<vmem>> -> memref<320x128xf32, #tpu.memory_space<vmem>>
        %gather3A_2052 = tpu.vector_load_idx %gather3A_2051[%add3A_1853, %add3A_2047] : memref<320x128xf32, #tpu.memory_space<vmem>>[vector<16xi32>, vector<16xi32>], vector<16xf32>,
        %mul3A_2053 = arith.mulf %gather3A_461, %gather3A_2052 : vector<16xf32>
        %add3A_2054 = arith.addf %add3A_2044, %mul3A_2053 : vector<16xf32>
        %add3A_2055 = arith.constant 20 : i32
        %add3A_2056 = vector.broadcast %add3A_2055 : i32 to vector<16xi32>
        %add3A_2057 = arith.addi %gather3A_1858, %add3A_2056 : vector<16xi32>
        %gather3A_2058 = arith.constant 0 : i32
        %gather3A_2059 = arith.constant 0 : i32
        %gather3A_2060 = tpu.memref_slice %arg21[%scan3A_993, %gather3A_2058, %gather3A_2059] : memref<2x320x128xf32, #tpu.memory_space<vmem>> -> memref<1x320x128xf32, #tpu.memory_space<vmem>>
        %gather3A_2061 = tpu.memref_squeeze %gather3A_2060 : memref<1x320x128xf32, #tpu.memory_space<vmem>> -> memref<320x128xf32, #tpu.memory_space<vmem>>
        %gather3A_2062 = tpu.vector_load_idx %gather3A_2061[%add3A_1853, %add3A_2057] : memref<320x128xf32, #tpu.memory_space<vmem>>[vector<16xi32>, vector<16xi32>], vector<16xf32>,
        %mul3A_2063 = arith.mulf %gather3A_470, %gather3A_2062 : vector<16xf32>
        %add3A_2064 = arith.addf %add3A_2054, %mul3A_2063 : vector<16xf32>
        %add3A_2065 = arith.constant 21 : i32
        %add3A_2066 = vector.broadcast %add3A_2065 : i32 to vector<16xi32>
        %add3A_2067 = arith.addi %gather3A_1858, %add3A_2066 : vector<16xi32>
        %gather3A_2068 = arith.constant 0 : i32
        %gather3A_2069 = arith.constant 0 : i32
        %gather3A_2070 = tpu.memref_slice %arg21[%scan3A_993, %gather3A_2068, %gather3A_2069] : memref<2x320x128xf32, #tpu.memory_space<vmem>> -> memref<1x320x128xf32, #tpu.memory_space<vmem>>
        %gather3A_2071 = tpu.memref_squeeze %gather3A_2070 : memref<1x320x128xf32, #tpu.memory_space<vmem>> -> memref<320x128xf32, #tpu.memory_space<vmem>>
        %gather3A_2072 = tpu.vector_load_idx %gather3A_2071[%add3A_1853, %add3A_2067] : memref<320x128xf32, #tpu.memory_space<vmem>>[vector<16xi32>, vector<16xi32>], vector<16xf32>,
        %mul3A_2073 = arith.mulf %gather3A_479, %gather3A_2072 : vector<16xf32>
        %add3A_2074 = arith.addf %add3A_2064, %mul3A_2073 : vector<16xf32>
        %add3A_2075 = arith.constant 22 : i32
        %add3A_2076 = vector.broadcast %add3A_2075 : i32 to vector<16xi32>
        %add3A_2077 = arith.addi %gather3A_1858, %add3A_2076 : vector<16xi32>
        %gather3A_2078 = arith.constant 0 : i32
        %gather3A_2079 = arith.constant 0 : i32
        %gather3A_2080 = tpu.memref_slice %arg21[%scan3A_993, %gather3A_2078, %gather3A_2079] : memref<2x320x128xf32, #tpu.memory_space<vmem>> -> memref<1x320x128xf32, #tpu.memory_space<vmem>>
        %gather3A_2081 = tpu.memref_squeeze %gather3A_2080 : memref<1x320x128xf32, #tpu.memory_space<vmem>> -> memref<320x128xf32, #tpu.memory_space<vmem>>
        %gather3A_2082 = tpu.vector_load_idx %gather3A_2081[%add3A_1853, %add3A_2077] : memref<320x128xf32, #tpu.memory_space<vmem>>[vector<16xi32>, vector<16xi32>], vector<16xf32>,
        %mul3A_2083 = arith.mulf %gather3A_488, %gather3A_2082 : vector<16xf32>
        %add3A_2084 = arith.addf %add3A_2074, %mul3A_2083 : vector<16xf32>
        %add3A_2085 = arith.constant 23 : i32
        %add3A_2086 = vector.broadcast %add3A_2085 : i32 to vector<16xi32>
        %add3A_2087 = arith.addi %gather3A_1858, %add3A_2086 : vector<16xi32>
        %gather3A_2088 = arith.constant 0 : i32
        %gather3A_2089 = arith.constant 0 : i32
        %gather3A_2090 = tpu.memref_slice %arg21[%scan3A_993, %gather3A_2088, %gather3A_2089] : memref<2x320x128xf32, #tpu.memory_space<vmem>> -> memref<1x320x128xf32, #tpu.memory_space<vmem>>
        %gather3A_2091 = tpu.memref_squeeze %gather3A_2090 : memref<1x320x128xf32, #tpu.memory_space<vmem>> -> memref<320x128xf32, #tpu.memory_space<vmem>>
        %gather3A_2092 = tpu.vector_load_idx %gather3A_2091[%add3A_1853, %add3A_2087] : memref<320x128xf32, #tpu.memory_space<vmem>>[vector<16xi32>, vector<16xi32>], vector<16xf32>,
        %mul3A_2093 = arith.mulf %gather3A_497, %gather3A_2092 : vector<16xf32>
        %add3A_2094 = arith.addf %add3A_2084, %mul3A_2093 : vector<16xf32>
        %add3A_2095 = arith.constant 24 : i32
        %add3A_2096 = vector.broadcast %add3A_2095 : i32 to vector<16xi32>
        %add3A_2097 = arith.addi %gather3A_1858, %add3A_2096 : vector<16xi32>
        %gather3A_2098 = arith.constant 0 : i32
        %gather3A_2099 = arith.constant 0 : i32
        %gather3A_2100 = tpu.memref_slice %arg21[%scan3A_993, %gather3A_2098, %gather3A_2099] : memref<2x320x128xf32, #tpu.memory_space<vmem>> -> memref<1x320x128xf32, #tpu.memory_space<vmem>>
        %gather3A_2101 = tpu.memref_squeeze %gather3A_2100 : memref<1x320x128xf32, #tpu.memory_space<vmem>> -> memref<320x128xf32, #tpu.memory_space<vmem>>
        %gather3A_2102 = tpu.vector_load_idx %gather3A_2101[%add3A_1853, %add3A_2097] : memref<320x128xf32, #tpu.memory_space<vmem>>[vector<16xi32>, vector<16xi32>], vector<16xf32>,
        %mul3A_2103 = arith.mulf %gather3A_506, %gather3A_2102 : vector<16xf32>
        %add3A_2104 = arith.addf %add3A_2094, %mul3A_2103 : vector<16xf32>
        %add3A_2105 = arith.constant 25 : i32
        %add3A_2106 = vector.broadcast %add3A_2105 : i32 to vector<16xi32>
        %add3A_2107 = arith.addi %gather3A_1858, %add3A_2106 : vector<16xi32>
        %gather3A_2108 = arith.constant 0 : i32
        %gather3A_2109 = arith.constant 0 : i32
        %gather3A_2110 = tpu.memref_slice %arg21[%scan3A_993, %gather3A_2108, %gather3A_2109] : memref<2x320x128xf32, #tpu.memory_space<vmem>> -> memref<1x320x128xf32, #tpu.memory_space<vmem>>
        %gather3A_2111 = tpu.memref_squeeze %gather3A_2110 : memref<1x320x128xf32, #tpu.memory_space<vmem>> -> memref<320x128xf32, #tpu.memory_space<vmem>>
        %gather3A_2112 = tpu.vector_load_idx %gather3A_2111[%add3A_1853, %add3A_2107] : memref<320x128xf32, #tpu.memory_space<vmem>>[vector<16xi32>, vector<16xi32>], vector<16xf32>,
        %mul3A_2113 = arith.mulf %gather3A_515, %gather3A_2112 : vector<16xf32>
        %add3A_2114 = arith.addf %add3A_2104, %mul3A_2113 : vector<16xf32>
        %add3A_2115 = arith.constant 26 : i32
        %add3A_2116 = vector.broadcast %add3A_2115 : i32 to vector<16xi32>
        %add3A_2117 = arith.addi %gather3A_1858, %add3A_2116 : vector<16xi32>
        %gather3A_2118 = arith.constant 0 : i32
        %gather3A_2119 = arith.constant 0 : i32
        %gather3A_2120 = tpu.memref_slice %arg21[%scan3A_993, %gather3A_2118, %gather3A_2119] : memref<2x320x128xf32, #tpu.memory_space<vmem>> -> memref<1x320x128xf32, #tpu.memory_space<vmem>>
        %gather3A_2121 = tpu.memref_squeeze %gather3A_2120 : memref<1x320x128xf32, #tpu.memory_space<vmem>> -> memref<320x128xf32, #tpu.memory_space<vmem>>
        %gather3A_2122 = tpu.vector_load_idx %gather3A_2121[%add3A_1853, %add3A_2117] : memref<320x128xf32, #tpu.memory_space<vmem>>[vector<16xi32>, vector<16xi32>], vector<16xf32>,
        %mul3A_2123 = arith.mulf %gather3A_524, %gather3A_2122 : vector<16xf32>
        %add3A_2124 = arith.addf %add3A_2114, %mul3A_2123 : vector<16xf32>
        %add3A_2125 = arith.constant 27 : i32
        %add3A_2126 = vector.broadcast %add3A_2125 : i32 to vector<16xi32>
        %add3A_2127 = arith.addi %gather3A_1858, %add3A_2126 : vector<16xi32>
        %gather3A_2128 = arith.constant 0 : i32
        %gather3A_2129 = arith.constant 0 : i32
        %gather3A_2130 = tpu.memref_slice %arg21[%scan3A_993, %gather3A_2128, %gather3A_2129] : memref<2x320x128xf32, #tpu.memory_space<vmem>> -> memref<1x320x128xf32, #tpu.memory_space<vmem>>
        %gather3A_2131 = tpu.memref_squeeze %gather3A_2130 : memref<1x320x128xf32, #tpu.memory_space<vmem>> -> memref<320x128xf32, #tpu.memory_space<vmem>>
        %gather3A_2132 = tpu.vector_load_idx %gather3A_2131[%add3A_1853, %add3A_2127] : memref<320x128xf32, #tpu.memory_space<vmem>>[vector<16xi32>, vector<16xi32>], vector<16xf32>,
        %mul3A_2133 = arith.mulf %gather3A_533, %gather3A_2132 : vector<16xf32>
        %add3A_2134 = arith.addf %add3A_2124, %mul3A_2133 : vector<16xf32>
        %add3A_2135 = arith.constant 28 : i32
        %add3A_2136 = vector.broadcast %add3A_2135 : i32 to vector<16xi32>
        %add3A_2137 = arith.addi %gather3A_1858, %add3A_2136 : vector<16xi32>
        %gather3A_2138 = arith.constant 0 : i32
        %gather3A_2139 = arith.constant 0 : i32
        %gather3A_2140 = tpu.memref_slice %arg21[%scan3A_993, %gather3A_2138, %gather3A_2139] : memref<2x320x128xf32, #tpu.memory_space<vmem>> -> memref<1x320x128xf32, #tpu.memory_space<vmem>>
        %gather3A_2141 = tpu.memref_squeeze %gather3A_2140 : memref<1x320x128xf32, #tpu.memory_space<vmem>> -> memref<320x128xf32, #tpu.memory_space<vmem>>
        %gather3A_2142 = tpu.vector_load_idx %gather3A_2141[%add3A_1853, %add3A_2137] : memref<320x128xf32, #tpu.memory_space<vmem>>[vector<16xi32>, vector<16xi32>], vector<16xf32>,
        %mul3A_2143 = arith.mulf %gather3A_542, %gather3A_2142 : vector<16xf32>
        %add3A_2144 = arith.addf %add3A_2134, %mul3A_2143 : vector<16xf32>
        %add3A_2145 = arith.constant 29 : i32
        %add3A_2146 = vector.broadcast %add3A_2145 : i32 to vector<16xi32>
        %add3A_2147 = arith.addi %gather3A_1858, %add3A_2146 : vector<16xi32>
        %gather3A_2148 = arith.constant 0 : i32
        %gather3A_2149 = arith.constant 0 : i32
        %gather3A_2150 = tpu.memref_slice %arg21[%scan3A_993, %gather3A_2148, %gather3A_2149] : memref<2x320x128xf32, #tpu.memory_space<vmem>> -> memref<1x320x128xf32, #tpu.memory_space<vmem>>
        %gather3A_2151 = tpu.memref_squeeze %gather3A_2150 : memref<1x320x128xf32, #tpu.memory_space<vmem>> -> memref<320x128xf32, #tpu.memory_space<vmem>>
        %gather3A_2152 = tpu.vector_load_idx %gather3A_2151[%add3A_1853, %add3A_2147] : memref<320x128xf32, #tpu.memory_space<vmem>>[vector<16xi32>, vector<16xi32>], vector<16xf32>,
        %mul3A_2153 = arith.mulf %gather3A_551, %gather3A_2152 : vector<16xf32>
        %add3A_2154 = arith.addf %add3A_2144, %mul3A_2153 : vector<16xf32>
        %add3A_2155 = arith.constant 30 : i32
        %add3A_2156 = vector.broadcast %add3A_2155 : i32 to vector<16xi32>
        %add3A_2157 = arith.addi %gather3A_1858, %add3A_2156 : vector<16xi32>
        %gather3A_2158 = arith.constant 0 : i32
        %gather3A_2159 = arith.constant 0 : i32
        %gather3A_2160 = tpu.memref_slice %arg21[%scan3A_993, %gather3A_2158, %gather3A_2159] : memref<2x320x128xf32, #tpu.memory_space<vmem>> -> memref<1x320x128xf32, #tpu.memory_space<vmem>>
        %gather3A_2161 = tpu.memref_squeeze %gather3A_2160 : memref<1x320x128xf32, #tpu.memory_space<vmem>> -> memref<320x128xf32, #tpu.memory_space<vmem>>
        %gather3A_2162 = tpu.vector_load_idx %gather3A_2161[%add3A_1853, %add3A_2157] : memref<320x128xf32, #tpu.memory_space<vmem>>[vector<16xi32>, vector<16xi32>], vector<16xf32>,
        %mul3A_2163 = arith.mulf %gather3A_560, %gather3A_2162 : vector<16xf32>
        %add3A_2164 = arith.addf %add3A_2154, %mul3A_2163 : vector<16xf32>
        %add3A_2165 = arith.constant 31 : i32
        %add3A_2166 = vector.broadcast %add3A_2165 : i32 to vector<16xi32>
        %add3A_2167 = arith.addi %gather3A_1858, %add3A_2166 : vector<16xi32>
        %gather3A_2168 = arith.constant 0 : i32
        %gather3A_2169 = arith.constant 0 : i32
        %gather3A_2170 = tpu.memref_slice %arg21[%scan3A_993, %gather3A_2168, %gather3A_2169] : memref<2x320x128xf32, #tpu.memory_space<vmem>> -> memref<1x320x128xf32, #tpu.memory_space<vmem>>
        %gather3A_2171 = tpu.memref_squeeze %gather3A_2170 : memref<1x320x128xf32, #tpu.memory_space<vmem>> -> memref<320x128xf32, #tpu.memory_space<vmem>>
        %gather3A_2172 = tpu.vector_load_idx %gather3A_2171[%add3A_1853, %add3A_2167] : memref<320x128xf32, #tpu.memory_space<vmem>>[vector<16xi32>, vector<16xi32>], vector<16xf32>,
        %mul3A_2173 = arith.mulf %gather3A_569, %gather3A_2172 : vector<16xf32>
        %add3A_2174 = arith.addf %add3A_2164, %mul3A_2173 : vector<16xf32>
        %add3A_2175 = arith.addf %add3A_2174, %sub3A : vector<16xf32>
        %scatter3A = arith.constant 0 : i32
        %scatter3A_2176 = arith.constant 0 : i32
        %scatter3A_2177 = tpu.memref_slice %arg24[%scatter3A, %scatter3A_2176] : memref<2x320xf32, #tpu.memory_space<vmem>> -> memref<1x320xf32, #tpu.memory_space<vmem>>
        %scatter3A_2178 = tpu.memref_squeeze %scatter3A_2177 : memref<1x320xf32, #tpu.memory_space<vmem>> -> memref<320xf32, #tpu.memory_space<vmem>>
        tpu.vector_store_idx %scatter3A_2178[%add3A_1853], %add3A_2175 : memref<320xf32, #tpu.memory_space<vmem>>[vector<16xi32>], vector<16xf32>,
      }
      %scan3A_998 = arith.constant 20 : i32
      %dma_start3A_999 = arith.constant 0 : i32
      %dma_start3A_1000 = arith.constant 0 : i32
      %dma_start3A_1001 = tpu.memref_slice %arg23[%dma_start3A_999, %dma_start3A_1000] : memref<2x16xf32, #tpu.memory_space<vmem>> -> memref<1x16xf32, #tpu.memory_space<vmem>>
      %dma_start3A_1002 = tpu.memref_squeeze %dma_start3A_1001 : memref<1x16xf32, #tpu.memory_space<vmem>> -> memref<16xf32, #tpu.memory_space<vmem>>
      %dma_start3A_1003 = tpu.memref_slice %arg8[%add3A_277] : memref<16384xf32, #tpu.memory_space<hbm>> -> memref<16xf32, #tpu.memory_space<hbm>>
      %dma_start3A_1004 = tpu.memref_slice %arg8[%add3A_277] : memref<16384xf32, #tpu.memory_space<hbm>> -> memref<16xf32, #tpu.memory_space<hbm>>
      %dma_start3A_1005 = arith.constant 0 : i32
      %dma_start3A_1006 = tpu.memref_slice %arg23[%dma_start3A_999, %dma_start3A_1005] : memref<2x16xf32, #tpu.memory_space<vmem>> -> memref<1x16xf32, #tpu.memory_space<vmem>>
      %dma_start3A_1007 = tpu.memref_squeeze %dma_start3A_1006 : memref<1x16xf32, #tpu.memory_space<vmem>> -> memref<16xf32, #tpu.memory_space<vmem>>
      tpu.enqueue_dma source(%dma_start3A_1007 : memref<16xf32, #tpu.memory_space<vmem>>) target(%dma_start3A_1004 : memref<16xf32, #tpu.memory_space<hbm>>) target_semaphore(%arg27 : memref<!tpu.dma_semaphore, #tpu.memory_space<semaphore_mem>>)
      %mul3A_1008 = arith.constant 20 : i32
      %mul3A_1009 = arith.muli %add3A_277, %mul3A_1008 : i32
      %dma_start3A_1010 = arith.constant 0 : i32
      %dma_start3A_1011 = arith.constant 0 : i32
      %dma_start3A_1012 = tpu.memref_slice %arg24[%dma_start3A_1010, %dma_start3A_1011] : memref<2x320xf32, #tpu.memory_space<vmem>> -> memref<1x320xf32, #tpu.memory_space<vmem>>
      %dma_start3A_1013 = tpu.memref_squeeze %dma_start3A_1012 : memref<1x320xf32, #tpu.memory_space<vmem>> -> memref<320xf32, #tpu.memory_space<vmem>>
      %dma_start3A_1014 = tpu.memref_slice %arg9[%mul3A_1009] : memref<327680xf32, #tpu.memory_space<hbm>> -> memref<320xf32, #tpu.memory_space<hbm>>
      %dma_start3A_1015 = tpu.memref_slice %arg9[%mul3A_1009] : memref<327680xf32, #tpu.memory_space<hbm>> -> memref<320xf32, #tpu.memory_space<hbm>>
      %dma_start3A_1016 = arith.constant 0 : i32
      %dma_start3A_1017 = tpu.memref_slice %arg24[%dma_start3A_1010, %dma_start3A_1016] : memref<2x320xf32, #tpu.memory_space<vmem>> -> memref<1x320xf32, #tpu.memory_space<vmem>>
      %dma_start3A_1018 = tpu.memref_squeeze %dma_start3A_1017 : memref<1x320xf32, #tpu.memory_space<vmem>> -> memref<320xf32, #tpu.memory_space<vmem>>
      tpu.enqueue_dma source(%dma_start3A_1018 : memref<320xf32, #tpu.memory_space<vmem>>) target(%dma_start3A_1015 : memref<320xf32, #tpu.memory_space<hbm>>) target_semaphore(%arg27 : memref<!tpu.dma_semaphore, #tpu.memory_space<semaphore_mem>>)
      %lt3A = arith.constant 15 : i32
      %lt3A_1019 = arith.cmpi slt, %scan3A_133, %lt3A : i32
      %convert_element_type3A_1020 = arith.extui %lt3A_1019 : i1 to i32
      %cond3A_1021 = arith.constant 0 : i32
      %cond3A_1022 = arith.cmpi ne, %convert_element_type3A_1020, %cond3A_1021 : i32
      scf.if %cond3A_1022 {
        %add3A_1848 = arith.constant 2 : i32
        %add3A_1849 = arith.addi %mul3A_135, %add3A_1848 : i32
        %mul3A_1850 = arith.constant 16 : i32
        %mul3A_1851 = arith.muli %add3A_1849, %mul3A_1850 : i32
        %dma_start3A_1852 = arith.constant 0 : i32
        %dma_start3A_1853 = arith.constant 0 : i32
        %dma_start3A_1854 = arith.constant 0 : i32
        %dma_start3A_1855 = tpu.memref_slice %arg19[%dma_start3A_1852, %dma_start3A_1853, %dma_start3A_1854] : memref<2x16x128xf32, #tpu.memory_space<vmem>> -> memref<1x16x128xf32, #tpu.memory_space<vmem>>
        %dma_start3A_1856 = tpu.memref_squeeze %dma_start3A_1855 : memref<1x16x128xf32, #tpu.memory_space<vmem>> -> memref<16x128xf32, #tpu.memory_space<vmem>>
        %dma_start3A_1857 = tpu.memref_slice %arg13[%mul3A_1851] : memref<512xi32, #tpu.memory_space<vmem>> -> memref<16xi32, #tpu.memory_space<vmem>>
        %dma_start3A_1858 = arith.constant 0 : i32
        %dma_start3A_1859 = arith.constant 0 : i32
        %dma_start3A_1860 = tpu.memref_slice %arg2[%dma_start3A_1858, %dma_start3A_1859] : memref<253952x128xf32, #tpu.memory_space<hbm>> -> memref<253952x128xf32, #tpu.memory_space<hbm>>
        tpu.enqueue_indirect_dma source(%dma_start3A_1860 : memref<253952x128xf32, #tpu.memory_space<hbm>>) target(%dma_start3A_1856 : memref<16x128xf32, #tpu.memory_space<vmem>>) offsets(%dma_start3A_1857 : memref<16xi32, #tpu.memory_space<vmem>>) semaphore(%arg25 : memref<!tpu.dma_semaphore, #tpu.memory_space<semaphore_mem>>)
        %dma_start3A_1861 = arith.constant 0 : i32
        %dma_start3A_1862 = arith.constant 0 : i32
        %dma_start3A_1863 = arith.constant 0 : i32
        %dma_start3A_1864 = tpu.memref_slice %arg20[%dma_start3A_1861, %dma_start3A_1862, %dma_start3A_1863] : memref<2x16x128xf32, #tpu.memory_space<vmem>> -> memref<1x16x128xf32, #tpu.memory_space<vmem>>
        %dma_start3A_1865 = tpu.memref_squeeze %dma_start3A_1864 : memref<1x16x128xf32, #tpu.memory_space<vmem>> -> memref<16x128xf32, #tpu.memory_space<vmem>>
        %dma_start3A_1866 = tpu.memref_slice %arg14[%mul3A_1851] : memref<512xi32, #tpu.memory_space<vmem>> -> memref<16xi32, #tpu.memory_space<vmem>>
        %dma_start3A_1867 = arith.constant 0 : i32
        %dma_start3A_1868 = arith.constant 0 : i32
        %dma_start3A_1869 = tpu.memref_slice %arg3[%dma_start3A_1867, %dma_start3A_1868] : memref<253952x128xf32, #tpu.memory_space<hbm>> -> memref<253952x128xf32, #tpu.memory_space<hbm>>
        tpu.enqueue_indirect_dma source(%dma_start3A_1869 : memref<253952x128xf32, #tpu.memory_space<hbm>>) target(%dma_start3A_1865 : memref<16x128xf32, #tpu.memory_space<vmem>>) offsets(%dma_start3A_1866 : memref<16xi32, #tpu.memory_space<vmem>>) semaphore(%arg25 : memref<!tpu.dma_semaphore, #tpu.memory_space<semaphore_mem>>)
        %mul3A_1870 = arith.constant 20 : i32
        %mul3A_1871 = arith.muli %mul3A_1851, %mul3A_1870 : i32
        %add3A_1872 = arith.constant 0 : i32
        %add3A_1873 = arith.addi %mul3A_1871, %add3A_1872 : i32
        %dma_start3A_1874 = arith.constant 0 : i32
        %dma_start3A_1875 = arith.constant 0 : i32
        %dma_start3A_1876 = arith.constant 0 : i32
        %dma_start3A_1877 = tpu.memref_slice %arg21[%dma_start3A_1874, %dma_start3A_1875, %dma_start3A_1876] : memref<2x320x128xf32, #tpu.memory_space<vmem>> -> memref<1x320x128xf32, #tpu.memory_space<vmem>>
        %dma_start3A_1878 = tpu.memref_squeeze %dma_start3A_1877 : memref<1x320x128xf32, #tpu.memory_space<vmem>> -> memref<320x128xf32, #tpu.memory_space<vmem>>
        %dma_start3A_1879 = arith.constant 0 : i32
        %dma_start3A_1880 = arith.constant 0 : i32
        %dma_start3A_1881 = tpu.memref_slice %dma_start3A_1878[%dma_start3A_1879, %dma_start3A_1880] : memref<320x128xf32, #tpu.memory_space<vmem>> -> memref<128x128xf32, #tpu.memory_space<vmem>>
        %dma_start3A_1882 = tpu.memref_slice %arg15[%add3A_1873] : memref<10240xi32, #tpu.memory_space<vmem>> -> memref<128xi32, #tpu.memory_space<vmem>>
        %dma_start3A_1883 = arith.constant 0 : i32
        %dma_start3A_1884 = arith.constant 0 : i32
        %dma_start3A_1885 = tpu.memref_slice %arg3[%dma_start3A_1883, %dma_start3A_1884] : memref<253952x128xf32, #tpu.memory_space<hbm>> -> memref<253952x128xf32, #tpu.memory_space<hbm>>
        tpu.enqueue_indirect_dma source(%dma_start3A_1885 : memref<253952x128xf32, #tpu.memory_space<hbm>>) target(%dma_start3A_1881 : memref<128x128xf32, #tpu.memory_space<vmem>>) offsets(%dma_start3A_1882 : memref<128xi32, #tpu.memory_space<vmem>>) semaphore(%arg25 : memref<!tpu.dma_semaphore, #tpu.memory_space<semaphore_mem>>)
        %mul3A_1886 = arith.constant 20 : i32
        %mul3A_1887 = arith.muli %mul3A_1851, %mul3A_1886 : i32
        %add3A_1888 = arith.constant 128 : i32
        %add3A_1889 = arith.addi %mul3A_1887, %add3A_1888 : i32
        %dma_start3A_1890 = arith.constant 0 : i32
        %dma_start3A_1891 = arith.constant 0 : i32
        %dma_start3A_1892 = arith.constant 0 : i32
        %dma_start3A_1893 = tpu.memref_slice %arg21[%dma_start3A_1890, %dma_start3A_1891, %dma_start3A_1892] : memref<2x320x128xf32, #tpu.memory_space<vmem>> -> memref<1x320x128xf32, #tpu.memory_space<vmem>>
        %dma_start3A_1894 = tpu.memref_squeeze %dma_start3A_1893 : memref<1x320x128xf32, #tpu.memory_space<vmem>> -> memref<320x128xf32, #tpu.memory_space<vmem>>
        %dma_start3A_1895 = arith.constant 128 : i32
        %dma_start3A_1896 = arith.constant 0 : i32
        %dma_start3A_1897 = tpu.memref_slice %dma_start3A_1894[%dma_start3A_1895, %dma_start3A_1896] : memref<320x128xf32, #tpu.memory_space<vmem>> -> memref<128x128xf32, #tpu.memory_space<vmem>>
        %dma_start3A_1898 = tpu.memref_slice %arg15[%add3A_1889] : memref<10240xi32, #tpu.memory_space<vmem>> -> memref<128xi32, #tpu.memory_space<vmem>>
        %dma_start3A_1899 = arith.constant 0 : i32
        %dma_start3A_1900 = arith.constant 0 : i32
        %dma_start3A_1901 = tpu.memref_slice %arg3[%dma_start3A_1899, %dma_start3A_1900] : memref<253952x128xf32, #tpu.memory_space<hbm>> -> memref<253952x128xf32, #tpu.memory_space<hbm>>
        tpu.enqueue_indirect_dma source(%dma_start3A_1901 : memref<253952x128xf32, #tpu.memory_space<hbm>>) target(%dma_start3A_1897 : memref<128x128xf32, #tpu.memory_space<vmem>>) offsets(%dma_start3A_1898 : memref<128xi32, #tpu.memory_space<vmem>>) semaphore(%arg25 : memref<!tpu.dma_semaphore, #tpu.memory_space<semaphore_mem>>)
        %mul3A_1902 = arith.constant 20 : i32
        %mul3A_1903 = arith.muli %mul3A_1851, %mul3A_1902 : i32
        %add3A_1904 = arith.constant 256 : i32
        %add3A_1905 = arith.addi %mul3A_1903, %add3A_1904 : i32
        %dma_start3A_1906 = arith.constant 0 : i32
        %dma_start3A_1907 = arith.constant 0 : i32
        %dma_start3A_1908 = arith.constant 0 : i32
        %dma_start3A_1909 = tpu.memref_slice %arg21[%dma_start3A_1906, %dma_start3A_1907, %dma_start3A_1908] : memref<2x320x128xf32, #tpu.memory_space<vmem>> -> memref<1x320x128xf32, #tpu.memory_space<vmem>>
        %dma_start3A_1910 = tpu.memref_squeeze %dma_start3A_1909 : memref<1x320x128xf32, #tpu.memory_space<vmem>> -> memref<320x128xf32, #tpu.memory_space<vmem>>
        %dma_start3A_1911 = arith.constant 256 : i32
        %dma_start3A_1912 = arith.constant 0 : i32
        %dma_start3A_1913 = tpu.memref_slice %dma_start3A_1910[%dma_start3A_1911, %dma_start3A_1912] : memref<320x128xf32, #tpu.memory_space<vmem>> -> memref<64x128xf32, #tpu.memory_space<vmem>>
        %dma_start3A_1914 = tpu.memref_slice %arg15[%add3A_1905] : memref<10240xi32, #tpu.memory_space<vmem>> -> memref<64xi32, #tpu.memory_space<vmem>>
        %dma_start3A_1915 = arith.constant 0 : i32
        %dma_start3A_1916 = arith.constant 0 : i32
        %dma_start3A_1917 = tpu.memref_slice %arg3[%dma_start3A_1915, %dma_start3A_1916] : memref<253952x128xf32, #tpu.memory_space<hbm>> -> memref<253952x128xf32, #tpu.memory_space<hbm>>
        tpu.enqueue_indirect_dma source(%dma_start3A_1917 : memref<253952x128xf32, #tpu.memory_space<hbm>>) target(%dma_start3A_1913 : memref<64x128xf32, #tpu.memory_space<vmem>>) offsets(%dma_start3A_1914 : memref<64xi32, #tpu.memory_space<vmem>>) semaphore(%arg25 : memref<!tpu.dma_semaphore, #tpu.memory_space<semaphore_mem>>)
      } else {
      }
      %add3A_1023 = arith.constant 1 : i32
      %add3A_1024 = arith.addi %mul3A_135, %add3A_1023 : i32
      %mul3A_1025 = arith.constant 16 : i32
      %mul3A_1026 = arith.muli %add3A_1024, %mul3A_1025 : i32
      %mul3A_1027 = arith.constant 20 : i32
      %mul3A_1028 = arith.muli %mul3A_1026, %mul3A_1027 : i32
      %add3A_1029 = arith.constant 0 : i32
      %add3A_1030 = arith.addi %mul3A_1028, %add3A_1029 : i32
      %mul3A_1031 = arith.constant 20 : i32
      %mul3A_1032 = arith.muli %mul3A_1026, %mul3A_1031 : i32
      %add3A_1033 = arith.constant 128 : i32
      %add3A_1034 = arith.addi %mul3A_1032, %add3A_1033 : i32
      %mul3A_1035 = arith.constant 20 : i32
      %mul3A_1036 = arith.muli %mul3A_1026, %mul3A_1035 : i32
      %add3A_1037 = arith.constant 256 : i32
      %add3A_1038 = arith.addi %mul3A_1036, %add3A_1037 : i32
      %dma_wait3A_1039 = arith.constant 1 : i32
      %dma_wait3A_1040 = arith.constant 0 : i32
      %dma_wait3A_1041 = arith.constant 0 : i32
      %dma_wait3A_1042 = tpu.memref_slice %arg19[%dma_wait3A_1039, %dma_wait3A_1040, %dma_wait3A_1041] : memref<2x16x128xf32, #tpu.memory_space<vmem>> -> memref<1x16x128xf32, #tpu.memory_space<vmem>>
      %dma_wait3A_1043 = tpu.memref_squeeze %dma_wait3A_1042 : memref<1x16x128xf32, #tpu.memory_space<vmem>> -> memref<16x128xf32, #tpu.memory_space<vmem>>
      %dma_wait3A_1044 = tpu.memref_slice %arg13[%mul3A_1026] : memref<512xi32, #tpu.memory_space<vmem>> -> memref<16xi32, #tpu.memory_space<vmem>>
      %dma_wait3A_1045 = arith.constant 0 : i32
      %dma_wait3A_1046 = arith.constant 0 : i32
      %dma_wait3A_1047 = tpu.memref_slice %arg2[%dma_wait3A_1045, %dma_wait3A_1046] : memref<253952x128xf32, #tpu.memory_space<hbm>> -> memref<253952x128xf32, #tpu.memory_space<hbm>>
      tpu.wait_indirect_dma semaphore(%arg26 : memref<!tpu.dma_semaphore, #tpu.memory_space<semaphore_mem>>) src(%dma_wait3A_1047 : memref<253952x128xf32, #tpu.memory_space<hbm>>) dst(%dma_wait3A_1043 : memref<16x128xf32, #tpu.memory_space<vmem>>)
      %dma_wait3A_1048 = arith.constant 1 : i32
      %dma_wait3A_1049 = arith.constant 0 : i32
      %dma_wait3A_1050 = arith.constant 0 : i32
      %dma_wait3A_1051 = tpu.memref_slice %arg20[%dma_wait3A_1048, %dma_wait3A_1049, %dma_wait3A_1050] : memref<2x16x128xf32, #tpu.memory_space<vmem>> -> memref<1x16x128xf32, #tpu.memory_space<vmem>>
      %dma_wait3A_1052 = tpu.memref_squeeze %dma_wait3A_1051 : memref<1x16x128xf32, #tpu.memory_space<vmem>> -> memref<16x128xf32, #tpu.memory_space<vmem>>
      %dma_wait3A_1053 = tpu.memref_slice %arg14[%mul3A_1026] : memref<512xi32, #tpu.memory_space<vmem>> -> memref<16xi32, #tpu.memory_space<vmem>>
      %dma_wait3A_1054 = arith.constant 0 : i32
      %dma_wait3A_1055 = arith.constant 0 : i32
      %dma_wait3A_1056 = tpu.memref_slice %arg3[%dma_wait3A_1054, %dma_wait3A_1055] : memref<253952x128xf32, #tpu.memory_space<hbm>> -> memref<253952x128xf32, #tpu.memory_space<hbm>>
      tpu.wait_indirect_dma semaphore(%arg26 : memref<!tpu.dma_semaphore, #tpu.memory_space<semaphore_mem>>) src(%dma_wait3A_1056 : memref<253952x128xf32, #tpu.memory_space<hbm>>) dst(%dma_wait3A_1052 : memref<16x128xf32, #tpu.memory_space<vmem>>)
      %dma_wait3A_1057 = arith.constant 1 : i32
      %dma_wait3A_1058 = arith.constant 0 : i32
      %dma_wait3A_1059 = arith.constant 0 : i32
      %dma_wait3A_1060 = tpu.memref_slice %arg21[%dma_wait3A_1057, %dma_wait3A_1058, %dma_wait3A_1059] : memref<2x320x128xf32, #tpu.memory_space<vmem>> -> memref<1x320x128xf32, #tpu.memory_space<vmem>>
      %dma_wait3A_1061 = tpu.memref_squeeze %dma_wait3A_1060 : memref<1x320x128xf32, #tpu.memory_space<vmem>> -> memref<320x128xf32, #tpu.memory_space<vmem>>
      %dma_wait3A_1062 = arith.constant 0 : i32
      %dma_wait3A_1063 = arith.constant 0 : i32
      %dma_wait3A_1064 = tpu.memref_slice %dma_wait3A_1061[%dma_wait3A_1062, %dma_wait3A_1063] : memref<320x128xf32, #tpu.memory_space<vmem>> -> memref<128x128xf32, #tpu.memory_space<vmem>>
      %dma_wait3A_1065 = tpu.memref_slice %arg15[%add3A_1030] : memref<10240xi32, #tpu.memory_space<vmem>> -> memref<128xi32, #tpu.memory_space<vmem>>
      %dma_wait3A_1066 = arith.constant 0 : i32
      %dma_wait3A_1067 = arith.constant 0 : i32
      %dma_wait3A_1068 = tpu.memref_slice %arg3[%dma_wait3A_1066, %dma_wait3A_1067] : memref<253952x128xf32, #tpu.memory_space<hbm>> -> memref<253952x128xf32, #tpu.memory_space<hbm>>
      tpu.wait_indirect_dma semaphore(%arg26 : memref<!tpu.dma_semaphore, #tpu.memory_space<semaphore_mem>>) src(%dma_wait3A_1068 : memref<253952x128xf32, #tpu.memory_space<hbm>>) dst(%dma_wait3A_1064 : memref<128x128xf32, #tpu.memory_space<vmem>>)
      %dma_wait3A_1069 = arith.constant 1 : i32
      %dma_wait3A_1070 = arith.constant 0 : i32
      %dma_wait3A_1071 = arith.constant 0 : i32
      %dma_wait3A_1072 = tpu.memref_slice %arg21[%dma_wait3A_1069, %dma_wait3A_1070, %dma_wait3A_1071] : memref<2x320x128xf32, #tpu.memory_space<vmem>> -> memref<1x320x128xf32, #tpu.memory_space<vmem>>
      %dma_wait3A_1073 = tpu.memref_squeeze %dma_wait3A_1072 : memref<1x320x128xf32, #tpu.memory_space<vmem>> -> memref<320x128xf32, #tpu.memory_space<vmem>>
      %dma_wait3A_1074 = arith.constant 128 : i32
      %dma_wait3A_1075 = arith.constant 0 : i32
      %dma_wait3A_1076 = tpu.memref_slice %dma_wait3A_1073[%dma_wait3A_1074, %dma_wait3A_1075] : memref<320x128xf32, #tpu.memory_space<vmem>> -> memref<128x128xf32, #tpu.memory_space<vmem>>
      %dma_wait3A_1077 = tpu.memref_slice %arg15[%add3A_1034] : memref<10240xi32, #tpu.memory_space<vmem>> -> memref<128xi32, #tpu.memory_space<vmem>>
      %dma_wait3A_1078 = arith.constant 0 : i32
      %dma_wait3A_1079 = arith.constant 0 : i32
      %dma_wait3A_1080 = tpu.memref_slice %arg3[%dma_wait3A_1078, %dma_wait3A_1079] : memref<253952x128xf32, #tpu.memory_space<hbm>> -> memref<253952x128xf32, #tpu.memory_space<hbm>>
      tpu.wait_indirect_dma semaphore(%arg26 : memref<!tpu.dma_semaphore, #tpu.memory_space<semaphore_mem>>) src(%dma_wait3A_1080 : memref<253952x128xf32, #tpu.memory_space<hbm>>) dst(%dma_wait3A_1076 : memref<128x128xf32, #tpu.memory_space<vmem>>)
      %dma_wait3A_1081 = arith.constant 1 : i32
      %dma_wait3A_1082 = arith.constant 0 : i32
      %dma_wait3A_1083 = arith.constant 0 : i32
      %dma_wait3A_1084 = tpu.memref_slice %arg21[%dma_wait3A_1081, %dma_wait3A_1082, %dma_wait3A_1083] : memref<2x320x128xf32, #tpu.memory_space<vmem>> -> memref<1x320x128xf32, #tpu.memory_space<vmem>>
      %dma_wait3A_1085 = tpu.memref_squeeze %dma_wait3A_1084 : memref<1x320x128xf32, #tpu.memory_space<vmem>> -> memref<320x128xf32, #tpu.memory_space<vmem>>
      %dma_wait3A_1086 = arith.constant 256 : i32
      %dma_wait3A_1087 = arith.constant 0 : i32
      %dma_wait3A_1088 = tpu.memref_slice %dma_wait3A_1085[%dma_wait3A_1086, %dma_wait3A_1087] : memref<320x128xf32, #tpu.memory_space<vmem>> -> memref<64x128xf32, #tpu.memory_space<vmem>>
      %dma_wait3A_1089 = tpu.memref_slice %arg15[%add3A_1038] : memref<10240xi32, #tpu.memory_space<vmem>> -> memref<64xi32, #tpu.memory_space<vmem>>
      %dma_wait3A_1090 = arith.constant 0 : i32
      %dma_wait3A_1091 = arith.constant 0 : i32
      %dma_wait3A_1092 = tpu.memref_slice %arg3[%dma_wait3A_1090, %dma_wait3A_1091] : memref<253952x128xf32, #tpu.memory_space<hbm>> -> memref<253952x128xf32, #tpu.memory_space<hbm>>
      tpu.wait_indirect_dma semaphore(%arg26 : memref<!tpu.dma_semaphore, #tpu.memory_space<semaphore_mem>>) src(%dma_wait3A_1092 : memref<253952x128xf32, #tpu.memory_space<hbm>>) dst(%dma_wait3A_1088 : memref<64x128xf32, #tpu.memory_space<vmem>>)
      %add3A_1093 = arith.constant 1 : i32
      %add3A_1094 = arith.addi %mul3A_135, %add3A_1093 : i32
      %eq3A_1095 = arith.constant 0 : i32
      %eq3A_1096 = arith.cmpi eq, %scan3A_133, %eq3A_1095 : i32
      %mul3A_1097 = arith.constant 16 : i32
      %mul3A_1098 = arith.muli %add3A_1094, %mul3A_1097 : i32
      %add3A_1099 = arith.addi %mul3A_2, %mul3A_1098 : i32
      %mul3A_1100 = arith.constant 16 : i32
      %mul3A_1101 = arith.muli %add3A_1094, %mul3A_1100 : i32
      %get3A_1102 = arith.index_cast %mul3A_1101 : i32 to index
      %get3A_1103 = tpu.vector_load %arg16[%get3A_1102] {strides = array<i32>} : memref<512xi32, #tpu.memory_space<vmem>>, vector<16xi32>,
      %get3A_1104 = arith.index_cast %mul3A_1101 : i32 to index
      %get3A_1105 = tpu.vector_load %arg17[%get3A_1104] {strides = array<i32>} : memref<512xi32, #tpu.memory_space<vmem>>, vector<16xi32>,
      %add3A_1106 = arith.constant 0 : i32
      %add3A_1107 = vector.broadcast %add3A_1106 : i32 to vector<16xi32>
      %add3A_1108 = arith.addi %get3A_1103, %add3A_1107 : vector<16xi32>
      %gather3A_1109 = arith.constant 1 : i32
      %gather3A_1110 = arith.constant 0 : i32
      %gather3A_1111 = arith.constant 0 : i32
      %gather3A_1112 = tpu.memref_slice %arg19[%gather3A_1109, %gather3A_1110, %gather3A_1111] : memref<2x16x128xf32, #tpu.memory_space<vmem>> -> memref<1x16x128xf32, #tpu.memory_space<vmem>>
      %gather3A_1113 = tpu.memref_squeeze %gather3A_1112 : memref<1x16x128xf32, #tpu.memory_space<vmem>> -> memref<16x128xf32, #tpu.memory_space<vmem>>
      %gather3A_1114 = tpu.vector_load_idx %gather3A_1113[%iota3A, %add3A_1108] : memref<16x128xf32, #tpu.memory_space<vmem>>[vector<16xi32>, vector<16xi32>], vector<16xf32>,
      %add3A_1115 = arith.constant 1 : i32
      %add3A_1116 = vector.broadcast %add3A_1115 : i32 to vector<16xi32>
      %add3A_1117 = arith.addi %get3A_1103, %add3A_1116 : vector<16xi32>
      %gather3A_1118 = arith.constant 1 : i32
      %gather3A_1119 = arith.constant 0 : i32
      %gather3A_1120 = arith.constant 0 : i32
      %gather3A_1121 = tpu.memref_slice %arg19[%gather3A_1118, %gather3A_1119, %gather3A_1120] : memref<2x16x128xf32, #tpu.memory_space<vmem>> -> memref<1x16x128xf32, #tpu.memory_space<vmem>>
      %gather3A_1122 = tpu.memref_squeeze %gather3A_1121 : memref<1x16x128xf32, #tpu.memory_space<vmem>> -> memref<16x128xf32, #tpu.memory_space<vmem>>
      %gather3A_1123 = tpu.vector_load_idx %gather3A_1122[%iota3A, %add3A_1117] : memref<16x128xf32, #tpu.memory_space<vmem>>[vector<16xi32>, vector<16xi32>], vector<16xf32>,
      %add3A_1124 = arith.constant 2 : i32
      %add3A_1125 = vector.broadcast %add3A_1124 : i32 to vector<16xi32>
      %add3A_1126 = arith.addi %get3A_1103, %add3A_1125 : vector<16xi32>
      %gather3A_1127 = arith.constant 1 : i32
      %gather3A_1128 = arith.constant 0 : i32
      %gather3A_1129 = arith.constant 0 : i32
      %gather3A_1130 = tpu.memref_slice %arg19[%gather3A_1127, %gather3A_1128, %gather3A_1129] : memref<2x16x128xf32, #tpu.memory_space<vmem>> -> memref<1x16x128xf32, #tpu.memory_space<vmem>>
      %gather3A_1131 = tpu.memref_squeeze %gather3A_1130 : memref<1x16x128xf32, #tpu.memory_space<vmem>> -> memref<16x128xf32, #tpu.memory_space<vmem>>
      %gather3A_1132 = tpu.vector_load_idx %gather3A_1131[%iota3A, %add3A_1126] : memref<16x128xf32, #tpu.memory_space<vmem>>[vector<16xi32>, vector<16xi32>], vector<16xf32>,
      %add3A_1133 = arith.constant 3 : i32
      %add3A_1134 = vector.broadcast %add3A_1133 : i32 to vector<16xi32>
      %add3A_1135 = arith.addi %get3A_1103, %add3A_1134 : vector<16xi32>
      %gather3A_1136 = arith.constant 1 : i32
      %gather3A_1137 = arith.constant 0 : i32
      %gather3A_1138 = arith.constant 0 : i32
      %gather3A_1139 = tpu.memref_slice %arg19[%gather3A_1136, %gather3A_1137, %gather3A_1138] : memref<2x16x128xf32, #tpu.memory_space<vmem>> -> memref<1x16x128xf32, #tpu.memory_space<vmem>>
      %gather3A_1140 = tpu.memref_squeeze %gather3A_1139 : memref<1x16x128xf32, #tpu.memory_space<vmem>> -> memref<16x128xf32, #tpu.memory_space<vmem>>
      %gather3A_1141 = tpu.vector_load_idx %gather3A_1140[%iota3A, %add3A_1135] : memref<16x128xf32, #tpu.memory_space<vmem>>[vector<16xi32>, vector<16xi32>], vector<16xf32>,
      %add3A_1142 = arith.constant 4 : i32
      %add3A_1143 = vector.broadcast %add3A_1142 : i32 to vector<16xi32>
      %add3A_1144 = arith.addi %get3A_1103, %add3A_1143 : vector<16xi32>
      %gather3A_1145 = arith.constant 1 : i32
      %gather3A_1146 = arith.constant 0 : i32
      %gather3A_1147 = arith.constant 0 : i32
      %gather3A_1148 = tpu.memref_slice %arg19[%gather3A_1145, %gather3A_1146, %gather3A_1147] : memref<2x16x128xf32, #tpu.memory_space<vmem>> -> memref<1x16x128xf32, #tpu.memory_space<vmem>>
      %gather3A_1149 = tpu.memref_squeeze %gather3A_1148 : memref<1x16x128xf32, #tpu.memory_space<vmem>> -> memref<16x128xf32, #tpu.memory_space<vmem>>
      %gather3A_1150 = tpu.vector_load_idx %gather3A_1149[%iota3A, %add3A_1144] : memref<16x128xf32, #tpu.memory_space<vmem>>[vector<16xi32>, vector<16xi32>], vector<16xf32>,
      %add3A_1151 = arith.constant 5 : i32
      %add3A_1152 = vector.broadcast %add3A_1151 : i32 to vector<16xi32>
      %add3A_1153 = arith.addi %get3A_1103, %add3A_1152 : vector<16xi32>
      %gather3A_1154 = arith.constant 1 : i32
      %gather3A_1155 = arith.constant 0 : i32
      %gather3A_1156 = arith.constant 0 : i32
      %gather3A_1157 = tpu.memref_slice %arg19[%gather3A_1154, %gather3A_1155, %gather3A_1156] : memref<2x16x128xf32, #tpu.memory_space<vmem>> -> memref<1x16x128xf32, #tpu.memory_space<vmem>>
      %gather3A_1158 = tpu.memref_squeeze %gather3A_1157 : memref<1x16x128xf32, #tpu.memory_space<vmem>> -> memref<16x128xf32, #tpu.memory_space<vmem>>
      %gather3A_1159 = tpu.vector_load_idx %gather3A_1158[%iota3A, %add3A_1153] : memref<16x128xf32, #tpu.memory_space<vmem>>[vector<16xi32>, vector<16xi32>], vector<16xf32>,
      %add3A_1160 = arith.constant 6 : i32
      %add3A_1161 = vector.broadcast %add3A_1160 : i32 to vector<16xi32>
      %add3A_1162 = arith.addi %get3A_1103, %add3A_1161 : vector<16xi32>
      %gather3A_1163 = arith.constant 1 : i32
      %gather3A_1164 = arith.constant 0 : i32
      %gather3A_1165 = arith.constant 0 : i32
      %gather3A_1166 = tpu.memref_slice %arg19[%gather3A_1163, %gather3A_1164, %gather3A_1165] : memref<2x16x128xf32, #tpu.memory_space<vmem>> -> memref<1x16x128xf32, #tpu.memory_space<vmem>>
      %gather3A_1167 = tpu.memref_squeeze %gather3A_1166 : memref<1x16x128xf32, #tpu.memory_space<vmem>> -> memref<16x128xf32, #tpu.memory_space<vmem>>
      %gather3A_1168 = tpu.vector_load_idx %gather3A_1167[%iota3A, %add3A_1162] : memref<16x128xf32, #tpu.memory_space<vmem>>[vector<16xi32>, vector<16xi32>], vector<16xf32>,
      %add3A_1169 = arith.constant 7 : i32
      %add3A_1170 = vector.broadcast %add3A_1169 : i32 to vector<16xi32>
      %add3A_1171 = arith.addi %get3A_1103, %add3A_1170 : vector<16xi32>
      %gather3A_1172 = arith.constant 1 : i32
      %gather3A_1173 = arith.constant 0 : i32
      %gather3A_1174 = arith.constant 0 : i32
      %gather3A_1175 = tpu.memref_slice %arg19[%gather3A_1172, %gather3A_1173, %gather3A_1174] : memref<2x16x128xf32, #tpu.memory_space<vmem>> -> memref<1x16x128xf32, #tpu.memory_space<vmem>>
      %gather3A_1176 = tpu.memref_squeeze %gather3A_1175 : memref<1x16x128xf32, #tpu.memory_space<vmem>> -> memref<16x128xf32, #tpu.memory_space<vmem>>
      %gather3A_1177 = tpu.vector_load_idx %gather3A_1176[%iota3A, %add3A_1171] : memref<16x128xf32, #tpu.memory_space<vmem>>[vector<16xi32>, vector<16xi32>], vector<16xf32>,
      %add3A_1178 = arith.constant 8 : i32
      %add3A_1179 = vector.broadcast %add3A_1178 : i32 to vector<16xi32>
      %add3A_1180 = arith.addi %get3A_1103, %add3A_1179 : vector<16xi32>
      %gather3A_1181 = arith.constant 1 : i32
      %gather3A_1182 = arith.constant 0 : i32
      %gather3A_1183 = arith.constant 0 : i32
      %gather3A_1184 = tpu.memref_slice %arg19[%gather3A_1181, %gather3A_1182, %gather3A_1183] : memref<2x16x128xf32, #tpu.memory_space<vmem>> -> memref<1x16x128xf32, #tpu.memory_space<vmem>>
      %gather3A_1185 = tpu.memref_squeeze %gather3A_1184 : memref<1x16x128xf32, #tpu.memory_space<vmem>> -> memref<16x128xf32, #tpu.memory_space<vmem>>
      %gather3A_1186 = tpu.vector_load_idx %gather3A_1185[%iota3A, %add3A_1180] : memref<16x128xf32, #tpu.memory_space<vmem>>[vector<16xi32>, vector<16xi32>], vector<16xf32>,
      %add3A_1187 = arith.constant 9 : i32
      %add3A_1188 = vector.broadcast %add3A_1187 : i32 to vector<16xi32>
      %add3A_1189 = arith.addi %get3A_1103, %add3A_1188 : vector<16xi32>
      %gather3A_1190 = arith.constant 1 : i32
      %gather3A_1191 = arith.constant 0 : i32
      %gather3A_1192 = arith.constant 0 : i32
      %gather3A_1193 = tpu.memref_slice %arg19[%gather3A_1190, %gather3A_1191, %gather3A_1192] : memref<2x16x128xf32, #tpu.memory_space<vmem>> -> memref<1x16x128xf32, #tpu.memory_space<vmem>>
      %gather3A_1194 = tpu.memref_squeeze %gather3A_1193 : memref<1x16x128xf32, #tpu.memory_space<vmem>> -> memref<16x128xf32, #tpu.memory_space<vmem>>
      %gather3A_1195 = tpu.vector_load_idx %gather3A_1194[%iota3A, %add3A_1189] : memref<16x128xf32, #tpu.memory_space<vmem>>[vector<16xi32>, vector<16xi32>], vector<16xf32>,
      %add3A_1196 = arith.constant 10 : i32
      %add3A_1197 = vector.broadcast %add3A_1196 : i32 to vector<16xi32>
      %add3A_1198 = arith.addi %get3A_1103, %add3A_1197 : vector<16xi32>
      %gather3A_1199 = arith.constant 1 : i32
      %gather3A_1200 = arith.constant 0 : i32
      %gather3A_1201 = arith.constant 0 : i32
      %gather3A_1202 = tpu.memref_slice %arg19[%gather3A_1199, %gather3A_1200, %gather3A_1201] : memref<2x16x128xf32, #tpu.memory_space<vmem>> -> memref<1x16x128xf32, #tpu.memory_space<vmem>>
      %gather3A_1203 = tpu.memref_squeeze %gather3A_1202 : memref<1x16x128xf32, #tpu.memory_space<vmem>> -> memref<16x128xf32, #tpu.memory_space<vmem>>
      %gather3A_1204 = tpu.vector_load_idx %gather3A_1203[%iota3A, %add3A_1198] : memref<16x128xf32, #tpu.memory_space<vmem>>[vector<16xi32>, vector<16xi32>], vector<16xf32>,
      %add3A_1205 = arith.constant 11 : i32
      %add3A_1206 = vector.broadcast %add3A_1205 : i32 to vector<16xi32>
      %add3A_1207 = arith.addi %get3A_1103, %add3A_1206 : vector<16xi32>
      %gather3A_1208 = arith.constant 1 : i32
      %gather3A_1209 = arith.constant 0 : i32
      %gather3A_1210 = arith.constant 0 : i32
      %gather3A_1211 = tpu.memref_slice %arg19[%gather3A_1208, %gather3A_1209, %gather3A_1210] : memref<2x16x128xf32, #tpu.memory_space<vmem>> -> memref<1x16x128xf32, #tpu.memory_space<vmem>>
      %gather3A_1212 = tpu.memref_squeeze %gather3A_1211 : memref<1x16x128xf32, #tpu.memory_space<vmem>> -> memref<16x128xf32, #tpu.memory_space<vmem>>
      %gather3A_1213 = tpu.vector_load_idx %gather3A_1212[%iota3A, %add3A_1207] : memref<16x128xf32, #tpu.memory_space<vmem>>[vector<16xi32>, vector<16xi32>], vector<16xf32>,
      %add3A_1214 = arith.constant 12 : i32
      %add3A_1215 = vector.broadcast %add3A_1214 : i32 to vector<16xi32>
      %add3A_1216 = arith.addi %get3A_1103, %add3A_1215 : vector<16xi32>
      %gather3A_1217 = arith.constant 1 : i32
      %gather3A_1218 = arith.constant 0 : i32
      %gather3A_1219 = arith.constant 0 : i32
      %gather3A_1220 = tpu.memref_slice %arg19[%gather3A_1217, %gather3A_1218, %gather3A_1219] : memref<2x16x128xf32, #tpu.memory_space<vmem>> -> memref<1x16x128xf32, #tpu.memory_space<vmem>>
      %gather3A_1221 = tpu.memref_squeeze %gather3A_1220 : memref<1x16x128xf32, #tpu.memory_space<vmem>> -> memref<16x128xf32, #tpu.memory_space<vmem>>
      %gather3A_1222 = tpu.vector_load_idx %gather3A_1221[%iota3A, %add3A_1216] : memref<16x128xf32, #tpu.memory_space<vmem>>[vector<16xi32>, vector<16xi32>], vector<16xf32>,
      %add3A_1223 = arith.constant 13 : i32
      %add3A_1224 = vector.broadcast %add3A_1223 : i32 to vector<16xi32>
      %add3A_1225 = arith.addi %get3A_1103, %add3A_1224 : vector<16xi32>
      %gather3A_1226 = arith.constant 1 : i32
      %gather3A_1227 = arith.constant 0 : i32
      %gather3A_1228 = arith.constant 0 : i32
      %gather3A_1229 = tpu.memref_slice %arg19[%gather3A_1226, %gather3A_1227, %gather3A_1228] : memref<2x16x128xf32, #tpu.memory_space<vmem>> -> memref<1x16x128xf32, #tpu.memory_space<vmem>>
      %gather3A_1230 = tpu.memref_squeeze %gather3A_1229 : memref<1x16x128xf32, #tpu.memory_space<vmem>> -> memref<16x128xf32, #tpu.memory_space<vmem>>
      %gather3A_1231 = tpu.vector_load_idx %gather3A_1230[%iota3A, %add3A_1225] : memref<16x128xf32, #tpu.memory_space<vmem>>[vector<16xi32>, vector<16xi32>], vector<16xf32>,
      %add3A_1232 = arith.constant 14 : i32
      %add3A_1233 = vector.broadcast %add3A_1232 : i32 to vector<16xi32>
      %add3A_1234 = arith.addi %get3A_1103, %add3A_1233 : vector<16xi32>
      %gather3A_1235 = arith.constant 1 : i32
      %gather3A_1236 = arith.constant 0 : i32
      %gather3A_1237 = arith.constant 0 : i32
      %gather3A_1238 = tpu.memref_slice %arg19[%gather3A_1235, %gather3A_1236, %gather3A_1237] : memref<2x16x128xf32, #tpu.memory_space<vmem>> -> memref<1x16x128xf32, #tpu.memory_space<vmem>>
      %gather3A_1239 = tpu.memref_squeeze %gather3A_1238 : memref<1x16x128xf32, #tpu.memory_space<vmem>> -> memref<16x128xf32, #tpu.memory_space<vmem>>
      %gather3A_1240 = tpu.vector_load_idx %gather3A_1239[%iota3A, %add3A_1234] : memref<16x128xf32, #tpu.memory_space<vmem>>[vector<16xi32>, vector<16xi32>], vector<16xf32>,
      %add3A_1241 = arith.constant 15 : i32
      %add3A_1242 = vector.broadcast %add3A_1241 : i32 to vector<16xi32>
      %add3A_1243 = arith.addi %get3A_1103, %add3A_1242 : vector<16xi32>
      %gather3A_1244 = arith.constant 1 : i32
      %gather3A_1245 = arith.constant 0 : i32
      %gather3A_1246 = arith.constant 0 : i32
      %gather3A_1247 = tpu.memref_slice %arg19[%gather3A_1244, %gather3A_1245, %gather3A_1246] : memref<2x16x128xf32, #tpu.memory_space<vmem>> -> memref<1x16x128xf32, #tpu.memory_space<vmem>>
      %gather3A_1248 = tpu.memref_squeeze %gather3A_1247 : memref<1x16x128xf32, #tpu.memory_space<vmem>> -> memref<16x128xf32, #tpu.memory_space<vmem>>
      %gather3A_1249 = tpu.vector_load_idx %gather3A_1248[%iota3A, %add3A_1243] : memref<16x128xf32, #tpu.memory_space<vmem>>[vector<16xi32>, vector<16xi32>], vector<16xf32>,
      %add3A_1250 = arith.constant 16 : i32
      %add3A_1251 = vector.broadcast %add3A_1250 : i32 to vector<16xi32>
      %add3A_1252 = arith.addi %get3A_1103, %add3A_1251 : vector<16xi32>
      %gather3A_1253 = arith.constant 1 : i32
      %gather3A_1254 = arith.constant 0 : i32
      %gather3A_1255 = arith.constant 0 : i32
      %gather3A_1256 = tpu.memref_slice %arg19[%gather3A_1253, %gather3A_1254, %gather3A_1255] : memref<2x16x128xf32, #tpu.memory_space<vmem>> -> memref<1x16x128xf32, #tpu.memory_space<vmem>>
      %gather3A_1257 = tpu.memref_squeeze %gather3A_1256 : memref<1x16x128xf32, #tpu.memory_space<vmem>> -> memref<16x128xf32, #tpu.memory_space<vmem>>
      %gather3A_1258 = tpu.vector_load_idx %gather3A_1257[%iota3A, %add3A_1252] : memref<16x128xf32, #tpu.memory_space<vmem>>[vector<16xi32>, vector<16xi32>], vector<16xf32>,
      %add3A_1259 = arith.constant 17 : i32
      %add3A_1260 = vector.broadcast %add3A_1259 : i32 to vector<16xi32>
      %add3A_1261 = arith.addi %get3A_1103, %add3A_1260 : vector<16xi32>
      %gather3A_1262 = arith.constant 1 : i32
      %gather3A_1263 = arith.constant 0 : i32
      %gather3A_1264 = arith.constant 0 : i32
      %gather3A_1265 = tpu.memref_slice %arg19[%gather3A_1262, %gather3A_1263, %gather3A_1264] : memref<2x16x128xf32, #tpu.memory_space<vmem>> -> memref<1x16x128xf32, #tpu.memory_space<vmem>>
      %gather3A_1266 = tpu.memref_squeeze %gather3A_1265 : memref<1x16x128xf32, #tpu.memory_space<vmem>> -> memref<16x128xf32, #tpu.memory_space<vmem>>
      %gather3A_1267 = tpu.vector_load_idx %gather3A_1266[%iota3A, %add3A_1261] : memref<16x128xf32, #tpu.memory_space<vmem>>[vector<16xi32>, vector<16xi32>], vector<16xf32>,
      %add3A_1268 = arith.constant 18 : i32
      %add3A_1269 = vector.broadcast %add3A_1268 : i32 to vector<16xi32>
      %add3A_1270 = arith.addi %get3A_1103, %add3A_1269 : vector<16xi32>
      %gather3A_1271 = arith.constant 1 : i32
      %gather3A_1272 = arith.constant 0 : i32
      %gather3A_1273 = arith.constant 0 : i32
      %gather3A_1274 = tpu.memref_slice %arg19[%gather3A_1271, %gather3A_1272, %gather3A_1273] : memref<2x16x128xf32, #tpu.memory_space<vmem>> -> memref<1x16x128xf32, #tpu.memory_space<vmem>>
      %gather3A_1275 = tpu.memref_squeeze %gather3A_1274 : memref<1x16x128xf32, #tpu.memory_space<vmem>> -> memref<16x128xf32, #tpu.memory_space<vmem>>
      %gather3A_1276 = tpu.vector_load_idx %gather3A_1275[%iota3A, %add3A_1270] : memref<16x128xf32, #tpu.memory_space<vmem>>[vector<16xi32>, vector<16xi32>], vector<16xf32>,
      %add3A_1277 = arith.constant 19 : i32
      %add3A_1278 = vector.broadcast %add3A_1277 : i32 to vector<16xi32>
      %add3A_1279 = arith.addi %get3A_1103, %add3A_1278 : vector<16xi32>
      %gather3A_1280 = arith.constant 1 : i32
      %gather3A_1281 = arith.constant 0 : i32
      %gather3A_1282 = arith.constant 0 : i32
      %gather3A_1283 = tpu.memref_slice %arg19[%gather3A_1280, %gather3A_1281, %gather3A_1282] : memref<2x16x128xf32, #tpu.memory_space<vmem>> -> memref<1x16x128xf32, #tpu.memory_space<vmem>>
      %gather3A_1284 = tpu.memref_squeeze %gather3A_1283 : memref<1x16x128xf32, #tpu.memory_space<vmem>> -> memref<16x128xf32, #tpu.memory_space<vmem>>
      %gather3A_1285 = tpu.vector_load_idx %gather3A_1284[%iota3A, %add3A_1279] : memref<16x128xf32, #tpu.memory_space<vmem>>[vector<16xi32>, vector<16xi32>], vector<16xf32>,
      %add3A_1286 = arith.constant 20 : i32
      %add3A_1287 = vector.broadcast %add3A_1286 : i32 to vector<16xi32>
      %add3A_1288 = arith.addi %get3A_1103, %add3A_1287 : vector<16xi32>
      %gather3A_1289 = arith.constant 1 : i32
      %gather3A_1290 = arith.constant 0 : i32
      %gather3A_1291 = arith.constant 0 : i32
      %gather3A_1292 = tpu.memref_slice %arg19[%gather3A_1289, %gather3A_1290, %gather3A_1291] : memref<2x16x128xf32, #tpu.memory_space<vmem>> -> memref<1x16x128xf32, #tpu.memory_space<vmem>>
      %gather3A_1293 = tpu.memref_squeeze %gather3A_1292 : memref<1x16x128xf32, #tpu.memory_space<vmem>> -> memref<16x128xf32, #tpu.memory_space<vmem>>
      %gather3A_1294 = tpu.vector_load_idx %gather3A_1293[%iota3A, %add3A_1288] : memref<16x128xf32, #tpu.memory_space<vmem>>[vector<16xi32>, vector<16xi32>], vector<16xf32>,
      %add3A_1295 = arith.constant 21 : i32
      %add3A_1296 = vector.broadcast %add3A_1295 : i32 to vector<16xi32>
      %add3A_1297 = arith.addi %get3A_1103, %add3A_1296 : vector<16xi32>
      %gather3A_1298 = arith.constant 1 : i32
      %gather3A_1299 = arith.constant 0 : i32
      %gather3A_1300 = arith.constant 0 : i32
      %gather3A_1301 = tpu.memref_slice %arg19[%gather3A_1298, %gather3A_1299, %gather3A_1300] : memref<2x16x128xf32, #tpu.memory_space<vmem>> -> memref<1x16x128xf32, #tpu.memory_space<vmem>>
      %gather3A_1302 = tpu.memref_squeeze %gather3A_1301 : memref<1x16x128xf32, #tpu.memory_space<vmem>> -> memref<16x128xf32, #tpu.memory_space<vmem>>
      %gather3A_1303 = tpu.vector_load_idx %gather3A_1302[%iota3A, %add3A_1297] : memref<16x128xf32, #tpu.memory_space<vmem>>[vector<16xi32>, vector<16xi32>], vector<16xf32>,
      %add3A_1304 = arith.constant 22 : i32
      %add3A_1305 = vector.broadcast %add3A_1304 : i32 to vector<16xi32>
      %add3A_1306 = arith.addi %get3A_1103, %add3A_1305 : vector<16xi32>
      %gather3A_1307 = arith.constant 1 : i32
      %gather3A_1308 = arith.constant 0 : i32
      %gather3A_1309 = arith.constant 0 : i32
      %gather3A_1310 = tpu.memref_slice %arg19[%gather3A_1307, %gather3A_1308, %gather3A_1309] : memref<2x16x128xf32, #tpu.memory_space<vmem>> -> memref<1x16x128xf32, #tpu.memory_space<vmem>>
      %gather3A_1311 = tpu.memref_squeeze %gather3A_1310 : memref<1x16x128xf32, #tpu.memory_space<vmem>> -> memref<16x128xf32, #tpu.memory_space<vmem>>
      %gather3A_1312 = tpu.vector_load_idx %gather3A_1311[%iota3A, %add3A_1306] : memref<16x128xf32, #tpu.memory_space<vmem>>[vector<16xi32>, vector<16xi32>], vector<16xf32>,
      %add3A_1313 = arith.constant 23 : i32
      %add3A_1314 = vector.broadcast %add3A_1313 : i32 to vector<16xi32>
      %add3A_1315 = arith.addi %get3A_1103, %add3A_1314 : vector<16xi32>
      %gather3A_1316 = arith.constant 1 : i32
      %gather3A_1317 = arith.constant 0 : i32
      %gather3A_1318 = arith.constant 0 : i32
      %gather3A_1319 = tpu.memref_slice %arg19[%gather3A_1316, %gather3A_1317, %gather3A_1318] : memref<2x16x128xf32, #tpu.memory_space<vmem>> -> memref<1x16x128xf32, #tpu.memory_space<vmem>>
      %gather3A_1320 = tpu.memref_squeeze %gather3A_1319 : memref<1x16x128xf32, #tpu.memory_space<vmem>> -> memref<16x128xf32, #tpu.memory_space<vmem>>
      %gather3A_1321 = tpu.vector_load_idx %gather3A_1320[%iota3A, %add3A_1315] : memref<16x128xf32, #tpu.memory_space<vmem>>[vector<16xi32>, vector<16xi32>], vector<16xf32>,
      %add3A_1322 = arith.constant 24 : i32
      %add3A_1323 = vector.broadcast %add3A_1322 : i32 to vector<16xi32>
      %add3A_1324 = arith.addi %get3A_1103, %add3A_1323 : vector<16xi32>
      %gather3A_1325 = arith.constant 1 : i32
      %gather3A_1326 = arith.constant 0 : i32
      %gather3A_1327 = arith.constant 0 : i32
      %gather3A_1328 = tpu.memref_slice %arg19[%gather3A_1325, %gather3A_1326, %gather3A_1327] : memref<2x16x128xf32, #tpu.memory_space<vmem>> -> memref<1x16x128xf32, #tpu.memory_space<vmem>>
      %gather3A_1329 = tpu.memref_squeeze %gather3A_1328 : memref<1x16x128xf32, #tpu.memory_space<vmem>> -> memref<16x128xf32, #tpu.memory_space<vmem>>
      %gather3A_1330 = tpu.vector_load_idx %gather3A_1329[%iota3A, %add3A_1324] : memref<16x128xf32, #tpu.memory_space<vmem>>[vector<16xi32>, vector<16xi32>], vector<16xf32>,
      %add3A_1331 = arith.constant 25 : i32
      %add3A_1332 = vector.broadcast %add3A_1331 : i32 to vector<16xi32>
      %add3A_1333 = arith.addi %get3A_1103, %add3A_1332 : vector<16xi32>
      %gather3A_1334 = arith.constant 1 : i32
      %gather3A_1335 = arith.constant 0 : i32
      %gather3A_1336 = arith.constant 0 : i32
      %gather3A_1337 = tpu.memref_slice %arg19[%gather3A_1334, %gather3A_1335, %gather3A_1336] : memref<2x16x128xf32, #tpu.memory_space<vmem>> -> memref<1x16x128xf32, #tpu.memory_space<vmem>>
      %gather3A_1338 = tpu.memref_squeeze %gather3A_1337 : memref<1x16x128xf32, #tpu.memory_space<vmem>> -> memref<16x128xf32, #tpu.memory_space<vmem>>
      %gather3A_1339 = tpu.vector_load_idx %gather3A_1338[%iota3A, %add3A_1333] : memref<16x128xf32, #tpu.memory_space<vmem>>[vector<16xi32>, vector<16xi32>], vector<16xf32>,
      %add3A_1340 = arith.constant 26 : i32
      %add3A_1341 = vector.broadcast %add3A_1340 : i32 to vector<16xi32>
      %add3A_1342 = arith.addi %get3A_1103, %add3A_1341 : vector<16xi32>
      %gather3A_1343 = arith.constant 1 : i32
      %gather3A_1344 = arith.constant 0 : i32
      %gather3A_1345 = arith.constant 0 : i32
      %gather3A_1346 = tpu.memref_slice %arg19[%gather3A_1343, %gather3A_1344, %gather3A_1345] : memref<2x16x128xf32, #tpu.memory_space<vmem>> -> memref<1x16x128xf32, #tpu.memory_space<vmem>>
      %gather3A_1347 = tpu.memref_squeeze %gather3A_1346 : memref<1x16x128xf32, #tpu.memory_space<vmem>> -> memref<16x128xf32, #tpu.memory_space<vmem>>
      %gather3A_1348 = tpu.vector_load_idx %gather3A_1347[%iota3A, %add3A_1342] : memref<16x128xf32, #tpu.memory_space<vmem>>[vector<16xi32>, vector<16xi32>], vector<16xf32>,
      %add3A_1349 = arith.constant 27 : i32
      %add3A_1350 = vector.broadcast %add3A_1349 : i32 to vector<16xi32>
      %add3A_1351 = arith.addi %get3A_1103, %add3A_1350 : vector<16xi32>
      %gather3A_1352 = arith.constant 1 : i32
      %gather3A_1353 = arith.constant 0 : i32
      %gather3A_1354 = arith.constant 0 : i32
      %gather3A_1355 = tpu.memref_slice %arg19[%gather3A_1352, %gather3A_1353, %gather3A_1354] : memref<2x16x128xf32, #tpu.memory_space<vmem>> -> memref<1x16x128xf32, #tpu.memory_space<vmem>>
      %gather3A_1356 = tpu.memref_squeeze %gather3A_1355 : memref<1x16x128xf32, #tpu.memory_space<vmem>> -> memref<16x128xf32, #tpu.memory_space<vmem>>
      %gather3A_1357 = tpu.vector_load_idx %gather3A_1356[%iota3A, %add3A_1351] : memref<16x128xf32, #tpu.memory_space<vmem>>[vector<16xi32>, vector<16xi32>], vector<16xf32>,
      %add3A_1358 = arith.constant 28 : i32
      %add3A_1359 = vector.broadcast %add3A_1358 : i32 to vector<16xi32>
      %add3A_1360 = arith.addi %get3A_1103, %add3A_1359 : vector<16xi32>
      %gather3A_1361 = arith.constant 1 : i32
      %gather3A_1362 = arith.constant 0 : i32
      %gather3A_1363 = arith.constant 0 : i32
      %gather3A_1364 = tpu.memref_slice %arg19[%gather3A_1361, %gather3A_1362, %gather3A_1363] : memref<2x16x128xf32, #tpu.memory_space<vmem>> -> memref<1x16x128xf32, #tpu.memory_space<vmem>>
      %gather3A_1365 = tpu.memref_squeeze %gather3A_1364 : memref<1x16x128xf32, #tpu.memory_space<vmem>> -> memref<16x128xf32, #tpu.memory_space<vmem>>
      %gather3A_1366 = tpu.vector_load_idx %gather3A_1365[%iota3A, %add3A_1360] : memref<16x128xf32, #tpu.memory_space<vmem>>[vector<16xi32>, vector<16xi32>], vector<16xf32>,
      %add3A_1367 = arith.constant 29 : i32
      %add3A_1368 = vector.broadcast %add3A_1367 : i32 to vector<16xi32>
      %add3A_1369 = arith.addi %get3A_1103, %add3A_1368 : vector<16xi32>
      %gather3A_1370 = arith.constant 1 : i32
      %gather3A_1371 = arith.constant 0 : i32
      %gather3A_1372 = arith.constant 0 : i32
      %gather3A_1373 = tpu.memref_slice %arg19[%gather3A_1370, %gather3A_1371, %gather3A_1372] : memref<2x16x128xf32, #tpu.memory_space<vmem>> -> memref<1x16x128xf32, #tpu.memory_space<vmem>>
      %gather3A_1374 = tpu.memref_squeeze %gather3A_1373 : memref<1x16x128xf32, #tpu.memory_space<vmem>> -> memref<16x128xf32, #tpu.memory_space<vmem>>
      %gather3A_1375 = tpu.vector_load_idx %gather3A_1374[%iota3A, %add3A_1369] : memref<16x128xf32, #tpu.memory_space<vmem>>[vector<16xi32>, vector<16xi32>], vector<16xf32>,
      %add3A_1376 = arith.constant 30 : i32
      %add3A_1377 = vector.broadcast %add3A_1376 : i32 to vector<16xi32>
      %add3A_1378 = arith.addi %get3A_1103, %add3A_1377 : vector<16xi32>
      %gather3A_1379 = arith.constant 1 : i32
      %gather3A_1380 = arith.constant 0 : i32
      %gather3A_1381 = arith.constant 0 : i32
      %gather3A_1382 = tpu.memref_slice %arg19[%gather3A_1379, %gather3A_1380, %gather3A_1381] : memref<2x16x128xf32, #tpu.memory_space<vmem>> -> memref<1x16x128xf32, #tpu.memory_space<vmem>>
      %gather3A_1383 = tpu.memref_squeeze %gather3A_1382 : memref<1x16x128xf32, #tpu.memory_space<vmem>> -> memref<16x128xf32, #tpu.memory_space<vmem>>
      %gather3A_1384 = tpu.vector_load_idx %gather3A_1383[%iota3A, %add3A_1378] : memref<16x128xf32, #tpu.memory_space<vmem>>[vector<16xi32>, vector<16xi32>], vector<16xf32>,
      %add3A_1385 = arith.constant 31 : i32
      %add3A_1386 = vector.broadcast %add3A_1385 : i32 to vector<16xi32>
      %add3A_1387 = arith.addi %get3A_1103, %add3A_1386 : vector<16xi32>
      %gather3A_1388 = arith.constant 1 : i32
      %gather3A_1389 = arith.constant 0 : i32
      %gather3A_1390 = arith.constant 0 : i32
      %gather3A_1391 = tpu.memref_slice %arg19[%gather3A_1388, %gather3A_1389, %gather3A_1390] : memref<2x16x128xf32, #tpu.memory_space<vmem>> -> memref<1x16x128xf32, #tpu.memory_space<vmem>>
      %gather3A_1392 = tpu.memref_squeeze %gather3A_1391 : memref<1x16x128xf32, #tpu.memory_space<vmem>> -> memref<16x128xf32, #tpu.memory_space<vmem>>
      %gather3A_1393 = tpu.vector_load_idx %gather3A_1392[%iota3A, %add3A_1387] : memref<16x128xf32, #tpu.memory_space<vmem>>[vector<16xi32>, vector<16xi32>], vector<16xf32>,
      %mul3A_1394 = arith.mulf %gather3A_1114, %gather3A_1114 : vector<16xf32>
      %mul3A_1395 = arith.mulf %gather3A_1123, %gather3A_1123 : vector<16xf32>
      %add3A_1396 = arith.addf %mul3A_1394, %mul3A_1395 : vector<16xf32>
      %mul3A_1397 = arith.mulf %gather3A_1132, %gather3A_1132 : vector<16xf32>
      %add3A_1398 = arith.addf %add3A_1396, %mul3A_1397 : vector<16xf32>
      %mul3A_1399 = arith.mulf %gather3A_1141, %gather3A_1141 : vector<16xf32>
      %add3A_1400 = arith.addf %add3A_1398, %mul3A_1399 : vector<16xf32>
      %mul3A_1401 = arith.mulf %gather3A_1150, %gather3A_1150 : vector<16xf32>
      %add3A_1402 = arith.addf %add3A_1400, %mul3A_1401 : vector<16xf32>
      %mul3A_1403 = arith.mulf %gather3A_1159, %gather3A_1159 : vector<16xf32>
      %add3A_1404 = arith.addf %add3A_1402, %mul3A_1403 : vector<16xf32>
      %mul3A_1405 = arith.mulf %gather3A_1168, %gather3A_1168 : vector<16xf32>
      %add3A_1406 = arith.addf %add3A_1404, %mul3A_1405 : vector<16xf32>
      %mul3A_1407 = arith.mulf %gather3A_1177, %gather3A_1177 : vector<16xf32>
      %add3A_1408 = arith.addf %add3A_1406, %mul3A_1407 : vector<16xf32>
      %mul3A_1409 = arith.mulf %gather3A_1186, %gather3A_1186 : vector<16xf32>
      %add3A_1410 = arith.addf %add3A_1408, %mul3A_1409 : vector<16xf32>
      %mul3A_1411 = arith.mulf %gather3A_1195, %gather3A_1195 : vector<16xf32>
      %add3A_1412 = arith.addf %add3A_1410, %mul3A_1411 : vector<16xf32>
      %mul3A_1413 = arith.mulf %gather3A_1204, %gather3A_1204 : vector<16xf32>
      %add3A_1414 = arith.addf %add3A_1412, %mul3A_1413 : vector<16xf32>
      %mul3A_1415 = arith.mulf %gather3A_1213, %gather3A_1213 : vector<16xf32>
      %add3A_1416 = arith.addf %add3A_1414, %mul3A_1415 : vector<16xf32>
      %mul3A_1417 = arith.mulf %gather3A_1222, %gather3A_1222 : vector<16xf32>
      %add3A_1418 = arith.addf %add3A_1416, %mul3A_1417 : vector<16xf32>
      %mul3A_1419 = arith.mulf %gather3A_1231, %gather3A_1231 : vector<16xf32>
      %add3A_1420 = arith.addf %add3A_1418, %mul3A_1419 : vector<16xf32>
      %mul3A_1421 = arith.mulf %gather3A_1240, %gather3A_1240 : vector<16xf32>
      %add3A_1422 = arith.addf %add3A_1420, %mul3A_1421 : vector<16xf32>
      %mul3A_1423 = arith.mulf %gather3A_1249, %gather3A_1249 : vector<16xf32>
      %add3A_1424 = arith.addf %add3A_1422, %mul3A_1423 : vector<16xf32>
      %mul3A_1425 = arith.mulf %gather3A_1258, %gather3A_1258 : vector<16xf32>
      %add3A_1426 = arith.addf %add3A_1424, %mul3A_1425 : vector<16xf32>
      %mul3A_1427 = arith.mulf %gather3A_1267, %gather3A_1267 : vector<16xf32>
      %add3A_1428 = arith.addf %add3A_1426, %mul3A_1427 : vector<16xf32>
      %mul3A_1429 = arith.mulf %gather3A_1276, %gather3A_1276 : vector<16xf32>
      %add3A_1430 = arith.addf %add3A_1428, %mul3A_1429 : vector<16xf32>
      %mul3A_1431 = arith.mulf %gather3A_1285, %gather3A_1285 : vector<16xf32>
      %add3A_1432 = arith.addf %add3A_1430, %mul3A_1431 : vector<16xf32>
      %mul3A_1433 = arith.mulf %gather3A_1294, %gather3A_1294 : vector<16xf32>
      %add3A_1434 = arith.addf %add3A_1432, %mul3A_1433 : vector<16xf32>
      %mul3A_1435 = arith.mulf %gather3A_1303, %gather3A_1303 : vector<16xf32>
      %add3A_1436 = arith.addf %add3A_1434, %mul3A_1435 : vector<16xf32>
      %mul3A_1437 = arith.mulf %gather3A_1312, %gather3A_1312 : vector<16xf32>
      %add3A_1438 = arith.addf %add3A_1436, %mul3A_1437 : vector<16xf32>
      %mul3A_1439 = arith.mulf %gather3A_1321, %gather3A_1321 : vector<16xf32>
      %add3A_1440 = arith.addf %add3A_1438, %mul3A_1439 : vector<16xf32>
      %mul3A_1441 = arith.mulf %gather3A_1330, %gather3A_1330 : vector<16xf32>
      %add3A_1442 = arith.addf %add3A_1440, %mul3A_1441 : vector<16xf32>
      %mul3A_1443 = arith.mulf %gather3A_1339, %gather3A_1339 : vector<16xf32>
      %add3A_1444 = arith.addf %add3A_1442, %mul3A_1443 : vector<16xf32>
      %mul3A_1445 = arith.mulf %gather3A_1348, %gather3A_1348 : vector<16xf32>
      %add3A_1446 = arith.addf %add3A_1444, %mul3A_1445 : vector<16xf32>
      %mul3A_1447 = arith.mulf %gather3A_1357, %gather3A_1357 : vector<16xf32>
      %add3A_1448 = arith.addf %add3A_1446, %mul3A_1447 : vector<16xf32>
      %mul3A_1449 = arith.mulf %gather3A_1366, %gather3A_1366 : vector<16xf32>
      %add3A_1450 = arith.addf %add3A_1448, %mul3A_1449 : vector<16xf32>
      %mul3A_1451 = arith.mulf %gather3A_1375, %gather3A_1375 : vector<16xf32>
      %add3A_1452 = arith.addf %add3A_1450, %mul3A_1451 : vector<16xf32>
      %mul3A_1453 = arith.mulf %gather3A_1384, %gather3A_1384 : vector<16xf32>
      %add3A_1454 = arith.addf %add3A_1452, %mul3A_1453 : vector<16xf32>
      %mul3A_1455 = arith.mulf %gather3A_1393, %gather3A_1393 : vector<16xf32>
      %add3A_1456 = arith.addf %add3A_1454, %mul3A_1455 : vector<16xf32>
      %gather3A_1457 = arith.constant 1 : i32
      %gather3A_1458 = arith.constant 0 : i32
      %gather3A_1459 = arith.constant 0 : i32
      %gather3A_1460 = tpu.memref_slice %arg20[%gather3A_1457, %gather3A_1458, %gather3A_1459] : memref<2x16x128xf32, #tpu.memory_space<vmem>> -> memref<1x16x128xf32, #tpu.memory_space<vmem>>
      %gather3A_1461 = tpu.memref_squeeze %gather3A_1460 : memref<1x16x128xf32, #tpu.memory_space<vmem>> -> memref<16x128xf32, #tpu.memory_space<vmem>>
      %gather3A_1462 = tpu.vector_load_idx %gather3A_1461[%iota3A, %get3A_1105] : memref<16x128xf32, #tpu.memory_space<vmem>>[vector<16xi32>, vector<16xi32>], vector<16xf32>,
      %mul3A_1463 = arith.mulf %gather3A_1114, %gather3A_1462 : vector<16xf32>
      %add3A_1464 = arith.constant 1 : i32
      %add3A_1465 = vector.broadcast %add3A_1464 : i32 to vector<16xi32>
      %add3A_1466 = arith.addi %get3A_1105, %add3A_1465 : vector<16xi32>
      %gather3A_1467 = arith.constant 1 : i32
      %gather3A_1468 = arith.constant 0 : i32
      %gather3A_1469 = arith.constant 0 : i32
      %gather3A_1470 = tpu.memref_slice %arg20[%gather3A_1467, %gather3A_1468, %gather3A_1469] : memref<2x16x128xf32, #tpu.memory_space<vmem>> -> memref<1x16x128xf32, #tpu.memory_space<vmem>>
      %gather3A_1471 = tpu.memref_squeeze %gather3A_1470 : memref<1x16x128xf32, #tpu.memory_space<vmem>> -> memref<16x128xf32, #tpu.memory_space<vmem>>
      %gather3A_1472 = tpu.vector_load_idx %gather3A_1471[%iota3A, %add3A_1466] : memref<16x128xf32, #tpu.memory_space<vmem>>[vector<16xi32>, vector<16xi32>], vector<16xf32>,
      %mul3A_1473 = arith.mulf %gather3A_1123, %gather3A_1472 : vector<16xf32>
      %add3A_1474 = arith.addf %mul3A_1463, %mul3A_1473 : vector<16xf32>
      %add3A_1475 = arith.constant 2 : i32
      %add3A_1476 = vector.broadcast %add3A_1475 : i32 to vector<16xi32>
      %add3A_1477 = arith.addi %get3A_1105, %add3A_1476 : vector<16xi32>
      %gather3A_1478 = arith.constant 1 : i32
      %gather3A_1479 = arith.constant 0 : i32
      %gather3A_1480 = arith.constant 0 : i32
      %gather3A_1481 = tpu.memref_slice %arg20[%gather3A_1478, %gather3A_1479, %gather3A_1480] : memref<2x16x128xf32, #tpu.memory_space<vmem>> -> memref<1x16x128xf32, #tpu.memory_space<vmem>>
      %gather3A_1482 = tpu.memref_squeeze %gather3A_1481 : memref<1x16x128xf32, #tpu.memory_space<vmem>> -> memref<16x128xf32, #tpu.memory_space<vmem>>
      %gather3A_1483 = tpu.vector_load_idx %gather3A_1482[%iota3A, %add3A_1477] : memref<16x128xf32, #tpu.memory_space<vmem>>[vector<16xi32>, vector<16xi32>], vector<16xf32>,
      %mul3A_1484 = arith.mulf %gather3A_1132, %gather3A_1483 : vector<16xf32>
      %add3A_1485 = arith.addf %add3A_1474, %mul3A_1484 : vector<16xf32>
      %add3A_1486 = arith.constant 3 : i32
      %add3A_1487 = vector.broadcast %add3A_1486 : i32 to vector<16xi32>
      %add3A_1488 = arith.addi %get3A_1105, %add3A_1487 : vector<16xi32>
      %gather3A_1489 = arith.constant 1 : i32
      %gather3A_1490 = arith.constant 0 : i32
      %gather3A_1491 = arith.constant 0 : i32
      %gather3A_1492 = tpu.memref_slice %arg20[%gather3A_1489, %gather3A_1490, %gather3A_1491] : memref<2x16x128xf32, #tpu.memory_space<vmem>> -> memref<1x16x128xf32, #tpu.memory_space<vmem>>
      %gather3A_1493 = tpu.memref_squeeze %gather3A_1492 : memref<1x16x128xf32, #tpu.memory_space<vmem>> -> memref<16x128xf32, #tpu.memory_space<vmem>>
      %gather3A_1494 = tpu.vector_load_idx %gather3A_1493[%iota3A, %add3A_1488] : memref<16x128xf32, #tpu.memory_space<vmem>>[vector<16xi32>, vector<16xi32>], vector<16xf32>,
      %mul3A_1495 = arith.mulf %gather3A_1141, %gather3A_1494 : vector<16xf32>
      %add3A_1496 = arith.addf %add3A_1485, %mul3A_1495 : vector<16xf32>
      %add3A_1497 = arith.constant 4 : i32
      %add3A_1498 = vector.broadcast %add3A_1497 : i32 to vector<16xi32>
      %add3A_1499 = arith.addi %get3A_1105, %add3A_1498 : vector<16xi32>
      %gather3A_1500 = arith.constant 1 : i32
      %gather3A_1501 = arith.constant 0 : i32
      %gather3A_1502 = arith.constant 0 : i32
      %gather3A_1503 = tpu.memref_slice %arg20[%gather3A_1500, %gather3A_1501, %gather3A_1502] : memref<2x16x128xf32, #tpu.memory_space<vmem>> -> memref<1x16x128xf32, #tpu.memory_space<vmem>>
      %gather3A_1504 = tpu.memref_squeeze %gather3A_1503 : memref<1x16x128xf32, #tpu.memory_space<vmem>> -> memref<16x128xf32, #tpu.memory_space<vmem>>
      %gather3A_1505 = tpu.vector_load_idx %gather3A_1504[%iota3A, %add3A_1499] : memref<16x128xf32, #tpu.memory_space<vmem>>[vector<16xi32>, vector<16xi32>], vector<16xf32>,
      %mul3A_1506 = arith.mulf %gather3A_1150, %gather3A_1505 : vector<16xf32>
      %add3A_1507 = arith.addf %add3A_1496, %mul3A_1506 : vector<16xf32>
      %add3A_1508 = arith.constant 5 : i32
      %add3A_1509 = vector.broadcast %add3A_1508 : i32 to vector<16xi32>
      %add3A_1510 = arith.addi %get3A_1105, %add3A_1509 : vector<16xi32>
      %gather3A_1511 = arith.constant 1 : i32
      %gather3A_1512 = arith.constant 0 : i32
      %gather3A_1513 = arith.constant 0 : i32
      %gather3A_1514 = tpu.memref_slice %arg20[%gather3A_1511, %gather3A_1512, %gather3A_1513] : memref<2x16x128xf32, #tpu.memory_space<vmem>> -> memref<1x16x128xf32, #tpu.memory_space<vmem>>
      %gather3A_1515 = tpu.memref_squeeze %gather3A_1514 : memref<1x16x128xf32, #tpu.memory_space<vmem>> -> memref<16x128xf32, #tpu.memory_space<vmem>>
      %gather3A_1516 = tpu.vector_load_idx %gather3A_1515[%iota3A, %add3A_1510] : memref<16x128xf32, #tpu.memory_space<vmem>>[vector<16xi32>, vector<16xi32>], vector<16xf32>,
      %mul3A_1517 = arith.mulf %gather3A_1159, %gather3A_1516 : vector<16xf32>
      %add3A_1518 = arith.addf %add3A_1507, %mul3A_1517 : vector<16xf32>
      %add3A_1519 = arith.constant 6 : i32
      %add3A_1520 = vector.broadcast %add3A_1519 : i32 to vector<16xi32>
      %add3A_1521 = arith.addi %get3A_1105, %add3A_1520 : vector<16xi32>
      %gather3A_1522 = arith.constant 1 : i32
      %gather3A_1523 = arith.constant 0 : i32
      %gather3A_1524 = arith.constant 0 : i32
      %gather3A_1525 = tpu.memref_slice %arg20[%gather3A_1522, %gather3A_1523, %gather3A_1524] : memref<2x16x128xf32, #tpu.memory_space<vmem>> -> memref<1x16x128xf32, #tpu.memory_space<vmem>>
      %gather3A_1526 = tpu.memref_squeeze %gather3A_1525 : memref<1x16x128xf32, #tpu.memory_space<vmem>> -> memref<16x128xf32, #tpu.memory_space<vmem>>
      %gather3A_1527 = tpu.vector_load_idx %gather3A_1526[%iota3A, %add3A_1521] : memref<16x128xf32, #tpu.memory_space<vmem>>[vector<16xi32>, vector<16xi32>], vector<16xf32>,
      %mul3A_1528 = arith.mulf %gather3A_1168, %gather3A_1527 : vector<16xf32>
      %add3A_1529 = arith.addf %add3A_1518, %mul3A_1528 : vector<16xf32>
      %add3A_1530 = arith.constant 7 : i32
      %add3A_1531 = vector.broadcast %add3A_1530 : i32 to vector<16xi32>
      %add3A_1532 = arith.addi %get3A_1105, %add3A_1531 : vector<16xi32>
      %gather3A_1533 = arith.constant 1 : i32
      %gather3A_1534 = arith.constant 0 : i32
      %gather3A_1535 = arith.constant 0 : i32
      %gather3A_1536 = tpu.memref_slice %arg20[%gather3A_1533, %gather3A_1534, %gather3A_1535] : memref<2x16x128xf32, #tpu.memory_space<vmem>> -> memref<1x16x128xf32, #tpu.memory_space<vmem>>
      %gather3A_1537 = tpu.memref_squeeze %gather3A_1536 : memref<1x16x128xf32, #tpu.memory_space<vmem>> -> memref<16x128xf32, #tpu.memory_space<vmem>>
      %gather3A_1538 = tpu.vector_load_idx %gather3A_1537[%iota3A, %add3A_1532] : memref<16x128xf32, #tpu.memory_space<vmem>>[vector<16xi32>, vector<16xi32>], vector<16xf32>,
      %mul3A_1539 = arith.mulf %gather3A_1177, %gather3A_1538 : vector<16xf32>
      %add3A_1540 = arith.addf %add3A_1529, %mul3A_1539 : vector<16xf32>
      %add3A_1541 = arith.constant 8 : i32
      %add3A_1542 = vector.broadcast %add3A_1541 : i32 to vector<16xi32>
      %add3A_1543 = arith.addi %get3A_1105, %add3A_1542 : vector<16xi32>
      %gather3A_1544 = arith.constant 1 : i32
      %gather3A_1545 = arith.constant 0 : i32
      %gather3A_1546 = arith.constant 0 : i32
      %gather3A_1547 = tpu.memref_slice %arg20[%gather3A_1544, %gather3A_1545, %gather3A_1546] : memref<2x16x128xf32, #tpu.memory_space<vmem>> -> memref<1x16x128xf32, #tpu.memory_space<vmem>>
      %gather3A_1548 = tpu.memref_squeeze %gather3A_1547 : memref<1x16x128xf32, #tpu.memory_space<vmem>> -> memref<16x128xf32, #tpu.memory_space<vmem>>
      %gather3A_1549 = tpu.vector_load_idx %gather3A_1548[%iota3A, %add3A_1543] : memref<16x128xf32, #tpu.memory_space<vmem>>[vector<16xi32>, vector<16xi32>], vector<16xf32>,
      %mul3A_1550 = arith.mulf %gather3A_1186, %gather3A_1549 : vector<16xf32>
      %add3A_1551 = arith.addf %add3A_1540, %mul3A_1550 : vector<16xf32>
      %add3A_1552 = arith.constant 9 : i32
      %add3A_1553 = vector.broadcast %add3A_1552 : i32 to vector<16xi32>
      %add3A_1554 = arith.addi %get3A_1105, %add3A_1553 : vector<16xi32>
      %gather3A_1555 = arith.constant 1 : i32
      %gather3A_1556 = arith.constant 0 : i32
      %gather3A_1557 = arith.constant 0 : i32
      %gather3A_1558 = tpu.memref_slice %arg20[%gather3A_1555, %gather3A_1556, %gather3A_1557] : memref<2x16x128xf32, #tpu.memory_space<vmem>> -> memref<1x16x128xf32, #tpu.memory_space<vmem>>
      %gather3A_1559 = tpu.memref_squeeze %gather3A_1558 : memref<1x16x128xf32, #tpu.memory_space<vmem>> -> memref<16x128xf32, #tpu.memory_space<vmem>>
      %gather3A_1560 = tpu.vector_load_idx %gather3A_1559[%iota3A, %add3A_1554] : memref<16x128xf32, #tpu.memory_space<vmem>>[vector<16xi32>, vector<16xi32>], vector<16xf32>,
      %mul3A_1561 = arith.mulf %gather3A_1195, %gather3A_1560 : vector<16xf32>
      %add3A_1562 = arith.addf %add3A_1551, %mul3A_1561 : vector<16xf32>
      %add3A_1563 = arith.constant 10 : i32
      %add3A_1564 = vector.broadcast %add3A_1563 : i32 to vector<16xi32>
      %add3A_1565 = arith.addi %get3A_1105, %add3A_1564 : vector<16xi32>
      %gather3A_1566 = arith.constant 1 : i32
      %gather3A_1567 = arith.constant 0 : i32
      %gather3A_1568 = arith.constant 0 : i32
      %gather3A_1569 = tpu.memref_slice %arg20[%gather3A_1566, %gather3A_1567, %gather3A_1568] : memref<2x16x128xf32, #tpu.memory_space<vmem>> -> memref<1x16x128xf32, #tpu.memory_space<vmem>>
      %gather3A_1570 = tpu.memref_squeeze %gather3A_1569 : memref<1x16x128xf32, #tpu.memory_space<vmem>> -> memref<16x128xf32, #tpu.memory_space<vmem>>
      %gather3A_1571 = tpu.vector_load_idx %gather3A_1570[%iota3A, %add3A_1565] : memref<16x128xf32, #tpu.memory_space<vmem>>[vector<16xi32>, vector<16xi32>], vector<16xf32>,
      %mul3A_1572 = arith.mulf %gather3A_1204, %gather3A_1571 : vector<16xf32>
      %add3A_1573 = arith.addf %add3A_1562, %mul3A_1572 : vector<16xf32>
      %add3A_1574 = arith.constant 11 : i32
      %add3A_1575 = vector.broadcast %add3A_1574 : i32 to vector<16xi32>
      %add3A_1576 = arith.addi %get3A_1105, %add3A_1575 : vector<16xi32>
      %gather3A_1577 = arith.constant 1 : i32
      %gather3A_1578 = arith.constant 0 : i32
      %gather3A_1579 = arith.constant 0 : i32
      %gather3A_1580 = tpu.memref_slice %arg20[%gather3A_1577, %gather3A_1578, %gather3A_1579] : memref<2x16x128xf32, #tpu.memory_space<vmem>> -> memref<1x16x128xf32, #tpu.memory_space<vmem>>
      %gather3A_1581 = tpu.memref_squeeze %gather3A_1580 : memref<1x16x128xf32, #tpu.memory_space<vmem>> -> memref<16x128xf32, #tpu.memory_space<vmem>>
      %gather3A_1582 = tpu.vector_load_idx %gather3A_1581[%iota3A, %add3A_1576] : memref<16x128xf32, #tpu.memory_space<vmem>>[vector<16xi32>, vector<16xi32>], vector<16xf32>,
      %mul3A_1583 = arith.mulf %gather3A_1213, %gather3A_1582 : vector<16xf32>
      %add3A_1584 = arith.addf %add3A_1573, %mul3A_1583 : vector<16xf32>
      %add3A_1585 = arith.constant 12 : i32
      %add3A_1586 = vector.broadcast %add3A_1585 : i32 to vector<16xi32>
      %add3A_1587 = arith.addi %get3A_1105, %add3A_1586 : vector<16xi32>
      %gather3A_1588 = arith.constant 1 : i32
      %gather3A_1589 = arith.constant 0 : i32
      %gather3A_1590 = arith.constant 0 : i32
      %gather3A_1591 = tpu.memref_slice %arg20[%gather3A_1588, %gather3A_1589, %gather3A_1590] : memref<2x16x128xf32, #tpu.memory_space<vmem>> -> memref<1x16x128xf32, #tpu.memory_space<vmem>>
      %gather3A_1592 = tpu.memref_squeeze %gather3A_1591 : memref<1x16x128xf32, #tpu.memory_space<vmem>> -> memref<16x128xf32, #tpu.memory_space<vmem>>
      %gather3A_1593 = tpu.vector_load_idx %gather3A_1592[%iota3A, %add3A_1587] : memref<16x128xf32, #tpu.memory_space<vmem>>[vector<16xi32>, vector<16xi32>], vector<16xf32>,
      %mul3A_1594 = arith.mulf %gather3A_1222, %gather3A_1593 : vector<16xf32>
      %add3A_1595 = arith.addf %add3A_1584, %mul3A_1594 : vector<16xf32>
      %add3A_1596 = arith.constant 13 : i32
      %add3A_1597 = vector.broadcast %add3A_1596 : i32 to vector<16xi32>
      %add3A_1598 = arith.addi %get3A_1105, %add3A_1597 : vector<16xi32>
      %gather3A_1599 = arith.constant 1 : i32
      %gather3A_1600 = arith.constant 0 : i32
      %gather3A_1601 = arith.constant 0 : i32
      %gather3A_1602 = tpu.memref_slice %arg20[%gather3A_1599, %gather3A_1600, %gather3A_1601] : memref<2x16x128xf32, #tpu.memory_space<vmem>> -> memref<1x16x128xf32, #tpu.memory_space<vmem>>
      %gather3A_1603 = tpu.memref_squeeze %gather3A_1602 : memref<1x16x128xf32, #tpu.memory_space<vmem>> -> memref<16x128xf32, #tpu.memory_space<vmem>>
      %gather3A_1604 = tpu.vector_load_idx %gather3A_1603[%iota3A, %add3A_1598] : memref<16x128xf32, #tpu.memory_space<vmem>>[vector<16xi32>, vector<16xi32>], vector<16xf32>,
      %mul3A_1605 = arith.mulf %gather3A_1231, %gather3A_1604 : vector<16xf32>
      %add3A_1606 = arith.addf %add3A_1595, %mul3A_1605 : vector<16xf32>
      %add3A_1607 = arith.constant 14 : i32
      %add3A_1608 = vector.broadcast %add3A_1607 : i32 to vector<16xi32>
      %add3A_1609 = arith.addi %get3A_1105, %add3A_1608 : vector<16xi32>
      %gather3A_1610 = arith.constant 1 : i32
      %gather3A_1611 = arith.constant 0 : i32
      %gather3A_1612 = arith.constant 0 : i32
      %gather3A_1613 = tpu.memref_slice %arg20[%gather3A_1610, %gather3A_1611, %gather3A_1612] : memref<2x16x128xf32, #tpu.memory_space<vmem>> -> memref<1x16x128xf32, #tpu.memory_space<vmem>>
      %gather3A_1614 = tpu.memref_squeeze %gather3A_1613 : memref<1x16x128xf32, #tpu.memory_space<vmem>> -> memref<16x128xf32, #tpu.memory_space<vmem>>
      %gather3A_1615 = tpu.vector_load_idx %gather3A_1614[%iota3A, %add3A_1609] : memref<16x128xf32, #tpu.memory_space<vmem>>[vector<16xi32>, vector<16xi32>], vector<16xf32>,
      %mul3A_1616 = arith.mulf %gather3A_1240, %gather3A_1615 : vector<16xf32>
      %add3A_1617 = arith.addf %add3A_1606, %mul3A_1616 : vector<16xf32>
      %add3A_1618 = arith.constant 15 : i32
      %add3A_1619 = vector.broadcast %add3A_1618 : i32 to vector<16xi32>
      %add3A_1620 = arith.addi %get3A_1105, %add3A_1619 : vector<16xi32>
      %gather3A_1621 = arith.constant 1 : i32
      %gather3A_1622 = arith.constant 0 : i32
      %gather3A_1623 = arith.constant 0 : i32
      %gather3A_1624 = tpu.memref_slice %arg20[%gather3A_1621, %gather3A_1622, %gather3A_1623] : memref<2x16x128xf32, #tpu.memory_space<vmem>> -> memref<1x16x128xf32, #tpu.memory_space<vmem>>
      %gather3A_1625 = tpu.memref_squeeze %gather3A_1624 : memref<1x16x128xf32, #tpu.memory_space<vmem>> -> memref<16x128xf32, #tpu.memory_space<vmem>>
      %gather3A_1626 = tpu.vector_load_idx %gather3A_1625[%iota3A, %add3A_1620] : memref<16x128xf32, #tpu.memory_space<vmem>>[vector<16xi32>, vector<16xi32>], vector<16xf32>,
      %mul3A_1627 = arith.mulf %gather3A_1249, %gather3A_1626 : vector<16xf32>
      %add3A_1628 = arith.addf %add3A_1617, %mul3A_1627 : vector<16xf32>
      %add3A_1629 = arith.constant 16 : i32
      %add3A_1630 = vector.broadcast %add3A_1629 : i32 to vector<16xi32>
      %add3A_1631 = arith.addi %get3A_1105, %add3A_1630 : vector<16xi32>
      %gather3A_1632 = arith.constant 1 : i32
      %gather3A_1633 = arith.constant 0 : i32
      %gather3A_1634 = arith.constant 0 : i32
      %gather3A_1635 = tpu.memref_slice %arg20[%gather3A_1632, %gather3A_1633, %gather3A_1634] : memref<2x16x128xf32, #tpu.memory_space<vmem>> -> memref<1x16x128xf32, #tpu.memory_space<vmem>>
      %gather3A_1636 = tpu.memref_squeeze %gather3A_1635 : memref<1x16x128xf32, #tpu.memory_space<vmem>> -> memref<16x128xf32, #tpu.memory_space<vmem>>
      %gather3A_1637 = tpu.vector_load_idx %gather3A_1636[%iota3A, %add3A_1631] : memref<16x128xf32, #tpu.memory_space<vmem>>[vector<16xi32>, vector<16xi32>], vector<16xf32>,
      %mul3A_1638 = arith.mulf %gather3A_1258, %gather3A_1637 : vector<16xf32>
      %add3A_1639 = arith.addf %add3A_1628, %mul3A_1638 : vector<16xf32>
      %add3A_1640 = arith.constant 17 : i32
      %add3A_1641 = vector.broadcast %add3A_1640 : i32 to vector<16xi32>
      %add3A_1642 = arith.addi %get3A_1105, %add3A_1641 : vector<16xi32>
      %gather3A_1643 = arith.constant 1 : i32
      %gather3A_1644 = arith.constant 0 : i32
      %gather3A_1645 = arith.constant 0 : i32
      %gather3A_1646 = tpu.memref_slice %arg20[%gather3A_1643, %gather3A_1644, %gather3A_1645] : memref<2x16x128xf32, #tpu.memory_space<vmem>> -> memref<1x16x128xf32, #tpu.memory_space<vmem>>
      %gather3A_1647 = tpu.memref_squeeze %gather3A_1646 : memref<1x16x128xf32, #tpu.memory_space<vmem>> -> memref<16x128xf32, #tpu.memory_space<vmem>>
      %gather3A_1648 = tpu.vector_load_idx %gather3A_1647[%iota3A, %add3A_1642] : memref<16x128xf32, #tpu.memory_space<vmem>>[vector<16xi32>, vector<16xi32>], vector<16xf32>,
      %mul3A_1649 = arith.mulf %gather3A_1267, %gather3A_1648 : vector<16xf32>
      %add3A_1650 = arith.addf %add3A_1639, %mul3A_1649 : vector<16xf32>
      %add3A_1651 = arith.constant 18 : i32
      %add3A_1652 = vector.broadcast %add3A_1651 : i32 to vector<16xi32>
      %add3A_1653 = arith.addi %get3A_1105, %add3A_1652 : vector<16xi32>
      %gather3A_1654 = arith.constant 1 : i32
      %gather3A_1655 = arith.constant 0 : i32
      %gather3A_1656 = arith.constant 0 : i32
      %gather3A_1657 = tpu.memref_slice %arg20[%gather3A_1654, %gather3A_1655, %gather3A_1656] : memref<2x16x128xf32, #tpu.memory_space<vmem>> -> memref<1x16x128xf32, #tpu.memory_space<vmem>>
      %gather3A_1658 = tpu.memref_squeeze %gather3A_1657 : memref<1x16x128xf32, #tpu.memory_space<vmem>> -> memref<16x128xf32, #tpu.memory_space<vmem>>
      %gather3A_1659 = tpu.vector_load_idx %gather3A_1658[%iota3A, %add3A_1653] : memref<16x128xf32, #tpu.memory_space<vmem>>[vector<16xi32>, vector<16xi32>], vector<16xf32>,
      %mul3A_1660 = arith.mulf %gather3A_1276, %gather3A_1659 : vector<16xf32>
      %add3A_1661 = arith.addf %add3A_1650, %mul3A_1660 : vector<16xf32>
      %add3A_1662 = arith.constant 19 : i32
      %add3A_1663 = vector.broadcast %add3A_1662 : i32 to vector<16xi32>
      %add3A_1664 = arith.addi %get3A_1105, %add3A_1663 : vector<16xi32>
      %gather3A_1665 = arith.constant 1 : i32
      %gather3A_1666 = arith.constant 0 : i32
      %gather3A_1667 = arith.constant 0 : i32
      %gather3A_1668 = tpu.memref_slice %arg20[%gather3A_1665, %gather3A_1666, %gather3A_1667] : memref<2x16x128xf32, #tpu.memory_space<vmem>> -> memref<1x16x128xf32, #tpu.memory_space<vmem>>
      %gather3A_1669 = tpu.memref_squeeze %gather3A_1668 : memref<1x16x128xf32, #tpu.memory_space<vmem>> -> memref<16x128xf32, #tpu.memory_space<vmem>>
      %gather3A_1670 = tpu.vector_load_idx %gather3A_1669[%iota3A, %add3A_1664] : memref<16x128xf32, #tpu.memory_space<vmem>>[vector<16xi32>, vector<16xi32>], vector<16xf32>,
      %mul3A_1671 = arith.mulf %gather3A_1285, %gather3A_1670 : vector<16xf32>
      %add3A_1672 = arith.addf %add3A_1661, %mul3A_1671 : vector<16xf32>
      %add3A_1673 = arith.constant 20 : i32
      %add3A_1674 = vector.broadcast %add3A_1673 : i32 to vector<16xi32>
      %add3A_1675 = arith.addi %get3A_1105, %add3A_1674 : vector<16xi32>
      %gather3A_1676 = arith.constant 1 : i32
      %gather3A_1677 = arith.constant 0 : i32
      %gather3A_1678 = arith.constant 0 : i32
      %gather3A_1679 = tpu.memref_slice %arg20[%gather3A_1676, %gather3A_1677, %gather3A_1678] : memref<2x16x128xf32, #tpu.memory_space<vmem>> -> memref<1x16x128xf32, #tpu.memory_space<vmem>>
      %gather3A_1680 = tpu.memref_squeeze %gather3A_1679 : memref<1x16x128xf32, #tpu.memory_space<vmem>> -> memref<16x128xf32, #tpu.memory_space<vmem>>
      %gather3A_1681 = tpu.vector_load_idx %gather3A_1680[%iota3A, %add3A_1675] : memref<16x128xf32, #tpu.memory_space<vmem>>[vector<16xi32>, vector<16xi32>], vector<16xf32>,
      %mul3A_1682 = arith.mulf %gather3A_1294, %gather3A_1681 : vector<16xf32>
      %add3A_1683 = arith.addf %add3A_1672, %mul3A_1682 : vector<16xf32>
      %add3A_1684 = arith.constant 21 : i32
      %add3A_1685 = vector.broadcast %add3A_1684 : i32 to vector<16xi32>
      %add3A_1686 = arith.addi %get3A_1105, %add3A_1685 : vector<16xi32>
      %gather3A_1687 = arith.constant 1 : i32
      %gather3A_1688 = arith.constant 0 : i32
      %gather3A_1689 = arith.constant 0 : i32
      %gather3A_1690 = tpu.memref_slice %arg20[%gather3A_1687, %gather3A_1688, %gather3A_1689] : memref<2x16x128xf32, #tpu.memory_space<vmem>> -> memref<1x16x128xf32, #tpu.memory_space<vmem>>
      %gather3A_1691 = tpu.memref_squeeze %gather3A_1690 : memref<1x16x128xf32, #tpu.memory_space<vmem>> -> memref<16x128xf32, #tpu.memory_space<vmem>>
      %gather3A_1692 = tpu.vector_load_idx %gather3A_1691[%iota3A, %add3A_1686] : memref<16x128xf32, #tpu.memory_space<vmem>>[vector<16xi32>, vector<16xi32>], vector<16xf32>,
      %mul3A_1693 = arith.mulf %gather3A_1303, %gather3A_1692 : vector<16xf32>
      %add3A_1694 = arith.addf %add3A_1683, %mul3A_1693 : vector<16xf32>
      %add3A_1695 = arith.constant 22 : i32
      %add3A_1696 = vector.broadcast %add3A_1695 : i32 to vector<16xi32>
      %add3A_1697 = arith.addi %get3A_1105, %add3A_1696 : vector<16xi32>
      %gather3A_1698 = arith.constant 1 : i32
      %gather3A_1699 = arith.constant 0 : i32
      %gather3A_1700 = arith.constant 0 : i32
      %gather3A_1701 = tpu.memref_slice %arg20[%gather3A_1698, %gather3A_1699, %gather3A_1700] : memref<2x16x128xf32, #tpu.memory_space<vmem>> -> memref<1x16x128xf32, #tpu.memory_space<vmem>>
      %gather3A_1702 = tpu.memref_squeeze %gather3A_1701 : memref<1x16x128xf32, #tpu.memory_space<vmem>> -> memref<16x128xf32, #tpu.memory_space<vmem>>
      %gather3A_1703 = tpu.vector_load_idx %gather3A_1702[%iota3A, %add3A_1697] : memref<16x128xf32, #tpu.memory_space<vmem>>[vector<16xi32>, vector<16xi32>], vector<16xf32>,
      %mul3A_1704 = arith.mulf %gather3A_1312, %gather3A_1703 : vector<16xf32>
      %add3A_1705 = arith.addf %add3A_1694, %mul3A_1704 : vector<16xf32>
      %add3A_1706 = arith.constant 23 : i32
      %add3A_1707 = vector.broadcast %add3A_1706 : i32 to vector<16xi32>
      %add3A_1708 = arith.addi %get3A_1105, %add3A_1707 : vector<16xi32>
      %gather3A_1709 = arith.constant 1 : i32
      %gather3A_1710 = arith.constant 0 : i32
      %gather3A_1711 = arith.constant 0 : i32
      %gather3A_1712 = tpu.memref_slice %arg20[%gather3A_1709, %gather3A_1710, %gather3A_1711] : memref<2x16x128xf32, #tpu.memory_space<vmem>> -> memref<1x16x128xf32, #tpu.memory_space<vmem>>
      %gather3A_1713 = tpu.memref_squeeze %gather3A_1712 : memref<1x16x128xf32, #tpu.memory_space<vmem>> -> memref<16x128xf32, #tpu.memory_space<vmem>>
      %gather3A_1714 = tpu.vector_load_idx %gather3A_1713[%iota3A, %add3A_1708] : memref<16x128xf32, #tpu.memory_space<vmem>>[vector<16xi32>, vector<16xi32>], vector<16xf32>,
      %mul3A_1715 = arith.mulf %gather3A_1321, %gather3A_1714 : vector<16xf32>
      %add3A_1716 = arith.addf %add3A_1705, %mul3A_1715 : vector<16xf32>
      %add3A_1717 = arith.constant 24 : i32
      %add3A_1718 = vector.broadcast %add3A_1717 : i32 to vector<16xi32>
      %add3A_1719 = arith.addi %get3A_1105, %add3A_1718 : vector<16xi32>
      %gather3A_1720 = arith.constant 1 : i32
      %gather3A_1721 = arith.constant 0 : i32
      %gather3A_1722 = arith.constant 0 : i32
      %gather3A_1723 = tpu.memref_slice %arg20[%gather3A_1720, %gather3A_1721, %gather3A_1722] : memref<2x16x128xf32, #tpu.memory_space<vmem>> -> memref<1x16x128xf32, #tpu.memory_space<vmem>>
      %gather3A_1724 = tpu.memref_squeeze %gather3A_1723 : memref<1x16x128xf32, #tpu.memory_space<vmem>> -> memref<16x128xf32, #tpu.memory_space<vmem>>
      %gather3A_1725 = tpu.vector_load_idx %gather3A_1724[%iota3A, %add3A_1719] : memref<16x128xf32, #tpu.memory_space<vmem>>[vector<16xi32>, vector<16xi32>], vector<16xf32>,
      %mul3A_1726 = arith.mulf %gather3A_1330, %gather3A_1725 : vector<16xf32>
      %add3A_1727 = arith.addf %add3A_1716, %mul3A_1726 : vector<16xf32>
      %add3A_1728 = arith.constant 25 : i32
      %add3A_1729 = vector.broadcast %add3A_1728 : i32 to vector<16xi32>
      %add3A_1730 = arith.addi %get3A_1105, %add3A_1729 : vector<16xi32>
      %gather3A_1731 = arith.constant 1 : i32
      %gather3A_1732 = arith.constant 0 : i32
      %gather3A_1733 = arith.constant 0 : i32
      %gather3A_1734 = tpu.memref_slice %arg20[%gather3A_1731, %gather3A_1732, %gather3A_1733] : memref<2x16x128xf32, #tpu.memory_space<vmem>> -> memref<1x16x128xf32, #tpu.memory_space<vmem>>
      %gather3A_1735 = tpu.memref_squeeze %gather3A_1734 : memref<1x16x128xf32, #tpu.memory_space<vmem>> -> memref<16x128xf32, #tpu.memory_space<vmem>>
      %gather3A_1736 = tpu.vector_load_idx %gather3A_1735[%iota3A, %add3A_1730] : memref<16x128xf32, #tpu.memory_space<vmem>>[vector<16xi32>, vector<16xi32>], vector<16xf32>,
      %mul3A_1737 = arith.mulf %gather3A_1339, %gather3A_1736 : vector<16xf32>
      %add3A_1738 = arith.addf %add3A_1727, %mul3A_1737 : vector<16xf32>
      %add3A_1739 = arith.constant 26 : i32
      %add3A_1740 = vector.broadcast %add3A_1739 : i32 to vector<16xi32>
      %add3A_1741 = arith.addi %get3A_1105, %add3A_1740 : vector<16xi32>
      %gather3A_1742 = arith.constant 1 : i32
      %gather3A_1743 = arith.constant 0 : i32
      %gather3A_1744 = arith.constant 0 : i32
      %gather3A_1745 = tpu.memref_slice %arg20[%gather3A_1742, %gather3A_1743, %gather3A_1744] : memref<2x16x128xf32, #tpu.memory_space<vmem>> -> memref<1x16x128xf32, #tpu.memory_space<vmem>>
      %gather3A_1746 = tpu.memref_squeeze %gather3A_1745 : memref<1x16x128xf32, #tpu.memory_space<vmem>> -> memref<16x128xf32, #tpu.memory_space<vmem>>
      %gather3A_1747 = tpu.vector_load_idx %gather3A_1746[%iota3A, %add3A_1741] : memref<16x128xf32, #tpu.memory_space<vmem>>[vector<16xi32>, vector<16xi32>], vector<16xf32>,
      %mul3A_1748 = arith.mulf %gather3A_1348, %gather3A_1747 : vector<16xf32>
      %add3A_1749 = arith.addf %add3A_1738, %mul3A_1748 : vector<16xf32>
      %add3A_1750 = arith.constant 27 : i32
      %add3A_1751 = vector.broadcast %add3A_1750 : i32 to vector<16xi32>
      %add3A_1752 = arith.addi %get3A_1105, %add3A_1751 : vector<16xi32>
      %gather3A_1753 = arith.constant 1 : i32
      %gather3A_1754 = arith.constant 0 : i32
      %gather3A_1755 = arith.constant 0 : i32
      %gather3A_1756 = tpu.memref_slice %arg20[%gather3A_1753, %gather3A_1754, %gather3A_1755] : memref<2x16x128xf32, #tpu.memory_space<vmem>> -> memref<1x16x128xf32, #tpu.memory_space<vmem>>
      %gather3A_1757 = tpu.memref_squeeze %gather3A_1756 : memref<1x16x128xf32, #tpu.memory_space<vmem>> -> memref<16x128xf32, #tpu.memory_space<vmem>>
      %gather3A_1758 = tpu.vector_load_idx %gather3A_1757[%iota3A, %add3A_1752] : memref<16x128xf32, #tpu.memory_space<vmem>>[vector<16xi32>, vector<16xi32>], vector<16xf32>,
      %mul3A_1759 = arith.mulf %gather3A_1357, %gather3A_1758 : vector<16xf32>
      %add3A_1760 = arith.addf %add3A_1749, %mul3A_1759 : vector<16xf32>
      %add3A_1761 = arith.constant 28 : i32
      %add3A_1762 = vector.broadcast %add3A_1761 : i32 to vector<16xi32>
      %add3A_1763 = arith.addi %get3A_1105, %add3A_1762 : vector<16xi32>
      %gather3A_1764 = arith.constant 1 : i32
      %gather3A_1765 = arith.constant 0 : i32
      %gather3A_1766 = arith.constant 0 : i32
      %gather3A_1767 = tpu.memref_slice %arg20[%gather3A_1764, %gather3A_1765, %gather3A_1766] : memref<2x16x128xf32, #tpu.memory_space<vmem>> -> memref<1x16x128xf32, #tpu.memory_space<vmem>>
      %gather3A_1768 = tpu.memref_squeeze %gather3A_1767 : memref<1x16x128xf32, #tpu.memory_space<vmem>> -> memref<16x128xf32, #tpu.memory_space<vmem>>
      %gather3A_1769 = tpu.vector_load_idx %gather3A_1768[%iota3A, %add3A_1763] : memref<16x128xf32, #tpu.memory_space<vmem>>[vector<16xi32>, vector<16xi32>], vector<16xf32>,
      %mul3A_1770 = arith.mulf %gather3A_1366, %gather3A_1769 : vector<16xf32>
      %add3A_1771 = arith.addf %add3A_1760, %mul3A_1770 : vector<16xf32>
      %add3A_1772 = arith.constant 29 : i32
      %add3A_1773 = vector.broadcast %add3A_1772 : i32 to vector<16xi32>
      %add3A_1774 = arith.addi %get3A_1105, %add3A_1773 : vector<16xi32>
      %gather3A_1775 = arith.constant 1 : i32
      %gather3A_1776 = arith.constant 0 : i32
      %gather3A_1777 = arith.constant 0 : i32
      %gather3A_1778 = tpu.memref_slice %arg20[%gather3A_1775, %gather3A_1776, %gather3A_1777] : memref<2x16x128xf32, #tpu.memory_space<vmem>> -> memref<1x16x128xf32, #tpu.memory_space<vmem>>
      %gather3A_1779 = tpu.memref_squeeze %gather3A_1778 : memref<1x16x128xf32, #tpu.memory_space<vmem>> -> memref<16x128xf32, #tpu.memory_space<vmem>>
      %gather3A_1780 = tpu.vector_load_idx %gather3A_1779[%iota3A, %add3A_1774] : memref<16x128xf32, #tpu.memory_space<vmem>>[vector<16xi32>, vector<16xi32>], vector<16xf32>,
      %mul3A_1781 = arith.mulf %gather3A_1375, %gather3A_1780 : vector<16xf32>
      %add3A_1782 = arith.addf %add3A_1771, %mul3A_1781 : vector<16xf32>
      %add3A_1783 = arith.constant 30 : i32
      %add3A_1784 = vector.broadcast %add3A_1783 : i32 to vector<16xi32>
      %add3A_1785 = arith.addi %get3A_1105, %add3A_1784 : vector<16xi32>
      %gather3A_1786 = arith.constant 1 : i32
      %gather3A_1787 = arith.constant 0 : i32
      %gather3A_1788 = arith.constant 0 : i32
      %gather3A_1789 = tpu.memref_slice %arg20[%gather3A_1786, %gather3A_1787, %gather3A_1788] : memref<2x16x128xf32, #tpu.memory_space<vmem>> -> memref<1x16x128xf32, #tpu.memory_space<vmem>>
      %gather3A_1790 = tpu.memref_squeeze %gather3A_1789 : memref<1x16x128xf32, #tpu.memory_space<vmem>> -> memref<16x128xf32, #tpu.memory_space<vmem>>
      %gather3A_1791 = tpu.vector_load_idx %gather3A_1790[%iota3A, %add3A_1785] : memref<16x128xf32, #tpu.memory_space<vmem>>[vector<16xi32>, vector<16xi32>], vector<16xf32>,
      %mul3A_1792 = arith.mulf %gather3A_1384, %gather3A_1791 : vector<16xf32>
      %add3A_1793 = arith.addf %add3A_1782, %mul3A_1792 : vector<16xf32>
      %add3A_1794 = arith.constant 31 : i32
      %add3A_1795 = vector.broadcast %add3A_1794 : i32 to vector<16xi32>
      %add3A_1796 = arith.addi %get3A_1105, %add3A_1795 : vector<16xi32>
      %gather3A_1797 = arith.constant 1 : i32
      %gather3A_1798 = arith.constant 0 : i32
      %gather3A_1799 = arith.constant 0 : i32
      %gather3A_1800 = tpu.memref_slice %arg20[%gather3A_1797, %gather3A_1798, %gather3A_1799] : memref<2x16x128xf32, #tpu.memory_space<vmem>> -> memref<1x16x128xf32, #tpu.memory_space<vmem>>
      %gather3A_1801 = tpu.memref_squeeze %gather3A_1800 : memref<1x16x128xf32, #tpu.memory_space<vmem>> -> memref<16x128xf32, #tpu.memory_space<vmem>>
      %gather3A_1802 = tpu.vector_load_idx %gather3A_1801[%iota3A, %add3A_1796] : memref<16x128xf32, #tpu.memory_space<vmem>>[vector<16xi32>, vector<16xi32>], vector<16xf32>,
      %mul3A_1803 = arith.mulf %gather3A_1393, %gather3A_1802 : vector<16xf32>
      %add3A_1804 = arith.addf %add3A_1793, %mul3A_1803 : vector<16xf32>
      %get3A_1805 = arith.index_cast %mul3A_1101 : i32 to index
      %get3A_1806 = tpu.vector_load %arg22[%get3A_1805] {strides = array<i32>} : memref<512xf32, #tpu.memory_space<vmem>>, vector<16xf32>,
      %mul3A_1807 = arith.constant 5.000000e-01 : f32
      %mul3A_1808 = vector.broadcast %mul3A_1807 : f32 to vector<16xf32>
      %mul3A_1809 = arith.mulf %mul3A_1808, %add3A_1456 : vector<16xf32>
      %sub3A_1810 = arith.subf %get3A_1806, %mul3A_1809 : vector<16xf32>
      %not3A_1811 = arith.constant true
      %not3A_1812 = arith.xori %eq3A_1096, %not3A_1811 : i1
      %convert_element_type3A_1813 = arith.extui %not3A_1812 : i1 to i32
      %cond3A_1814 = arith.constant 0 : i32
      %cond3A_1815 = arith.cmpi ne, %convert_element_type3A_1813, %cond3A_1814 : i32
      scf.if %cond3A_1815 {
        %dma_wait3A_1848 = arith.constant 1 : i32
        %dma_wait3A_1849 = arith.constant 0 : i32
        %dma_wait3A_1850 = tpu.memref_slice %arg23[%dma_wait3A_1848, %dma_wait3A_1849] : memref<2x16xf32, #tpu.memory_space<vmem>> -> memref<1x16xf32, #tpu.memory_space<vmem>>
        %dma_wait3A_1851 = tpu.memref_squeeze %dma_wait3A_1850 : memref<1x16xf32, #tpu.memory_space<vmem>> -> memref<16xf32, #tpu.memory_space<vmem>>
        %dma_wait3A_1852 = arith.constant 0 : i32
        %dma_wait3A_1853 = tpu.memref_slice %arg8[%dma_wait3A_1852] : memref<16384xf32, #tpu.memory_space<hbm>> -> memref<16xf32, #tpu.memory_space<hbm>>
        %dma_wait3A_1854 = arith.constant 0 : i32
        %dma_wait3A_1855 = tpu.memref_slice %arg8[%dma_wait3A_1854] : memref<16384xf32, #tpu.memory_space<hbm>> -> memref<16xf32, #tpu.memory_space<hbm>>
        %dma_wait3A_1856 = arith.constant 0 : i32
        %dma_wait3A_1857 = tpu.memref_slice %arg23[%dma_wait3A_1848, %dma_wait3A_1856] : memref<2x16xf32, #tpu.memory_space<vmem>> -> memref<1x16xf32, #tpu.memory_space<vmem>>
        %dma_wait3A_1858 = tpu.memref_squeeze %dma_wait3A_1857 : memref<1x16xf32, #tpu.memory_space<vmem>> -> memref<16xf32, #tpu.memory_space<vmem>>
        tpu.wait_dma2 semaphore(%arg28 : memref<!tpu.dma_semaphore, #tpu.memory_space<semaphore_mem>>) src(%dma_wait3A_1858 : memref<16xf32, #tpu.memory_space<vmem>>) dst(%dma_wait3A_1855 : memref<16xf32, #tpu.memory_space<hbm>>)
        %dma_wait3A_1859 = arith.constant 1 : i32
        %dma_wait3A_1860 = arith.constant 0 : i32
        %dma_wait3A_1861 = tpu.memref_slice %arg24[%dma_wait3A_1859, %dma_wait3A_1860] : memref<2x320xf32, #tpu.memory_space<vmem>> -> memref<1x320xf32, #tpu.memory_space<vmem>>
        %dma_wait3A_1862 = tpu.memref_squeeze %dma_wait3A_1861 : memref<1x320xf32, #tpu.memory_space<vmem>> -> memref<320xf32, #tpu.memory_space<vmem>>
        %dma_wait3A_1863 = arith.constant 0 : i32
        %dma_wait3A_1864 = tpu.memref_slice %arg9[%dma_wait3A_1863] : memref<327680xf32, #tpu.memory_space<hbm>> -> memref<320xf32, #tpu.memory_space<hbm>>
        %dma_wait3A_1865 = arith.constant 0 : i32
        %dma_wait3A_1866 = tpu.memref_slice %arg9[%dma_wait3A_1865] : memref<327680xf32, #tpu.memory_space<hbm>> -> memref<320xf32, #tpu.memory_space<hbm>>
        %dma_wait3A_1867 = arith.constant 0 : i32
        %dma_wait3A_1868 = tpu.memref_slice %arg24[%dma_wait3A_1859, %dma_wait3A_1867] : memref<2x320xf32, #tpu.memory_space<vmem>> -> memref<1x320xf32, #tpu.memory_space<vmem>>
        %dma_wait3A_1869 = tpu.memref_squeeze %dma_wait3A_1868 : memref<1x320xf32, #tpu.memory_space<vmem>> -> memref<320xf32, #tpu.memory_space<vmem>>
        tpu.wait_dma2 semaphore(%arg28 : memref<!tpu.dma_semaphore, #tpu.memory_space<semaphore_mem>>) src(%dma_wait3A_1869 : memref<320xf32, #tpu.memory_space<vmem>>) dst(%dma_wait3A_1866 : memref<320xf32, #tpu.memory_space<hbm>>)
      } else {
      }
      %add3A_1816 = arith.addf %add3A_1804, %sub3A_1810 : vector<16xf32>
      %swap3A_1817 = arith.constant 1 : i32
      %swap3A_1818 = arith.index_cast %swap3A_1817 : i32 to index
      %swap3A_1819 = arith.constant 0 : index
      %swap3A_1820 = tpu.vector_load %arg23[%swap3A_1818, %swap3A_1819] {strides = array<i32>} : memref<2x16xf32, #tpu.memory_space<vmem>>, vector<16xf32>,
      tpu.vector_store %arg23[%swap3A_1818, %swap3A_1819], %add3A_1816 {strides = array<i32>} : memref<2x16xf32, #tpu.memory_space<vmem>>, vector<16xf32>,
      %scan3A_1821 = arith.constant 0 : i32
      %scan3A_1822 = arith.constant 1 : i32
      %scan3A_1823 = arith.constant 0 : i32
      %scan3A_1824 = arith.constant 20 : i32
      %scan3A_1825 = arith.addi %scan3A_1823, %scan3A_1824 : i32
      %scan3A_1826 = arith.constant 1 : i32
      scf.for %scan3A_1848 = %scan3A_1823 to %scan3A_1825 step %scan3A_1826  : i32 {
        %mul3A_1849 = arith.constant 20 : i32
        %mul3A_1850 = vector.broadcast %mul3A_1849 : i32 to vector<16xi32>
        %mul3A_1851 = arith.muli %iota3A, %mul3A_1850 : vector<16xi32>
        %add3A_1852 = vector.broadcast %scan3A_1848 : i32 to vector<16xi32>
        %add3A_1853 = arith.addi %mul3A_1851, %add3A_1852 : vector<16xi32>
        %mul3A_1854 = arith.constant 20 : i32
        %mul3A_1855 = arith.muli %mul3A_1101, %mul3A_1854 : i32
        %add3A_1856 = vector.broadcast %mul3A_1855 : i32 to vector<16xi32>
        %add3A_1857 = arith.addi %add3A_1856, %add3A_1853 : vector<16xi32>
        %gather3A_1858 = tpu.vector_load_idx %arg18[%add3A_1857] : memref<10240xi32, #tpu.memory_space<vmem>>[vector<16xi32>], vector<16xi32>,
        %gather3A_1859 = arith.constant 0 : i32
        %gather3A_1860 = arith.constant 0 : i32
        %gather3A_1861 = tpu.memref_slice %arg21[%scan3A_1822, %gather3A_1859, %gather3A_1860] : memref<2x320x128xf32, #tpu.memory_space<vmem>> -> memref<1x320x128xf32, #tpu.memory_space<vmem>>
        %gather3A_1862 = tpu.memref_squeeze %gather3A_1861 : memref<1x320x128xf32, #tpu.memory_space<vmem>> -> memref<320x128xf32, #tpu.memory_space<vmem>>
        %gather3A_1863 = tpu.vector_load_idx %gather3A_1862[%add3A_1853, %gather3A_1858] : memref<320x128xf32, #tpu.memory_space<vmem>>[vector<16xi32>, vector<16xi32>], vector<16xf32>,
        %mul3A_1864 = arith.mulf %gather3A_1114, %gather3A_1863 : vector<16xf32>
        %add3A_1865 = arith.constant 1 : i32
        %add3A_1866 = vector.broadcast %add3A_1865 : i32 to vector<16xi32>
        %add3A_1867 = arith.addi %gather3A_1858, %add3A_1866 : vector<16xi32>
        %gather3A_1868 = arith.constant 0 : i32
        %gather3A_1869 = arith.constant 0 : i32
        %gather3A_1870 = tpu.memref_slice %arg21[%scan3A_1822, %gather3A_1868, %gather3A_1869] : memref<2x320x128xf32, #tpu.memory_space<vmem>> -> memref<1x320x128xf32, #tpu.memory_space<vmem>>
        %gather3A_1871 = tpu.memref_squeeze %gather3A_1870 : memref<1x320x128xf32, #tpu.memory_space<vmem>> -> memref<320x128xf32, #tpu.memory_space<vmem>>
        %gather3A_1872 = tpu.vector_load_idx %gather3A_1871[%add3A_1853, %add3A_1867] : memref<320x128xf32, #tpu.memory_space<vmem>>[vector<16xi32>, vector<16xi32>], vector<16xf32>,
        %mul3A_1873 = arith.mulf %gather3A_1123, %gather3A_1872 : vector<16xf32>
        %add3A_1874 = arith.addf %mul3A_1864, %mul3A_1873 : vector<16xf32>
        %add3A_1875 = arith.constant 2 : i32
        %add3A_1876 = vector.broadcast %add3A_1875 : i32 to vector<16xi32>
        %add3A_1877 = arith.addi %gather3A_1858, %add3A_1876 : vector<16xi32>
        %gather3A_1878 = arith.constant 0 : i32
        %gather3A_1879 = arith.constant 0 : i32
        %gather3A_1880 = tpu.memref_slice %arg21[%scan3A_1822, %gather3A_1878, %gather3A_1879] : memref<2x320x128xf32, #tpu.memory_space<vmem>> -> memref<1x320x128xf32, #tpu.memory_space<vmem>>
        %gather3A_1881 = tpu.memref_squeeze %gather3A_1880 : memref<1x320x128xf32, #tpu.memory_space<vmem>> -> memref<320x128xf32, #tpu.memory_space<vmem>>
        %gather3A_1882 = tpu.vector_load_idx %gather3A_1881[%add3A_1853, %add3A_1877] : memref<320x128xf32, #tpu.memory_space<vmem>>[vector<16xi32>, vector<16xi32>], vector<16xf32>,
        %mul3A_1883 = arith.mulf %gather3A_1132, %gather3A_1882 : vector<16xf32>
        %add3A_1884 = arith.addf %add3A_1874, %mul3A_1883 : vector<16xf32>
        %add3A_1885 = arith.constant 3 : i32
        %add3A_1886 = vector.broadcast %add3A_1885 : i32 to vector<16xi32>
        %add3A_1887 = arith.addi %gather3A_1858, %add3A_1886 : vector<16xi32>
        %gather3A_1888 = arith.constant 0 : i32
        %gather3A_1889 = arith.constant 0 : i32
        %gather3A_1890 = tpu.memref_slice %arg21[%scan3A_1822, %gather3A_1888, %gather3A_1889] : memref<2x320x128xf32, #tpu.memory_space<vmem>> -> memref<1x320x128xf32, #tpu.memory_space<vmem>>
        %gather3A_1891 = tpu.memref_squeeze %gather3A_1890 : memref<1x320x128xf32, #tpu.memory_space<vmem>> -> memref<320x128xf32, #tpu.memory_space<vmem>>
        %gather3A_1892 = tpu.vector_load_idx %gather3A_1891[%add3A_1853, %add3A_1887] : memref<320x128xf32, #tpu.memory_space<vmem>>[vector<16xi32>, vector<16xi32>], vector<16xf32>,
        %mul3A_1893 = arith.mulf %gather3A_1141, %gather3A_1892 : vector<16xf32>
        %add3A_1894 = arith.addf %add3A_1884, %mul3A_1893 : vector<16xf32>
        %add3A_1895 = arith.constant 4 : i32
        %add3A_1896 = vector.broadcast %add3A_1895 : i32 to vector<16xi32>
        %add3A_1897 = arith.addi %gather3A_1858, %add3A_1896 : vector<16xi32>
        %gather3A_1898 = arith.constant 0 : i32
        %gather3A_1899 = arith.constant 0 : i32
        %gather3A_1900 = tpu.memref_slice %arg21[%scan3A_1822, %gather3A_1898, %gather3A_1899] : memref<2x320x128xf32, #tpu.memory_space<vmem>> -> memref<1x320x128xf32, #tpu.memory_space<vmem>>
        %gather3A_1901 = tpu.memref_squeeze %gather3A_1900 : memref<1x320x128xf32, #tpu.memory_space<vmem>> -> memref<320x128xf32, #tpu.memory_space<vmem>>
        %gather3A_1902 = tpu.vector_load_idx %gather3A_1901[%add3A_1853, %add3A_1897] : memref<320x128xf32, #tpu.memory_space<vmem>>[vector<16xi32>, vector<16xi32>], vector<16xf32>,
        %mul3A_1903 = arith.mulf %gather3A_1150, %gather3A_1902 : vector<16xf32>
        %add3A_1904 = arith.addf %add3A_1894, %mul3A_1903 : vector<16xf32>
        %add3A_1905 = arith.constant 5 : i32
        %add3A_1906 = vector.broadcast %add3A_1905 : i32 to vector<16xi32>
        %add3A_1907 = arith.addi %gather3A_1858, %add3A_1906 : vector<16xi32>
        %gather3A_1908 = arith.constant 0 : i32
        %gather3A_1909 = arith.constant 0 : i32
        %gather3A_1910 = tpu.memref_slice %arg21[%scan3A_1822, %gather3A_1908, %gather3A_1909] : memref<2x320x128xf32, #tpu.memory_space<vmem>> -> memref<1x320x128xf32, #tpu.memory_space<vmem>>
        %gather3A_1911 = tpu.memref_squeeze %gather3A_1910 : memref<1x320x128xf32, #tpu.memory_space<vmem>> -> memref<320x128xf32, #tpu.memory_space<vmem>>
        %gather3A_1912 = tpu.vector_load_idx %gather3A_1911[%add3A_1853, %add3A_1907] : memref<320x128xf32, #tpu.memory_space<vmem>>[vector<16xi32>, vector<16xi32>], vector<16xf32>,
        %mul3A_1913 = arith.mulf %gather3A_1159, %gather3A_1912 : vector<16xf32>
        %add3A_1914 = arith.addf %add3A_1904, %mul3A_1913 : vector<16xf32>
        %add3A_1915 = arith.constant 6 : i32
        %add3A_1916 = vector.broadcast %add3A_1915 : i32 to vector<16xi32>
        %add3A_1917 = arith.addi %gather3A_1858, %add3A_1916 : vector<16xi32>
        %gather3A_1918 = arith.constant 0 : i32
        %gather3A_1919 = arith.constant 0 : i32
        %gather3A_1920 = tpu.memref_slice %arg21[%scan3A_1822, %gather3A_1918, %gather3A_1919] : memref<2x320x128xf32, #tpu.memory_space<vmem>> -> memref<1x320x128xf32, #tpu.memory_space<vmem>>
        %gather3A_1921 = tpu.memref_squeeze %gather3A_1920 : memref<1x320x128xf32, #tpu.memory_space<vmem>> -> memref<320x128xf32, #tpu.memory_space<vmem>>
        %gather3A_1922 = tpu.vector_load_idx %gather3A_1921[%add3A_1853, %add3A_1917] : memref<320x128xf32, #tpu.memory_space<vmem>>[vector<16xi32>, vector<16xi32>], vector<16xf32>,
        %mul3A_1923 = arith.mulf %gather3A_1168, %gather3A_1922 : vector<16xf32>
        %add3A_1924 = arith.addf %add3A_1914, %mul3A_1923 : vector<16xf32>
        %add3A_1925 = arith.constant 7 : i32
        %add3A_1926 = vector.broadcast %add3A_1925 : i32 to vector<16xi32>
        %add3A_1927 = arith.addi %gather3A_1858, %add3A_1926 : vector<16xi32>
        %gather3A_1928 = arith.constant 0 : i32
        %gather3A_1929 = arith.constant 0 : i32
        %gather3A_1930 = tpu.memref_slice %arg21[%scan3A_1822, %gather3A_1928, %gather3A_1929] : memref<2x320x128xf32, #tpu.memory_space<vmem>> -> memref<1x320x128xf32, #tpu.memory_space<vmem>>
        %gather3A_1931 = tpu.memref_squeeze %gather3A_1930 : memref<1x320x128xf32, #tpu.memory_space<vmem>> -> memref<320x128xf32, #tpu.memory_space<vmem>>
        %gather3A_1932 = tpu.vector_load_idx %gather3A_1931[%add3A_1853, %add3A_1927] : memref<320x128xf32, #tpu.memory_space<vmem>>[vector<16xi32>, vector<16xi32>], vector<16xf32>,
        %mul3A_1933 = arith.mulf %gather3A_1177, %gather3A_1932 : vector<16xf32>
        %add3A_1934 = arith.addf %add3A_1924, %mul3A_1933 : vector<16xf32>
        %add3A_1935 = arith.constant 8 : i32
        %add3A_1936 = vector.broadcast %add3A_1935 : i32 to vector<16xi32>
        %add3A_1937 = arith.addi %gather3A_1858, %add3A_1936 : vector<16xi32>
        %gather3A_1938 = arith.constant 0 : i32
        %gather3A_1939 = arith.constant 0 : i32
        %gather3A_1940 = tpu.memref_slice %arg21[%scan3A_1822, %gather3A_1938, %gather3A_1939] : memref<2x320x128xf32, #tpu.memory_space<vmem>> -> memref<1x320x128xf32, #tpu.memory_space<vmem>>
        %gather3A_1941 = tpu.memref_squeeze %gather3A_1940 : memref<1x320x128xf32, #tpu.memory_space<vmem>> -> memref<320x128xf32, #tpu.memory_space<vmem>>
        %gather3A_1942 = tpu.vector_load_idx %gather3A_1941[%add3A_1853, %add3A_1937] : memref<320x128xf32, #tpu.memory_space<vmem>>[vector<16xi32>, vector<16xi32>], vector<16xf32>,
        %mul3A_1943 = arith.mulf %gather3A_1186, %gather3A_1942 : vector<16xf32>
        %add3A_1944 = arith.addf %add3A_1934, %mul3A_1943 : vector<16xf32>
        %add3A_1945 = arith.constant 9 : i32
        %add3A_1946 = vector.broadcast %add3A_1945 : i32 to vector<16xi32>
        %add3A_1947 = arith.addi %gather3A_1858, %add3A_1946 : vector<16xi32>
        %gather3A_1948 = arith.constant 0 : i32
        %gather3A_1949 = arith.constant 0 : i32
        %gather3A_1950 = tpu.memref_slice %arg21[%scan3A_1822, %gather3A_1948, %gather3A_1949] : memref<2x320x128xf32, #tpu.memory_space<vmem>> -> memref<1x320x128xf32, #tpu.memory_space<vmem>>
        %gather3A_1951 = tpu.memref_squeeze %gather3A_1950 : memref<1x320x128xf32, #tpu.memory_space<vmem>> -> memref<320x128xf32, #tpu.memory_space<vmem>>
        %gather3A_1952 = tpu.vector_load_idx %gather3A_1951[%add3A_1853, %add3A_1947] : memref<320x128xf32, #tpu.memory_space<vmem>>[vector<16xi32>, vector<16xi32>], vector<16xf32>,
        %mul3A_1953 = arith.mulf %gather3A_1195, %gather3A_1952 : vector<16xf32>
        %add3A_1954 = arith.addf %add3A_1944, %mul3A_1953 : vector<16xf32>
        %add3A_1955 = arith.constant 10 : i32
        %add3A_1956 = vector.broadcast %add3A_1955 : i32 to vector<16xi32>
        %add3A_1957 = arith.addi %gather3A_1858, %add3A_1956 : vector<16xi32>
        %gather3A_1958 = arith.constant 0 : i32
        %gather3A_1959 = arith.constant 0 : i32
        %gather3A_1960 = tpu.memref_slice %arg21[%scan3A_1822, %gather3A_1958, %gather3A_1959] : memref<2x320x128xf32, #tpu.memory_space<vmem>> -> memref<1x320x128xf32, #tpu.memory_space<vmem>>
        %gather3A_1961 = tpu.memref_squeeze %gather3A_1960 : memref<1x320x128xf32, #tpu.memory_space<vmem>> -> memref<320x128xf32, #tpu.memory_space<vmem>>
        %gather3A_1962 = tpu.vector_load_idx %gather3A_1961[%add3A_1853, %add3A_1957] : memref<320x128xf32, #tpu.memory_space<vmem>>[vector<16xi32>, vector<16xi32>], vector<16xf32>,
        %mul3A_1963 = arith.mulf %gather3A_1204, %gather3A_1962 : vector<16xf32>
        %add3A_1964 = arith.addf %add3A_1954, %mul3A_1963 : vector<16xf32>
        %add3A_1965 = arith.constant 11 : i32
        %add3A_1966 = vector.broadcast %add3A_1965 : i32 to vector<16xi32>
        %add3A_1967 = arith.addi %gather3A_1858, %add3A_1966 : vector<16xi32>
        %gather3A_1968 = arith.constant 0 : i32
        %gather3A_1969 = arith.constant 0 : i32
        %gather3A_1970 = tpu.memref_slice %arg21[%scan3A_1822, %gather3A_1968, %gather3A_1969] : memref<2x320x128xf32, #tpu.memory_space<vmem>> -> memref<1x320x128xf32, #tpu.memory_space<vmem>>
        %gather3A_1971 = tpu.memref_squeeze %gather3A_1970 : memref<1x320x128xf32, #tpu.memory_space<vmem>> -> memref<320x128xf32, #tpu.memory_space<vmem>>
        %gather3A_1972 = tpu.vector_load_idx %gather3A_1971[%add3A_1853, %add3A_1967] : memref<320x128xf32, #tpu.memory_space<vmem>>[vector<16xi32>, vector<16xi32>], vector<16xf32>,
        %mul3A_1973 = arith.mulf %gather3A_1213, %gather3A_1972 : vector<16xf32>
        %add3A_1974 = arith.addf %add3A_1964, %mul3A_1973 : vector<16xf32>
        %add3A_1975 = arith.constant 12 : i32
        %add3A_1976 = vector.broadcast %add3A_1975 : i32 to vector<16xi32>
        %add3A_1977 = arith.addi %gather3A_1858, %add3A_1976 : vector<16xi32>
        %gather3A_1978 = arith.constant 0 : i32
        %gather3A_1979 = arith.constant 0 : i32
        %gather3A_1980 = tpu.memref_slice %arg21[%scan3A_1822, %gather3A_1978, %gather3A_1979] : memref<2x320x128xf32, #tpu.memory_space<vmem>> -> memref<1x320x128xf32, #tpu.memory_space<vmem>>
        %gather3A_1981 = tpu.memref_squeeze %gather3A_1980 : memref<1x320x128xf32, #tpu.memory_space<vmem>> -> memref<320x128xf32, #tpu.memory_space<vmem>>
        %gather3A_1982 = tpu.vector_load_idx %gather3A_1981[%add3A_1853, %add3A_1977] : memref<320x128xf32, #tpu.memory_space<vmem>>[vector<16xi32>, vector<16xi32>], vector<16xf32>,
        %mul3A_1983 = arith.mulf %gather3A_1222, %gather3A_1982 : vector<16xf32>
        %add3A_1984 = arith.addf %add3A_1974, %mul3A_1983 : vector<16xf32>
        %add3A_1985 = arith.constant 13 : i32
        %add3A_1986 = vector.broadcast %add3A_1985 : i32 to vector<16xi32>
        %add3A_1987 = arith.addi %gather3A_1858, %add3A_1986 : vector<16xi32>
        %gather3A_1988 = arith.constant 0 : i32
        %gather3A_1989 = arith.constant 0 : i32
        %gather3A_1990 = tpu.memref_slice %arg21[%scan3A_1822, %gather3A_1988, %gather3A_1989] : memref<2x320x128xf32, #tpu.memory_space<vmem>> -> memref<1x320x128xf32, #tpu.memory_space<vmem>>
        %gather3A_1991 = tpu.memref_squeeze %gather3A_1990 : memref<1x320x128xf32, #tpu.memory_space<vmem>> -> memref<320x128xf32, #tpu.memory_space<vmem>>
        %gather3A_1992 = tpu.vector_load_idx %gather3A_1991[%add3A_1853, %add3A_1987] : memref<320x128xf32, #tpu.memory_space<vmem>>[vector<16xi32>, vector<16xi32>], vector<16xf32>,
        %mul3A_1993 = arith.mulf %gather3A_1231, %gather3A_1992 : vector<16xf32>
        %add3A_1994 = arith.addf %add3A_1984, %mul3A_1993 : vector<16xf32>
        %add3A_1995 = arith.constant 14 : i32
        %add3A_1996 = vector.broadcast %add3A_1995 : i32 to vector<16xi32>
        %add3A_1997 = arith.addi %gather3A_1858, %add3A_1996 : vector<16xi32>
        %gather3A_1998 = arith.constant 0 : i32
        %gather3A_1999 = arith.constant 0 : i32
        %gather3A_2000 = tpu.memref_slice %arg21[%scan3A_1822, %gather3A_1998, %gather3A_1999] : memref<2x320x128xf32, #tpu.memory_space<vmem>> -> memref<1x320x128xf32, #tpu.memory_space<vmem>>
        %gather3A_2001 = tpu.memref_squeeze %gather3A_2000 : memref<1x320x128xf32, #tpu.memory_space<vmem>> -> memref<320x128xf32, #tpu.memory_space<vmem>>
        %gather3A_2002 = tpu.vector_load_idx %gather3A_2001[%add3A_1853, %add3A_1997] : memref<320x128xf32, #tpu.memory_space<vmem>>[vector<16xi32>, vector<16xi32>], vector<16xf32>,
        %mul3A_2003 = arith.mulf %gather3A_1240, %gather3A_2002 : vector<16xf32>
        %add3A_2004 = arith.addf %add3A_1994, %mul3A_2003 : vector<16xf32>
        %add3A_2005 = arith.constant 15 : i32
        %add3A_2006 = vector.broadcast %add3A_2005 : i32 to vector<16xi32>
        %add3A_2007 = arith.addi %gather3A_1858, %add3A_2006 : vector<16xi32>
        %gather3A_2008 = arith.constant 0 : i32
        %gather3A_2009 = arith.constant 0 : i32
        %gather3A_2010 = tpu.memref_slice %arg21[%scan3A_1822, %gather3A_2008, %gather3A_2009] : memref<2x320x128xf32, #tpu.memory_space<vmem>> -> memref<1x320x128xf32, #tpu.memory_space<vmem>>
        %gather3A_2011 = tpu.memref_squeeze %gather3A_2010 : memref<1x320x128xf32, #tpu.memory_space<vmem>> -> memref<320x128xf32, #tpu.memory_space<vmem>>
        %gather3A_2012 = tpu.vector_load_idx %gather3A_2011[%add3A_1853, %add3A_2007] : memref<320x128xf32, #tpu.memory_space<vmem>>[vector<16xi32>, vector<16xi32>], vector<16xf32>,
        %mul3A_2013 = arith.mulf %gather3A_1249, %gather3A_2012 : vector<16xf32>
        %add3A_2014 = arith.addf %add3A_2004, %mul3A_2013 : vector<16xf32>
        %add3A_2015 = arith.constant 16 : i32
        %add3A_2016 = vector.broadcast %add3A_2015 : i32 to vector<16xi32>
        %add3A_2017 = arith.addi %gather3A_1858, %add3A_2016 : vector<16xi32>
        %gather3A_2018 = arith.constant 0 : i32
        %gather3A_2019 = arith.constant 0 : i32
        %gather3A_2020 = tpu.memref_slice %arg21[%scan3A_1822, %gather3A_2018, %gather3A_2019] : memref<2x320x128xf32, #tpu.memory_space<vmem>> -> memref<1x320x128xf32, #tpu.memory_space<vmem>>
        %gather3A_2021 = tpu.memref_squeeze %gather3A_2020 : memref<1x320x128xf32, #tpu.memory_space<vmem>> -> memref<320x128xf32, #tpu.memory_space<vmem>>
        %gather3A_2022 = tpu.vector_load_idx %gather3A_2021[%add3A_1853, %add3A_2017] : memref<320x128xf32, #tpu.memory_space<vmem>>[vector<16xi32>, vector<16xi32>], vector<16xf32>,
        %mul3A_2023 = arith.mulf %gather3A_1258, %gather3A_2022 : vector<16xf32>
        %add3A_2024 = arith.addf %add3A_2014, %mul3A_2023 : vector<16xf32>
        %add3A_2025 = arith.constant 17 : i32
        %add3A_2026 = vector.broadcast %add3A_2025 : i32 to vector<16xi32>
        %add3A_2027 = arith.addi %gather3A_1858, %add3A_2026 : vector<16xi32>
        %gather3A_2028 = arith.constant 0 : i32
        %gather3A_2029 = arith.constant 0 : i32
        %gather3A_2030 = tpu.memref_slice %arg21[%scan3A_1822, %gather3A_2028, %gather3A_2029] : memref<2x320x128xf32, #tpu.memory_space<vmem>> -> memref<1x320x128xf32, #tpu.memory_space<vmem>>
        %gather3A_2031 = tpu.memref_squeeze %gather3A_2030 : memref<1x320x128xf32, #tpu.memory_space<vmem>> -> memref<320x128xf32, #tpu.memory_space<vmem>>
        %gather3A_2032 = tpu.vector_load_idx %gather3A_2031[%add3A_1853, %add3A_2027] : memref<320x128xf32, #tpu.memory_space<vmem>>[vector<16xi32>, vector<16xi32>], vector<16xf32>,
        %mul3A_2033 = arith.mulf %gather3A_1267, %gather3A_2032 : vector<16xf32>
        %add3A_2034 = arith.addf %add3A_2024, %mul3A_2033 : vector<16xf32>
        %add3A_2035 = arith.constant 18 : i32
        %add3A_2036 = vector.broadcast %add3A_2035 : i32 to vector<16xi32>
        %add3A_2037 = arith.addi %gather3A_1858, %add3A_2036 : vector<16xi32>
        %gather3A_2038 = arith.constant 0 : i32
        %gather3A_2039 = arith.constant 0 : i32
        %gather3A_2040 = tpu.memref_slice %arg21[%scan3A_1822, %gather3A_2038, %gather3A_2039] : memref<2x320x128xf32, #tpu.memory_space<vmem>> -> memref<1x320x128xf32, #tpu.memory_space<vmem>>
        %gather3A_2041 = tpu.memref_squeeze %gather3A_2040 : memref<1x320x128xf32, #tpu.memory_space<vmem>> -> memref<320x128xf32, #tpu.memory_space<vmem>>
        %gather3A_2042 = tpu.vector_load_idx %gather3A_2041[%add3A_1853, %add3A_2037] : memref<320x128xf32, #tpu.memory_space<vmem>>[vector<16xi32>, vector<16xi32>], vector<16xf32>,
        %mul3A_2043 = arith.mulf %gather3A_1276, %gather3A_2042 : vector<16xf32>
        %add3A_2044 = arith.addf %add3A_2034, %mul3A_2043 : vector<16xf32>
        %add3A_2045 = arith.constant 19 : i32
        %add3A_2046 = vector.broadcast %add3A_2045 : i32 to vector<16xi32>
        %add3A_2047 = arith.addi %gather3A_1858, %add3A_2046 : vector<16xi32>
        %gather3A_2048 = arith.constant 0 : i32
        %gather3A_2049 = arith.constant 0 : i32
        %gather3A_2050 = tpu.memref_slice %arg21[%scan3A_1822, %gather3A_2048, %gather3A_2049] : memref<2x320x128xf32, #tpu.memory_space<vmem>> -> memref<1x320x128xf32, #tpu.memory_space<vmem>>
        %gather3A_2051 = tpu.memref_squeeze %gather3A_2050 : memref<1x320x128xf32, #tpu.memory_space<vmem>> -> memref<320x128xf32, #tpu.memory_space<vmem>>
        %gather3A_2052 = tpu.vector_load_idx %gather3A_2051[%add3A_1853, %add3A_2047] : memref<320x128xf32, #tpu.memory_space<vmem>>[vector<16xi32>, vector<16xi32>], vector<16xf32>,
        %mul3A_2053 = arith.mulf %gather3A_1285, %gather3A_2052 : vector<16xf32>
        %add3A_2054 = arith.addf %add3A_2044, %mul3A_2053 : vector<16xf32>
        %add3A_2055 = arith.constant 20 : i32
        %add3A_2056 = vector.broadcast %add3A_2055 : i32 to vector<16xi32>
        %add3A_2057 = arith.addi %gather3A_1858, %add3A_2056 : vector<16xi32>
        %gather3A_2058 = arith.constant 0 : i32
        %gather3A_2059 = arith.constant 0 : i32
        %gather3A_2060 = tpu.memref_slice %arg21[%scan3A_1822, %gather3A_2058, %gather3A_2059] : memref<2x320x128xf32, #tpu.memory_space<vmem>> -> memref<1x320x128xf32, #tpu.memory_space<vmem>>
        %gather3A_2061 = tpu.memref_squeeze %gather3A_2060 : memref<1x320x128xf32, #tpu.memory_space<vmem>> -> memref<320x128xf32, #tpu.memory_space<vmem>>
        %gather3A_2062 = tpu.vector_load_idx %gather3A_2061[%add3A_1853, %add3A_2057] : memref<320x128xf32, #tpu.memory_space<vmem>>[vector<16xi32>, vector<16xi32>], vector<16xf32>,
        %mul3A_2063 = arith.mulf %gather3A_1294, %gather3A_2062 : vector<16xf32>
        %add3A_2064 = arith.addf %add3A_2054, %mul3A_2063 : vector<16xf32>
        %add3A_2065 = arith.constant 21 : i32
        %add3A_2066 = vector.broadcast %add3A_2065 : i32 to vector<16xi32>
        %add3A_2067 = arith.addi %gather3A_1858, %add3A_2066 : vector<16xi32>
        %gather3A_2068 = arith.constant 0 : i32
        %gather3A_2069 = arith.constant 0 : i32
        %gather3A_2070 = tpu.memref_slice %arg21[%scan3A_1822, %gather3A_2068, %gather3A_2069] : memref<2x320x128xf32, #tpu.memory_space<vmem>> -> memref<1x320x128xf32, #tpu.memory_space<vmem>>
        %gather3A_2071 = tpu.memref_squeeze %gather3A_2070 : memref<1x320x128xf32, #tpu.memory_space<vmem>> -> memref<320x128xf32, #tpu.memory_space<vmem>>
        %gather3A_2072 = tpu.vector_load_idx %gather3A_2071[%add3A_1853, %add3A_2067] : memref<320x128xf32, #tpu.memory_space<vmem>>[vector<16xi32>, vector<16xi32>], vector<16xf32>,
        %mul3A_2073 = arith.mulf %gather3A_1303, %gather3A_2072 : vector<16xf32>
        %add3A_2074 = arith.addf %add3A_2064, %mul3A_2073 : vector<16xf32>
        %add3A_2075 = arith.constant 22 : i32
        %add3A_2076 = vector.broadcast %add3A_2075 : i32 to vector<16xi32>
        %add3A_2077 = arith.addi %gather3A_1858, %add3A_2076 : vector<16xi32>
        %gather3A_2078 = arith.constant 0 : i32
        %gather3A_2079 = arith.constant 0 : i32
        %gather3A_2080 = tpu.memref_slice %arg21[%scan3A_1822, %gather3A_2078, %gather3A_2079] : memref<2x320x128xf32, #tpu.memory_space<vmem>> -> memref<1x320x128xf32, #tpu.memory_space<vmem>>
        %gather3A_2081 = tpu.memref_squeeze %gather3A_2080 : memref<1x320x128xf32, #tpu.memory_space<vmem>> -> memref<320x128xf32, #tpu.memory_space<vmem>>
        %gather3A_2082 = tpu.vector_load_idx %gather3A_2081[%add3A_1853, %add3A_2077] : memref<320x128xf32, #tpu.memory_space<vmem>>[vector<16xi32>, vector<16xi32>], vector<16xf32>,
        %mul3A_2083 = arith.mulf %gather3A_1312, %gather3A_2082 : vector<16xf32>
        %add3A_2084 = arith.addf %add3A_2074, %mul3A_2083 : vector<16xf32>
        %add3A_2085 = arith.constant 23 : i32
        %add3A_2086 = vector.broadcast %add3A_2085 : i32 to vector<16xi32>
        %add3A_2087 = arith.addi %gather3A_1858, %add3A_2086 : vector<16xi32>
        %gather3A_2088 = arith.constant 0 : i32
        %gather3A_2089 = arith.constant 0 : i32
        %gather3A_2090 = tpu.memref_slice %arg21[%scan3A_1822, %gather3A_2088, %gather3A_2089] : memref<2x320x128xf32, #tpu.memory_space<vmem>> -> memref<1x320x128xf32, #tpu.memory_space<vmem>>
        %gather3A_2091 = tpu.memref_squeeze %gather3A_2090 : memref<1x320x128xf32, #tpu.memory_space<vmem>> -> memref<320x128xf32, #tpu.memory_space<vmem>>
        %gather3A_2092 = tpu.vector_load_idx %gather3A_2091[%add3A_1853, %add3A_2087] : memref<320x128xf32, #tpu.memory_space<vmem>>[vector<16xi32>, vector<16xi32>], vector<16xf32>,
        %mul3A_2093 = arith.mulf %gather3A_1321, %gather3A_2092 : vector<16xf32>
        %add3A_2094 = arith.addf %add3A_2084, %mul3A_2093 : vector<16xf32>
        %add3A_2095 = arith.constant 24 : i32
        %add3A_2096 = vector.broadcast %add3A_2095 : i32 to vector<16xi32>
        %add3A_2097 = arith.addi %gather3A_1858, %add3A_2096 : vector<16xi32>
        %gather3A_2098 = arith.constant 0 : i32
        %gather3A_2099 = arith.constant 0 : i32
        %gather3A_2100 = tpu.memref_slice %arg21[%scan3A_1822, %gather3A_2098, %gather3A_2099] : memref<2x320x128xf32, #tpu.memory_space<vmem>> -> memref<1x320x128xf32, #tpu.memory_space<vmem>>
        %gather3A_2101 = tpu.memref_squeeze %gather3A_2100 : memref<1x320x128xf32, #tpu.memory_space<vmem>> -> memref<320x128xf32, #tpu.memory_space<vmem>>
        %gather3A_2102 = tpu.vector_load_idx %gather3A_2101[%add3A_1853, %add3A_2097] : memref<320x128xf32, #tpu.memory_space<vmem>>[vector<16xi32>, vector<16xi32>], vector<16xf32>,
        %mul3A_2103 = arith.mulf %gather3A_1330, %gather3A_2102 : vector<16xf32>
        %add3A_2104 = arith.addf %add3A_2094, %mul3A_2103 : vector<16xf32>
        %add3A_2105 = arith.constant 25 : i32
        %add3A_2106 = vector.broadcast %add3A_2105 : i32 to vector<16xi32>
        %add3A_2107 = arith.addi %gather3A_1858, %add3A_2106 : vector<16xi32>
        %gather3A_2108 = arith.constant 0 : i32
        %gather3A_2109 = arith.constant 0 : i32
        %gather3A_2110 = tpu.memref_slice %arg21[%scan3A_1822, %gather3A_2108, %gather3A_2109] : memref<2x320x128xf32, #tpu.memory_space<vmem>> -> memref<1x320x128xf32, #tpu.memory_space<vmem>>
        %gather3A_2111 = tpu.memref_squeeze %gather3A_2110 : memref<1x320x128xf32, #tpu.memory_space<vmem>> -> memref<320x128xf32, #tpu.memory_space<vmem>>
        %gather3A_2112 = tpu.vector_load_idx %gather3A_2111[%add3A_1853, %add3A_2107] : memref<320x128xf32, #tpu.memory_space<vmem>>[vector<16xi32>, vector<16xi32>], vector<16xf32>,
        %mul3A_2113 = arith.mulf %gather3A_1339, %gather3A_2112 : vector<16xf32>
        %add3A_2114 = arith.addf %add3A_2104, %mul3A_2113 : vector<16xf32>
        %add3A_2115 = arith.constant 26 : i32
        %add3A_2116 = vector.broadcast %add3A_2115 : i32 to vector<16xi32>
        %add3A_2117 = arith.addi %gather3A_1858, %add3A_2116 : vector<16xi32>
        %gather3A_2118 = arith.constant 0 : i32
        %gather3A_2119 = arith.constant 0 : i32
        %gather3A_2120 = tpu.memref_slice %arg21[%scan3A_1822, %gather3A_2118, %gather3A_2119] : memref<2x320x128xf32, #tpu.memory_space<vmem>> -> memref<1x320x128xf32, #tpu.memory_space<vmem>>
        %gather3A_2121 = tpu.memref_squeeze %gather3A_2120 : memref<1x320x128xf32, #tpu.memory_space<vmem>> -> memref<320x128xf32, #tpu.memory_space<vmem>>
        %gather3A_2122 = tpu.vector_load_idx %gather3A_2121[%add3A_1853, %add3A_2117] : memref<320x128xf32, #tpu.memory_space<vmem>>[vector<16xi32>, vector<16xi32>], vector<16xf32>,
        %mul3A_2123 = arith.mulf %gather3A_1348, %gather3A_2122 : vector<16xf32>
        %add3A_2124 = arith.addf %add3A_2114, %mul3A_2123 : vector<16xf32>
        %add3A_2125 = arith.constant 27 : i32
        %add3A_2126 = vector.broadcast %add3A_2125 : i32 to vector<16xi32>
        %add3A_2127 = arith.addi %gather3A_1858, %add3A_2126 : vector<16xi32>
        %gather3A_2128 = arith.constant 0 : i32
        %gather3A_2129 = arith.constant 0 : i32
        %gather3A_2130 = tpu.memref_slice %arg21[%scan3A_1822, %gather3A_2128, %gather3A_2129] : memref<2x320x128xf32, #tpu.memory_space<vmem>> -> memref<1x320x128xf32, #tpu.memory_space<vmem>>
        %gather3A_2131 = tpu.memref_squeeze %gather3A_2130 : memref<1x320x128xf32, #tpu.memory_space<vmem>> -> memref<320x128xf32, #tpu.memory_space<vmem>>
        %gather3A_2132 = tpu.vector_load_idx %gather3A_2131[%add3A_1853, %add3A_2127] : memref<320x128xf32, #tpu.memory_space<vmem>>[vector<16xi32>, vector<16xi32>], vector<16xf32>,
        %mul3A_2133 = arith.mulf %gather3A_1357, %gather3A_2132 : vector<16xf32>
        %add3A_2134 = arith.addf %add3A_2124, %mul3A_2133 : vector<16xf32>
        %add3A_2135 = arith.constant 28 : i32
        %add3A_2136 = vector.broadcast %add3A_2135 : i32 to vector<16xi32>
        %add3A_2137 = arith.addi %gather3A_1858, %add3A_2136 : vector<16xi32>
        %gather3A_2138 = arith.constant 0 : i32
        %gather3A_2139 = arith.constant 0 : i32
        %gather3A_2140 = tpu.memref_slice %arg21[%scan3A_1822, %gather3A_2138, %gather3A_2139] : memref<2x320x128xf32, #tpu.memory_space<vmem>> -> memref<1x320x128xf32, #tpu.memory_space<vmem>>
        %gather3A_2141 = tpu.memref_squeeze %gather3A_2140 : memref<1x320x128xf32, #tpu.memory_space<vmem>> -> memref<320x128xf32, #tpu.memory_space<vmem>>
        %gather3A_2142 = tpu.vector_load_idx %gather3A_2141[%add3A_1853, %add3A_2137] : memref<320x128xf32, #tpu.memory_space<vmem>>[vector<16xi32>, vector<16xi32>], vector<16xf32>,
        %mul3A_2143 = arith.mulf %gather3A_1366, %gather3A_2142 : vector<16xf32>
        %add3A_2144 = arith.addf %add3A_2134, %mul3A_2143 : vector<16xf32>
        %add3A_2145 = arith.constant 29 : i32
        %add3A_2146 = vector.broadcast %add3A_2145 : i32 to vector<16xi32>
        %add3A_2147 = arith.addi %gather3A_1858, %add3A_2146 : vector<16xi32>
        %gather3A_2148 = arith.constant 0 : i32
        %gather3A_2149 = arith.constant 0 : i32
        %gather3A_2150 = tpu.memref_slice %arg21[%scan3A_1822, %gather3A_2148, %gather3A_2149] : memref<2x320x128xf32, #tpu.memory_space<vmem>> -> memref<1x320x128xf32, #tpu.memory_space<vmem>>
        %gather3A_2151 = tpu.memref_squeeze %gather3A_2150 : memref<1x320x128xf32, #tpu.memory_space<vmem>> -> memref<320x128xf32, #tpu.memory_space<vmem>>
        %gather3A_2152 = tpu.vector_load_idx %gather3A_2151[%add3A_1853, %add3A_2147] : memref<320x128xf32, #tpu.memory_space<vmem>>[vector<16xi32>, vector<16xi32>], vector<16xf32>,
        %mul3A_2153 = arith.mulf %gather3A_1375, %gather3A_2152 : vector<16xf32>
        %add3A_2154 = arith.addf %add3A_2144, %mul3A_2153 : vector<16xf32>
        %add3A_2155 = arith.constant 30 : i32
        %add3A_2156 = vector.broadcast %add3A_2155 : i32 to vector<16xi32>
        %add3A_2157 = arith.addi %gather3A_1858, %add3A_2156 : vector<16xi32>
        %gather3A_2158 = arith.constant 0 : i32
        %gather3A_2159 = arith.constant 0 : i32
        %gather3A_2160 = tpu.memref_slice %arg21[%scan3A_1822, %gather3A_2158, %gather3A_2159] : memref<2x320x128xf32, #tpu.memory_space<vmem>> -> memref<1x320x128xf32, #tpu.memory_space<vmem>>
        %gather3A_2161 = tpu.memref_squeeze %gather3A_2160 : memref<1x320x128xf32, #tpu.memory_space<vmem>> -> memref<320x128xf32, #tpu.memory_space<vmem>>
        %gather3A_2162 = tpu.vector_load_idx %gather3A_2161[%add3A_1853, %add3A_2157] : memref<320x128xf32, #tpu.memory_space<vmem>>[vector<16xi32>, vector<16xi32>], vector<16xf32>,
        %mul3A_2163 = arith.mulf %gather3A_1384, %gather3A_2162 : vector<16xf32>
        %add3A_2164 = arith.addf %add3A_2154, %mul3A_2163 : vector<16xf32>
        %add3A_2165 = arith.constant 31 : i32
        %add3A_2166 = vector.broadcast %add3A_2165 : i32 to vector<16xi32>
        %add3A_2167 = arith.addi %gather3A_1858, %add3A_2166 : vector<16xi32>
        %gather3A_2168 = arith.constant 0 : i32
        %gather3A_2169 = arith.constant 0 : i32
        %gather3A_2170 = tpu.memref_slice %arg21[%scan3A_1822, %gather3A_2168, %gather3A_2169] : memref<2x320x128xf32, #tpu.memory_space<vmem>> -> memref<1x320x128xf32, #tpu.memory_space<vmem>>
        %gather3A_2171 = tpu.memref_squeeze %gather3A_2170 : memref<1x320x128xf32, #tpu.memory_space<vmem>> -> memref<320x128xf32, #tpu.memory_space<vmem>>
        %gather3A_2172 = tpu.vector_load_idx %gather3A_2171[%add3A_1853, %add3A_2167] : memref<320x128xf32, #tpu.memory_space<vmem>>[vector<16xi32>, vector<16xi32>], vector<16xf32>,
        %mul3A_2173 = arith.mulf %gather3A_1393, %gather3A_2172 : vector<16xf32>
        %add3A_2174 = arith.addf %add3A_2164, %mul3A_2173 : vector<16xf32>
        %add3A_2175 = arith.addf %add3A_2174, %sub3A_1810 : vector<16xf32>
        %scatter3A = arith.constant 1 : i32
        %scatter3A_2176 = arith.constant 0 : i32
        %scatter3A_2177 = tpu.memref_slice %arg24[%scatter3A, %scatter3A_2176] : memref<2x320xf32, #tpu.memory_space<vmem>> -> memref<1x320xf32, #tpu.memory_space<vmem>>
        %scatter3A_2178 = tpu.memref_squeeze %scatter3A_2177 : memref<1x320xf32, #tpu.memory_space<vmem>> -> memref<320xf32, #tpu.memory_space<vmem>>
        tpu.vector_store_idx %scatter3A_2178[%add3A_1853], %add3A_2175 : memref<320xf32, #tpu.memory_space<vmem>>[vector<16xi32>], vector<16xf32>,
      }
      %scan3A_1827 = arith.constant 20 : i32
      %dma_start3A_1828 = arith.constant 1 : i32
      %dma_start3A_1829 = arith.constant 0 : i32
      %dma_start3A_1830 = tpu.memref_slice %arg23[%dma_start3A_1828, %dma_start3A_1829] : memref<2x16xf32, #tpu.memory_space<vmem>> -> memref<1x16xf32, #tpu.memory_space<vmem>>
      %dma_start3A_1831 = tpu.memref_squeeze %dma_start3A_1830 : memref<1x16xf32, #tpu.memory_space<vmem>> -> memref<16xf32, #tpu.memory_space<vmem>>
      %dma_start3A_1832 = tpu.memref_slice %arg8[%add3A_1099] : memref<16384xf32, #tpu.memory_space<hbm>> -> memref<16xf32, #tpu.memory_space<hbm>>
      %dma_start3A_1833 = tpu.memref_slice %arg8[%add3A_1099] : memref<16384xf32, #tpu.memory_space<hbm>> -> memref<16xf32, #tpu.memory_space<hbm>>
      %dma_start3A_1834 = arith.constant 0 : i32
      %dma_start3A_1835 = tpu.memref_slice %arg23[%dma_start3A_1828, %dma_start3A_1834] : memref<2x16xf32, #tpu.memory_space<vmem>> -> memref<1x16xf32, #tpu.memory_space<vmem>>
      %dma_start3A_1836 = tpu.memref_squeeze %dma_start3A_1835 : memref<1x16xf32, #tpu.memory_space<vmem>> -> memref<16xf32, #tpu.memory_space<vmem>>
      tpu.enqueue_dma source(%dma_start3A_1836 : memref<16xf32, #tpu.memory_space<vmem>>) target(%dma_start3A_1833 : memref<16xf32, #tpu.memory_space<hbm>>) target_semaphore(%arg28 : memref<!tpu.dma_semaphore, #tpu.memory_space<semaphore_mem>>)
      %mul3A_1837 = arith.constant 20 : i32
      %mul3A_1838 = arith.muli %add3A_1099, %mul3A_1837 : i32
      %dma_start3A_1839 = arith.constant 1 : i32
      %dma_start3A_1840 = arith.constant 0 : i32
      %dma_start3A_1841 = tpu.memref_slice %arg24[%dma_start3A_1839, %dma_start3A_1840] : memref<2x320xf32, #tpu.memory_space<vmem>> -> memref<1x320xf32, #tpu.memory_space<vmem>>
      %dma_start3A_1842 = tpu.memref_squeeze %dma_start3A_1841 : memref<1x320xf32, #tpu.memory_space<vmem>> -> memref<320xf32, #tpu.memory_space<vmem>>
      %dma_start3A_1843 = tpu.memref_slice %arg9[%mul3A_1838] : memref<327680xf32, #tpu.memory_space<hbm>> -> memref<320xf32, #tpu.memory_space<hbm>>
      %dma_start3A_1844 = tpu.memref_slice %arg9[%mul3A_1838] : memref<327680xf32, #tpu.memory_space<hbm>> -> memref<320xf32, #tpu.memory_space<hbm>>
      %dma_start3A_1845 = arith.constant 0 : i32
      %dma_start3A_1846 = tpu.memref_slice %arg24[%dma_start3A_1839, %dma_start3A_1845] : memref<2x320xf32, #tpu.memory_space<vmem>> -> memref<1x320xf32, #tpu.memory_space<vmem>>
      %dma_start3A_1847 = tpu.memref_squeeze %dma_start3A_1846 : memref<1x320xf32, #tpu.memory_space<vmem>> -> memref<320xf32, #tpu.memory_space<vmem>>
      tpu.enqueue_dma source(%dma_start3A_1847 : memref<320xf32, #tpu.memory_space<vmem>>) target(%dma_start3A_1844 : memref<320xf32, #tpu.memory_space<hbm>>) target_semaphore(%arg28 : memref<!tpu.dma_semaphore, #tpu.memory_space<semaphore_mem>>)
    }
    %scan3A_88 = arith.constant 16 : i32
    %dma_wait3A_89 = arith.constant 0 : i32
    %dma_wait3A_90 = arith.constant 0 : i32
    %dma_wait3A_91 = tpu.memref_slice %arg23[%dma_wait3A_89, %dma_wait3A_90] : memref<2x16xf32, #tpu.memory_space<vmem>> -> memref<1x16xf32, #tpu.memory_space<vmem>>
    %dma_wait3A_92 = tpu.memref_squeeze %dma_wait3A_91 : memref<1x16xf32, #tpu.memory_space<vmem>> -> memref<16xf32, #tpu.memory_space<vmem>>
    %dma_wait3A_93 = arith.constant 0 : i32
    %dma_wait3A_94 = tpu.memref_slice %arg8[%dma_wait3A_93] : memref<16384xf32, #tpu.memory_space<hbm>> -> memref<16xf32, #tpu.memory_space<hbm>>
    %dma_wait3A_95 = arith.constant 0 : i32
    %dma_wait3A_96 = tpu.memref_slice %arg8[%dma_wait3A_95] : memref<16384xf32, #tpu.memory_space<hbm>> -> memref<16xf32, #tpu.memory_space<hbm>>
    %dma_wait3A_97 = arith.constant 0 : i32
    %dma_wait3A_98 = tpu.memref_slice %arg23[%dma_wait3A_89, %dma_wait3A_97] : memref<2x16xf32, #tpu.memory_space<vmem>> -> memref<1x16xf32, #tpu.memory_space<vmem>>
    %dma_wait3A_99 = tpu.memref_squeeze %dma_wait3A_98 : memref<1x16xf32, #tpu.memory_space<vmem>> -> memref<16xf32, #tpu.memory_space<vmem>>
    tpu.wait_dma2 semaphore(%arg27 : memref<!tpu.dma_semaphore, #tpu.memory_space<semaphore_mem>>) src(%dma_wait3A_99 : memref<16xf32, #tpu.memory_space<vmem>>) dst(%dma_wait3A_96 : memref<16xf32, #tpu.memory_space<hbm>>)
    %dma_wait3A_100 = arith.constant 0 : i32
    %dma_wait3A_101 = arith.constant 0 : i32
    %dma_wait3A_102 = tpu.memref_slice %arg24[%dma_wait3A_100, %dma_wait3A_101] : memref<2x320xf32, #tpu.memory_space<vmem>> -> memref<1x320xf32, #tpu.memory_space<vmem>>
    %dma_wait3A_103 = tpu.memref_squeeze %dma_wait3A_102 : memref<1x320xf32, #tpu.memory_space<vmem>> -> memref<320xf32, #tpu.memory_space<vmem>>
    %dma_wait3A_104 = arith.constant 0 : i32
    %dma_wait3A_105 = tpu.memref_slice %arg9[%dma_wait3A_104] : memref<327680xf32, #tpu.memory_space<hbm>> -> memref<320xf32, #tpu.memory_space<hbm>>
    %dma_wait3A_106 = arith.constant 0 : i32
    %dma_wait3A_107 = tpu.memref_slice %arg9[%dma_wait3A_106] : memref<327680xf32, #tpu.memory_space<hbm>> -> memref<320xf32, #tpu.memory_space<hbm>>
    %dma_wait3A_108 = arith.constant 0 : i32
    %dma_wait3A_109 = tpu.memref_slice %arg24[%dma_wait3A_100, %dma_wait3A_108] : memref<2x320xf32, #tpu.memory_space<vmem>> -> memref<1x320xf32, #tpu.memory_space<vmem>>
    %dma_wait3A_110 = tpu.memref_squeeze %dma_wait3A_109 : memref<1x320xf32, #tpu.memory_space<vmem>> -> memref<320xf32, #tpu.memory_space<vmem>>
    tpu.wait_dma2 semaphore(%arg27 : memref<!tpu.dma_semaphore, #tpu.memory_space<semaphore_mem>>) src(%dma_wait3A_110 : memref<320xf32, #tpu.memory_space<vmem>>) dst(%dma_wait3A_107 : memref<320xf32, #tpu.memory_space<hbm>>)
    %dma_wait3A_111 = arith.constant 1 : i32
    %dma_wait3A_112 = arith.constant 0 : i32
    %dma_wait3A_113 = tpu.memref_slice %arg23[%dma_wait3A_111, %dma_wait3A_112] : memref<2x16xf32, #tpu.memory_space<vmem>> -> memref<1x16xf32, #tpu.memory_space<vmem>>
    %dma_wait3A_114 = tpu.memref_squeeze %dma_wait3A_113 : memref<1x16xf32, #tpu.memory_space<vmem>> -> memref<16xf32, #tpu.memory_space<vmem>>
    %dma_wait3A_115 = arith.constant 0 : i32
    %dma_wait3A_116 = tpu.memref_slice %arg8[%dma_wait3A_115] : memref<16384xf32, #tpu.memory_space<hbm>> -> memref<16xf32, #tpu.memory_space<hbm>>
    %dma_wait3A_117 = arith.constant 0 : i32
    %dma_wait3A_118 = tpu.memref_slice %arg8[%dma_wait3A_117] : memref<16384xf32, #tpu.memory_space<hbm>> -> memref<16xf32, #tpu.memory_space<hbm>>
    %dma_wait3A_119 = arith.constant 0 : i32
    %dma_wait3A_120 = tpu.memref_slice %arg23[%dma_wait3A_111, %dma_wait3A_119] : memref<2x16xf32, #tpu.memory_space<vmem>> -> memref<1x16xf32, #tpu.memory_space<vmem>>
    %dma_wait3A_121 = tpu.memref_squeeze %dma_wait3A_120 : memref<1x16xf32, #tpu.memory_space<vmem>> -> memref<16xf32, #tpu.memory_space<vmem>>
    tpu.wait_dma2 semaphore(%arg28 : memref<!tpu.dma_semaphore, #tpu.memory_space<semaphore_mem>>) src(%dma_wait3A_121 : memref<16xf32, #tpu.memory_space<vmem>>) dst(%dma_wait3A_118 : memref<16xf32, #tpu.memory_space<hbm>>)
    %dma_wait3A_122 = arith.constant 1 : i32
    %dma_wait3A_123 = arith.constant 0 : i32
    %dma_wait3A_124 = tpu.memref_slice %arg24[%dma_wait3A_122, %dma_wait3A_123] : memref<2x320xf32, #tpu.memory_space<vmem>> -> memref<1x320xf32, #tpu.memory_space<vmem>>
    %dma_wait3A_125 = tpu.memref_squeeze %dma_wait3A_124 : memref<1x320xf32, #tpu.memory_space<vmem>> -> memref<320xf32, #tpu.memory_space<vmem>>
    %dma_wait3A_126 = arith.constant 0 : i32
    %dma_wait3A_127 = tpu.memref_slice %arg9[%dma_wait3A_126] : memref<327680xf32, #tpu.memory_space<hbm>> -> memref<320xf32, #tpu.memory_space<hbm>>
    %dma_wait3A_128 = arith.constant 0 : i32
    %dma_wait3A_129 = tpu.memref_slice %arg9[%dma_wait3A_128] : memref<327680xf32, #tpu.memory_space<hbm>> -> memref<320xf32, #tpu.memory_space<hbm>>
    %dma_wait3A_130 = arith.constant 0 : i32
    %dma_wait3A_131 = tpu.memref_slice %arg24[%dma_wait3A_122, %dma_wait3A_130] : memref<2x320xf32, #tpu.memory_space<vmem>> -> memref<1x320xf32, #tpu.memory_space<vmem>>
    %dma_wait3A_132 = tpu.memref_squeeze %dma_wait3A_131 : memref<1x320xf32, #tpu.memory_space<vmem>> -> memref<320xf32, #tpu.memory_space<vmem>>
    tpu.wait_dma2 semaphore(%arg28 : memref<!tpu.dma_semaphore, #tpu.memory_space<semaphore_mem>>) src(%dma_wait3A_132 : memref<320xf32, #tpu.memory_space<vmem>>) dst(%dma_wait3A_129 : memref<320xf32, #tpu.memory_space<hbm>>)
    return
  }
}

module attributes {stable_mosaic.version = 14 : i64} {
  func.func @body(%arg0: i32, %arg1: memref<32x16384xf32, #tpu.memory_space<vmem>>, %arg2: memref<32x16384xf32, #tpu.memory_space<vmem>>, %arg3: memref<4096x128xf32, #tpu.memory_space<vmem>>, %arg4: memref<4096x128xf32, #tpu.memory_space<vmem>>) attributes {dimension_semantics = [#tpu.dimension_semantics<arbitrary>], iteration_bounds = array<i64: 62>, scalar_prefetch = 0 : i64, scratch_operands = 0 : i64, tpu.core_type = #tpu.core_type<tc>, window_params = [{transform_indices = @transform_0, window_bounds = array<i64: 32, 16384>}, {transform_indices = @transform_1, window_bounds = array<i64: 32, 16384>}, {transform_indices = @transform_2, window_bounds = array<i64: 4096, 128>}, {transform_indices = @transform_3, window_bounds = array<i64: 4096, 128>}]} {
    %get3A = arith.constant 0 : index
    %get3A_0 = arith.constant 0 : index
    %get3A_1 = vector.load %arg1[%get3A, %get3A_0] : memref<32x16384xf32, #tpu.memory_space<vmem>>, vector<32x512xf32>
    %transpose3A = tpu.transpose %get3A_1, [1, 0] : vector<32x512xf32> -> vector<512x32xf32>
    %slice3A = vector.extract_strided_slice %transpose3A {offsets = [0, 0], sizes = [128, 32], strides = [1, 1]} : vector<512x32xf32> to vector<128x32xf32>
    %slice3A_2 = vector.extract_strided_slice %transpose3A {offsets = [128, 0], sizes = [128, 32], strides = [1, 1]} : vector<512x32xf32> to vector<128x32xf32>
    %slice3A_3 = vector.extract_strided_slice %transpose3A {offsets = [256, 0], sizes = [128, 32], strides = [1, 1]} : vector<512x32xf32> to vector<128x32xf32>
    %slice3A_4 = vector.extract_strided_slice %transpose3A {offsets = [384, 0], sizes = [128, 32], strides = [1, 1]} : vector<512x32xf32> to vector<128x32xf32>
    %concatenate3A = tpu.concatenate %slice3A, %slice3A_2, %slice3A_3, %slice3A_4 in 1 : vector<128x32xf32>, vector<128x32xf32>, vector<128x32xf32>, vector<128x32xf32> -> vector<128x128xf32>
    %swap3A = arith.constant 0 : index
    %swap3A_5 = arith.constant 0 : index
    %swap3A_6 = vector.load %arg3[%swap3A, %swap3A_5] : memref<4096x128xf32, #tpu.memory_space<vmem>>, vector<128x128xf32>
    tpu.vector_store %arg3[%swap3A, %swap3A_5], %concatenate3A {strides = array<i32>} : memref<4096x128xf32, #tpu.memory_space<vmem>>, vector<128x128xf32>,
    %get3A_7 = arith.constant 0 : index
    %get3A_8 = arith.constant 512 : index
    %get3A_9 = vector.load %arg1[%get3A_7, %get3A_8] : memref<32x16384xf32, #tpu.memory_space<vmem>>, vector<32x512xf32>
    %transpose3A_10 = tpu.transpose %get3A_9, [1, 0] : vector<32x512xf32> -> vector<512x32xf32>
    %slice3A_11 = vector.extract_strided_slice %transpose3A_10 {offsets = [0, 0], sizes = [128, 32], strides = [1, 1]} : vector<512x32xf32> to vector<128x32xf32>
    %slice3A_12 = vector.extract_strided_slice %transpose3A_10 {offsets = [128, 0], sizes = [128, 32], strides = [1, 1]} : vector<512x32xf32> to vector<128x32xf32>
    %slice3A_13 = vector.extract_strided_slice %transpose3A_10 {offsets = [256, 0], sizes = [128, 32], strides = [1, 1]} : vector<512x32xf32> to vector<128x32xf32>
    %slice3A_14 = vector.extract_strided_slice %transpose3A_10 {offsets = [384, 0], sizes = [128, 32], strides = [1, 1]} : vector<512x32xf32> to vector<128x32xf32>
    %concatenate3A_15 = tpu.concatenate %slice3A_11, %slice3A_12, %slice3A_13, %slice3A_14 in 1 : vector<128x32xf32>, vector<128x32xf32>, vector<128x32xf32>, vector<128x32xf32> -> vector<128x128xf32>
    %swap3A_16 = arith.constant 128 : index
    %swap3A_17 = arith.constant 0 : index
    %swap3A_18 = vector.load %arg3[%swap3A_16, %swap3A_17] : memref<4096x128xf32, #tpu.memory_space<vmem>>, vector<128x128xf32>
    tpu.vector_store %arg3[%swap3A_16, %swap3A_17], %concatenate3A_15 {strides = array<i32>} : memref<4096x128xf32, #tpu.memory_space<vmem>>, vector<128x128xf32>,
    %get3A_19 = arith.constant 0 : index
    %get3A_20 = arith.constant 1024 : index
    %get3A_21 = vector.load %arg1[%get3A_19, %get3A_20] : memref<32x16384xf32, #tpu.memory_space<vmem>>, vector<32x512xf32>
    %transpose3A_22 = tpu.transpose %get3A_21, [1, 0] : vector<32x512xf32> -> vector<512x32xf32>
    %slice3A_23 = vector.extract_strided_slice %transpose3A_22 {offsets = [0, 0], sizes = [128, 32], strides = [1, 1]} : vector<512x32xf32> to vector<128x32xf32>
    %slice3A_24 = vector.extract_strided_slice %transpose3A_22 {offsets = [128, 0], sizes = [128, 32], strides = [1, 1]} : vector<512x32xf32> to vector<128x32xf32>
    %slice3A_25 = vector.extract_strided_slice %transpose3A_22 {offsets = [256, 0], sizes = [128, 32], strides = [1, 1]} : vector<512x32xf32> to vector<128x32xf32>
    %slice3A_26 = vector.extract_strided_slice %transpose3A_22 {offsets = [384, 0], sizes = [128, 32], strides = [1, 1]} : vector<512x32xf32> to vector<128x32xf32>
    %concatenate3A_27 = tpu.concatenate %slice3A_23, %slice3A_24, %slice3A_25, %slice3A_26 in 1 : vector<128x32xf32>, vector<128x32xf32>, vector<128x32xf32>, vector<128x32xf32> -> vector<128x128xf32>
    %swap3A_28 = arith.constant 256 : index
    %swap3A_29 = arith.constant 0 : index
    %swap3A_30 = vector.load %arg3[%swap3A_28, %swap3A_29] : memref<4096x128xf32, #tpu.memory_space<vmem>>, vector<128x128xf32>
    tpu.vector_store %arg3[%swap3A_28, %swap3A_29], %concatenate3A_27 {strides = array<i32>} : memref<4096x128xf32, #tpu.memory_space<vmem>>, vector<128x128xf32>,
    %get3A_31 = arith.constant 0 : index
    %get3A_32 = arith.constant 1536 : index
    %get3A_33 = vector.load %arg1[%get3A_31, %get3A_32] : memref<32x16384xf32, #tpu.memory_space<vmem>>, vector<32x512xf32>
    %transpose3A_34 = tpu.transpose %get3A_33, [1, 0] : vector<32x512xf32> -> vector<512x32xf32>
    %slice3A_35 = vector.extract_strided_slice %transpose3A_34 {offsets = [0, 0], sizes = [128, 32], strides = [1, 1]} : vector<512x32xf32> to vector<128x32xf32>
    %slice3A_36 = vector.extract_strided_slice %transpose3A_34 {offsets = [128, 0], sizes = [128, 32], strides = [1, 1]} : vector<512x32xf32> to vector<128x32xf32>
    %slice3A_37 = vector.extract_strided_slice %transpose3A_34 {offsets = [256, 0], sizes = [128, 32], strides = [1, 1]} : vector<512x32xf32> to vector<128x32xf32>
    %slice3A_38 = vector.extract_strided_slice %transpose3A_34 {offsets = [384, 0], sizes = [128, 32], strides = [1, 1]} : vector<512x32xf32> to vector<128x32xf32>
    %concatenate3A_39 = tpu.concatenate %slice3A_35, %slice3A_36, %slice3A_37, %slice3A_38 in 1 : vector<128x32xf32>, vector<128x32xf32>, vector<128x32xf32>, vector<128x32xf32> -> vector<128x128xf32>
    %swap3A_40 = arith.constant 384 : index
    %swap3A_41 = arith.constant 0 : index
    %swap3A_42 = vector.load %arg3[%swap3A_40, %swap3A_41] : memref<4096x128xf32, #tpu.memory_space<vmem>>, vector<128x128xf32>
    tpu.vector_store %arg3[%swap3A_40, %swap3A_41], %concatenate3A_39 {strides = array<i32>} : memref<4096x128xf32, #tpu.memory_space<vmem>>, vector<128x128xf32>,
    %get3A_43 = arith.constant 0 : index
    %get3A_44 = arith.constant 2048 : index
    %get3A_45 = vector.load %arg1[%get3A_43, %get3A_44] : memref<32x16384xf32, #tpu.memory_space<vmem>>, vector<32x512xf32>
    %transpose3A_46 = tpu.transpose %get3A_45, [1, 0] : vector<32x512xf32> -> vector<512x32xf32>
    %slice3A_47 = vector.extract_strided_slice %transpose3A_46 {offsets = [0, 0], sizes = [128, 32], strides = [1, 1]} : vector<512x32xf32> to vector<128x32xf32>
    %slice3A_48 = vector.extract_strided_slice %transpose3A_46 {offsets = [128, 0], sizes = [128, 32], strides = [1, 1]} : vector<512x32xf32> to vector<128x32xf32>
    %slice3A_49 = vector.extract_strided_slice %transpose3A_46 {offsets = [256, 0], sizes = [128, 32], strides = [1, 1]} : vector<512x32xf32> to vector<128x32xf32>
    %slice3A_50 = vector.extract_strided_slice %transpose3A_46 {offsets = [384, 0], sizes = [128, 32], strides = [1, 1]} : vector<512x32xf32> to vector<128x32xf32>
    %concatenate3A_51 = tpu.concatenate %slice3A_47, %slice3A_48, %slice3A_49, %slice3A_50 in 1 : vector<128x32xf32>, vector<128x32xf32>, vector<128x32xf32>, vector<128x32xf32> -> vector<128x128xf32>
    %swap3A_52 = arith.constant 512 : index
    %swap3A_53 = arith.constant 0 : index
    %swap3A_54 = vector.load %arg3[%swap3A_52, %swap3A_53] : memref<4096x128xf32, #tpu.memory_space<vmem>>, vector<128x128xf32>
    tpu.vector_store %arg3[%swap3A_52, %swap3A_53], %concatenate3A_51 {strides = array<i32>} : memref<4096x128xf32, #tpu.memory_space<vmem>>, vector<128x128xf32>,
    %get3A_55 = arith.constant 0 : index
    %get3A_56 = arith.constant 2560 : index
    %get3A_57 = vector.load %arg1[%get3A_55, %get3A_56] : memref<32x16384xf32, #tpu.memory_space<vmem>>, vector<32x512xf32>
    %transpose3A_58 = tpu.transpose %get3A_57, [1, 0] : vector<32x512xf32> -> vector<512x32xf32>
    %slice3A_59 = vector.extract_strided_slice %transpose3A_58 {offsets = [0, 0], sizes = [128, 32], strides = [1, 1]} : vector<512x32xf32> to vector<128x32xf32>
    %slice3A_60 = vector.extract_strided_slice %transpose3A_58 {offsets = [128, 0], sizes = [128, 32], strides = [1, 1]} : vector<512x32xf32> to vector<128x32xf32>
    %slice3A_61 = vector.extract_strided_slice %transpose3A_58 {offsets = [256, 0], sizes = [128, 32], strides = [1, 1]} : vector<512x32xf32> to vector<128x32xf32>
    %slice3A_62 = vector.extract_strided_slice %transpose3A_58 {offsets = [384, 0], sizes = [128, 32], strides = [1, 1]} : vector<512x32xf32> to vector<128x32xf32>
    %concatenate3A_63 = tpu.concatenate %slice3A_59, %slice3A_60, %slice3A_61, %slice3A_62 in 1 : vector<128x32xf32>, vector<128x32xf32>, vector<128x32xf32>, vector<128x32xf32> -> vector<128x128xf32>
    %swap3A_64 = arith.constant 640 : index
    %swap3A_65 = arith.constant 0 : index
    %swap3A_66 = vector.load %arg3[%swap3A_64, %swap3A_65] : memref<4096x128xf32, #tpu.memory_space<vmem>>, vector<128x128xf32>
    tpu.vector_store %arg3[%swap3A_64, %swap3A_65], %concatenate3A_63 {strides = array<i32>} : memref<4096x128xf32, #tpu.memory_space<vmem>>, vector<128x128xf32>,
    %get3A_67 = arith.constant 0 : index
    %get3A_68 = arith.constant 3072 : index
    %get3A_69 = vector.load %arg1[%get3A_67, %get3A_68] : memref<32x16384xf32, #tpu.memory_space<vmem>>, vector<32x512xf32>
    %transpose3A_70 = tpu.transpose %get3A_69, [1, 0] : vector<32x512xf32> -> vector<512x32xf32>
    %slice3A_71 = vector.extract_strided_slice %transpose3A_70 {offsets = [0, 0], sizes = [128, 32], strides = [1, 1]} : vector<512x32xf32> to vector<128x32xf32>
    %slice3A_72 = vector.extract_strided_slice %transpose3A_70 {offsets = [128, 0], sizes = [128, 32], strides = [1, 1]} : vector<512x32xf32> to vector<128x32xf32>
    %slice3A_73 = vector.extract_strided_slice %transpose3A_70 {offsets = [256, 0], sizes = [128, 32], strides = [1, 1]} : vector<512x32xf32> to vector<128x32xf32>
    %slice3A_74 = vector.extract_strided_slice %transpose3A_70 {offsets = [384, 0], sizes = [128, 32], strides = [1, 1]} : vector<512x32xf32> to vector<128x32xf32>
    %concatenate3A_75 = tpu.concatenate %slice3A_71, %slice3A_72, %slice3A_73, %slice3A_74 in 1 : vector<128x32xf32>, vector<128x32xf32>, vector<128x32xf32>, vector<128x32xf32> -> vector<128x128xf32>
    %swap3A_76 = arith.constant 768 : index
    %swap3A_77 = arith.constant 0 : index
    %swap3A_78 = vector.load %arg3[%swap3A_76, %swap3A_77] : memref<4096x128xf32, #tpu.memory_space<vmem>>, vector<128x128xf32>
    tpu.vector_store %arg3[%swap3A_76, %swap3A_77], %concatenate3A_75 {strides = array<i32>} : memref<4096x128xf32, #tpu.memory_space<vmem>>, vector<128x128xf32>,
    %get3A_79 = arith.constant 0 : index
    %get3A_80 = arith.constant 3584 : index
    %get3A_81 = vector.load %arg1[%get3A_79, %get3A_80] : memref<32x16384xf32, #tpu.memory_space<vmem>>, vector<32x512xf32>
    %transpose3A_82 = tpu.transpose %get3A_81, [1, 0] : vector<32x512xf32> -> vector<512x32xf32>
    %slice3A_83 = vector.extract_strided_slice %transpose3A_82 {offsets = [0, 0], sizes = [128, 32], strides = [1, 1]} : vector<512x32xf32> to vector<128x32xf32>
    %slice3A_84 = vector.extract_strided_slice %transpose3A_82 {offsets = [128, 0], sizes = [128, 32], strides = [1, 1]} : vector<512x32xf32> to vector<128x32xf32>
    %slice3A_85 = vector.extract_strided_slice %transpose3A_82 {offsets = [256, 0], sizes = [128, 32], strides = [1, 1]} : vector<512x32xf32> to vector<128x32xf32>
    %slice3A_86 = vector.extract_strided_slice %transpose3A_82 {offsets = [384, 0], sizes = [128, 32], strides = [1, 1]} : vector<512x32xf32> to vector<128x32xf32>
    %concatenate3A_87 = tpu.concatenate %slice3A_83, %slice3A_84, %slice3A_85, %slice3A_86 in 1 : vector<128x32xf32>, vector<128x32xf32>, vector<128x32xf32>, vector<128x32xf32> -> vector<128x128xf32>
    %swap3A_88 = arith.constant 896 : index
    %swap3A_89 = arith.constant 0 : index
    %swap3A_90 = vector.load %arg3[%swap3A_88, %swap3A_89] : memref<4096x128xf32, #tpu.memory_space<vmem>>, vector<128x128xf32>
    tpu.vector_store %arg3[%swap3A_88, %swap3A_89], %concatenate3A_87 {strides = array<i32>} : memref<4096x128xf32, #tpu.memory_space<vmem>>, vector<128x128xf32>,
    %get3A_91 = arith.constant 0 : index
    %get3A_92 = arith.constant 4096 : index
    %get3A_93 = vector.load %arg1[%get3A_91, %get3A_92] : memref<32x16384xf32, #tpu.memory_space<vmem>>, vector<32x512xf32>
    %transpose3A_94 = tpu.transpose %get3A_93, [1, 0] : vector<32x512xf32> -> vector<512x32xf32>
    %slice3A_95 = vector.extract_strided_slice %transpose3A_94 {offsets = [0, 0], sizes = [128, 32], strides = [1, 1]} : vector<512x32xf32> to vector<128x32xf32>
    %slice3A_96 = vector.extract_strided_slice %transpose3A_94 {offsets = [128, 0], sizes = [128, 32], strides = [1, 1]} : vector<512x32xf32> to vector<128x32xf32>
    %slice3A_97 = vector.extract_strided_slice %transpose3A_94 {offsets = [256, 0], sizes = [128, 32], strides = [1, 1]} : vector<512x32xf32> to vector<128x32xf32>
    %slice3A_98 = vector.extract_strided_slice %transpose3A_94 {offsets = [384, 0], sizes = [128, 32], strides = [1, 1]} : vector<512x32xf32> to vector<128x32xf32>
    %concatenate3A_99 = tpu.concatenate %slice3A_95, %slice3A_96, %slice3A_97, %slice3A_98 in 1 : vector<128x32xf32>, vector<128x32xf32>, vector<128x32xf32>, vector<128x32xf32> -> vector<128x128xf32>
    %swap3A_100 = arith.constant 1024 : index
    %swap3A_101 = arith.constant 0 : index
    %swap3A_102 = vector.load %arg3[%swap3A_100, %swap3A_101] : memref<4096x128xf32, #tpu.memory_space<vmem>>, vector<128x128xf32>
    tpu.vector_store %arg3[%swap3A_100, %swap3A_101], %concatenate3A_99 {strides = array<i32>} : memref<4096x128xf32, #tpu.memory_space<vmem>>, vector<128x128xf32>,
    %get3A_103 = arith.constant 0 : index
    %get3A_104 = arith.constant 4608 : index
    %get3A_105 = vector.load %arg1[%get3A_103, %get3A_104] : memref<32x16384xf32, #tpu.memory_space<vmem>>, vector<32x512xf32>
    %transpose3A_106 = tpu.transpose %get3A_105, [1, 0] : vector<32x512xf32> -> vector<512x32xf32>
    %slice3A_107 = vector.extract_strided_slice %transpose3A_106 {offsets = [0, 0], sizes = [128, 32], strides = [1, 1]} : vector<512x32xf32> to vector<128x32xf32>
    %slice3A_108 = vector.extract_strided_slice %transpose3A_106 {offsets = [128, 0], sizes = [128, 32], strides = [1, 1]} : vector<512x32xf32> to vector<128x32xf32>
    %slice3A_109 = vector.extract_strided_slice %transpose3A_106 {offsets = [256, 0], sizes = [128, 32], strides = [1, 1]} : vector<512x32xf32> to vector<128x32xf32>
    %slice3A_110 = vector.extract_strided_slice %transpose3A_106 {offsets = [384, 0], sizes = [128, 32], strides = [1, 1]} : vector<512x32xf32> to vector<128x32xf32>
    %concatenate3A_111 = tpu.concatenate %slice3A_107, %slice3A_108, %slice3A_109, %slice3A_110 in 1 : vector<128x32xf32>, vector<128x32xf32>, vector<128x32xf32>, vector<128x32xf32> -> vector<128x128xf32>
    %swap3A_112 = arith.constant 1152 : index
    %swap3A_113 = arith.constant 0 : index
    %swap3A_114 = vector.load %arg3[%swap3A_112, %swap3A_113] : memref<4096x128xf32, #tpu.memory_space<vmem>>, vector<128x128xf32>
    tpu.vector_store %arg3[%swap3A_112, %swap3A_113], %concatenate3A_111 {strides = array<i32>} : memref<4096x128xf32, #tpu.memory_space<vmem>>, vector<128x128xf32>,
    %get3A_115 = arith.constant 0 : index
    %get3A_116 = arith.constant 5120 : index
    %get3A_117 = vector.load %arg1[%get3A_115, %get3A_116] : memref<32x16384xf32, #tpu.memory_space<vmem>>, vector<32x512xf32>
    %transpose3A_118 = tpu.transpose %get3A_117, [1, 0] : vector<32x512xf32> -> vector<512x32xf32>
    %slice3A_119 = vector.extract_strided_slice %transpose3A_118 {offsets = [0, 0], sizes = [128, 32], strides = [1, 1]} : vector<512x32xf32> to vector<128x32xf32>
    %slice3A_120 = vector.extract_strided_slice %transpose3A_118 {offsets = [128, 0], sizes = [128, 32], strides = [1, 1]} : vector<512x32xf32> to vector<128x32xf32>
    %slice3A_121 = vector.extract_strided_slice %transpose3A_118 {offsets = [256, 0], sizes = [128, 32], strides = [1, 1]} : vector<512x32xf32> to vector<128x32xf32>
    %slice3A_122 = vector.extract_strided_slice %transpose3A_118 {offsets = [384, 0], sizes = [128, 32], strides = [1, 1]} : vector<512x32xf32> to vector<128x32xf32>
    %concatenate3A_123 = tpu.concatenate %slice3A_119, %slice3A_120, %slice3A_121, %slice3A_122 in 1 : vector<128x32xf32>, vector<128x32xf32>, vector<128x32xf32>, vector<128x32xf32> -> vector<128x128xf32>
    %swap3A_124 = arith.constant 1280 : index
    %swap3A_125 = arith.constant 0 : index
    %swap3A_126 = vector.load %arg3[%swap3A_124, %swap3A_125] : memref<4096x128xf32, #tpu.memory_space<vmem>>, vector<128x128xf32>
    tpu.vector_store %arg3[%swap3A_124, %swap3A_125], %concatenate3A_123 {strides = array<i32>} : memref<4096x128xf32, #tpu.memory_space<vmem>>, vector<128x128xf32>,
    %get3A_127 = arith.constant 0 : index
    %get3A_128 = arith.constant 5632 : index
    %get3A_129 = vector.load %arg1[%get3A_127, %get3A_128] : memref<32x16384xf32, #tpu.memory_space<vmem>>, vector<32x512xf32>
    %transpose3A_130 = tpu.transpose %get3A_129, [1, 0] : vector<32x512xf32> -> vector<512x32xf32>
    %slice3A_131 = vector.extract_strided_slice %transpose3A_130 {offsets = [0, 0], sizes = [128, 32], strides = [1, 1]} : vector<512x32xf32> to vector<128x32xf32>
    %slice3A_132 = vector.extract_strided_slice %transpose3A_130 {offsets = [128, 0], sizes = [128, 32], strides = [1, 1]} : vector<512x32xf32> to vector<128x32xf32>
    %slice3A_133 = vector.extract_strided_slice %transpose3A_130 {offsets = [256, 0], sizes = [128, 32], strides = [1, 1]} : vector<512x32xf32> to vector<128x32xf32>
    %slice3A_134 = vector.extract_strided_slice %transpose3A_130 {offsets = [384, 0], sizes = [128, 32], strides = [1, 1]} : vector<512x32xf32> to vector<128x32xf32>
    %concatenate3A_135 = tpu.concatenate %slice3A_131, %slice3A_132, %slice3A_133, %slice3A_134 in 1 : vector<128x32xf32>, vector<128x32xf32>, vector<128x32xf32>, vector<128x32xf32> -> vector<128x128xf32>
    %swap3A_136 = arith.constant 1408 : index
    %swap3A_137 = arith.constant 0 : index
    %swap3A_138 = vector.load %arg3[%swap3A_136, %swap3A_137] : memref<4096x128xf32, #tpu.memory_space<vmem>>, vector<128x128xf32>
    tpu.vector_store %arg3[%swap3A_136, %swap3A_137], %concatenate3A_135 {strides = array<i32>} : memref<4096x128xf32, #tpu.memory_space<vmem>>, vector<128x128xf32>,
    %get3A_139 = arith.constant 0 : index
    %get3A_140 = arith.constant 6144 : index
    %get3A_141 = vector.load %arg1[%get3A_139, %get3A_140] : memref<32x16384xf32, #tpu.memory_space<vmem>>, vector<32x512xf32>
    %transpose3A_142 = tpu.transpose %get3A_141, [1, 0] : vector<32x512xf32> -> vector<512x32xf32>
    %slice3A_143 = vector.extract_strided_slice %transpose3A_142 {offsets = [0, 0], sizes = [128, 32], strides = [1, 1]} : vector<512x32xf32> to vector<128x32xf32>
    %slice3A_144 = vector.extract_strided_slice %transpose3A_142 {offsets = [128, 0], sizes = [128, 32], strides = [1, 1]} : vector<512x32xf32> to vector<128x32xf32>
    %slice3A_145 = vector.extract_strided_slice %transpose3A_142 {offsets = [256, 0], sizes = [128, 32], strides = [1, 1]} : vector<512x32xf32> to vector<128x32xf32>
    %slice3A_146 = vector.extract_strided_slice %transpose3A_142 {offsets = [384, 0], sizes = [128, 32], strides = [1, 1]} : vector<512x32xf32> to vector<128x32xf32>
    %concatenate3A_147 = tpu.concatenate %slice3A_143, %slice3A_144, %slice3A_145, %slice3A_146 in 1 : vector<128x32xf32>, vector<128x32xf32>, vector<128x32xf32>, vector<128x32xf32> -> vector<128x128xf32>
    %swap3A_148 = arith.constant 1536 : index
    %swap3A_149 = arith.constant 0 : index
    %swap3A_150 = vector.load %arg3[%swap3A_148, %swap3A_149] : memref<4096x128xf32, #tpu.memory_space<vmem>>, vector<128x128xf32>
    tpu.vector_store %arg3[%swap3A_148, %swap3A_149], %concatenate3A_147 {strides = array<i32>} : memref<4096x128xf32, #tpu.memory_space<vmem>>, vector<128x128xf32>,
    %get3A_151 = arith.constant 0 : index
    %get3A_152 = arith.constant 6656 : index
    %get3A_153 = vector.load %arg1[%get3A_151, %get3A_152] : memref<32x16384xf32, #tpu.memory_space<vmem>>, vector<32x512xf32>
    %transpose3A_154 = tpu.transpose %get3A_153, [1, 0] : vector<32x512xf32> -> vector<512x32xf32>
    %slice3A_155 = vector.extract_strided_slice %transpose3A_154 {offsets = [0, 0], sizes = [128, 32], strides = [1, 1]} : vector<512x32xf32> to vector<128x32xf32>
    %slice3A_156 = vector.extract_strided_slice %transpose3A_154 {offsets = [128, 0], sizes = [128, 32], strides = [1, 1]} : vector<512x32xf32> to vector<128x32xf32>
    %slice3A_157 = vector.extract_strided_slice %transpose3A_154 {offsets = [256, 0], sizes = [128, 32], strides = [1, 1]} : vector<512x32xf32> to vector<128x32xf32>
    %slice3A_158 = vector.extract_strided_slice %transpose3A_154 {offsets = [384, 0], sizes = [128, 32], strides = [1, 1]} : vector<512x32xf32> to vector<128x32xf32>
    %concatenate3A_159 = tpu.concatenate %slice3A_155, %slice3A_156, %slice3A_157, %slice3A_158 in 1 : vector<128x32xf32>, vector<128x32xf32>, vector<128x32xf32>, vector<128x32xf32> -> vector<128x128xf32>
    %swap3A_160 = arith.constant 1664 : index
    %swap3A_161 = arith.constant 0 : index
    %swap3A_162 = vector.load %arg3[%swap3A_160, %swap3A_161] : memref<4096x128xf32, #tpu.memory_space<vmem>>, vector<128x128xf32>
    tpu.vector_store %arg3[%swap3A_160, %swap3A_161], %concatenate3A_159 {strides = array<i32>} : memref<4096x128xf32, #tpu.memory_space<vmem>>, vector<128x128xf32>,
    %get3A_163 = arith.constant 0 : index
    %get3A_164 = arith.constant 7168 : index
    %get3A_165 = vector.load %arg1[%get3A_163, %get3A_164] : memref<32x16384xf32, #tpu.memory_space<vmem>>, vector<32x512xf32>
    %transpose3A_166 = tpu.transpose %get3A_165, [1, 0] : vector<32x512xf32> -> vector<512x32xf32>
    %slice3A_167 = vector.extract_strided_slice %transpose3A_166 {offsets = [0, 0], sizes = [128, 32], strides = [1, 1]} : vector<512x32xf32> to vector<128x32xf32>
    %slice3A_168 = vector.extract_strided_slice %transpose3A_166 {offsets = [128, 0], sizes = [128, 32], strides = [1, 1]} : vector<512x32xf32> to vector<128x32xf32>
    %slice3A_169 = vector.extract_strided_slice %transpose3A_166 {offsets = [256, 0], sizes = [128, 32], strides = [1, 1]} : vector<512x32xf32> to vector<128x32xf32>
    %slice3A_170 = vector.extract_strided_slice %transpose3A_166 {offsets = [384, 0], sizes = [128, 32], strides = [1, 1]} : vector<512x32xf32> to vector<128x32xf32>
    %concatenate3A_171 = tpu.concatenate %slice3A_167, %slice3A_168, %slice3A_169, %slice3A_170 in 1 : vector<128x32xf32>, vector<128x32xf32>, vector<128x32xf32>, vector<128x32xf32> -> vector<128x128xf32>
    %swap3A_172 = arith.constant 1792 : index
    %swap3A_173 = arith.constant 0 : index
    %swap3A_174 = vector.load %arg3[%swap3A_172, %swap3A_173] : memref<4096x128xf32, #tpu.memory_space<vmem>>, vector<128x128xf32>
    tpu.vector_store %arg3[%swap3A_172, %swap3A_173], %concatenate3A_171 {strides = array<i32>} : memref<4096x128xf32, #tpu.memory_space<vmem>>, vector<128x128xf32>,
    %get3A_175 = arith.constant 0 : index
    %get3A_176 = arith.constant 7680 : index
    %get3A_177 = vector.load %arg1[%get3A_175, %get3A_176] : memref<32x16384xf32, #tpu.memory_space<vmem>>, vector<32x512xf32>
    %transpose3A_178 = tpu.transpose %get3A_177, [1, 0] : vector<32x512xf32> -> vector<512x32xf32>
    %slice3A_179 = vector.extract_strided_slice %transpose3A_178 {offsets = [0, 0], sizes = [128, 32], strides = [1, 1]} : vector<512x32xf32> to vector<128x32xf32>
    %slice3A_180 = vector.extract_strided_slice %transpose3A_178 {offsets = [128, 0], sizes = [128, 32], strides = [1, 1]} : vector<512x32xf32> to vector<128x32xf32>
    %slice3A_181 = vector.extract_strided_slice %transpose3A_178 {offsets = [256, 0], sizes = [128, 32], strides = [1, 1]} : vector<512x32xf32> to vector<128x32xf32>
    %slice3A_182 = vector.extract_strided_slice %transpose3A_178 {offsets = [384, 0], sizes = [128, 32], strides = [1, 1]} : vector<512x32xf32> to vector<128x32xf32>
    %concatenate3A_183 = tpu.concatenate %slice3A_179, %slice3A_180, %slice3A_181, %slice3A_182 in 1 : vector<128x32xf32>, vector<128x32xf32>, vector<128x32xf32>, vector<128x32xf32> -> vector<128x128xf32>
    %swap3A_184 = arith.constant 1920 : index
    %swap3A_185 = arith.constant 0 : index
    %swap3A_186 = vector.load %arg3[%swap3A_184, %swap3A_185] : memref<4096x128xf32, #tpu.memory_space<vmem>>, vector<128x128xf32>
    tpu.vector_store %arg3[%swap3A_184, %swap3A_185], %concatenate3A_183 {strides = array<i32>} : memref<4096x128xf32, #tpu.memory_space<vmem>>, vector<128x128xf32>,
    %get3A_187 = arith.constant 0 : index
    %get3A_188 = arith.constant 8192 : index
    %get3A_189 = vector.load %arg1[%get3A_187, %get3A_188] : memref<32x16384xf32, #tpu.memory_space<vmem>>, vector<32x512xf32>
    %transpose3A_190 = tpu.transpose %get3A_189, [1, 0] : vector<32x512xf32> -> vector<512x32xf32>
    %slice3A_191 = vector.extract_strided_slice %transpose3A_190 {offsets = [0, 0], sizes = [128, 32], strides = [1, 1]} : vector<512x32xf32> to vector<128x32xf32>
    %slice3A_192 = vector.extract_strided_slice %transpose3A_190 {offsets = [128, 0], sizes = [128, 32], strides = [1, 1]} : vector<512x32xf32> to vector<128x32xf32>
    %slice3A_193 = vector.extract_strided_slice %transpose3A_190 {offsets = [256, 0], sizes = [128, 32], strides = [1, 1]} : vector<512x32xf32> to vector<128x32xf32>
    %slice3A_194 = vector.extract_strided_slice %transpose3A_190 {offsets = [384, 0], sizes = [128, 32], strides = [1, 1]} : vector<512x32xf32> to vector<128x32xf32>
    %concatenate3A_195 = tpu.concatenate %slice3A_191, %slice3A_192, %slice3A_193, %slice3A_194 in 1 : vector<128x32xf32>, vector<128x32xf32>, vector<128x32xf32>, vector<128x32xf32> -> vector<128x128xf32>
    %swap3A_196 = arith.constant 2048 : index
    %swap3A_197 = arith.constant 0 : index
    %swap3A_198 = vector.load %arg3[%swap3A_196, %swap3A_197] : memref<4096x128xf32, #tpu.memory_space<vmem>>, vector<128x128xf32>
    tpu.vector_store %arg3[%swap3A_196, %swap3A_197], %concatenate3A_195 {strides = array<i32>} : memref<4096x128xf32, #tpu.memory_space<vmem>>, vector<128x128xf32>,
    %get3A_199 = arith.constant 0 : index
    %get3A_200 = arith.constant 8704 : index
    %get3A_201 = vector.load %arg1[%get3A_199, %get3A_200] : memref<32x16384xf32, #tpu.memory_space<vmem>>, vector<32x512xf32>
    %transpose3A_202 = tpu.transpose %get3A_201, [1, 0] : vector<32x512xf32> -> vector<512x32xf32>
    %slice3A_203 = vector.extract_strided_slice %transpose3A_202 {offsets = [0, 0], sizes = [128, 32], strides = [1, 1]} : vector<512x32xf32> to vector<128x32xf32>
    %slice3A_204 = vector.extract_strided_slice %transpose3A_202 {offsets = [128, 0], sizes = [128, 32], strides = [1, 1]} : vector<512x32xf32> to vector<128x32xf32>
    %slice3A_205 = vector.extract_strided_slice %transpose3A_202 {offsets = [256, 0], sizes = [128, 32], strides = [1, 1]} : vector<512x32xf32> to vector<128x32xf32>
    %slice3A_206 = vector.extract_strided_slice %transpose3A_202 {offsets = [384, 0], sizes = [128, 32], strides = [1, 1]} : vector<512x32xf32> to vector<128x32xf32>
    %concatenate3A_207 = tpu.concatenate %slice3A_203, %slice3A_204, %slice3A_205, %slice3A_206 in 1 : vector<128x32xf32>, vector<128x32xf32>, vector<128x32xf32>, vector<128x32xf32> -> vector<128x128xf32>
    %swap3A_208 = arith.constant 2176 : index
    %swap3A_209 = arith.constant 0 : index
    %swap3A_210 = vector.load %arg3[%swap3A_208, %swap3A_209] : memref<4096x128xf32, #tpu.memory_space<vmem>>, vector<128x128xf32>
    tpu.vector_store %arg3[%swap3A_208, %swap3A_209], %concatenate3A_207 {strides = array<i32>} : memref<4096x128xf32, #tpu.memory_space<vmem>>, vector<128x128xf32>,
    %get3A_211 = arith.constant 0 : index
    %get3A_212 = arith.constant 9216 : index
    %get3A_213 = vector.load %arg1[%get3A_211, %get3A_212] : memref<32x16384xf32, #tpu.memory_space<vmem>>, vector<32x512xf32>
    %transpose3A_214 = tpu.transpose %get3A_213, [1, 0] : vector<32x512xf32> -> vector<512x32xf32>
    %slice3A_215 = vector.extract_strided_slice %transpose3A_214 {offsets = [0, 0], sizes = [128, 32], strides = [1, 1]} : vector<512x32xf32> to vector<128x32xf32>
    %slice3A_216 = vector.extract_strided_slice %transpose3A_214 {offsets = [128, 0], sizes = [128, 32], strides = [1, 1]} : vector<512x32xf32> to vector<128x32xf32>
    %slice3A_217 = vector.extract_strided_slice %transpose3A_214 {offsets = [256, 0], sizes = [128, 32], strides = [1, 1]} : vector<512x32xf32> to vector<128x32xf32>
    %slice3A_218 = vector.extract_strided_slice %transpose3A_214 {offsets = [384, 0], sizes = [128, 32], strides = [1, 1]} : vector<512x32xf32> to vector<128x32xf32>
    %concatenate3A_219 = tpu.concatenate %slice3A_215, %slice3A_216, %slice3A_217, %slice3A_218 in 1 : vector<128x32xf32>, vector<128x32xf32>, vector<128x32xf32>, vector<128x32xf32> -> vector<128x128xf32>
    %swap3A_220 = arith.constant 2304 : index
    %swap3A_221 = arith.constant 0 : index
    %swap3A_222 = vector.load %arg3[%swap3A_220, %swap3A_221] : memref<4096x128xf32, #tpu.memory_space<vmem>>, vector<128x128xf32>
    tpu.vector_store %arg3[%swap3A_220, %swap3A_221], %concatenate3A_219 {strides = array<i32>} : memref<4096x128xf32, #tpu.memory_space<vmem>>, vector<128x128xf32>,
    %get3A_223 = arith.constant 0 : index
    %get3A_224 = arith.constant 9728 : index
    %get3A_225 = vector.load %arg1[%get3A_223, %get3A_224] : memref<32x16384xf32, #tpu.memory_space<vmem>>, vector<32x512xf32>
    %transpose3A_226 = tpu.transpose %get3A_225, [1, 0] : vector<32x512xf32> -> vector<512x32xf32>
    %slice3A_227 = vector.extract_strided_slice %transpose3A_226 {offsets = [0, 0], sizes = [128, 32], strides = [1, 1]} : vector<512x32xf32> to vector<128x32xf32>
    %slice3A_228 = vector.extract_strided_slice %transpose3A_226 {offsets = [128, 0], sizes = [128, 32], strides = [1, 1]} : vector<512x32xf32> to vector<128x32xf32>
    %slice3A_229 = vector.extract_strided_slice %transpose3A_226 {offsets = [256, 0], sizes = [128, 32], strides = [1, 1]} : vector<512x32xf32> to vector<128x32xf32>
    %slice3A_230 = vector.extract_strided_slice %transpose3A_226 {offsets = [384, 0], sizes = [128, 32], strides = [1, 1]} : vector<512x32xf32> to vector<128x32xf32>
    %concatenate3A_231 = tpu.concatenate %slice3A_227, %slice3A_228, %slice3A_229, %slice3A_230 in 1 : vector<128x32xf32>, vector<128x32xf32>, vector<128x32xf32>, vector<128x32xf32> -> vector<128x128xf32>
    %swap3A_232 = arith.constant 2432 : index
    %swap3A_233 = arith.constant 0 : index
    %swap3A_234 = vector.load %arg3[%swap3A_232, %swap3A_233] : memref<4096x128xf32, #tpu.memory_space<vmem>>, vector<128x128xf32>
    tpu.vector_store %arg3[%swap3A_232, %swap3A_233], %concatenate3A_231 {strides = array<i32>} : memref<4096x128xf32, #tpu.memory_space<vmem>>, vector<128x128xf32>,
    %get3A_235 = arith.constant 0 : index
    %get3A_236 = arith.constant 10240 : index
    %get3A_237 = vector.load %arg1[%get3A_235, %get3A_236] : memref<32x16384xf32, #tpu.memory_space<vmem>>, vector<32x512xf32>
    %transpose3A_238 = tpu.transpose %get3A_237, [1, 0] : vector<32x512xf32> -> vector<512x32xf32>
    %slice3A_239 = vector.extract_strided_slice %transpose3A_238 {offsets = [0, 0], sizes = [128, 32], strides = [1, 1]} : vector<512x32xf32> to vector<128x32xf32>
    %slice3A_240 = vector.extract_strided_slice %transpose3A_238 {offsets = [128, 0], sizes = [128, 32], strides = [1, 1]} : vector<512x32xf32> to vector<128x32xf32>
    %slice3A_241 = vector.extract_strided_slice %transpose3A_238 {offsets = [256, 0], sizes = [128, 32], strides = [1, 1]} : vector<512x32xf32> to vector<128x32xf32>
    %slice3A_242 = vector.extract_strided_slice %transpose3A_238 {offsets = [384, 0], sizes = [128, 32], strides = [1, 1]} : vector<512x32xf32> to vector<128x32xf32>
    %concatenate3A_243 = tpu.concatenate %slice3A_239, %slice3A_240, %slice3A_241, %slice3A_242 in 1 : vector<128x32xf32>, vector<128x32xf32>, vector<128x32xf32>, vector<128x32xf32> -> vector<128x128xf32>
    %swap3A_244 = arith.constant 2560 : index
    %swap3A_245 = arith.constant 0 : index
    %swap3A_246 = vector.load %arg3[%swap3A_244, %swap3A_245] : memref<4096x128xf32, #tpu.memory_space<vmem>>, vector<128x128xf32>
    tpu.vector_store %arg3[%swap3A_244, %swap3A_245], %concatenate3A_243 {strides = array<i32>} : memref<4096x128xf32, #tpu.memory_space<vmem>>, vector<128x128xf32>,
    %get3A_247 = arith.constant 0 : index
    %get3A_248 = arith.constant 10752 : index
    %get3A_249 = vector.load %arg1[%get3A_247, %get3A_248] : memref<32x16384xf32, #tpu.memory_space<vmem>>, vector<32x512xf32>
    %transpose3A_250 = tpu.transpose %get3A_249, [1, 0] : vector<32x512xf32> -> vector<512x32xf32>
    %slice3A_251 = vector.extract_strided_slice %transpose3A_250 {offsets = [0, 0], sizes = [128, 32], strides = [1, 1]} : vector<512x32xf32> to vector<128x32xf32>
    %slice3A_252 = vector.extract_strided_slice %transpose3A_250 {offsets = [128, 0], sizes = [128, 32], strides = [1, 1]} : vector<512x32xf32> to vector<128x32xf32>
    %slice3A_253 = vector.extract_strided_slice %transpose3A_250 {offsets = [256, 0], sizes = [128, 32], strides = [1, 1]} : vector<512x32xf32> to vector<128x32xf32>
    %slice3A_254 = vector.extract_strided_slice %transpose3A_250 {offsets = [384, 0], sizes = [128, 32], strides = [1, 1]} : vector<512x32xf32> to vector<128x32xf32>
    %concatenate3A_255 = tpu.concatenate %slice3A_251, %slice3A_252, %slice3A_253, %slice3A_254 in 1 : vector<128x32xf32>, vector<128x32xf32>, vector<128x32xf32>, vector<128x32xf32> -> vector<128x128xf32>
    %swap3A_256 = arith.constant 2688 : index
    %swap3A_257 = arith.constant 0 : index
    %swap3A_258 = vector.load %arg3[%swap3A_256, %swap3A_257] : memref<4096x128xf32, #tpu.memory_space<vmem>>, vector<128x128xf32>
    tpu.vector_store %arg3[%swap3A_256, %swap3A_257], %concatenate3A_255 {strides = array<i32>} : memref<4096x128xf32, #tpu.memory_space<vmem>>, vector<128x128xf32>,
    %get3A_259 = arith.constant 0 : index
    %get3A_260 = arith.constant 11264 : index
    %get3A_261 = vector.load %arg1[%get3A_259, %get3A_260] : memref<32x16384xf32, #tpu.memory_space<vmem>>, vector<32x512xf32>
    %transpose3A_262 = tpu.transpose %get3A_261, [1, 0] : vector<32x512xf32> -> vector<512x32xf32>
    %slice3A_263 = vector.extract_strided_slice %transpose3A_262 {offsets = [0, 0], sizes = [128, 32], strides = [1, 1]} : vector<512x32xf32> to vector<128x32xf32>
    %slice3A_264 = vector.extract_strided_slice %transpose3A_262 {offsets = [128, 0], sizes = [128, 32], strides = [1, 1]} : vector<512x32xf32> to vector<128x32xf32>
    %slice3A_265 = vector.extract_strided_slice %transpose3A_262 {offsets = [256, 0], sizes = [128, 32], strides = [1, 1]} : vector<512x32xf32> to vector<128x32xf32>
    %slice3A_266 = vector.extract_strided_slice %transpose3A_262 {offsets = [384, 0], sizes = [128, 32], strides = [1, 1]} : vector<512x32xf32> to vector<128x32xf32>
    %concatenate3A_267 = tpu.concatenate %slice3A_263, %slice3A_264, %slice3A_265, %slice3A_266 in 1 : vector<128x32xf32>, vector<128x32xf32>, vector<128x32xf32>, vector<128x32xf32> -> vector<128x128xf32>
    %swap3A_268 = arith.constant 2816 : index
    %swap3A_269 = arith.constant 0 : index
    %swap3A_270 = vector.load %arg3[%swap3A_268, %swap3A_269] : memref<4096x128xf32, #tpu.memory_space<vmem>>, vector<128x128xf32>
    tpu.vector_store %arg3[%swap3A_268, %swap3A_269], %concatenate3A_267 {strides = array<i32>} : memref<4096x128xf32, #tpu.memory_space<vmem>>, vector<128x128xf32>,
    %get3A_271 = arith.constant 0 : index
    %get3A_272 = arith.constant 11776 : index
    %get3A_273 = vector.load %arg1[%get3A_271, %get3A_272] : memref<32x16384xf32, #tpu.memory_space<vmem>>, vector<32x512xf32>
    %transpose3A_274 = tpu.transpose %get3A_273, [1, 0] : vector<32x512xf32> -> vector<512x32xf32>
    %slice3A_275 = vector.extract_strided_slice %transpose3A_274 {offsets = [0, 0], sizes = [128, 32], strides = [1, 1]} : vector<512x32xf32> to vector<128x32xf32>
    %slice3A_276 = vector.extract_strided_slice %transpose3A_274 {offsets = [128, 0], sizes = [128, 32], strides = [1, 1]} : vector<512x32xf32> to vector<128x32xf32>
    %slice3A_277 = vector.extract_strided_slice %transpose3A_274 {offsets = [256, 0], sizes = [128, 32], strides = [1, 1]} : vector<512x32xf32> to vector<128x32xf32>
    %slice3A_278 = vector.extract_strided_slice %transpose3A_274 {offsets = [384, 0], sizes = [128, 32], strides = [1, 1]} : vector<512x32xf32> to vector<128x32xf32>
    %concatenate3A_279 = tpu.concatenate %slice3A_275, %slice3A_276, %slice3A_277, %slice3A_278 in 1 : vector<128x32xf32>, vector<128x32xf32>, vector<128x32xf32>, vector<128x32xf32> -> vector<128x128xf32>
    %swap3A_280 = arith.constant 2944 : index
    %swap3A_281 = arith.constant 0 : index
    %swap3A_282 = vector.load %arg3[%swap3A_280, %swap3A_281] : memref<4096x128xf32, #tpu.memory_space<vmem>>, vector<128x128xf32>
    tpu.vector_store %arg3[%swap3A_280, %swap3A_281], %concatenate3A_279 {strides = array<i32>} : memref<4096x128xf32, #tpu.memory_space<vmem>>, vector<128x128xf32>,
    %get3A_283 = arith.constant 0 : index
    %get3A_284 = arith.constant 12288 : index
    %get3A_285 = vector.load %arg1[%get3A_283, %get3A_284] : memref<32x16384xf32, #tpu.memory_space<vmem>>, vector<32x512xf32>
    %transpose3A_286 = tpu.transpose %get3A_285, [1, 0] : vector<32x512xf32> -> vector<512x32xf32>
    %slice3A_287 = vector.extract_strided_slice %transpose3A_286 {offsets = [0, 0], sizes = [128, 32], strides = [1, 1]} : vector<512x32xf32> to vector<128x32xf32>
    %slice3A_288 = vector.extract_strided_slice %transpose3A_286 {offsets = [128, 0], sizes = [128, 32], strides = [1, 1]} : vector<512x32xf32> to vector<128x32xf32>
    %slice3A_289 = vector.extract_strided_slice %transpose3A_286 {offsets = [256, 0], sizes = [128, 32], strides = [1, 1]} : vector<512x32xf32> to vector<128x32xf32>
    %slice3A_290 = vector.extract_strided_slice %transpose3A_286 {offsets = [384, 0], sizes = [128, 32], strides = [1, 1]} : vector<512x32xf32> to vector<128x32xf32>
    %concatenate3A_291 = tpu.concatenate %slice3A_287, %slice3A_288, %slice3A_289, %slice3A_290 in 1 : vector<128x32xf32>, vector<128x32xf32>, vector<128x32xf32>, vector<128x32xf32> -> vector<128x128xf32>
    %swap3A_292 = arith.constant 3072 : index
    %swap3A_293 = arith.constant 0 : index
    %swap3A_294 = vector.load %arg3[%swap3A_292, %swap3A_293] : memref<4096x128xf32, #tpu.memory_space<vmem>>, vector<128x128xf32>
    tpu.vector_store %arg3[%swap3A_292, %swap3A_293], %concatenate3A_291 {strides = array<i32>} : memref<4096x128xf32, #tpu.memory_space<vmem>>, vector<128x128xf32>,
    %get3A_295 = arith.constant 0 : index
    %get3A_296 = arith.constant 12800 : index
    %get3A_297 = vector.load %arg1[%get3A_295, %get3A_296] : memref<32x16384xf32, #tpu.memory_space<vmem>>, vector<32x512xf32>
    %transpose3A_298 = tpu.transpose %get3A_297, [1, 0] : vector<32x512xf32> -> vector<512x32xf32>
    %slice3A_299 = vector.extract_strided_slice %transpose3A_298 {offsets = [0, 0], sizes = [128, 32], strides = [1, 1]} : vector<512x32xf32> to vector<128x32xf32>
    %slice3A_300 = vector.extract_strided_slice %transpose3A_298 {offsets = [128, 0], sizes = [128, 32], strides = [1, 1]} : vector<512x32xf32> to vector<128x32xf32>
    %slice3A_301 = vector.extract_strided_slice %transpose3A_298 {offsets = [256, 0], sizes = [128, 32], strides = [1, 1]} : vector<512x32xf32> to vector<128x32xf32>
    %slice3A_302 = vector.extract_strided_slice %transpose3A_298 {offsets = [384, 0], sizes = [128, 32], strides = [1, 1]} : vector<512x32xf32> to vector<128x32xf32>
    %concatenate3A_303 = tpu.concatenate %slice3A_299, %slice3A_300, %slice3A_301, %slice3A_302 in 1 : vector<128x32xf32>, vector<128x32xf32>, vector<128x32xf32>, vector<128x32xf32> -> vector<128x128xf32>
    %swap3A_304 = arith.constant 3200 : index
    %swap3A_305 = arith.constant 0 : index
    %swap3A_306 = vector.load %arg3[%swap3A_304, %swap3A_305] : memref<4096x128xf32, #tpu.memory_space<vmem>>, vector<128x128xf32>
    tpu.vector_store %arg3[%swap3A_304, %swap3A_305], %concatenate3A_303 {strides = array<i32>} : memref<4096x128xf32, #tpu.memory_space<vmem>>, vector<128x128xf32>,
    %get3A_307 = arith.constant 0 : index
    %get3A_308 = arith.constant 13312 : index
    %get3A_309 = vector.load %arg1[%get3A_307, %get3A_308] : memref<32x16384xf32, #tpu.memory_space<vmem>>, vector<32x512xf32>
    %transpose3A_310 = tpu.transpose %get3A_309, [1, 0] : vector<32x512xf32> -> vector<512x32xf32>
    %slice3A_311 = vector.extract_strided_slice %transpose3A_310 {offsets = [0, 0], sizes = [128, 32], strides = [1, 1]} : vector<512x32xf32> to vector<128x32xf32>
    %slice3A_312 = vector.extract_strided_slice %transpose3A_310 {offsets = [128, 0], sizes = [128, 32], strides = [1, 1]} : vector<512x32xf32> to vector<128x32xf32>
    %slice3A_313 = vector.extract_strided_slice %transpose3A_310 {offsets = [256, 0], sizes = [128, 32], strides = [1, 1]} : vector<512x32xf32> to vector<128x32xf32>
    %slice3A_314 = vector.extract_strided_slice %transpose3A_310 {offsets = [384, 0], sizes = [128, 32], strides = [1, 1]} : vector<512x32xf32> to vector<128x32xf32>
    %concatenate3A_315 = tpu.concatenate %slice3A_311, %slice3A_312, %slice3A_313, %slice3A_314 in 1 : vector<128x32xf32>, vector<128x32xf32>, vector<128x32xf32>, vector<128x32xf32> -> vector<128x128xf32>
    %swap3A_316 = arith.constant 3328 : index
    %swap3A_317 = arith.constant 0 : index
    %swap3A_318 = vector.load %arg3[%swap3A_316, %swap3A_317] : memref<4096x128xf32, #tpu.memory_space<vmem>>, vector<128x128xf32>
    tpu.vector_store %arg3[%swap3A_316, %swap3A_317], %concatenate3A_315 {strides = array<i32>} : memref<4096x128xf32, #tpu.memory_space<vmem>>, vector<128x128xf32>,
    %get3A_319 = arith.constant 0 : index
    %get3A_320 = arith.constant 13824 : index
    %get3A_321 = vector.load %arg1[%get3A_319, %get3A_320] : memref<32x16384xf32, #tpu.memory_space<vmem>>, vector<32x512xf32>
    %transpose3A_322 = tpu.transpose %get3A_321, [1, 0] : vector<32x512xf32> -> vector<512x32xf32>
    %slice3A_323 = vector.extract_strided_slice %transpose3A_322 {offsets = [0, 0], sizes = [128, 32], strides = [1, 1]} : vector<512x32xf32> to vector<128x32xf32>
    %slice3A_324 = vector.extract_strided_slice %transpose3A_322 {offsets = [128, 0], sizes = [128, 32], strides = [1, 1]} : vector<512x32xf32> to vector<128x32xf32>
    %slice3A_325 = vector.extract_strided_slice %transpose3A_322 {offsets = [256, 0], sizes = [128, 32], strides = [1, 1]} : vector<512x32xf32> to vector<128x32xf32>
    %slice3A_326 = vector.extract_strided_slice %transpose3A_322 {offsets = [384, 0], sizes = [128, 32], strides = [1, 1]} : vector<512x32xf32> to vector<128x32xf32>
    %concatenate3A_327 = tpu.concatenate %slice3A_323, %slice3A_324, %slice3A_325, %slice3A_326 in 1 : vector<128x32xf32>, vector<128x32xf32>, vector<128x32xf32>, vector<128x32xf32> -> vector<128x128xf32>
    %swap3A_328 = arith.constant 3456 : index
    %swap3A_329 = arith.constant 0 : index
    %swap3A_330 = vector.load %arg3[%swap3A_328, %swap3A_329] : memref<4096x128xf32, #tpu.memory_space<vmem>>, vector<128x128xf32>
    tpu.vector_store %arg3[%swap3A_328, %swap3A_329], %concatenate3A_327 {strides = array<i32>} : memref<4096x128xf32, #tpu.memory_space<vmem>>, vector<128x128xf32>,
    %get3A_331 = arith.constant 0 : index
    %get3A_332 = arith.constant 14336 : index
    %get3A_333 = vector.load %arg1[%get3A_331, %get3A_332] : memref<32x16384xf32, #tpu.memory_space<vmem>>, vector<32x512xf32>
    %transpose3A_334 = tpu.transpose %get3A_333, [1, 0] : vector<32x512xf32> -> vector<512x32xf32>
    %slice3A_335 = vector.extract_strided_slice %transpose3A_334 {offsets = [0, 0], sizes = [128, 32], strides = [1, 1]} : vector<512x32xf32> to vector<128x32xf32>
    %slice3A_336 = vector.extract_strided_slice %transpose3A_334 {offsets = [128, 0], sizes = [128, 32], strides = [1, 1]} : vector<512x32xf32> to vector<128x32xf32>
    %slice3A_337 = vector.extract_strided_slice %transpose3A_334 {offsets = [256, 0], sizes = [128, 32], strides = [1, 1]} : vector<512x32xf32> to vector<128x32xf32>
    %slice3A_338 = vector.extract_strided_slice %transpose3A_334 {offsets = [384, 0], sizes = [128, 32], strides = [1, 1]} : vector<512x32xf32> to vector<128x32xf32>
    %concatenate3A_339 = tpu.concatenate %slice3A_335, %slice3A_336, %slice3A_337, %slice3A_338 in 1 : vector<128x32xf32>, vector<128x32xf32>, vector<128x32xf32>, vector<128x32xf32> -> vector<128x128xf32>
    %swap3A_340 = arith.constant 3584 : index
    %swap3A_341 = arith.constant 0 : index
    %swap3A_342 = vector.load %arg3[%swap3A_340, %swap3A_341] : memref<4096x128xf32, #tpu.memory_space<vmem>>, vector<128x128xf32>
    tpu.vector_store %arg3[%swap3A_340, %swap3A_341], %concatenate3A_339 {strides = array<i32>} : memref<4096x128xf32, #tpu.memory_space<vmem>>, vector<128x128xf32>,
    %get3A_343 = arith.constant 0 : index
    %get3A_344 = arith.constant 14848 : index
    %get3A_345 = vector.load %arg1[%get3A_343, %get3A_344] : memref<32x16384xf32, #tpu.memory_space<vmem>>, vector<32x512xf32>
    %transpose3A_346 = tpu.transpose %get3A_345, [1, 0] : vector<32x512xf32> -> vector<512x32xf32>
    %slice3A_347 = vector.extract_strided_slice %transpose3A_346 {offsets = [0, 0], sizes = [128, 32], strides = [1, 1]} : vector<512x32xf32> to vector<128x32xf32>
    %slice3A_348 = vector.extract_strided_slice %transpose3A_346 {offsets = [128, 0], sizes = [128, 32], strides = [1, 1]} : vector<512x32xf32> to vector<128x32xf32>
    %slice3A_349 = vector.extract_strided_slice %transpose3A_346 {offsets = [256, 0], sizes = [128, 32], strides = [1, 1]} : vector<512x32xf32> to vector<128x32xf32>
    %slice3A_350 = vector.extract_strided_slice %transpose3A_346 {offsets = [384, 0], sizes = [128, 32], strides = [1, 1]} : vector<512x32xf32> to vector<128x32xf32>
    %concatenate3A_351 = tpu.concatenate %slice3A_347, %slice3A_348, %slice3A_349, %slice3A_350 in 1 : vector<128x32xf32>, vector<128x32xf32>, vector<128x32xf32>, vector<128x32xf32> -> vector<128x128xf32>
    %swap3A_352 = arith.constant 3712 : index
    %swap3A_353 = arith.constant 0 : index
    %swap3A_354 = vector.load %arg3[%swap3A_352, %swap3A_353] : memref<4096x128xf32, #tpu.memory_space<vmem>>, vector<128x128xf32>
    tpu.vector_store %arg3[%swap3A_352, %swap3A_353], %concatenate3A_351 {strides = array<i32>} : memref<4096x128xf32, #tpu.memory_space<vmem>>, vector<128x128xf32>,
    %get3A_355 = arith.constant 0 : index
    %get3A_356 = arith.constant 15360 : index
    %get3A_357 = vector.load %arg1[%get3A_355, %get3A_356] : memref<32x16384xf32, #tpu.memory_space<vmem>>, vector<32x512xf32>
    %transpose3A_358 = tpu.transpose %get3A_357, [1, 0] : vector<32x512xf32> -> vector<512x32xf32>
    %slice3A_359 = vector.extract_strided_slice %transpose3A_358 {offsets = [0, 0], sizes = [128, 32], strides = [1, 1]} : vector<512x32xf32> to vector<128x32xf32>
    %slice3A_360 = vector.extract_strided_slice %transpose3A_358 {offsets = [128, 0], sizes = [128, 32], strides = [1, 1]} : vector<512x32xf32> to vector<128x32xf32>
    %slice3A_361 = vector.extract_strided_slice %transpose3A_358 {offsets = [256, 0], sizes = [128, 32], strides = [1, 1]} : vector<512x32xf32> to vector<128x32xf32>
    %slice3A_362 = vector.extract_strided_slice %transpose3A_358 {offsets = [384, 0], sizes = [128, 32], strides = [1, 1]} : vector<512x32xf32> to vector<128x32xf32>
    %concatenate3A_363 = tpu.concatenate %slice3A_359, %slice3A_360, %slice3A_361, %slice3A_362 in 1 : vector<128x32xf32>, vector<128x32xf32>, vector<128x32xf32>, vector<128x32xf32> -> vector<128x128xf32>
    %swap3A_364 = arith.constant 3840 : index
    %swap3A_365 = arith.constant 0 : index
    %swap3A_366 = vector.load %arg3[%swap3A_364, %swap3A_365] : memref<4096x128xf32, #tpu.memory_space<vmem>>, vector<128x128xf32>
    tpu.vector_store %arg3[%swap3A_364, %swap3A_365], %concatenate3A_363 {strides = array<i32>} : memref<4096x128xf32, #tpu.memory_space<vmem>>, vector<128x128xf32>,
    %get3A_367 = arith.constant 0 : index
    %get3A_368 = arith.constant 15872 : index
    %get3A_369 = vector.load %arg1[%get3A_367, %get3A_368] : memref<32x16384xf32, #tpu.memory_space<vmem>>, vector<32x512xf32>
    %transpose3A_370 = tpu.transpose %get3A_369, [1, 0] : vector<32x512xf32> -> vector<512x32xf32>
    %slice3A_371 = vector.extract_strided_slice %transpose3A_370 {offsets = [0, 0], sizes = [128, 32], strides = [1, 1]} : vector<512x32xf32> to vector<128x32xf32>
    %slice3A_372 = vector.extract_strided_slice %transpose3A_370 {offsets = [128, 0], sizes = [128, 32], strides = [1, 1]} : vector<512x32xf32> to vector<128x32xf32>
    %slice3A_373 = vector.extract_strided_slice %transpose3A_370 {offsets = [256, 0], sizes = [128, 32], strides = [1, 1]} : vector<512x32xf32> to vector<128x32xf32>
    %slice3A_374 = vector.extract_strided_slice %transpose3A_370 {offsets = [384, 0], sizes = [128, 32], strides = [1, 1]} : vector<512x32xf32> to vector<128x32xf32>
    %concatenate3A_375 = tpu.concatenate %slice3A_371, %slice3A_372, %slice3A_373, %slice3A_374 in 1 : vector<128x32xf32>, vector<128x32xf32>, vector<128x32xf32>, vector<128x32xf32> -> vector<128x128xf32>
    %swap3A_376 = arith.constant 3968 : index
    %swap3A_377 = arith.constant 0 : index
    %swap3A_378 = vector.load %arg3[%swap3A_376, %swap3A_377] : memref<4096x128xf32, #tpu.memory_space<vmem>>, vector<128x128xf32>
    tpu.vector_store %arg3[%swap3A_376, %swap3A_377], %concatenate3A_375 {strides = array<i32>} : memref<4096x128xf32, #tpu.memory_space<vmem>>, vector<128x128xf32>,
    %get3A_379 = arith.constant 0 : index
    %get3A_380 = arith.constant 0 : index
    %get3A_381 = vector.load %arg2[%get3A_379, %get3A_380] : memref<32x16384xf32, #tpu.memory_space<vmem>>, vector<32x512xf32>
    %transpose3A_382 = tpu.transpose %get3A_381, [1, 0] : vector<32x512xf32> -> vector<512x32xf32>
    %slice3A_383 = vector.extract_strided_slice %transpose3A_382 {offsets = [0, 0], sizes = [128, 32], strides = [1, 1]} : vector<512x32xf32> to vector<128x32xf32>
    %slice3A_384 = vector.extract_strided_slice %transpose3A_382 {offsets = [128, 0], sizes = [128, 32], strides = [1, 1]} : vector<512x32xf32> to vector<128x32xf32>
    %slice3A_385 = vector.extract_strided_slice %transpose3A_382 {offsets = [256, 0], sizes = [128, 32], strides = [1, 1]} : vector<512x32xf32> to vector<128x32xf32>
    %slice3A_386 = vector.extract_strided_slice %transpose3A_382 {offsets = [384, 0], sizes = [128, 32], strides = [1, 1]} : vector<512x32xf32> to vector<128x32xf32>
    %concatenate3A_387 = tpu.concatenate %slice3A_383, %slice3A_384, %slice3A_385, %slice3A_386 in 1 : vector<128x32xf32>, vector<128x32xf32>, vector<128x32xf32>, vector<128x32xf32> -> vector<128x128xf32>
    %swap3A_388 = arith.constant 0 : index
    %swap3A_389 = arith.constant 0 : index
    %swap3A_390 = vector.load %arg4[%swap3A_388, %swap3A_389] : memref<4096x128xf32, #tpu.memory_space<vmem>>, vector<128x128xf32>
    tpu.vector_store %arg4[%swap3A_388, %swap3A_389], %concatenate3A_387 {strides = array<i32>} : memref<4096x128xf32, #tpu.memory_space<vmem>>, vector<128x128xf32>,
    %get3A_391 = arith.constant 0 : index
    %get3A_392 = arith.constant 512 : index
    %get3A_393 = vector.load %arg2[%get3A_391, %get3A_392] : memref<32x16384xf32, #tpu.memory_space<vmem>>, vector<32x512xf32>
    %transpose3A_394 = tpu.transpose %get3A_393, [1, 0] : vector<32x512xf32> -> vector<512x32xf32>
    %slice3A_395 = vector.extract_strided_slice %transpose3A_394 {offsets = [0, 0], sizes = [128, 32], strides = [1, 1]} : vector<512x32xf32> to vector<128x32xf32>
    %slice3A_396 = vector.extract_strided_slice %transpose3A_394 {offsets = [128, 0], sizes = [128, 32], strides = [1, 1]} : vector<512x32xf32> to vector<128x32xf32>
    %slice3A_397 = vector.extract_strided_slice %transpose3A_394 {offsets = [256, 0], sizes = [128, 32], strides = [1, 1]} : vector<512x32xf32> to vector<128x32xf32>
    %slice3A_398 = vector.extract_strided_slice %transpose3A_394 {offsets = [384, 0], sizes = [128, 32], strides = [1, 1]} : vector<512x32xf32> to vector<128x32xf32>
    %concatenate3A_399 = tpu.concatenate %slice3A_395, %slice3A_396, %slice3A_397, %slice3A_398 in 1 : vector<128x32xf32>, vector<128x32xf32>, vector<128x32xf32>, vector<128x32xf32> -> vector<128x128xf32>
    %swap3A_400 = arith.constant 128 : index
    %swap3A_401 = arith.constant 0 : index
    %swap3A_402 = vector.load %arg4[%swap3A_400, %swap3A_401] : memref<4096x128xf32, #tpu.memory_space<vmem>>, vector<128x128xf32>
    tpu.vector_store %arg4[%swap3A_400, %swap3A_401], %concatenate3A_399 {strides = array<i32>} : memref<4096x128xf32, #tpu.memory_space<vmem>>, vector<128x128xf32>,
    %get3A_403 = arith.constant 0 : index
    %get3A_404 = arith.constant 1024 : index
    %get3A_405 = vector.load %arg2[%get3A_403, %get3A_404] : memref<32x16384xf32, #tpu.memory_space<vmem>>, vector<32x512xf32>
    %transpose3A_406 = tpu.transpose %get3A_405, [1, 0] : vector<32x512xf32> -> vector<512x32xf32>
    %slice3A_407 = vector.extract_strided_slice %transpose3A_406 {offsets = [0, 0], sizes = [128, 32], strides = [1, 1]} : vector<512x32xf32> to vector<128x32xf32>
    %slice3A_408 = vector.extract_strided_slice %transpose3A_406 {offsets = [128, 0], sizes = [128, 32], strides = [1, 1]} : vector<512x32xf32> to vector<128x32xf32>
    %slice3A_409 = vector.extract_strided_slice %transpose3A_406 {offsets = [256, 0], sizes = [128, 32], strides = [1, 1]} : vector<512x32xf32> to vector<128x32xf32>
    %slice3A_410 = vector.extract_strided_slice %transpose3A_406 {offsets = [384, 0], sizes = [128, 32], strides = [1, 1]} : vector<512x32xf32> to vector<128x32xf32>
    %concatenate3A_411 = tpu.concatenate %slice3A_407, %slice3A_408, %slice3A_409, %slice3A_410 in 1 : vector<128x32xf32>, vector<128x32xf32>, vector<128x32xf32>, vector<128x32xf32> -> vector<128x128xf32>
    %swap3A_412 = arith.constant 256 : index
    %swap3A_413 = arith.constant 0 : index
    %swap3A_414 = vector.load %arg4[%swap3A_412, %swap3A_413] : memref<4096x128xf32, #tpu.memory_space<vmem>>, vector<128x128xf32>
    tpu.vector_store %arg4[%swap3A_412, %swap3A_413], %concatenate3A_411 {strides = array<i32>} : memref<4096x128xf32, #tpu.memory_space<vmem>>, vector<128x128xf32>,
    %get3A_415 = arith.constant 0 : index
    %get3A_416 = arith.constant 1536 : index
    %get3A_417 = vector.load %arg2[%get3A_415, %get3A_416] : memref<32x16384xf32, #tpu.memory_space<vmem>>, vector<32x512xf32>
    %transpose3A_418 = tpu.transpose %get3A_417, [1, 0] : vector<32x512xf32> -> vector<512x32xf32>
    %slice3A_419 = vector.extract_strided_slice %transpose3A_418 {offsets = [0, 0], sizes = [128, 32], strides = [1, 1]} : vector<512x32xf32> to vector<128x32xf32>
    %slice3A_420 = vector.extract_strided_slice %transpose3A_418 {offsets = [128, 0], sizes = [128, 32], strides = [1, 1]} : vector<512x32xf32> to vector<128x32xf32>
    %slice3A_421 = vector.extract_strided_slice %transpose3A_418 {offsets = [256, 0], sizes = [128, 32], strides = [1, 1]} : vector<512x32xf32> to vector<128x32xf32>
    %slice3A_422 = vector.extract_strided_slice %transpose3A_418 {offsets = [384, 0], sizes = [128, 32], strides = [1, 1]} : vector<512x32xf32> to vector<128x32xf32>
    %concatenate3A_423 = tpu.concatenate %slice3A_419, %slice3A_420, %slice3A_421, %slice3A_422 in 1 : vector<128x32xf32>, vector<128x32xf32>, vector<128x32xf32>, vector<128x32xf32> -> vector<128x128xf32>
    %swap3A_424 = arith.constant 384 : index
    %swap3A_425 = arith.constant 0 : index
    %swap3A_426 = vector.load %arg4[%swap3A_424, %swap3A_425] : memref<4096x128xf32, #tpu.memory_space<vmem>>, vector<128x128xf32>
    tpu.vector_store %arg4[%swap3A_424, %swap3A_425], %concatenate3A_423 {strides = array<i32>} : memref<4096x128xf32, #tpu.memory_space<vmem>>, vector<128x128xf32>,
    %get3A_427 = arith.constant 0 : index
    %get3A_428 = arith.constant 2048 : index
    %get3A_429 = vector.load %arg2[%get3A_427, %get3A_428] : memref<32x16384xf32, #tpu.memory_space<vmem>>, vector<32x512xf32>
    %transpose3A_430 = tpu.transpose %get3A_429, [1, 0] : vector<32x512xf32> -> vector<512x32xf32>
    %slice3A_431 = vector.extract_strided_slice %transpose3A_430 {offsets = [0, 0], sizes = [128, 32], strides = [1, 1]} : vector<512x32xf32> to vector<128x32xf32>
    %slice3A_432 = vector.extract_strided_slice %transpose3A_430 {offsets = [128, 0], sizes = [128, 32], strides = [1, 1]} : vector<512x32xf32> to vector<128x32xf32>
    %slice3A_433 = vector.extract_strided_slice %transpose3A_430 {offsets = [256, 0], sizes = [128, 32], strides = [1, 1]} : vector<512x32xf32> to vector<128x32xf32>
    %slice3A_434 = vector.extract_strided_slice %transpose3A_430 {offsets = [384, 0], sizes = [128, 32], strides = [1, 1]} : vector<512x32xf32> to vector<128x32xf32>
    %concatenate3A_435 = tpu.concatenate %slice3A_431, %slice3A_432, %slice3A_433, %slice3A_434 in 1 : vector<128x32xf32>, vector<128x32xf32>, vector<128x32xf32>, vector<128x32xf32> -> vector<128x128xf32>
    %swap3A_436 = arith.constant 512 : index
    %swap3A_437 = arith.constant 0 : index
    %swap3A_438 = vector.load %arg4[%swap3A_436, %swap3A_437] : memref<4096x128xf32, #tpu.memory_space<vmem>>, vector<128x128xf32>
    tpu.vector_store %arg4[%swap3A_436, %swap3A_437], %concatenate3A_435 {strides = array<i32>} : memref<4096x128xf32, #tpu.memory_space<vmem>>, vector<128x128xf32>,
    %get3A_439 = arith.constant 0 : index
    %get3A_440 = arith.constant 2560 : index
    %get3A_441 = vector.load %arg2[%get3A_439, %get3A_440] : memref<32x16384xf32, #tpu.memory_space<vmem>>, vector<32x512xf32>
    %transpose3A_442 = tpu.transpose %get3A_441, [1, 0] : vector<32x512xf32> -> vector<512x32xf32>
    %slice3A_443 = vector.extract_strided_slice %transpose3A_442 {offsets = [0, 0], sizes = [128, 32], strides = [1, 1]} : vector<512x32xf32> to vector<128x32xf32>
    %slice3A_444 = vector.extract_strided_slice %transpose3A_442 {offsets = [128, 0], sizes = [128, 32], strides = [1, 1]} : vector<512x32xf32> to vector<128x32xf32>
    %slice3A_445 = vector.extract_strided_slice %transpose3A_442 {offsets = [256, 0], sizes = [128, 32], strides = [1, 1]} : vector<512x32xf32> to vector<128x32xf32>
    %slice3A_446 = vector.extract_strided_slice %transpose3A_442 {offsets = [384, 0], sizes = [128, 32], strides = [1, 1]} : vector<512x32xf32> to vector<128x32xf32>
    %concatenate3A_447 = tpu.concatenate %slice3A_443, %slice3A_444, %slice3A_445, %slice3A_446 in 1 : vector<128x32xf32>, vector<128x32xf32>, vector<128x32xf32>, vector<128x32xf32> -> vector<128x128xf32>
    %swap3A_448 = arith.constant 640 : index
    %swap3A_449 = arith.constant 0 : index
    %swap3A_450 = vector.load %arg4[%swap3A_448, %swap3A_449] : memref<4096x128xf32, #tpu.memory_space<vmem>>, vector<128x128xf32>
    tpu.vector_store %arg4[%swap3A_448, %swap3A_449], %concatenate3A_447 {strides = array<i32>} : memref<4096x128xf32, #tpu.memory_space<vmem>>, vector<128x128xf32>,
    %get3A_451 = arith.constant 0 : index
    %get3A_452 = arith.constant 3072 : index
    %get3A_453 = vector.load %arg2[%get3A_451, %get3A_452] : memref<32x16384xf32, #tpu.memory_space<vmem>>, vector<32x512xf32>
    %transpose3A_454 = tpu.transpose %get3A_453, [1, 0] : vector<32x512xf32> -> vector<512x32xf32>
    %slice3A_455 = vector.extract_strided_slice %transpose3A_454 {offsets = [0, 0], sizes = [128, 32], strides = [1, 1]} : vector<512x32xf32> to vector<128x32xf32>
    %slice3A_456 = vector.extract_strided_slice %transpose3A_454 {offsets = [128, 0], sizes = [128, 32], strides = [1, 1]} : vector<512x32xf32> to vector<128x32xf32>
    %slice3A_457 = vector.extract_strided_slice %transpose3A_454 {offsets = [256, 0], sizes = [128, 32], strides = [1, 1]} : vector<512x32xf32> to vector<128x32xf32>
    %slice3A_458 = vector.extract_strided_slice %transpose3A_454 {offsets = [384, 0], sizes = [128, 32], strides = [1, 1]} : vector<512x32xf32> to vector<128x32xf32>
    %concatenate3A_459 = tpu.concatenate %slice3A_455, %slice3A_456, %slice3A_457, %slice3A_458 in 1 : vector<128x32xf32>, vector<128x32xf32>, vector<128x32xf32>, vector<128x32xf32> -> vector<128x128xf32>
    %swap3A_460 = arith.constant 768 : index
    %swap3A_461 = arith.constant 0 : index
    %swap3A_462 = vector.load %arg4[%swap3A_460, %swap3A_461] : memref<4096x128xf32, #tpu.memory_space<vmem>>, vector<128x128xf32>
    tpu.vector_store %arg4[%swap3A_460, %swap3A_461], %concatenate3A_459 {strides = array<i32>} : memref<4096x128xf32, #tpu.memory_space<vmem>>, vector<128x128xf32>,
    %get3A_463 = arith.constant 0 : index
    %get3A_464 = arith.constant 3584 : index
    %get3A_465 = vector.load %arg2[%get3A_463, %get3A_464] : memref<32x16384xf32, #tpu.memory_space<vmem>>, vector<32x512xf32>
    %transpose3A_466 = tpu.transpose %get3A_465, [1, 0] : vector<32x512xf32> -> vector<512x32xf32>
    %slice3A_467 = vector.extract_strided_slice %transpose3A_466 {offsets = [0, 0], sizes = [128, 32], strides = [1, 1]} : vector<512x32xf32> to vector<128x32xf32>
    %slice3A_468 = vector.extract_strided_slice %transpose3A_466 {offsets = [128, 0], sizes = [128, 32], strides = [1, 1]} : vector<512x32xf32> to vector<128x32xf32>
    %slice3A_469 = vector.extract_strided_slice %transpose3A_466 {offsets = [256, 0], sizes = [128, 32], strides = [1, 1]} : vector<512x32xf32> to vector<128x32xf32>
    %slice3A_470 = vector.extract_strided_slice %transpose3A_466 {offsets = [384, 0], sizes = [128, 32], strides = [1, 1]} : vector<512x32xf32> to vector<128x32xf32>
    %concatenate3A_471 = tpu.concatenate %slice3A_467, %slice3A_468, %slice3A_469, %slice3A_470 in 1 : vector<128x32xf32>, vector<128x32xf32>, vector<128x32xf32>, vector<128x32xf32> -> vector<128x128xf32>
    %swap3A_472 = arith.constant 896 : index
    %swap3A_473 = arith.constant 0 : index
    %swap3A_474 = vector.load %arg4[%swap3A_472, %swap3A_473] : memref<4096x128xf32, #tpu.memory_space<vmem>>, vector<128x128xf32>
    tpu.vector_store %arg4[%swap3A_472, %swap3A_473], %concatenate3A_471 {strides = array<i32>} : memref<4096x128xf32, #tpu.memory_space<vmem>>, vector<128x128xf32>,
    %get3A_475 = arith.constant 0 : index
    %get3A_476 = arith.constant 4096 : index
    %get3A_477 = vector.load %arg2[%get3A_475, %get3A_476] : memref<32x16384xf32, #tpu.memory_space<vmem>>, vector<32x512xf32>
    %transpose3A_478 = tpu.transpose %get3A_477, [1, 0] : vector<32x512xf32> -> vector<512x32xf32>
    %slice3A_479 = vector.extract_strided_slice %transpose3A_478 {offsets = [0, 0], sizes = [128, 32], strides = [1, 1]} : vector<512x32xf32> to vector<128x32xf32>
    %slice3A_480 = vector.extract_strided_slice %transpose3A_478 {offsets = [128, 0], sizes = [128, 32], strides = [1, 1]} : vector<512x32xf32> to vector<128x32xf32>
    %slice3A_481 = vector.extract_strided_slice %transpose3A_478 {offsets = [256, 0], sizes = [128, 32], strides = [1, 1]} : vector<512x32xf32> to vector<128x32xf32>
    %slice3A_482 = vector.extract_strided_slice %transpose3A_478 {offsets = [384, 0], sizes = [128, 32], strides = [1, 1]} : vector<512x32xf32> to vector<128x32xf32>
    %concatenate3A_483 = tpu.concatenate %slice3A_479, %slice3A_480, %slice3A_481, %slice3A_482 in 1 : vector<128x32xf32>, vector<128x32xf32>, vector<128x32xf32>, vector<128x32xf32> -> vector<128x128xf32>
    %swap3A_484 = arith.constant 1024 : index
    %swap3A_485 = arith.constant 0 : index
    %swap3A_486 = vector.load %arg4[%swap3A_484, %swap3A_485] : memref<4096x128xf32, #tpu.memory_space<vmem>>, vector<128x128xf32>
    tpu.vector_store %arg4[%swap3A_484, %swap3A_485], %concatenate3A_483 {strides = array<i32>} : memref<4096x128xf32, #tpu.memory_space<vmem>>, vector<128x128xf32>,
    %get3A_487 = arith.constant 0 : index
    %get3A_488 = arith.constant 4608 : index
    %get3A_489 = vector.load %arg2[%get3A_487, %get3A_488] : memref<32x16384xf32, #tpu.memory_space<vmem>>, vector<32x512xf32>
    %transpose3A_490 = tpu.transpose %get3A_489, [1, 0] : vector<32x512xf32> -> vector<512x32xf32>
    %slice3A_491 = vector.extract_strided_slice %transpose3A_490 {offsets = [0, 0], sizes = [128, 32], strides = [1, 1]} : vector<512x32xf32> to vector<128x32xf32>
    %slice3A_492 = vector.extract_strided_slice %transpose3A_490 {offsets = [128, 0], sizes = [128, 32], strides = [1, 1]} : vector<512x32xf32> to vector<128x32xf32>
    %slice3A_493 = vector.extract_strided_slice %transpose3A_490 {offsets = [256, 0], sizes = [128, 32], strides = [1, 1]} : vector<512x32xf32> to vector<128x32xf32>
    %slice3A_494 = vector.extract_strided_slice %transpose3A_490 {offsets = [384, 0], sizes = [128, 32], strides = [1, 1]} : vector<512x32xf32> to vector<128x32xf32>
    %concatenate3A_495 = tpu.concatenate %slice3A_491, %slice3A_492, %slice3A_493, %slice3A_494 in 1 : vector<128x32xf32>, vector<128x32xf32>, vector<128x32xf32>, vector<128x32xf32> -> vector<128x128xf32>
    %swap3A_496 = arith.constant 1152 : index
    %swap3A_497 = arith.constant 0 : index
    %swap3A_498 = vector.load %arg4[%swap3A_496, %swap3A_497] : memref<4096x128xf32, #tpu.memory_space<vmem>>, vector<128x128xf32>
    tpu.vector_store %arg4[%swap3A_496, %swap3A_497], %concatenate3A_495 {strides = array<i32>} : memref<4096x128xf32, #tpu.memory_space<vmem>>, vector<128x128xf32>,
    %get3A_499 = arith.constant 0 : index
    %get3A_500 = arith.constant 5120 : index
    %get3A_501 = vector.load %arg2[%get3A_499, %get3A_500] : memref<32x16384xf32, #tpu.memory_space<vmem>>, vector<32x512xf32>
    %transpose3A_502 = tpu.transpose %get3A_501, [1, 0] : vector<32x512xf32> -> vector<512x32xf32>
    %slice3A_503 = vector.extract_strided_slice %transpose3A_502 {offsets = [0, 0], sizes = [128, 32], strides = [1, 1]} : vector<512x32xf32> to vector<128x32xf32>
    %slice3A_504 = vector.extract_strided_slice %transpose3A_502 {offsets = [128, 0], sizes = [128, 32], strides = [1, 1]} : vector<512x32xf32> to vector<128x32xf32>
    %slice3A_505 = vector.extract_strided_slice %transpose3A_502 {offsets = [256, 0], sizes = [128, 32], strides = [1, 1]} : vector<512x32xf32> to vector<128x32xf32>
    %slice3A_506 = vector.extract_strided_slice %transpose3A_502 {offsets = [384, 0], sizes = [128, 32], strides = [1, 1]} : vector<512x32xf32> to vector<128x32xf32>
    %concatenate3A_507 = tpu.concatenate %slice3A_503, %slice3A_504, %slice3A_505, %slice3A_506 in 1 : vector<128x32xf32>, vector<128x32xf32>, vector<128x32xf32>, vector<128x32xf32> -> vector<128x128xf32>
    %swap3A_508 = arith.constant 1280 : index
    %swap3A_509 = arith.constant 0 : index
    %swap3A_510 = vector.load %arg4[%swap3A_508, %swap3A_509] : memref<4096x128xf32, #tpu.memory_space<vmem>>, vector<128x128xf32>
    tpu.vector_store %arg4[%swap3A_508, %swap3A_509], %concatenate3A_507 {strides = array<i32>} : memref<4096x128xf32, #tpu.memory_space<vmem>>, vector<128x128xf32>,
    %get3A_511 = arith.constant 0 : index
    %get3A_512 = arith.constant 5632 : index
    %get3A_513 = vector.load %arg2[%get3A_511, %get3A_512] : memref<32x16384xf32, #tpu.memory_space<vmem>>, vector<32x512xf32>
    %transpose3A_514 = tpu.transpose %get3A_513, [1, 0] : vector<32x512xf32> -> vector<512x32xf32>
    %slice3A_515 = vector.extract_strided_slice %transpose3A_514 {offsets = [0, 0], sizes = [128, 32], strides = [1, 1]} : vector<512x32xf32> to vector<128x32xf32>
    %slice3A_516 = vector.extract_strided_slice %transpose3A_514 {offsets = [128, 0], sizes = [128, 32], strides = [1, 1]} : vector<512x32xf32> to vector<128x32xf32>
    %slice3A_517 = vector.extract_strided_slice %transpose3A_514 {offsets = [256, 0], sizes = [128, 32], strides = [1, 1]} : vector<512x32xf32> to vector<128x32xf32>
    %slice3A_518 = vector.extract_strided_slice %transpose3A_514 {offsets = [384, 0], sizes = [128, 32], strides = [1, 1]} : vector<512x32xf32> to vector<128x32xf32>
    %concatenate3A_519 = tpu.concatenate %slice3A_515, %slice3A_516, %slice3A_517, %slice3A_518 in 1 : vector<128x32xf32>, vector<128x32xf32>, vector<128x32xf32>, vector<128x32xf32> -> vector<128x128xf32>
    %swap3A_520 = arith.constant 1408 : index
    %swap3A_521 = arith.constant 0 : index
    %swap3A_522 = vector.load %arg4[%swap3A_520, %swap3A_521] : memref<4096x128xf32, #tpu.memory_space<vmem>>, vector<128x128xf32>
    tpu.vector_store %arg4[%swap3A_520, %swap3A_521], %concatenate3A_519 {strides = array<i32>} : memref<4096x128xf32, #tpu.memory_space<vmem>>, vector<128x128xf32>,
    %get3A_523 = arith.constant 0 : index
    %get3A_524 = arith.constant 6144 : index
    %get3A_525 = vector.load %arg2[%get3A_523, %get3A_524] : memref<32x16384xf32, #tpu.memory_space<vmem>>, vector<32x512xf32>
    %transpose3A_526 = tpu.transpose %get3A_525, [1, 0] : vector<32x512xf32> -> vector<512x32xf32>
    %slice3A_527 = vector.extract_strided_slice %transpose3A_526 {offsets = [0, 0], sizes = [128, 32], strides = [1, 1]} : vector<512x32xf32> to vector<128x32xf32>
    %slice3A_528 = vector.extract_strided_slice %transpose3A_526 {offsets = [128, 0], sizes = [128, 32], strides = [1, 1]} : vector<512x32xf32> to vector<128x32xf32>
    %slice3A_529 = vector.extract_strided_slice %transpose3A_526 {offsets = [256, 0], sizes = [128, 32], strides = [1, 1]} : vector<512x32xf32> to vector<128x32xf32>
    %slice3A_530 = vector.extract_strided_slice %transpose3A_526 {offsets = [384, 0], sizes = [128, 32], strides = [1, 1]} : vector<512x32xf32> to vector<128x32xf32>
    %concatenate3A_531 = tpu.concatenate %slice3A_527, %slice3A_528, %slice3A_529, %slice3A_530 in 1 : vector<128x32xf32>, vector<128x32xf32>, vector<128x32xf32>, vector<128x32xf32> -> vector<128x128xf32>
    %swap3A_532 = arith.constant 1536 : index
    %swap3A_533 = arith.constant 0 : index
    %swap3A_534 = vector.load %arg4[%swap3A_532, %swap3A_533] : memref<4096x128xf32, #tpu.memory_space<vmem>>, vector<128x128xf32>
    tpu.vector_store %arg4[%swap3A_532, %swap3A_533], %concatenate3A_531 {strides = array<i32>} : memref<4096x128xf32, #tpu.memory_space<vmem>>, vector<128x128xf32>,
    %get3A_535 = arith.constant 0 : index
    %get3A_536 = arith.constant 6656 : index
    %get3A_537 = vector.load %arg2[%get3A_535, %get3A_536] : memref<32x16384xf32, #tpu.memory_space<vmem>>, vector<32x512xf32>
    %transpose3A_538 = tpu.transpose %get3A_537, [1, 0] : vector<32x512xf32> -> vector<512x32xf32>
    %slice3A_539 = vector.extract_strided_slice %transpose3A_538 {offsets = [0, 0], sizes = [128, 32], strides = [1, 1]} : vector<512x32xf32> to vector<128x32xf32>
    %slice3A_540 = vector.extract_strided_slice %transpose3A_538 {offsets = [128, 0], sizes = [128, 32], strides = [1, 1]} : vector<512x32xf32> to vector<128x32xf32>
    %slice3A_541 = vector.extract_strided_slice %transpose3A_538 {offsets = [256, 0], sizes = [128, 32], strides = [1, 1]} : vector<512x32xf32> to vector<128x32xf32>
    %slice3A_542 = vector.extract_strided_slice %transpose3A_538 {offsets = [384, 0], sizes = [128, 32], strides = [1, 1]} : vector<512x32xf32> to vector<128x32xf32>
    %concatenate3A_543 = tpu.concatenate %slice3A_539, %slice3A_540, %slice3A_541, %slice3A_542 in 1 : vector<128x32xf32>, vector<128x32xf32>, vector<128x32xf32>, vector<128x32xf32> -> vector<128x128xf32>
    %swap3A_544 = arith.constant 1664 : index
    %swap3A_545 = arith.constant 0 : index
    %swap3A_546 = vector.load %arg4[%swap3A_544, %swap3A_545] : memref<4096x128xf32, #tpu.memory_space<vmem>>, vector<128x128xf32>
    tpu.vector_store %arg4[%swap3A_544, %swap3A_545], %concatenate3A_543 {strides = array<i32>} : memref<4096x128xf32, #tpu.memory_space<vmem>>, vector<128x128xf32>,
    %get3A_547 = arith.constant 0 : index
    %get3A_548 = arith.constant 7168 : index
    %get3A_549 = vector.load %arg2[%get3A_547, %get3A_548] : memref<32x16384xf32, #tpu.memory_space<vmem>>, vector<32x512xf32>
    %transpose3A_550 = tpu.transpose %get3A_549, [1, 0] : vector<32x512xf32> -> vector<512x32xf32>
    %slice3A_551 = vector.extract_strided_slice %transpose3A_550 {offsets = [0, 0], sizes = [128, 32], strides = [1, 1]} : vector<512x32xf32> to vector<128x32xf32>
    %slice3A_552 = vector.extract_strided_slice %transpose3A_550 {offsets = [128, 0], sizes = [128, 32], strides = [1, 1]} : vector<512x32xf32> to vector<128x32xf32>
    %slice3A_553 = vector.extract_strided_slice %transpose3A_550 {offsets = [256, 0], sizes = [128, 32], strides = [1, 1]} : vector<512x32xf32> to vector<128x32xf32>
    %slice3A_554 = vector.extract_strided_slice %transpose3A_550 {offsets = [384, 0], sizes = [128, 32], strides = [1, 1]} : vector<512x32xf32> to vector<128x32xf32>
    %concatenate3A_555 = tpu.concatenate %slice3A_551, %slice3A_552, %slice3A_553, %slice3A_554 in 1 : vector<128x32xf32>, vector<128x32xf32>, vector<128x32xf32>, vector<128x32xf32> -> vector<128x128xf32>
    %swap3A_556 = arith.constant 1792 : index
    %swap3A_557 = arith.constant 0 : index
    %swap3A_558 = vector.load %arg4[%swap3A_556, %swap3A_557] : memref<4096x128xf32, #tpu.memory_space<vmem>>, vector<128x128xf32>
    tpu.vector_store %arg4[%swap3A_556, %swap3A_557], %concatenate3A_555 {strides = array<i32>} : memref<4096x128xf32, #tpu.memory_space<vmem>>, vector<128x128xf32>,
    %get3A_559 = arith.constant 0 : index
    %get3A_560 = arith.constant 7680 : index
    %get3A_561 = vector.load %arg2[%get3A_559, %get3A_560] : memref<32x16384xf32, #tpu.memory_space<vmem>>, vector<32x512xf32>
    %transpose3A_562 = tpu.transpose %get3A_561, [1, 0] : vector<32x512xf32> -> vector<512x32xf32>
    %slice3A_563 = vector.extract_strided_slice %transpose3A_562 {offsets = [0, 0], sizes = [128, 32], strides = [1, 1]} : vector<512x32xf32> to vector<128x32xf32>
    %slice3A_564 = vector.extract_strided_slice %transpose3A_562 {offsets = [128, 0], sizes = [128, 32], strides = [1, 1]} : vector<512x32xf32> to vector<128x32xf32>
    %slice3A_565 = vector.extract_strided_slice %transpose3A_562 {offsets = [256, 0], sizes = [128, 32], strides = [1, 1]} : vector<512x32xf32> to vector<128x32xf32>
    %slice3A_566 = vector.extract_strided_slice %transpose3A_562 {offsets = [384, 0], sizes = [128, 32], strides = [1, 1]} : vector<512x32xf32> to vector<128x32xf32>
    %concatenate3A_567 = tpu.concatenate %slice3A_563, %slice3A_564, %slice3A_565, %slice3A_566 in 1 : vector<128x32xf32>, vector<128x32xf32>, vector<128x32xf32>, vector<128x32xf32> -> vector<128x128xf32>
    %swap3A_568 = arith.constant 1920 : index
    %swap3A_569 = arith.constant 0 : index
    %swap3A_570 = vector.load %arg4[%swap3A_568, %swap3A_569] : memref<4096x128xf32, #tpu.memory_space<vmem>>, vector<128x128xf32>
    tpu.vector_store %arg4[%swap3A_568, %swap3A_569], %concatenate3A_567 {strides = array<i32>} : memref<4096x128xf32, #tpu.memory_space<vmem>>, vector<128x128xf32>,
    %get3A_571 = arith.constant 0 : index
    %get3A_572 = arith.constant 8192 : index
    %get3A_573 = vector.load %arg2[%get3A_571, %get3A_572] : memref<32x16384xf32, #tpu.memory_space<vmem>>, vector<32x512xf32>
    %transpose3A_574 = tpu.transpose %get3A_573, [1, 0] : vector<32x512xf32> -> vector<512x32xf32>
    %slice3A_575 = vector.extract_strided_slice %transpose3A_574 {offsets = [0, 0], sizes = [128, 32], strides = [1, 1]} : vector<512x32xf32> to vector<128x32xf32>
    %slice3A_576 = vector.extract_strided_slice %transpose3A_574 {offsets = [128, 0], sizes = [128, 32], strides = [1, 1]} : vector<512x32xf32> to vector<128x32xf32>
    %slice3A_577 = vector.extract_strided_slice %transpose3A_574 {offsets = [256, 0], sizes = [128, 32], strides = [1, 1]} : vector<512x32xf32> to vector<128x32xf32>
    %slice3A_578 = vector.extract_strided_slice %transpose3A_574 {offsets = [384, 0], sizes = [128, 32], strides = [1, 1]} : vector<512x32xf32> to vector<128x32xf32>
    %concatenate3A_579 = tpu.concatenate %slice3A_575, %slice3A_576, %slice3A_577, %slice3A_578 in 1 : vector<128x32xf32>, vector<128x32xf32>, vector<128x32xf32>, vector<128x32xf32> -> vector<128x128xf32>
    %swap3A_580 = arith.constant 2048 : index
    %swap3A_581 = arith.constant 0 : index
    %swap3A_582 = vector.load %arg4[%swap3A_580, %swap3A_581] : memref<4096x128xf32, #tpu.memory_space<vmem>>, vector<128x128xf32>
    tpu.vector_store %arg4[%swap3A_580, %swap3A_581], %concatenate3A_579 {strides = array<i32>} : memref<4096x128xf32, #tpu.memory_space<vmem>>, vector<128x128xf32>,
    %get3A_583 = arith.constant 0 : index
    %get3A_584 = arith.constant 8704 : index
    %get3A_585 = vector.load %arg2[%get3A_583, %get3A_584] : memref<32x16384xf32, #tpu.memory_space<vmem>>, vector<32x512xf32>
    %transpose3A_586 = tpu.transpose %get3A_585, [1, 0] : vector<32x512xf32> -> vector<512x32xf32>
    %slice3A_587 = vector.extract_strided_slice %transpose3A_586 {offsets = [0, 0], sizes = [128, 32], strides = [1, 1]} : vector<512x32xf32> to vector<128x32xf32>
    %slice3A_588 = vector.extract_strided_slice %transpose3A_586 {offsets = [128, 0], sizes = [128, 32], strides = [1, 1]} : vector<512x32xf32> to vector<128x32xf32>
    %slice3A_589 = vector.extract_strided_slice %transpose3A_586 {offsets = [256, 0], sizes = [128, 32], strides = [1, 1]} : vector<512x32xf32> to vector<128x32xf32>
    %slice3A_590 = vector.extract_strided_slice %transpose3A_586 {offsets = [384, 0], sizes = [128, 32], strides = [1, 1]} : vector<512x32xf32> to vector<128x32xf32>
    %concatenate3A_591 = tpu.concatenate %slice3A_587, %slice3A_588, %slice3A_589, %slice3A_590 in 1 : vector<128x32xf32>, vector<128x32xf32>, vector<128x32xf32>, vector<128x32xf32> -> vector<128x128xf32>
    %swap3A_592 = arith.constant 2176 : index
    %swap3A_593 = arith.constant 0 : index
    %swap3A_594 = vector.load %arg4[%swap3A_592, %swap3A_593] : memref<4096x128xf32, #tpu.memory_space<vmem>>, vector<128x128xf32>
    tpu.vector_store %arg4[%swap3A_592, %swap3A_593], %concatenate3A_591 {strides = array<i32>} : memref<4096x128xf32, #tpu.memory_space<vmem>>, vector<128x128xf32>,
    %get3A_595 = arith.constant 0 : index
    %get3A_596 = arith.constant 9216 : index
    %get3A_597 = vector.load %arg2[%get3A_595, %get3A_596] : memref<32x16384xf32, #tpu.memory_space<vmem>>, vector<32x512xf32>
    %transpose3A_598 = tpu.transpose %get3A_597, [1, 0] : vector<32x512xf32> -> vector<512x32xf32>
    %slice3A_599 = vector.extract_strided_slice %transpose3A_598 {offsets = [0, 0], sizes = [128, 32], strides = [1, 1]} : vector<512x32xf32> to vector<128x32xf32>
    %slice3A_600 = vector.extract_strided_slice %transpose3A_598 {offsets = [128, 0], sizes = [128, 32], strides = [1, 1]} : vector<512x32xf32> to vector<128x32xf32>
    %slice3A_601 = vector.extract_strided_slice %transpose3A_598 {offsets = [256, 0], sizes = [128, 32], strides = [1, 1]} : vector<512x32xf32> to vector<128x32xf32>
    %slice3A_602 = vector.extract_strided_slice %transpose3A_598 {offsets = [384, 0], sizes = [128, 32], strides = [1, 1]} : vector<512x32xf32> to vector<128x32xf32>
    %concatenate3A_603 = tpu.concatenate %slice3A_599, %slice3A_600, %slice3A_601, %slice3A_602 in 1 : vector<128x32xf32>, vector<128x32xf32>, vector<128x32xf32>, vector<128x32xf32> -> vector<128x128xf32>
    %swap3A_604 = arith.constant 2304 : index
    %swap3A_605 = arith.constant 0 : index
    %swap3A_606 = vector.load %arg4[%swap3A_604, %swap3A_605] : memref<4096x128xf32, #tpu.memory_space<vmem>>, vector<128x128xf32>
    tpu.vector_store %arg4[%swap3A_604, %swap3A_605], %concatenate3A_603 {strides = array<i32>} : memref<4096x128xf32, #tpu.memory_space<vmem>>, vector<128x128xf32>,
    %get3A_607 = arith.constant 0 : index
    %get3A_608 = arith.constant 9728 : index
    %get3A_609 = vector.load %arg2[%get3A_607, %get3A_608] : memref<32x16384xf32, #tpu.memory_space<vmem>>, vector<32x512xf32>
    %transpose3A_610 = tpu.transpose %get3A_609, [1, 0] : vector<32x512xf32> -> vector<512x32xf32>
    %slice3A_611 = vector.extract_strided_slice %transpose3A_610 {offsets = [0, 0], sizes = [128, 32], strides = [1, 1]} : vector<512x32xf32> to vector<128x32xf32>
    %slice3A_612 = vector.extract_strided_slice %transpose3A_610 {offsets = [128, 0], sizes = [128, 32], strides = [1, 1]} : vector<512x32xf32> to vector<128x32xf32>
    %slice3A_613 = vector.extract_strided_slice %transpose3A_610 {offsets = [256, 0], sizes = [128, 32], strides = [1, 1]} : vector<512x32xf32> to vector<128x32xf32>
    %slice3A_614 = vector.extract_strided_slice %transpose3A_610 {offsets = [384, 0], sizes = [128, 32], strides = [1, 1]} : vector<512x32xf32> to vector<128x32xf32>
    %concatenate3A_615 = tpu.concatenate %slice3A_611, %slice3A_612, %slice3A_613, %slice3A_614 in 1 : vector<128x32xf32>, vector<128x32xf32>, vector<128x32xf32>, vector<128x32xf32> -> vector<128x128xf32>
    %swap3A_616 = arith.constant 2432 : index
    %swap3A_617 = arith.constant 0 : index
    %swap3A_618 = vector.load %arg4[%swap3A_616, %swap3A_617] : memref<4096x128xf32, #tpu.memory_space<vmem>>, vector<128x128xf32>
    tpu.vector_store %arg4[%swap3A_616, %swap3A_617], %concatenate3A_615 {strides = array<i32>} : memref<4096x128xf32, #tpu.memory_space<vmem>>, vector<128x128xf32>,
    %get3A_619 = arith.constant 0 : index
    %get3A_620 = arith.constant 10240 : index
    %get3A_621 = vector.load %arg2[%get3A_619, %get3A_620] : memref<32x16384xf32, #tpu.memory_space<vmem>>, vector<32x512xf32>
    %transpose3A_622 = tpu.transpose %get3A_621, [1, 0] : vector<32x512xf32> -> vector<512x32xf32>
    %slice3A_623 = vector.extract_strided_slice %transpose3A_622 {offsets = [0, 0], sizes = [128, 32], strides = [1, 1]} : vector<512x32xf32> to vector<128x32xf32>
    %slice3A_624 = vector.extract_strided_slice %transpose3A_622 {offsets = [128, 0], sizes = [128, 32], strides = [1, 1]} : vector<512x32xf32> to vector<128x32xf32>
    %slice3A_625 = vector.extract_strided_slice %transpose3A_622 {offsets = [256, 0], sizes = [128, 32], strides = [1, 1]} : vector<512x32xf32> to vector<128x32xf32>
    %slice3A_626 = vector.extract_strided_slice %transpose3A_622 {offsets = [384, 0], sizes = [128, 32], strides = [1, 1]} : vector<512x32xf32> to vector<128x32xf32>
    %concatenate3A_627 = tpu.concatenate %slice3A_623, %slice3A_624, %slice3A_625, %slice3A_626 in 1 : vector<128x32xf32>, vector<128x32xf32>, vector<128x32xf32>, vector<128x32xf32> -> vector<128x128xf32>
    %swap3A_628 = arith.constant 2560 : index
    %swap3A_629 = arith.constant 0 : index
    %swap3A_630 = vector.load %arg4[%swap3A_628, %swap3A_629] : memref<4096x128xf32, #tpu.memory_space<vmem>>, vector<128x128xf32>
    tpu.vector_store %arg4[%swap3A_628, %swap3A_629], %concatenate3A_627 {strides = array<i32>} : memref<4096x128xf32, #tpu.memory_space<vmem>>, vector<128x128xf32>,
    %get3A_631 = arith.constant 0 : index
    %get3A_632 = arith.constant 10752 : index
    %get3A_633 = vector.load %arg2[%get3A_631, %get3A_632] : memref<32x16384xf32, #tpu.memory_space<vmem>>, vector<32x512xf32>
    %transpose3A_634 = tpu.transpose %get3A_633, [1, 0] : vector<32x512xf32> -> vector<512x32xf32>
    %slice3A_635 = vector.extract_strided_slice %transpose3A_634 {offsets = [0, 0], sizes = [128, 32], strides = [1, 1]} : vector<512x32xf32> to vector<128x32xf32>
    %slice3A_636 = vector.extract_strided_slice %transpose3A_634 {offsets = [128, 0], sizes = [128, 32], strides = [1, 1]} : vector<512x32xf32> to vector<128x32xf32>
    %slice3A_637 = vector.extract_strided_slice %transpose3A_634 {offsets = [256, 0], sizes = [128, 32], strides = [1, 1]} : vector<512x32xf32> to vector<128x32xf32>
    %slice3A_638 = vector.extract_strided_slice %transpose3A_634 {offsets = [384, 0], sizes = [128, 32], strides = [1, 1]} : vector<512x32xf32> to vector<128x32xf32>
    %concatenate3A_639 = tpu.concatenate %slice3A_635, %slice3A_636, %slice3A_637, %slice3A_638 in 1 : vector<128x32xf32>, vector<128x32xf32>, vector<128x32xf32>, vector<128x32xf32> -> vector<128x128xf32>
    %swap3A_640 = arith.constant 2688 : index
    %swap3A_641 = arith.constant 0 : index
    %swap3A_642 = vector.load %arg4[%swap3A_640, %swap3A_641] : memref<4096x128xf32, #tpu.memory_space<vmem>>, vector<128x128xf32>
    tpu.vector_store %arg4[%swap3A_640, %swap3A_641], %concatenate3A_639 {strides = array<i32>} : memref<4096x128xf32, #tpu.memory_space<vmem>>, vector<128x128xf32>,
    %get3A_643 = arith.constant 0 : index
    %get3A_644 = arith.constant 11264 : index
    %get3A_645 = vector.load %arg2[%get3A_643, %get3A_644] : memref<32x16384xf32, #tpu.memory_space<vmem>>, vector<32x512xf32>
    %transpose3A_646 = tpu.transpose %get3A_645, [1, 0] : vector<32x512xf32> -> vector<512x32xf32>
    %slice3A_647 = vector.extract_strided_slice %transpose3A_646 {offsets = [0, 0], sizes = [128, 32], strides = [1, 1]} : vector<512x32xf32> to vector<128x32xf32>
    %slice3A_648 = vector.extract_strided_slice %transpose3A_646 {offsets = [128, 0], sizes = [128, 32], strides = [1, 1]} : vector<512x32xf32> to vector<128x32xf32>
    %slice3A_649 = vector.extract_strided_slice %transpose3A_646 {offsets = [256, 0], sizes = [128, 32], strides = [1, 1]} : vector<512x32xf32> to vector<128x32xf32>
    %slice3A_650 = vector.extract_strided_slice %transpose3A_646 {offsets = [384, 0], sizes = [128, 32], strides = [1, 1]} : vector<512x32xf32> to vector<128x32xf32>
    %concatenate3A_651 = tpu.concatenate %slice3A_647, %slice3A_648, %slice3A_649, %slice3A_650 in 1 : vector<128x32xf32>, vector<128x32xf32>, vector<128x32xf32>, vector<128x32xf32> -> vector<128x128xf32>
    %swap3A_652 = arith.constant 2816 : index
    %swap3A_653 = arith.constant 0 : index
    %swap3A_654 = vector.load %arg4[%swap3A_652, %swap3A_653] : memref<4096x128xf32, #tpu.memory_space<vmem>>, vector<128x128xf32>
    tpu.vector_store %arg4[%swap3A_652, %swap3A_653], %concatenate3A_651 {strides = array<i32>} : memref<4096x128xf32, #tpu.memory_space<vmem>>, vector<128x128xf32>,
    %get3A_655 = arith.constant 0 : index
    %get3A_656 = arith.constant 11776 : index
    %get3A_657 = vector.load %arg2[%get3A_655, %get3A_656] : memref<32x16384xf32, #tpu.memory_space<vmem>>, vector<32x512xf32>
    %transpose3A_658 = tpu.transpose %get3A_657, [1, 0] : vector<32x512xf32> -> vector<512x32xf32>
    %slice3A_659 = vector.extract_strided_slice %transpose3A_658 {offsets = [0, 0], sizes = [128, 32], strides = [1, 1]} : vector<512x32xf32> to vector<128x32xf32>
    %slice3A_660 = vector.extract_strided_slice %transpose3A_658 {offsets = [128, 0], sizes = [128, 32], strides = [1, 1]} : vector<512x32xf32> to vector<128x32xf32>
    %slice3A_661 = vector.extract_strided_slice %transpose3A_658 {offsets = [256, 0], sizes = [128, 32], strides = [1, 1]} : vector<512x32xf32> to vector<128x32xf32>
    %slice3A_662 = vector.extract_strided_slice %transpose3A_658 {offsets = [384, 0], sizes = [128, 32], strides = [1, 1]} : vector<512x32xf32> to vector<128x32xf32>
    %concatenate3A_663 = tpu.concatenate %slice3A_659, %slice3A_660, %slice3A_661, %slice3A_662 in 1 : vector<128x32xf32>, vector<128x32xf32>, vector<128x32xf32>, vector<128x32xf32> -> vector<128x128xf32>
    %swap3A_664 = arith.constant 2944 : index
    %swap3A_665 = arith.constant 0 : index
    %swap3A_666 = vector.load %arg4[%swap3A_664, %swap3A_665] : memref<4096x128xf32, #tpu.memory_space<vmem>>, vector<128x128xf32>
    tpu.vector_store %arg4[%swap3A_664, %swap3A_665], %concatenate3A_663 {strides = array<i32>} : memref<4096x128xf32, #tpu.memory_space<vmem>>, vector<128x128xf32>,
    %get3A_667 = arith.constant 0 : index
    %get3A_668 = arith.constant 12288 : index
    %get3A_669 = vector.load %arg2[%get3A_667, %get3A_668] : memref<32x16384xf32, #tpu.memory_space<vmem>>, vector<32x512xf32>
    %transpose3A_670 = tpu.transpose %get3A_669, [1, 0] : vector<32x512xf32> -> vector<512x32xf32>
    %slice3A_671 = vector.extract_strided_slice %transpose3A_670 {offsets = [0, 0], sizes = [128, 32], strides = [1, 1]} : vector<512x32xf32> to vector<128x32xf32>
    %slice3A_672 = vector.extract_strided_slice %transpose3A_670 {offsets = [128, 0], sizes = [128, 32], strides = [1, 1]} : vector<512x32xf32> to vector<128x32xf32>
    %slice3A_673 = vector.extract_strided_slice %transpose3A_670 {offsets = [256, 0], sizes = [128, 32], strides = [1, 1]} : vector<512x32xf32> to vector<128x32xf32>
    %slice3A_674 = vector.extract_strided_slice %transpose3A_670 {offsets = [384, 0], sizes = [128, 32], strides = [1, 1]} : vector<512x32xf32> to vector<128x32xf32>
    %concatenate3A_675 = tpu.concatenate %slice3A_671, %slice3A_672, %slice3A_673, %slice3A_674 in 1 : vector<128x32xf32>, vector<128x32xf32>, vector<128x32xf32>, vector<128x32xf32> -> vector<128x128xf32>
    %swap3A_676 = arith.constant 3072 : index
    %swap3A_677 = arith.constant 0 : index
    %swap3A_678 = vector.load %arg4[%swap3A_676, %swap3A_677] : memref<4096x128xf32, #tpu.memory_space<vmem>>, vector<128x128xf32>
    tpu.vector_store %arg4[%swap3A_676, %swap3A_677], %concatenate3A_675 {strides = array<i32>} : memref<4096x128xf32, #tpu.memory_space<vmem>>, vector<128x128xf32>,
    %get3A_679 = arith.constant 0 : index
    %get3A_680 = arith.constant 12800 : index
    %get3A_681 = vector.load %arg2[%get3A_679, %get3A_680] : memref<32x16384xf32, #tpu.memory_space<vmem>>, vector<32x512xf32>
    %transpose3A_682 = tpu.transpose %get3A_681, [1, 0] : vector<32x512xf32> -> vector<512x32xf32>
    %slice3A_683 = vector.extract_strided_slice %transpose3A_682 {offsets = [0, 0], sizes = [128, 32], strides = [1, 1]} : vector<512x32xf32> to vector<128x32xf32>
    %slice3A_684 = vector.extract_strided_slice %transpose3A_682 {offsets = [128, 0], sizes = [128, 32], strides = [1, 1]} : vector<512x32xf32> to vector<128x32xf32>
    %slice3A_685 = vector.extract_strided_slice %transpose3A_682 {offsets = [256, 0], sizes = [128, 32], strides = [1, 1]} : vector<512x32xf32> to vector<128x32xf32>
    %slice3A_686 = vector.extract_strided_slice %transpose3A_682 {offsets = [384, 0], sizes = [128, 32], strides = [1, 1]} : vector<512x32xf32> to vector<128x32xf32>
    %concatenate3A_687 = tpu.concatenate %slice3A_683, %slice3A_684, %slice3A_685, %slice3A_686 in 1 : vector<128x32xf32>, vector<128x32xf32>, vector<128x32xf32>, vector<128x32xf32> -> vector<128x128xf32>
    %swap3A_688 = arith.constant 3200 : index
    %swap3A_689 = arith.constant 0 : index
    %swap3A_690 = vector.load %arg4[%swap3A_688, %swap3A_689] : memref<4096x128xf32, #tpu.memory_space<vmem>>, vector<128x128xf32>
    tpu.vector_store %arg4[%swap3A_688, %swap3A_689], %concatenate3A_687 {strides = array<i32>} : memref<4096x128xf32, #tpu.memory_space<vmem>>, vector<128x128xf32>,
    %get3A_691 = arith.constant 0 : index
    %get3A_692 = arith.constant 13312 : index
    %get3A_693 = vector.load %arg2[%get3A_691, %get3A_692] : memref<32x16384xf32, #tpu.memory_space<vmem>>, vector<32x512xf32>
    %transpose3A_694 = tpu.transpose %get3A_693, [1, 0] : vector<32x512xf32> -> vector<512x32xf32>
    %slice3A_695 = vector.extract_strided_slice %transpose3A_694 {offsets = [0, 0], sizes = [128, 32], strides = [1, 1]} : vector<512x32xf32> to vector<128x32xf32>
    %slice3A_696 = vector.extract_strided_slice %transpose3A_694 {offsets = [128, 0], sizes = [128, 32], strides = [1, 1]} : vector<512x32xf32> to vector<128x32xf32>
    %slice3A_697 = vector.extract_strided_slice %transpose3A_694 {offsets = [256, 0], sizes = [128, 32], strides = [1, 1]} : vector<512x32xf32> to vector<128x32xf32>
    %slice3A_698 = vector.extract_strided_slice %transpose3A_694 {offsets = [384, 0], sizes = [128, 32], strides = [1, 1]} : vector<512x32xf32> to vector<128x32xf32>
    %concatenate3A_699 = tpu.concatenate %slice3A_695, %slice3A_696, %slice3A_697, %slice3A_698 in 1 : vector<128x32xf32>, vector<128x32xf32>, vector<128x32xf32>, vector<128x32xf32> -> vector<128x128xf32>
    %swap3A_700 = arith.constant 3328 : index
    %swap3A_701 = arith.constant 0 : index
    %swap3A_702 = vector.load %arg4[%swap3A_700, %swap3A_701] : memref<4096x128xf32, #tpu.memory_space<vmem>>, vector<128x128xf32>
    tpu.vector_store %arg4[%swap3A_700, %swap3A_701], %concatenate3A_699 {strides = array<i32>} : memref<4096x128xf32, #tpu.memory_space<vmem>>, vector<128x128xf32>,
    %get3A_703 = arith.constant 0 : index
    %get3A_704 = arith.constant 13824 : index
    %get3A_705 = vector.load %arg2[%get3A_703, %get3A_704] : memref<32x16384xf32, #tpu.memory_space<vmem>>, vector<32x512xf32>
    %transpose3A_706 = tpu.transpose %get3A_705, [1, 0] : vector<32x512xf32> -> vector<512x32xf32>
    %slice3A_707 = vector.extract_strided_slice %transpose3A_706 {offsets = [0, 0], sizes = [128, 32], strides = [1, 1]} : vector<512x32xf32> to vector<128x32xf32>
    %slice3A_708 = vector.extract_strided_slice %transpose3A_706 {offsets = [128, 0], sizes = [128, 32], strides = [1, 1]} : vector<512x32xf32> to vector<128x32xf32>
    %slice3A_709 = vector.extract_strided_slice %transpose3A_706 {offsets = [256, 0], sizes = [128, 32], strides = [1, 1]} : vector<512x32xf32> to vector<128x32xf32>
    %slice3A_710 = vector.extract_strided_slice %transpose3A_706 {offsets = [384, 0], sizes = [128, 32], strides = [1, 1]} : vector<512x32xf32> to vector<128x32xf32>
    %concatenate3A_711 = tpu.concatenate %slice3A_707, %slice3A_708, %slice3A_709, %slice3A_710 in 1 : vector<128x32xf32>, vector<128x32xf32>, vector<128x32xf32>, vector<128x32xf32> -> vector<128x128xf32>
    %swap3A_712 = arith.constant 3456 : index
    %swap3A_713 = arith.constant 0 : index
    %swap3A_714 = vector.load %arg4[%swap3A_712, %swap3A_713] : memref<4096x128xf32, #tpu.memory_space<vmem>>, vector<128x128xf32>
    tpu.vector_store %arg4[%swap3A_712, %swap3A_713], %concatenate3A_711 {strides = array<i32>} : memref<4096x128xf32, #tpu.memory_space<vmem>>, vector<128x128xf32>,
    %get3A_715 = arith.constant 0 : index
    %get3A_716 = arith.constant 14336 : index
    %get3A_717 = vector.load %arg2[%get3A_715, %get3A_716] : memref<32x16384xf32, #tpu.memory_space<vmem>>, vector<32x512xf32>
    %transpose3A_718 = tpu.transpose %get3A_717, [1, 0] : vector<32x512xf32> -> vector<512x32xf32>
    %slice3A_719 = vector.extract_strided_slice %transpose3A_718 {offsets = [0, 0], sizes = [128, 32], strides = [1, 1]} : vector<512x32xf32> to vector<128x32xf32>
    %slice3A_720 = vector.extract_strided_slice %transpose3A_718 {offsets = [128, 0], sizes = [128, 32], strides = [1, 1]} : vector<512x32xf32> to vector<128x32xf32>
    %slice3A_721 = vector.extract_strided_slice %transpose3A_718 {offsets = [256, 0], sizes = [128, 32], strides = [1, 1]} : vector<512x32xf32> to vector<128x32xf32>
    %slice3A_722 = vector.extract_strided_slice %transpose3A_718 {offsets = [384, 0], sizes = [128, 32], strides = [1, 1]} : vector<512x32xf32> to vector<128x32xf32>
    %concatenate3A_723 = tpu.concatenate %slice3A_719, %slice3A_720, %slice3A_721, %slice3A_722 in 1 : vector<128x32xf32>, vector<128x32xf32>, vector<128x32xf32>, vector<128x32xf32> -> vector<128x128xf32>
    %swap3A_724 = arith.constant 3584 : index
    %swap3A_725 = arith.constant 0 : index
    %swap3A_726 = vector.load %arg4[%swap3A_724, %swap3A_725] : memref<4096x128xf32, #tpu.memory_space<vmem>>, vector<128x128xf32>
    tpu.vector_store %arg4[%swap3A_724, %swap3A_725], %concatenate3A_723 {strides = array<i32>} : memref<4096x128xf32, #tpu.memory_space<vmem>>, vector<128x128xf32>,
    %get3A_727 = arith.constant 0 : index
    %get3A_728 = arith.constant 14848 : index
    %get3A_729 = vector.load %arg2[%get3A_727, %get3A_728] : memref<32x16384xf32, #tpu.memory_space<vmem>>, vector<32x512xf32>
    %transpose3A_730 = tpu.transpose %get3A_729, [1, 0] : vector<32x512xf32> -> vector<512x32xf32>
    %slice3A_731 = vector.extract_strided_slice %transpose3A_730 {offsets = [0, 0], sizes = [128, 32], strides = [1, 1]} : vector<512x32xf32> to vector<128x32xf32>
    %slice3A_732 = vector.extract_strided_slice %transpose3A_730 {offsets = [128, 0], sizes = [128, 32], strides = [1, 1]} : vector<512x32xf32> to vector<128x32xf32>
    %slice3A_733 = vector.extract_strided_slice %transpose3A_730 {offsets = [256, 0], sizes = [128, 32], strides = [1, 1]} : vector<512x32xf32> to vector<128x32xf32>
    %slice3A_734 = vector.extract_strided_slice %transpose3A_730 {offsets = [384, 0], sizes = [128, 32], strides = [1, 1]} : vector<512x32xf32> to vector<128x32xf32>
    %concatenate3A_735 = tpu.concatenate %slice3A_731, %slice3A_732, %slice3A_733, %slice3A_734 in 1 : vector<128x32xf32>, vector<128x32xf32>, vector<128x32xf32>, vector<128x32xf32> -> vector<128x128xf32>
    %swap3A_736 = arith.constant 3712 : index
    %swap3A_737 = arith.constant 0 : index
    %swap3A_738 = vector.load %arg4[%swap3A_736, %swap3A_737] : memref<4096x128xf32, #tpu.memory_space<vmem>>, vector<128x128xf32>
    tpu.vector_store %arg4[%swap3A_736, %swap3A_737], %concatenate3A_735 {strides = array<i32>} : memref<4096x128xf32, #tpu.memory_space<vmem>>, vector<128x128xf32>,
    %get3A_739 = arith.constant 0 : index
    %get3A_740 = arith.constant 15360 : index
    %get3A_741 = vector.load %arg2[%get3A_739, %get3A_740] : memref<32x16384xf32, #tpu.memory_space<vmem>>, vector<32x512xf32>
    %transpose3A_742 = tpu.transpose %get3A_741, [1, 0] : vector<32x512xf32> -> vector<512x32xf32>
    %slice3A_743 = vector.extract_strided_slice %transpose3A_742 {offsets = [0, 0], sizes = [128, 32], strides = [1, 1]} : vector<512x32xf32> to vector<128x32xf32>
    %slice3A_744 = vector.extract_strided_slice %transpose3A_742 {offsets = [128, 0], sizes = [128, 32], strides = [1, 1]} : vector<512x32xf32> to vector<128x32xf32>
    %slice3A_745 = vector.extract_strided_slice %transpose3A_742 {offsets = [256, 0], sizes = [128, 32], strides = [1, 1]} : vector<512x32xf32> to vector<128x32xf32>
    %slice3A_746 = vector.extract_strided_slice %transpose3A_742 {offsets = [384, 0], sizes = [128, 32], strides = [1, 1]} : vector<512x32xf32> to vector<128x32xf32>
    %concatenate3A_747 = tpu.concatenate %slice3A_743, %slice3A_744, %slice3A_745, %slice3A_746 in 1 : vector<128x32xf32>, vector<128x32xf32>, vector<128x32xf32>, vector<128x32xf32> -> vector<128x128xf32>
    %swap3A_748 = arith.constant 3840 : index
    %swap3A_749 = arith.constant 0 : index
    %swap3A_750 = vector.load %arg4[%swap3A_748, %swap3A_749] : memref<4096x128xf32, #tpu.memory_space<vmem>>, vector<128x128xf32>
    tpu.vector_store %arg4[%swap3A_748, %swap3A_749], %concatenate3A_747 {strides = array<i32>} : memref<4096x128xf32, #tpu.memory_space<vmem>>, vector<128x128xf32>,
    %get3A_751 = arith.constant 0 : index
    %get3A_752 = arith.constant 15872 : index
    %get3A_753 = vector.load %arg2[%get3A_751, %get3A_752] : memref<32x16384xf32, #tpu.memory_space<vmem>>, vector<32x512xf32>
    %transpose3A_754 = tpu.transpose %get3A_753, [1, 0] : vector<32x512xf32> -> vector<512x32xf32>
    %slice3A_755 = vector.extract_strided_slice %transpose3A_754 {offsets = [0, 0], sizes = [128, 32], strides = [1, 1]} : vector<512x32xf32> to vector<128x32xf32>
    %slice3A_756 = vector.extract_strided_slice %transpose3A_754 {offsets = [128, 0], sizes = [128, 32], strides = [1, 1]} : vector<512x32xf32> to vector<128x32xf32>
    %slice3A_757 = vector.extract_strided_slice %transpose3A_754 {offsets = [256, 0], sizes = [128, 32], strides = [1, 1]} : vector<512x32xf32> to vector<128x32xf32>
    %slice3A_758 = vector.extract_strided_slice %transpose3A_754 {offsets = [384, 0], sizes = [128, 32], strides = [1, 1]} : vector<512x32xf32> to vector<128x32xf32>
    %concatenate3A_759 = tpu.concatenate %slice3A_755, %slice3A_756, %slice3A_757, %slice3A_758 in 1 : vector<128x32xf32>, vector<128x32xf32>, vector<128x32xf32>, vector<128x32xf32> -> vector<128x128xf32>
    %swap3A_760 = arith.constant 3968 : index
    %swap3A_761 = arith.constant 0 : index
    %swap3A_762 = vector.load %arg4[%swap3A_760, %swap3A_761] : memref<4096x128xf32, #tpu.memory_space<vmem>>, vector<128x128xf32>
    tpu.vector_store %arg4[%swap3A_760, %swap3A_761], %concatenate3A_759 {strides = array<i32>} : memref<4096x128xf32, #tpu.memory_space<vmem>>, vector<128x128xf32>,
    return
  }
  func.func @transform_0(%arg0: i32) -> (i32, i32) {
    %c0_i32 = arith.constant 0 : i32
    %c0_i32_0 = arith.constant 0 : i32
    return %c0_i32, %arg0 : i32, i32
  }
  func.func @transform_1(%arg0: i32) -> (i32, i32) {
    %c0_i32 = arith.constant 0 : i32
    %c0_i32_0 = arith.constant 0 : i32
    return %c0_i32, %arg0 : i32, i32
  }
  func.func @transform_2(%arg0: i32) -> (i32, i32) {
    %c0_i32 = arith.constant 0 : i32
    %c0_i32_0 = arith.constant 0 : i32
    return %arg0, %c0_i32 : i32, i32
  }
  func.func @transform_3(%arg0: i32) -> (i32, i32) {
    %c0_i32 = arith.constant 0 : i32
    %c0_i32_0 = arith.constant 0 : i32
    return %arg0, %c0_i32 : i32, i32
  }
}

module attributes {stable_mosaic.version = 14 : i64} {
  func.func @body(%arg0: memref<128x128xf32, #tpu.memory_space<vmem>>, %arg1: memref<2560x128xf32, #tpu.memory_space<vmem>>, %arg2: memref<1x1xf32, #tpu.memory_space<smem>>) attributes {dimension_semantics = [], scalar_prefetch = 0 : i64, scratch_operands = 0 : i64, tpu.core_type = #tpu.core_type<tc>} {
    %get3A = arith.constant 0 : index
    %get3A_0 = arith.constant 0 : index
    %get3A_1 = vector.load %arg0[%get3A, %get3A_0] : memref<128x128xf32, #tpu.memory_space<vmem>>, vector<128x128xf32>
    %jit3A = arith.constant -1.000000e+01 : f32
    %jit3A_2 = arith.constant 1.000000e+01 : f32
    %max3A = vector.broadcast %jit3A : f32 to vector<128x128xf32>
    %max3A_3 = arith.maximumf %max3A, %get3A_1 : vector<128x128xf32>
    %min3A = vector.broadcast %jit3A_2 : f32 to vector<128x128xf32>
    %min3A_4 = arith.minimumf %min3A, %max3A_3 : vector<128x128xf32>
    %get3A_5 = arith.constant 0 : index
    %get3A_6 = arith.constant 0 : index
    %get3A_7 = vector.load %arg1[%get3A_5, %get3A_6] : memref<2560x128xf32, #tpu.memory_space<vmem>>, vector<2560x128xf32>
    %jit3A_8 = arith.constant -1.000000e+01 : f32
    %jit3A_9 = arith.constant 1.000000e+01 : f32
    %max3A_10 = vector.broadcast %jit3A_8 : f32 to vector<2560x128xf32>
    %max3A_11 = arith.maximumf %max3A_10, %get3A_7 : vector<2560x128xf32>
    %min3A_12 = vector.broadcast %jit3A_9 : f32 to vector<2560x128xf32>
    %min3A_13 = arith.minimumf %min3A_12, %max3A_11 : vector<2560x128xf32>
    %neg3A = arith.constant 0.000000e+00 : f32
    %neg3A_14 = vector.broadcast %neg3A : f32 to vector<128x128xf32>
    %neg3A_15 = arith.subf %neg3A_14, %min3A_4 : vector<128x128xf32>
    %exp3A = math.exp %neg3A_15 : vector<128x128xf32>
    %log1p3A = math.log1p %exp3A : vector<128x128xf32>
    %reduce_sum3A = vector.shape_cast %log1p3A : vector<128x128xf32> to vector<1x128x128xf32>
    %reduce_sum3A_16 = arith.constant dense<0.000000e+00> : vector<1xf32>
    %reduce_sum3A_17 = vector.multi_reduction <add>, %reduce_sum3A, %reduce_sum3A_16 [1, 2] : vector<1x128x128xf32> to vector<1xf32>
    %reduce_sum3A_18 = vector.shape_cast %reduce_sum3A_17 : vector<1xf32> to vector<1x1x1xf32>
    %reduce_sum3A_19 = vector.extract %reduce_sum3A_18[0, 0, 0] : f32 from vector<1x1x1xf32>
    %exp3A_20 = math.exp %min3A_13 : vector<2560x128xf32>
    %log1p3A_21 = math.log1p %exp3A_20 : vector<2560x128xf32>
    %reduce_sum3A_22 = vector.shape_cast %log1p3A_21 : vector<2560x128xf32> to vector<1x2560x128xf32>
    %reduce_sum3A_23 = arith.constant dense<0.000000e+00> : vector<1xf32>
    %reduce_sum3A_24 = vector.multi_reduction <add>, %reduce_sum3A_22, %reduce_sum3A_23 [1, 2] : vector<1x2560x128xf32> to vector<1xf32>
    %reduce_sum3A_25 = vector.shape_cast %reduce_sum3A_24 : vector<1xf32> to vector<1x1x1xf32>
    %reduce_sum3A_26 = vector.extract %reduce_sum3A_25[0, 0, 0] : f32 from vector<1x1x1xf32>
    %add3A = arith.addf %reduce_sum3A_19, %reduce_sum3A_26 : f32
    %mul3A = arith.constant 6.10351563E-5 : f32
    %mul3A_27 = arith.mulf %add3A, %mul3A : f32
    %swap3A = arith.constant 0 : index
    %swap3A_28 = arith.constant 0 : index
    %swap3A_29 = memref.load %arg2[%swap3A, %swap3A_28] : memref<1x1xf32, #tpu.memory_space<smem>>
    memref.store %mul3A_27, %arg2[%swap3A, %swap3A_28] : memref<1x1xf32, #tpu.memory_space<smem>>
    return
  }
}

</mosaic_0001>

<sc_bundles>
// kernel: kernel.5.cloned.1.call-start
scs
__scs_entry_jumppad:
0x0: {  	(pc) =	sbr.rel $0x88, $3  }
0x1: {  	(tag) =	ssettag $0x0;
	lr =	simm.s32 $0x1  }
0x2: {  	[smem:$0x3F9B] =	sst lr;
	_ =	strace $0xD0000000  }
0x3: {  	_ = 	snop  }
0x4: {  	_ = 	snop  }
0x5: {  	_ = 	snop  }
0x6: {  	_ = 	snop  }
0x7: {  	_ = 	snop  }
__scs_overlays_trampoline_lowered:
0x8: {  	[smem:$0x3FAA] =	sst s0  }
0x9: {  	[smem:$0x3FAB] =	sst s1  }
0xa: {  	[smem:$0x3FAC] =	sst s2  }
0xb: {  	[smem:$0x3FAD] =	sst s3  }
0xc: {  	[smem:$0x3FAE] =	sst s4  }
0xd: {  	[smem:$0x3FAF] =	sst s5  }
0xe: {  	[smem:$0x3FB0] =	sst s6  }
0xf: {  	[smem:$0x3FB1] =	sst s7  }
0x10: {  	[smem:$0x3FB2] =	sst s8  }
0x11: {  	[smem:$0x3FB3] =	sst s9;
	s0 =	simm.s32 @!p0 $0x0  }
0x12: {  	s1 =	sld [smem:$0x3F99];
	s0 =	simm.s32 @p0 $0x1  }
0x13: {  	[smem:$0x3FB4] =	sst s0;
	s0 =	simm.s32 @!p1 $0x0  }
0x14: {  	s2 =	sld [smem:$0x3F98];
	s0 =	simm.s32 @p1 $0x1  }
0x15: {  	[smem:$0x3FB5] =	sst s0;
	s0 =	simm.s32 @!p2 $0x0  }
0x16: {  	s3 =	sld [smem:$0x3FDB];
	s0 =	simm.s32 @p2 $0x1  }
0x17: {  	s4 =	simm.s32 $0x1BF5;
	[smem:$0x3FB7] =	sst s0  }
0x18: {  	s0 =	sld [smem:$0x3F9A];
	_ =	swait.ge [sflag:s4], $0x0  }
0x19: {  	s7 =	sld [smem:$0x3F9B]  }
0x1a: {  	s8 =	sadd.s32 $0xFFFFE003, lr  }
0x1b: {  	s9 =	sadd.s32 $0xFFFFFEF7, lr;
	s5 =	simm.s32 $0xFFFFFFFF;
	p2 =	slt.u32 s8, $0xFFFFF086  }
0x1c: {  	p1 =	slt.u32 s9, $0xF7A;
	s5 =	simm.s32 @!p2 $0x0  }
0x1d: {  	s5 =	simm.s32 @p1 $0x1;
	p0 =	seq.s32 s7, s2  }
0x1e: {  	s7 =	smul.u32 @!p0 $0xF7A, s2;
	p2 =	seq.s32 @!p0 s5, $0x0  }
0x1f: {  	s9 =	smul.u32 $0xF7A, s1;
	s8 =	simm.s32 @!p0 $0x1BF5;
	p2 =	por !p2, p0  }
0x20: {  	[sflag:s8] =	ssyncset.s32 @!p0 $0xFFFFF086;
	s6 =	sadd.s32 @!p0 s3, s7;
	s7 =	simm.s32 @!p0 $0x108  }
0x21: {  	s3 =	sadd.s32 s3, s9;
	s6 =	sadd.s32 @!p0 $0x88, s6;
	s7 =	simm.s32 @p2 $0x1082  }
0x22: {  	[simem:s7], [sflag:s8] =	dma.local @!p0 [hbm:s6], $0xF7A  }
0x23: {  	s9 =	sor.u32 $0xD0000000, s2;
	s6 =	simm.s32 $0x108;
	_ =	swait.ge @!p0 [sflag:s8], $0x0  }
0x24: {  	s3 =	sadd.s32 $0x88, s3;
	s6 =	simm.s32 @!p1 $0x1082;
	[sflag:s4] =	ssyncset.s32 $0xFFFFF086  }
0x25: {  	[simem:s6], [sflag:s4] =	dma.local [hbm:s3], $0xF7A  }
0x26: {  	[smem:$0x3F9B] =	sst s1;
	(tag) =	ssettag s2;
	_ =	strace s9  }
0x27: {  	s1 =	sld [smem:$0x3FAB]  }
0x28: {  	s2 =	sld [smem:$0x3FAC]  }
0x29: {  	s4 =	sld [smem:$0x3FAE]  }
0x2a: {  	p0 =	seq.s32 s5, $0x0;
	s5 =	sld [smem:$0x3FAF]  }
0x2b: {  	s6 =	sld [smem:$0x3FB0]  }
0x2c: {  	s7 =	sld [smem:$0x3FB1]  }
0x2d: {  	s3 =	simm.s32 $0x108;
	s8 =	sld [smem:$0x3FB2]  }
0x2e: {  	s3 =	simm.s32 @!p0 $0x1082;
	s9 =	sld [smem:$0x3FB3]  }
0x2f: {  	lr =	sadd.s32 s0, s3;
	s0 =	sld [smem:$0x3FAA]  }
0x30: {  	s3 =	sld [smem:$0x3FAD]  }
0x31: {  	[smem:$0x3FB6] =	sst s10  }
0x32: {  	s10 =	sld [smem:$0x3FB4];
	_ =	sdelay $0x3  }
0x33: {  	p0 =	seq.s32 s10, $0x1;
	s10 =	sld [smem:$0x3FB6];
	_ =	sdelay $0x3  }
0x34: {  	[smem:$0x3FB6] =	sst s10  }
0x35: {  	s10 =	sld [smem:$0x3FB5];
	_ =	sdelay $0x3  }
0x36: {  	p1 =	seq.s32 s10, $0x1;
	s10 =	sld [smem:$0x3FB6];
	_ =	sdelay $0x3  }
0x37: {  	[smem:$0x3FB6] =	sst s10  }
0x38: {  	s10 =	sld [smem:$0x3FB7]  }
0x39: {  	_ = 	snop;
	(pc) =	sbr.ind lr, $3  }
0x3a: {  	_ = 	snop  }
0x3b: {  	_ = 	snop  }
0x3c: {  	p2 =	seq.s32 s10, $0x1;
	s10 =	sld [smem:$0x3FB6]  }
0x3d: {  	_ =	shalt  }
0x3e: {  	_ =	shalt  }
0x3f: {  	_ =	shalt  }
0x40: {  	_ =	shalt  }
0x41: {  	_ =	shalt  }
0x42: {  	_ =	shalt  }
0x43: {  	_ =	shalt  }
0x44: {  	_ =	shalt  }
0x45: {  	_ =	shalt  }
0x46: {  	_ =	shalt  }
0x47: {  	_ =	shalt  }
0x48: {  	_ =	shalt  }
0x49: {  	_ =	shalt  }
0x4a: {  	_ =	shalt  }
0x4b: {  	_ =	shalt  }
0x4c: {  	_ =	shalt  }
0x4d: {  	_ =	shalt  }
0x4e: {  	_ =	shalt  }
0x4f: {  	_ =	shalt  }
0x50: {  	_ =	shalt  }
0x51: {  	_ =	shalt  }
0x52: {  	_ =	shalt  }
0x53: {  	_ =	shalt  }
0x54: {  	_ =	shalt  }
0x55: {  	_ =	shalt  }
0x56: {  	_ =	shalt  }
0x57: {  	_ =	shalt  }
0x58: {  	_ =	shalt  }
0x59: {  	_ =	shalt  }
0x5a: {  	_ =	shalt  }
0x5b: {  	_ =	shalt  }
0x5c: {  	_ =	shalt  }
0x5d: {  	_ =	shalt  }
0x5e: {  	_ =	shalt  }
0x5f: {  	_ =	shalt  }
0x60: {  	_ =	shalt  }
0x61: {  	_ =	shalt  }
0x62: {  	_ =	shalt  }
0x63: {  	_ =	shalt  }
0x64: {  	_ =	shalt  }
0x65: {  	_ =	shalt  }
0x66: {  	_ =	shalt  }
0x67: {  	_ =	shalt  }
0x68: {  	_ =	shalt  }
0x69: {  	_ =	shalt  }
0x6a: {  	_ =	shalt  }
0x6b: {  	_ =	shalt  }
0x6c: {  	_ =	shalt  }
0x6d: {  	_ =	shalt  }
0x6e: {  	_ =	shalt  }
0x6f: {  	_ =	shalt  }
0x70: {  	_ =	shalt  }
0x71: {  	_ =	shalt  }
0x72: {  	_ =	shalt  }
0x73: {  	_ =	shalt  }
0x74: {  	_ =	shalt  }
0x75: {  	_ =	shalt  }
0x76: {  	_ =	shalt  }
0x77: {  	_ =	shalt  }
0x78: {  	_ =	shalt  }
0x79: {  	_ =	shalt  }
0x7a: {  	_ =	shalt  }
0x7b: {  	_ =	shalt  }
0x7c: {  	_ =	shalt  }
0x7d: {  	_ =	shalt  }
0x7e: {  	_ =	shalt  }
0x7f: {  	_ =	shalt  }
0x80: {  	_ =	shalt  }
0x81: {  	_ =	shalt  }
0x82: {  	_ =	shalt  }
0x83: {  	_ =	shalt  }
0x84: {  	_ =	shalt  }
0x85: {  	_ =	shalt  }
0x86: {  	_ =	shalt  }
0x87: {  	_ =	shalt  }
.Lfunc_end0:
.L_simem_size_0:
called_computation_lowered:
.L_overlay_start_0:
0x88: {  	s2 =	sld [smem:$0x3FD9]  }
0x89: {  	s3 =	sld [smem:$0x3FFE];
	_ =	sdelay $0x1  }
0x8a: {  	s1 =	srdreg.scid  }
0x8b: {  	s0 =	sand.u32 $0x1, s1  }
0x8c: {  	s17 =	sshll.u32 s0, $0xA;
	s2 =	sadd.s32 s3, s2  }
0x8d: {  	s2 =	sadd.s32 s2, s17  }
0x8e: {  	[smem:$0x3FC2] =	sst s2  }
0x8f: {  	_ = 	snop  }
0x90: {  	s2 =	sld [smem:$0x3FC7]  }
0x91: {  	s18 =	sld [smem:$0x3FC6]  }
0x92: {  	s4 =	sld [smem:$0x3FC5];
	(tm) =	ssettm $0x1  }
0x93: {  	s5 =	sld [smem:$0x3FFB];
	_ =	sdelay $0x3  }
0x94: {  	_ =	strace s5  }
0x95: {  	s5 =	sld [smem:$0x3FFC];
	_ =	sdelay $0x3  }
0x96: {  	_ =	strace s5  }
0x97: {  	s5 =	sld [smem:$0x3FFD];
	_ =	sdelay $0x3  }
0x98: {  	_ =	strace s5  }
0x99: {  	_ =	strace $0x8FFFFFFF  }
0x9a: {  	s19 =	sld [smem:$0x3FDB];
	_ =	sdelay $0x1  }
0x9b: {  	s6 =	simm.s32 $_scs_section_size  }
0x9c: {  	s7 =	simm.s32 $_size__tile_overlayer_lowered;
	s8 =	simm.s32 $_tile_overlayer_lowered  }
0x9d: {  	s22 =	simm.s32 $0x1BFF;
	s21 =	sshll.u32 s8, $0x1;
	s5 =	sadd.s32 s6, s19  }
0x9e: {  	s9 =	simm.s32 $0x0;
	s20 =	sshll.u32 s7, $0x1;
	s7 =	sadd.s32 s21, s5  }
0x9f: {  	[timem:s9], [sflag:s22] =	dma.local [hbm:s7], s20  }
0xa0: {  	_ =	swait.ge [sflag:s22], s20  }
0xa1: {  	s6 =	ssub.s32 $0x0, s20;
	[sflag:s22] =	ssyncset.done $0x0  }
0xa2: {  	[sflag:s22] =	ssyncadd.s32 s6;
	_ =	sdelay $0x1  }
0xa3: {  	s23 =	simm.s32 $0x1B8B  }
0xa4: {  	_ =	swait.ge [sflag:s23], $0x1  }
0xa5: {  	[sflag:s23] =	ssyncset.done $0x0  }
0xa6: {  	s25 =	simm.s32 $0x1B8E;
	s24 =	sld [smem:$0x3FFE];
	[sflag:s23] =	ssyncadd.s32 $0xFFFFFFFF  }
0xa7: {  	s26 =	simm.s32 $execute0_lowered;
	[smem:$0x3FD2] =	sst s25  }
0xa8: {  	s7 =	sshll.u32 s26, $0x1;
	_ =	strace $0x80000046;
	[dreg:$0x1] =	wrdreg $0xFFFFFFFF  }
0xa9: {  	s28 =	simm.s32 $_size_execute0_lowered;
	s5 =	sadd.s32 s5, s7;
	[dreg:$0x0] =	wrdreg $0x0  }
0xaa: {  	s7 =	sshll.u32 s28, $0x1;
	[dreg:$0x2] =	wrdreg s5  }
0xab: {  	[dreg:$0x3] =	wrdreg s7  }
0xac: {  	[dreg:$0x4] =	wrdreg $0xC0  }
0xad: {  	_ =	task [dreg:s9], $0x5FFFF  }
0xae: {  	[dreg:$0x1] =	wrdreg $0xFFFFFFFF  }
0xaf: {  	[dreg:$0x0] =	wrdreg $0x60  }
0xb0: {  	[dreg:$0x2] =	wrdreg s24  }
0xb1: {  	[dreg:$0x3] =	wrdreg s2  }
0xb2: {  	[dreg:$0x4] =	wrdreg s18  }
0xb3: {  	[dreg:$0x5] =	wrdreg s4  }
0xb4: {  	[dreg:$0x6] =	wrdreg $0x9  }
0xb5: {  	_ =	task.clear_ibuf [dreg:s9], $0x7FFFF;
	_ =	strace $0x90000046  }
0xb6: {  	s29 =	simm.s32 $0x9;
	_ =	strace $0x80000048  }
0xb7: {  	_ =	swait.ge [sflag:s29], $0x1  }
0xb8: {  	[sflag:s29] =	ssyncadd.s32 $0xFFFFFFFF  }
0xb9: {  	_ =	strace $0x90000048  }
0xba: {  	_ =	sfence  }
0xbb: {  	s30 =	sld [smem:$0x0];
	_ =	sdelay $0x2  }
0xbc: {  	s31 =	sshll.u32 s1, $0xD;
	s1 =	sshrl.u32 s1, $0x2  }
0xbd: {  	s3 =	sand.u32 $0x4000, s31;
	s1 =	sadd.s32 s1, s30  }
0xbe: {  	s0 =	sor.u32 s3, s0;
	s1 =	sshll.u32 s1, $0x11  }
0xbf: {  	s0 =	sor.u32 s1, s0  }
0xc0: {  	s0 =	sadd.s32 $0x8F2B, s0  }
0xc1: {  	[sflag:s0] =	ssyncadd.remote.s32 $0x1  }
0xc2: {  	_ =	sfence.sel $0xFFFF  }
0xc3: {  	[dreg:$0x0] =	wrdreg $0xFFFFFFFF;
	(pc) =	sbr.abs _section_cstart, $3  }
0xc4: {  	[dreg:$0x1] =	wrdreg $0xFFFFFFFF  }
0xc5: {  	_ =	task.clear_ibuf [dreg:s9], $0x2FFFF;
	_ =	strace $0x9FFFFFFF  }
0xc6: {  	(tm) =	ssettm $0x7FFFFFFF  }
0xc7: {  	_ =	shalt  }
tec
execute0_lowered:
.L_overlay_start_1:
0x0: {  	(tag) =	ssettag $0x1  }
0x1: {  	s0 =	rddreg [dreg:$0x0];
	s3 =	stileid.u32;
	v0 =	vlaneseq.u32  }
0x2: {  	s1 =	rddreg [dreg:$0x2];
	s4 =	sshll.u32 s3, $0x1;
	s3 =	simm.s32 $0x0;
	v0 =	vmul.u32 $0x80, v0  }
0x3: {  	[smem:$0x7FF] =	sst s3  }
0x4: {  	s9 =	rddreg [dreg:$0x3];
	_ =	strace $0x80000047;
	v1 =	vor.u32 $0x1, v0;
	[tilespmem:$0x1FFF0] =	vst v0  }
0x5: {  	v35 =	vor.u32 $0x2, v0;
	[tilespmem:$0x1FE10] =	vst v1  }
0x6: {  	v36 =	vor.u32 $0x3, v0;
	[tilespmem:$0x1FE20] =	vst v35  }
0x7: {  	v37 =	vor.u32 $0x4, v0;
	[tilespmem:$0x1FE30] =	vst v36  }
0x8: {  	v38 =	vor.u32 $0x5, v0;
	[tilespmem:$0x1FE40] =	vst v37  }
0x9: {  	v39 =	vor.u32 $0x6, v0;
	[tilespmem:$0x1FE50] =	vst v38  }
0xa: {  	v40 =	vor.u32 $0x7, v0;
	[tilespmem:$0x1FE60] =	vst v39  }
0xb: {  	v41 =	vor.u32 $0x8, v0;
	[tilespmem:$0x1FE70] =	vst v40  }
0xc: {  	v42 =	vor.u32 $0x9, v0;
	[tilespmem:$0x1FE80] =	vst v41  }
0xd: {  	v43 =	vor.u32 $0xA, v0;
	[tilespmem:$0x1FE90] =	vst v42  }
0xe: {  	v44 =	vor.u32 $0xB, v0;
	[tilespmem:$0x1FEA0] =	vst v43  }
0xf: {  	v45 =	vor.u32 $0xC, v0;
	[tilespmem:$0x1FEB0] =	vst v44  }
0x10: {  	v46 =	vor.u32 $0xD, v0;
	[tilespmem:$0x1FEC0] =	vst v45  }
0x11: {  	v47 =	vor.u32 $0xE, v0;
	[tilespmem:$0x1FED0] =	vst v46  }
0x12: {  	v48 =	vor.u32 $0xF, v0;
	[tilespmem:$0x1FEE0] =	vst v47  }
0x13: {  	v49 =	vor.u32 $0x10, v0;
	[tilespmem:$0x1FEF0] =	vst v48  }
0x14: {  	v50 =	vor.u32 $0x11, v0;
	[tilespmem:$0x1FF00] =	vst v49  }
0x15: {  	v51 =	vor.u32 $0x12, v0;
	[tilespmem:$0x1FF10] =	vst v50  }
0x16: {  	s2 =	srdreg.scid;
	s17 =	simm.s32 $0x1;
	s18 =	simm.s32 $0x10;
	v52 =	vor.u32 $0x13, v0;
	[tilespmem:$0x1FF20] =	vst v51  }
0x17: {  	s20 =	simm.s32 $0x8400;
	s22 =	simm.s32 $0x9400;
	s23 =	simm.s32 $0x80;
	v53 =	vor.u32 $0x14, v0;
	[tilespmem:$0x1FF30] =	vst v52  }
0x18: {  	s29 =	simm.s32 $0x40;
	s19 =	simm.s32 $0x5C00;
	s21 =	simm.s32 $0x1E620;
	v54 =	vor.u32 $0x15, v0;
	[tilespmem:$0x1FF40] =	vst v53  }
0x19: {  	s28 =	simm.s32 $0x1E760;
	s30 =	simm.s32 $0x1E610;
	s2 =	sand.u32 $0x1, s2;
	v55 =	vor.u32 $0x16, v0;
	[tilespmem:$0x1FF50] =	vst v54  }
0x1a: {  	s5 =	sadd.s32 $0x3EAE00, s0;
	s7 =	sadd.s32 $0x7CAE00, s0;
	s10 =	sor.u32 s2, s4;
	v56 =	vor.u32 $0x17, v0;
	[tilespmem:$0x1FF60] =	vst v55  }
0x1b: {  	s4 =	sadd.s32 $0xAE00, s0;
	s2 =	ssub.s32 $0x2, s2;
	s6 =	smul.u32 $0x500, s10;
	v57 =	vor.u32 $0x18, v0;
	[tilespmem:$0x1FF70] =	vst v56  }
0x1c: {  	s24 =	sshrl.u32 s2, $0x1;
	s8 =	sshll.u32 s10, $0x9;
	s25 =	sshll.u32 s10, $0x6;
	v58 =	vor.u32 $0x19, v0;
	[tilespmem:$0x1FF80] =	vst v57  }
0x1d: {  	v59 =	vor.u32 $0x1A, v0;
	s1 =	sadd.s32 s1, s25;
	s26 =	sadd.s32 s9, s25;
	s25 =	simm.s32 $0xA400;
	[tilespmem:$0x1FF90] =	vst v58  }
0x1e: {  	v60 =	vor.u32 $0x1B, v0;
	[tilespmem:$0x1FFA0] =	vst v59;
	s11 =	sadd.s32 s6, s0;
	s6 =	sadd.s32 $0x7D4E00, s0;
	[dreg:$0x5] =	wrdreg s1  }
0x1f: {  	v61 =	vor.u32 $0x1C, v0;
	[tilespmem:$0x1FFB0] =	vst v60;
	s0 =	ssub.s32 s2, s24;
	[dreg:$0x6] =	wrdreg s26;
	s2 =	simm.s32 $0x8C00  }
0x20: {  	v62 =	vor.u32 $0x1D, v0;
	[tilespmem:$0x1FFC0] =	vst v61;
	s1 =	simm.s32 $0x14400;
	s24 =	simm.s32 $0x1E600;
	s31 =	sadd.s32 $0xE00, s11  }
0x21: {  	v63 =	vor.u32 $0x1E, v0;
	[tilespmem:$0x1FFD0] =	vst v62;
	s26 =	simm.s32 $0x2;
	s0 =	smax.u32 s0, $0x1;
	[dreg:$0x7] =	wrdreg s31  }
0x22: {  	v32 =	vor.u32 $0x1F, v0;
	[tilespmem:$0x1FFE0] =	vst v63;
	s11 =	simm.s32 $0x0;
	[dreg:$0x8] =	wrdreg s0;
	s0 =	simm.s32 $0x9C00  }
.LBB2_1:
0x23: {  	[dreg:$0x9] =	wrdreg s11  }
0x24: {  	s9 =	rddreg [dreg:$0x5];
	s10 =	simm.s32 $0x5  }
0x25: {  	[tilespmem:s3], [sflag:$0x5] =	stream.linear.gather [hbm4b:s9+s3], $0x200, $0x38;
	[tilespmem:$0x1E8A0] =	vst v63  }
0x26: {  	_ =	swait.ge [sflag:s10], $0x200  }
0x27: {  	[sflag:s10] =	ssyncset.done $0x0  }
0x28: {  	s14 =	simm.s32 $0x200;
	s13 =	rddreg [dreg:$0x6];
	[sflag:s10] =	ssyncadd.s32 $0xFFFFFE00  }
0x29: {  	[tilespmem:s14], [sflag:$0x5] =	stream.linear.gather [hbm4b:s13+s3], $0x200, $0x38;
	[tilespmem:$0x1E8A0] =	vst v63  }
0x2a: {  	_ =	swait.ge [sflag:s10], $0x200  }
0x2b: {  	[sflag:s10] =	ssyncset.done $0x0  }
0x2c: {  	s12 =	simm.s32 $0x400;
	s15 =	rddreg [dreg:$0x7];
	[sflag:s10] =	ssyncadd.s32 $0xFFFFFE00  }
0x2d: {  	[tilespmem:s12], [sflag:$0x5] =	stream.linear.gather [hbm4b:s15+s3], $0x2800, $0x38;
	[tilespmem:$0x1E8A0] =	vst v63  }
0x2e: {  	_ =	swait.ge [sflag:s10], $0x2800  }
0x2f: {  	[sflag:s10] =	ssyncset.done $0x0  }
0x30: {  	[sflag:s10] =	ssyncadd.s32 $0xFFFFD800  }
0x31: {  	s31 =	simm.s32 $0x1E400;
	s9 =	simm.s32 $0x0;
	s16 =	rddreg [dreg:$0x1]  }
0x32: {  	[tilespmem:s31], [sflag:$0x1] =	stream.indirect.gather [hbm4b:s16+s14], $0x1, s3, s14, $0xb8;
	[tilespmem:$0x1E8A0] =	vst v63  }
0x33: {  	v0 =	vld [tilespmem:s9+$0x0]  }
0x34: {  	s10 =	simm.s32 $0x40  }
.LBB2_2:
0x35: {  	_ = 	snop  }
0x36: {  	p0 =	sne.s32 s10, $0x7C0  }
.Ltmp0:
0x37: {  	_ = 	snop;
	(pc) =	sbr.rel @p0 .LBB2_2-.Ltmp0, $4  }
0x38: {  	v1 =	vshra.s32 v0, $0x2;
	v2 =	vshrl.u32 v0, $0x2  }
0x39: {  	s11 =	sshra.s32 s10, $0x2;
	v3 =	vand.u32 $0x7F, v0;
	v1 =	vand.u32 $0xFFFFFF80, v1;
	v2 =	vand.u32 $0x60, v2  }
0x3a: {  	v0 =	vld [tilespmem:s11+$0x0];
	v1 =	vor.u32 v3, v1;
	[tilespmem:s9+$0x5800] =	vst v2  }
0x3b: {  	s10 =	sadd.s32 $0x40, s10;
	[tilespmem:s9+$0x2C00] =	vst v1;
	s9 =	smov.u32 s11  }
0x3c: {  	_ =	sdelay $0x2  }
0x3d: {  	v1 =	vshra.s32 v0, $0x2;
	v2 =	vshrl.u32 v0, $0x2  }
0x3e: {  	v0 =	vand.u32 $0x7F, v0;
	v1 =	vand.u32 $0xFFFFFF80, v1;
	v2 =	vand.u32 $0x60, v2  }
0x3f: {  	v0 =	vor.u32 v0, v1;
	[tilespmem:s9+$0x5800] =	vst v2  }
0x40: {  	[tilespmem:s9+$0x2C00] =	vst v0;
	s9 =	simm.s32 $0x0  }
0x41: {  	v0 =	vld [tilespmem:s9+$0x200]  }
0x42: {  	s11 =	simm.s32 $0x40;
	s10 =	simm.s32 $0x0  }
.LBB2_4:
0x43: {  	_ = 	snop  }
0x44: {  	p0 =	sne.s32 s11, $0x7C0  }
.Ltmp1:
0x45: {  	_ = 	snop;
	(pc) =	sbr.rel @p0 .LBB2_4-.Ltmp1, $4  }
0x46: {  	v1 =	vshra.s32 v0, $0x2;
	v2 =	vshrl.u32 v0, $0x2  }
0x47: {  	s12 =	sshra.s32 s11, $0x2;
	v3 =	vand.u32 $0x7F, v0;
	v1 =	vand.u32 $0xFFFFFF80, v1;
	v2 =	vand.u32 $0x60, v2  }
0x48: {  	v0 =	vld [tilespmem:s12+$0x200];
	v1 =	vor.u32 v3, v1;
	[tilespmem:s10+$0x5A00] =	vst v2  }
0x49: {  	s11 =	sadd.s32 $0x40, s11;
	[tilespmem:s10+$0x2E00] =	vst v1;
	s10 =	smov.u32 s12  }
0x4a: {  	_ =	sdelay $0x2  }
0x4b: {  	v1 =	vshra.s32 v0, $0x2;
	v2 =	vshrl.u32 v0, $0x2  }
0x4c: {  	v0 =	vand.u32 $0x7F, v0;
	v1 =	vand.u32 $0xFFFFFF80, v1;
	v2 =	vand.u32 $0x60, v2  }
0x4d: {  	v0 =	vor.u32 v0, v1;
	[tilespmem:s10+$0x5A00] =	vst v2  }
0x4e: {  	[tilespmem:s10+$0x2E00] =	vst v0  }
0x4f: {  	v0 =	vld [tilespmem:s9+$0x400]  }
0x50: {  	s10 =	simm.s32 $0x40  }
.LBB2_6:
0x51: {  	_ = 	snop  }
0x52: {  	p0 =	sne.s32 s10, $0x9FC0  }
.Ltmp2:
0x53: {  	_ = 	snop;
	(pc) =	sbr.rel @p0 .LBB2_6-.Ltmp2, $4  }
0x54: {  	v1 =	vshra.s32 v0, $0x2;
	v2 =	vshrl.u32 v0, $0x2  }
0x55: {  	s11 =	sshra.s32 s10, $0x2;
	v3 =	vand.u32 $0x7F, v0;
	v1 =	vand.u32 $0xFFFFFF80, v1;
	v2 =	vand.u32 $0x60, v2  }
0x56: {  	v0 =	vld [tilespmem:s11+$0x400];
	v1 =	vor.u32 v3, v1;
	[tilespmem:s9+$0x5C00] =	vst v2  }
0x57: {  	s10 =	sadd.s32 $0x40, s10;
	[tilespmem:s9+$0x3000] =	vst v1;
	s9 =	smov.u32 s11  }
0x58: {  	_ =	sdelay $0x2  }
0x59: {  	v1 =	vshra.s32 v0, $0x2;
	v2 =	vshrl.u32 v0, $0x2  }
0x5a: {  	v63 =	vand.u32 $0x7F, v0;
	v1 =	vand.u32 $0xFFFFFF80, v1;
	v2 =	vand.u32 $0x60, v2  }
0x5b: {  	v0 =	vor.u32 v63, v1;
	[tilespmem:s9+$0x5C00] =	vst v2  }
0x5c: {  	[tilespmem:s9+$0x3000] =	vst v0  }
0x5d: {  	_ =	swait.ge [sflag:s17], $0x200  }
0x5e: {  	[sflag:s17] =	ssyncset.done $0x0  }
0x5f: {  	s12 =	simm.s32 $0x2C00;
	[sflag:s17] =	ssyncadd.s32 $0xFFFFFE00  }
0x60: {  	[tilespmem:s20], [sflag:$0x1] =	stream.indirect.gather [hbm4b:s4+s18], $0x80, s12, s18, $0xb8;
	[tilespmem:$0x1E8A0] =	vst v63  }
0x61: {  	s13 =	simm.s32 $0x2E00  }
0x62: {  	[tilespmem:s22], [sflag:$0x1] =	stream.indirect.gather [hbm4b:s5+s18], $0x80, s13, s18, $0xb8;
	[tilespmem:$0x1E8A0] =	vst v63  }
0x63: {  	s14 =	simm.s32 $0x3000  }
0x64: {  	[tilespmem:s25], [sflag:$0x1] =	stream.indirect.gather [hbm4b:s5+s23], $0x80, s14, s23, $0xb8;
	[tilespmem:$0x1E8A0] =	vst v63  }
0x65: {  	s15 =	simm.s32 $0x3080;
	s10 =	simm.s32 $0xE400;
	s16 =	simm.s32 $0x3100  }
0x66: {  	[tilespmem:s10], [sflag:$0x1] =	stream.indirect.gather [hbm4b:s5+s23], $0x80, s15, s23, $0xb8;
	[tilespmem:$0x1E8A0] =	vst v63  }
0x67: {  	s31 =	simm.s32 $0x12400;
	s11 =	simm.s32 $0x0;
	s10 =	simm.s32 $0x0  }
0x68: {  	[tilespmem:s31], [sflag:$0x1] =	stream.indirect.gather [hbm4b:s5+s29], $0x80, s16, s29, $0xb8;
	[tilespmem:$0x1E8A0] =	vst v63  }
.LBB2_8:
0x69: {  	s9 =	sshllo.u32 s11, $0x1  }
0x6a: {  	s12 =	sshll.u32 s9, $0x4  }
0x6b: {  	s13 =	sadd.s32 $0x2C00, s12  }
0x6c: {  	[tilespmem:s2], [sflag:$0x2] =	stream.indirect.gather [hbm4b:s4+s18], $0x80, s13, s18, $0xb8;
	[tilespmem:$0x1E8A0] =	vst v63  }
0x6d: {  	s31 =	smul.u32 $0x140, s9;
	s14 =	sadd.s32 $0x2E00, s12  }
0x6e: {  	[tilespmem:s0], [sflag:$0x2] =	stream.indirect.gather [hbm4b:s5+s18], $0x80, s14, s18, $0xb8;
	[tilespmem:$0x1E8A0] =	vst v63  }
0x6f: {  	s9 =	sadd.s32 $0x3000, s31  }
0x70: {  	[tilespmem:s1], [sflag:$0x2] =	stream.indirect.gather [hbm4b:s5+s23], $0x80, s9, s23, $0xb8;
	[tilespmem:$0x1E8A0] =	vst v63  }
0x71: {  	s16 =	simm.s32 $0x18400;
	s15 =	sadd.s32 $0x3080, s31  }
0x72: {  	[tilespmem:s16], [sflag:$0x2] =	stream.indirect.gather [hbm4b:s5+s23], $0x80, s15, s23, $0xb8;
	[tilespmem:$0x1E8A0] =	vst v63  }
0x73: {  	s13 =	sadd.s32 $0x3100, s31;
	s14 =	simm.s32 $0x1C400  }
0x74: {  	[tilespmem:s14], [sflag:$0x2] =	stream.indirect.gather [hbm4b:s5+s29], $0x80, s13, s29, $0xb8;
	[tilespmem:$0x1E8A0] =	vst v63  }
0x75: {  	_ =	swait.ge [sflag:s17], $0x800  }
0x76: {  	[sflag:s17] =	ssyncset.done $0x0  }
0x77: {  	[sflag:s17] =	ssyncadd.s32 $0xFFFFF800  }
0x78: {  	_ =	swait.ge [sflag:s17], $0x800  }
0x79: {  	[sflag:s17] =	ssyncset.done $0x0  }
0x7a: {  	[sflag:s17] =	ssyncadd.s32 $0xFFFFF800  }
0x7b: {  	_ =	swait.ge [sflag:s17], $0x4000  }
0x7c: {  	[sflag:s17] =	ssyncset.done $0x0  }
0x7d: {  	[sflag:s17] =	ssyncadd.s32 $0xFFFFC000  }
0x7e: {  	_ =	swait.ge [sflag:s17], $0x4000  }
0x7f: {  	[sflag:s17] =	ssyncset.done $0x0  }
0x80: {  	[sflag:s17] =	ssyncadd.s32 $0xFFFFC000  }
0x81: {  	_ =	swait.ge [sflag:s17], $0x2000  }
0x82: {  	v6 =	vld [tilespmem:$0x1FFF0]  }
0x83: {  	v7 =	vld [tilespmem:$0x1FE10]  }
0x84: {  	v8 =	vld [tilespmem:$0x1FE20]  }
0x85: {  	v9 =	vld [tilespmem:$0x1FE30]  }
0x86: {  	v11 =	vld [tilespmem:$0x1FE40]  }
0x87: {  	v12 =	vld [tilespmem:$0x1FE50]  }
0x88: {  	v13 =	vld [tilespmem:$0x1FE60]  }
0x89: {  	v14 =	vld [tilespmem:$0x1FE70]  }
0x8a: {  	[sflag:s17] =	ssyncset.done $0x0;
	v15 =	vld [tilespmem:$0x1FE80]  }
0x8b: {  	s15 =	sshll.u32 s11, $0x5;
	v16 =	vld [tilespmem:$0x1FE90];
	[sflag:s17] =	ssyncadd.s32 $0xFFFFE000  }
0x8c: {  	v0 =	vld [tilespmem:s15+$0x5800]  }
0x8d: {  	v51 =	vld [tilespmem:$0x1FEA0]  }
0x8e: {  	v54 =	vld [tilespmem:$0x1FEB0]  }
0x8f: {  	v58 =	vld [tilespmem:$0x1FEC0]  }
0x90: {  	v63 =	vld [tilespmem:$0x1FED0]  }
0x91: {  	v22 =	vld [tilespmem:$0x1FEE0];
	v2 =	vadd.s32 v6, v0  }
0x92: {  	v25 =	vld [tilespmem:$0x1FEF0];
	v3 =	vadd.s32 v7, v0  }
0x93: {  	v28 =	vld [tilespmem:$0x1FF00];
	v4 =	vadd.s32 v8, v0  }
0x94: {  	v31 =	vld [tilespmem:$0x1FF10];
	v5 =	vadd.s32 v9, v0  }
0x95: {  	v1 =	vld [tilespmem:s15+$0x5A00];
	v42 =	vadd.s32 v14, v0  }
0x96: {  	v44 =	vadd.s32 v15, v0;
	v60 =	vld.idx.msk [tilespmem:v2+s20+$0x0], $0xffff  }
0x97: {  	v47 =	vadd.s32 v16, v0;
	v61 =	vld.idx.msk [tilespmem:v3+s20+$0x0], $0xffff  }
0x98: {  	v52 =	vadd.s32 v51, v0;
	v57 =	vld.idx.msk [tilespmem:v4+s20+$0x0], $0xffff  }
0x99: {  	v55 =	vadd.s32 v54, v0;
	v48 =	vld.idx.msk [tilespmem:v5+s20+$0x0], $0xffff  }
0x9a: {  	v59 =	vadd.s32 v58, v0;
	v36 =	vld.idx.msk [tilespmem:v42+s20+$0x0], $0xffff  }
0x9b: {  	v23 =	vadd.s32 v22, v0;
	v34 =	vld.idx.msk [tilespmem:v44+s20+$0x0], $0xffff  }
0x9c: {  	v29 =	vadd.s32 v28, v0;
	v37 =	vld.idx.msk [tilespmem:v47+s20+$0x0], $0xffff  }
0x9d: {  	v38 =	vld.idx.msk [tilespmem:v52+s20+$0x0], $0xffff  }
0x9e: {  	v39 =	vld.idx.msk [tilespmem:v55+s20+$0x0], $0xffff  }
0x9f: {  	v2 =	vadd.s32 v6, v1;
	v40 =	vld.idx.msk [tilespmem:v59+s20+$0x0], $0xffff  }
0xa0: {  	v3 =	vadd.s32 v7, v1;
	v42 =	vld.idx.msk [tilespmem:v23+s20+$0x0], $0xffff  }
0xa1: {  	v6 =	vadd.s32 v11, v0;
	v44 =	vld.idx.msk [tilespmem:v29+s20+$0x0], $0xffff  }
0xa2: {  	v4 =	vadd.s32 v8, v1;
	v23 =	vld [tilespmem:$0x1FF70]  }
0xa3: {  	v5 =	vadd.s32 v12, v0;
	v29 =	vld [tilespmem:$0x1FF90]  }
0xa4: {  	v7 =	vadd.s32 v9, v1;
	v2 =	vld.idx.msk [tilespmem:v2+s22+$0x0], $0xffff  }
0xa5: {  	v8 =	vadd.s32 v13, v0;
	v3 =	vld.idx.msk [tilespmem:v3+s22+$0x0], $0xffff  }
0xa6: {  	v20 =	vadd.s32 v63, v0;
	v50 =	vld.idx.msk [tilespmem:v6+s20+$0x0], $0xffff  }
0xa7: {  	v41 =	vmul.f32 v60, v60;
	v10 =	vmul.f32 v61, v61;
	v4 =	vld.idx.msk [tilespmem:v4+s22+$0x0], $0xffff  }
0xa8: {  	v6 =	vadd.s32 v11, v1;
	v45 =	vld.idx.msk [tilespmem:v5+s20+$0x0], $0xffff  }
0xa9: {  	v26 =	vadd.s32 v25, v0;
	v43 =	vmul.f32 v57, v57;
	v7 =	vld.idx.msk [tilespmem:v7+s22+$0x0], $0xffff;
	v9 =	vadd.f32 v10, v41  }
0xaa: {  	v5 =	vadd.s32 v12, v1;
	v35 =	vld.idx.msk [tilespmem:v8+s20+$0x0], $0xffff  }
0xab: {  	v46 =	vmul.f32 v48, v48;
	v41 =	vld.idx.msk [tilespmem:v20+s20+$0x0], $0xffff;
	v9 =	vadd.f32 v43, v9  }
0xac: {  	v8 =	vadd.s32 v13, v1;
	v20 =	vld [tilespmem:$0x1FF60];
	v2 =	vmul.f32 v2, v60;
	v3 =	vmul.f32 v3, v61  }
0xad: {  	v33 =	vadd.s32 v31, v0;
	v49 =	vmul.f32 v50, v50;
	v6 =	vld.idx.msk [tilespmem:v6+s22+$0x0], $0xffff;
	v9 =	vadd.f32 v46, v9  }
0xae: {  	v43 =	vld.idx.msk [tilespmem:v26+s20+$0x0], $0xffff;
	v2 =	vadd.f32 v3, v2;
	v3 =	vmul.f32 v4, v57;
	v4 =	vadd.s32 v14, v1  }
0xaf: {  	v53 =	vmul.f32 v45, v45;
	v5 =	vld.idx.msk [tilespmem:v5+s22+$0x0], $0xffff;
	v9 =	vadd.f32 v49, v9  }
0xb0: {  	v26 =	vld [tilespmem:$0x1FF80];
	v2 =	vadd.f32 v3, v2;
	v3 =	vmul.f32 v7, v48;
	v7 =	vadd.s32 v15, v1  }
0xb1: {  	v56 =	vmul.f32 v35, v35;
	v8 =	vld.idx.msk [tilespmem:v8+s22+$0x0], $0xffff;
	v9 =	vadd.f32 v53, v9  }
0xb2: {  	v46 =	vld.idx.msk [tilespmem:v33+s20+$0x0], $0xffff;
	v2 =	vadd.f32 v3, v2;
	v3 =	vmul.f32 v6, v50  }
0xb3: {  	v62 =	vmul.f32 v36, v36;
	v6 =	vadd.s32 v16, v1;
	v9 =	vadd.f32 v56, v9;
	v4 =	vld.idx.msk [tilespmem:v4+s22+$0x0], $0xffff  }
0xb4: {  	v2 =	vadd.f32 v3, v2;
	v3 =	vmul.f32 v5, v45;
	v5 =	vadd.s32 v51, v1;
	v51 =	vld [tilespmem:$0x1FF20]  }
0xb5: {  	v21 =	vmul.f32 v34, v34;
	v9 =	vadd.f32 v62, v9;
	v7 =	vld.idx.msk [tilespmem:v7+s22+$0x0], $0xffff  }
0xb6: {  	v2 =	vadd.f32 v3, v2;
	v3 =	vmul.f32 v8, v35;
	v8 =	vadd.s32 v54, v1;
	v54 =	vld [tilespmem:$0x1FF30]  }
0xb7: {  	v24 =	vmul.f32 v37, v37;
	v33 =	vld [tilespmem:$0x1FFA0];
	v9 =	vadd.f32 v21, v9  }
0xb8: {  	v6 =	vld.idx.msk [tilespmem:v6+s22+$0x0], $0xffff;
	v2 =	vadd.f32 v3, v2;
	v3 =	vmul.f32 v4, v36;
	v4 =	vadd.s32 v58, v1  }
0xb9: {  	v27 =	vmul.f32 v38, v38;
	v58 =	vld [tilespmem:$0x1FF40];
	v9 =	vadd.f32 v24, v9;
	v52 =	vadd.s32 v51, v0  }
0xba: {  	v5 =	vld.idx.msk [tilespmem:v5+s22+$0x0], $0xffff;
	v2 =	vadd.f32 v3, v2;
	v3 =	vmul.f32 v7, v34;
	v7 =	vadd.s32 v63, v1  }
0xbb: {  	v63 =	vld [tilespmem:$0x1FF50];
	v55 =	vadd.s32 v54, v0  }
0xbc: {  	v30 =	vmul.f32 v39, v39;
	v9 =	vadd.f32 v27, v9;
	v8 =	vld.idx.msk [tilespmem:v8+s22+$0x0], $0xffff;
	v27 =	vadd.s32 v26, v0  }
0xbd: {  	v2 =	vadd.f32 v3, v2;
	v3 =	vmul.f32 v6, v37;
	v6 =	vadd.s32 v22, v1;
	v4 =	vld.idx.msk [tilespmem:v4+s22+$0x0], $0xffff  }
0xbe: {  	v49 =	vmul.f32 v40, v40;
	v21 =	vadd.s32 v20, v0;
	v9 =	vadd.f32 v30, v9;
	v47 =	vld.idx.msk [tilespmem:v52+s20+$0x0], $0xffff  }
0xbf: {  	v2 =	vadd.f32 v3, v2;
	v3 =	vmul.f32 v5, v38;
	v5 =	vadd.s32 v25, v1;
	v7 =	vld.idx.msk [tilespmem:v7+s22+$0x0], $0xffff  }
0xc0: {  	v53 =	vmul.f32 v41, v41;
	v30 =	vadd.s32 v29, v0;
	v9 =	vadd.f32 v49, v9;
	v49 =	vld.idx.msk [tilespmem:v55+s20+$0x0], $0xffff  }
0xc1: {  	v2 =	vadd.f32 v3, v2;
	v3 =	vmul.f32 v8, v39;
	v8 =	vadd.s32 v28, v1;
	v55 =	vld.idx.msk [tilespmem:v27+s20+$0x0], $0xffff  }
0xc2: {  	v56 =	vmul.f32 v42, v42;
	v59 =	vadd.s32 v58, v0;
	v9 =	vadd.f32 v53, v9;
	v6 =	vld.idx.msk [tilespmem:v6+s22+$0x0], $0xffff  }
0xc3: {  	v53 =	vld.idx.msk [tilespmem:v21+s20+$0x0], $0xffff;
	v2 =	vadd.f32 v3, v2;
	v3 =	vmul.f32 v4, v40;
	v4 =	vadd.s32 v31, v1  }
0xc4: {  	v62 =	vmul.f32 v43, v43;
	v18 =	vadd.s32 v63, v0;
	v9 =	vadd.f32 v56, v9;
	v5 =	vld.idx.msk [tilespmem:v5+s22+$0x0], $0xffff  }
0xc5: {  	v56 =	vld.idx.msk [tilespmem:v30+s20+$0x0], $0xffff;
	v2 =	vadd.f32 v3, v2;
	v3 =	vmul.f32 v7, v41;
	v7 =	vadd.s32 v51, v1  }
0xc6: {  	v19 =	vmul.f32 v44, v44;
	v24 =	vadd.s32 v23, v0;
	v9 =	vadd.f32 v62, v9;
	v8 =	vld.idx.msk [tilespmem:v8+s22+$0x0], $0xffff  }
0xc7: {  	v51 =	vld.idx.msk [tilespmem:v59+s20+$0x0], $0xffff;
	v2 =	vadd.f32 v3, v2;
	v3 =	vmul.f32 v6, v42;
	v6 =	vadd.s32 v54, v1  }
0xc8: {  	v22 =	vmul.f32 v46, v46;
	v9 =	vadd.f32 v19, v9;
	v4 =	vld.idx.msk [tilespmem:v4+s22+$0x0], $0xffff  }
0xc9: {  	v52 =	vld.idx.msk [tilespmem:v18+s20+$0x0], $0xffff;
	v2 =	vadd.f32 v3, v2;
	v3 =	vmul.f32 v5, v43;
	v5 =	vadd.s32 v58, v1  }
0xca: {  	v25 =	vmul.f32 v47, v47;
	v9 =	vadd.f32 v22, v9;
	v7 =	vld.idx.msk [tilespmem:v7+s22+$0x0], $0xffff  }
0xcb: {  	v54 =	vld.idx.msk [tilespmem:v24+s20+$0x0], $0xffff;
	v2 =	vadd.f32 v3, v2;
	v3 =	vmul.f32 v8, v44;
	v8 =	vadd.s32 v63, v1  }
0xcc: {  	v28 =	vmul.f32 v49, v49;
	v9 =	vadd.f32 v25, v9;
	v6 =	vld.idx.msk [tilespmem:v6+s22+$0x0], $0xffff  }
0xcd: {  	v2 =	vadd.f32 v3, v2;
	v3 =	vmul.f32 v4, v46;
	v4 =	vadd.s32 v20, v1;
	v20 =	vld [tilespmem:$0x1FFB0]  }
0xce: {  	v31 =	vmul.f32 v51, v51;
	v9 =	vadd.f32 v28, v9;
	v5 =	vld.idx.msk [tilespmem:v5+s22+$0x0], $0xffff  }
0xcf: {  	v2 =	vadd.f32 v3, v2;
	v3 =	vmul.f32 v7, v47;
	v7 =	vadd.s32 v23, v1;
	v23 =	vld [tilespmem:$0x1FFC0]  }
0xd0: {  	v62 =	vadd.s32 v33, v0;
	v63 =	vmul.f32 v52, v52;
	v9 =	vadd.f32 v31, v9;
	v8 =	vld.idx.msk [tilespmem:v8+s22+$0x0], $0xffff  }
0xd1: {  	v2 =	vadd.f32 v3, v2;
	v3 =	vmul.f32 v6, v49;
	v6 =	vadd.s32 v26, v1;
	v26 =	vld [tilespmem:$0x1FFD0]  }
0xd2: {  	v22 =	vmul.f32 v53, v53;
	v21 =	vadd.s32 v20, v0;
	v9 =	vadd.f32 v63, v9;
	v4 =	vld.idx.msk [tilespmem:v4+s22+$0x0], $0xffff  }
0xd3: {  	v2 =	vadd.f32 v3, v2;
	v3 =	vmul.f32 v5, v51;
	v5 =	vadd.s32 v29, v1;
	v29 =	vld [tilespmem:$0x1FFE0]  }
0xd4: {  	v25 =	vmul.f32 v54, v54;
	v24 =	vadd.s32 v23, v0;
	v9 =	vadd.f32 v22, v9;
	v7 =	vld.idx.msk [tilespmem:v7+s22+$0x0], $0xffff  }
0xd5: {  	v58 =	vld.idx.msk [tilespmem:v62+s20+$0x0], $0xffff;
	v2 =	vadd.f32 v3, v2;
	v3 =	vmul.f32 v8, v52;
	v8 =	vadd.s32 v33, v1  }
0xd6: {  	v28 =	vmul.f32 v55, v55;
	v27 =	vadd.s32 v26, v0;
	v9 =	vadd.f32 v25, v9;
	v6 =	vld.idx.msk [tilespmem:v6+s22+$0x0], $0xffff  }
0xd7: {  	v59 =	vld.idx.msk [tilespmem:v21+s20+$0x0], $0xffff;
	v2 =	vadd.f32 v3, v2;
	v3 =	vmul.f32 v4, v53;
	v4 =	vadd.s32 v20, v1  }
0xd8: {  	v31 =	vmul.f32 v56, v56;
	v30 =	vadd.s32 v29, v0;
	v9 =	vadd.f32 v28, v9;
	v5 =	vld.idx.msk [tilespmem:v5+s22+$0x0], $0xffff  }
0xd9: {  	v62 =	vld.idx.msk [tilespmem:v24+s20+$0x0], $0xffff;
	v2 =	vadd.f32 v3, v2;
	v3 =	vmul.f32 v7, v54;
	v7 =	vadd.s32 v23, v1  }
0xda: {  	v14 =	vmul.f32 v58, v58;
	v33 =	vadd.s32 v32, v0;
	v0 =	vadd.f32 v31, v9;
	v8 =	vld.idx.msk [tilespmem:v8+s22+$0x0], $0xffff  }
0xdb: {  	v63 =	vld.idx.msk [tilespmem:v27+s20+$0x0], $0xffff;
	v2 =	vadd.f32 v3, v2;
	v3 =	vmul.f32 v6, v55;
	v6 =	vadd.s32 v26, v1  }
0xdc: {  	v9 =	vadd.f32 v14, v0;
	v17 =	vmul.f32 v59, v59;
	v4 =	vld.idx.msk [tilespmem:v4+s22+$0x0], $0xffff  }
0xdd: {  	v18 =	vadd.s32 v29, v1;
	v0 =	vld.idx.msk [tilespmem:v30+s20+$0x0], $0xffff;
	v3 =	vadd.f32 v3, v2;
	v5 =	vmul.f32 v5, v56  }
0xde: {  	v9 =	vadd.f32 v17, v9;
	v19 =	vmul.f32 v62, v62;
	v7 =	vld.idx.msk [tilespmem:v7+s22+$0x0], $0xffff  }
0xdf: {  	v1 =	vadd.s32 v32, v1;
	v2 =	vld.idx.msk [tilespmem:v33+s20+$0x0], $0xffff;
	v3 =	vadd.f32 v5, v3;
	v5 =	vmul.f32 v8, v58  }
0xe0: {  	v8 =	vadd.f32 v19, v9;
	v20 =	vmul.f32 v63, v63;
	v6 =	vld.idx.msk [tilespmem:v6+s22+$0x0], $0xffff  }
0xe1: {  	v3 =	vadd.f32 v5, v3;
	v4 =	vmul.f32 v4, v59  }
0xe2: {  	v21 =	vld.idx.msk [tilespmem:v18+s22+$0x0], $0xffff;
	v5 =	vadd.f32 v20, v8;
	v8 =	vmul.f32 v0, v0  }
0xe3: {  	v3 =	vadd.f32 v4, v3;
	v4 =	vmul.f32 v7, v62  }
0xe4: {  	v1 =	vld.idx.msk [tilespmem:v1+s22+$0x0], $0xffff;
	v7 =	vmul.f32 v2, v2;
	v5 =	vadd.f32 v8, v5  }
0xe5: {  	v3 =	vadd.f32 v4, v3;
	v4 =	vmul.f32 v6, v63  }
0xe6: {  	v6 =	vld [tilespmem:s15+$0x1E400];
	v5 =	vadd.f32 v7, v5  }
0xe7: {  	p0 =	seq.s32 s11, $0x0;
	v7 =	vlaneseq.u32;
	v3 =	vadd.f32 v4, v3;
	v4 =	vmul.f32 v21, v0  }
0xe8: {  	s9 =	simm.s32 @!p0 $0x3;
	s14 =	smul.u32 $0x280, s11;
	v33 =	vmul.u32 $0x14, v7  }
0xe9: {  	v1 =	vmul.f32 v1, v2;
	_ =	swait.ge @!p0 [sflag:s9], $0x10;
	v7 =	vmul.f32 $-5.000000000e-01, v5;
	v3 =	vadd.f32 v4, v3  }
0xea: {  	[sflag:s9] =	ssyncset.done @!p0 $0x0;
	v5 =	vmov s14;
	v4 =	vadd.s32 s10, v33  }
0xeb: {  	[sflag:s9] =	ssyncadd.s32 @!p0 $0xFFFFFFF0;
	v1 =	vadd.f32 v1, v3;
	v3 =	vadd.f32 v7, v6;
	v6 =	vadd.s32 v5, v4  }
0xec: {  	_ =	swait.ge @!p0 [sflag:s9], $0x140  }
0xed: {  	[sflag:s9] =	ssyncset.done @!p0 $0x0;
	v1 =	vadd.f32 v3, v1  }
0xee: {  	[sflag:s9] =	ssyncadd.s32 @!p0 $0xFFFFFEC0  }
0xef: {  	[tilespmem:$0x1E600] =	vst v1  }
0xf0: {  	v6 =	vld.idx.msk [tilespmem:v6+s19+$0x0], $0xffff;
	_ =	sdelay $0x4  }
0xf1: {  	v1 =	vshll.u32 v4, $0x7;
	v7 =	vand.u32 $0xFFFFFFF8, v6;
	v8 =	vand.u32 $0x7, v6  }
0xf2: {  	v22 =	vadd.s32 $0x1, v6;
	v24 =	vadd.s32 $0x2, v6;
	v28 =	vadd.s32 $0x3, v6  }
0xf3: {  	v30 =	vadd.s32 $0x4, v6;
	v7 =	vadd.s32 v1, v7;
	v23 =	vand.u32 $0xFFFFFFF8, v22  }
0xf4: {  	v7 =	vor.u32 v8, v7;
	v8 =	vand.u32 $0x7, v22;
	v25 =	vadd.s32 v1, v23  }
0xf5: {  	v19 =	vadd.s32 $0x5, v6;
	v26 =	vand.u32 $0xFFFFFFF8, v24;
	v8 =	vor.u32 v8, v25  }
0xf6: {  	v21 =	vadd.s32 $0x6, v6;
	v27 =	vand.u32 $0x7, v24;
	v9 =	vadd.s32 v1, v26  }
0xf7: {  	v29 =	vand.u32 $0xFFFFFFF8, v28;
	v11 =	vand.u32 $0x7, v28;
	v9 =	vor.u32 v27, v9  }
0xf8: {  	v18 =	vand.u32 $0xFFFFFFF8, v30;
	v12 =	vand.u32 $0x7, v30;
	v10 =	vadd.s32 v1, v29  }
0xf9: {  	v20 =	vand.u32 $0xFFFFFFF8, v19;
	v10 =	vor.u32 v11, v10;
	v11 =	vadd.s32 v1, v18;
	v31 =	vld.idx.msk [tilespmem:v7+s25+$0x0], $0xffff  }
0xfa: {  	v14 =	vand.u32 $0x7, v19;
	v28 =	vadd.s32 $0x9, v6;
	v11 =	vor.u32 v12, v11;
	v8 =	vld.idx.msk [tilespmem:v8+s25+$0x0], $0xffff  }
0xfb: {  	v22 =	vand.u32 $0xFFFFFFF8, v21;
	v23 =	vand.u32 $0x7, v21;
	v21 =	vadd.s32 $0xA, v6  }
0xfc: {  	v24 =	vadd.s32 v1, v22;
	v25 =	vadd.s32 $0x7, v6;
	v12 =	vadd.s32 v1, v20;
	v9 =	vld.idx.msk [tilespmem:v9+s25+$0x0], $0xffff  }
0xfd: {  	v30 =	vadd.s32 $0x8, v7;
	v22 =	vadd.s32 $0xB, v6;
	v12 =	vor.u32 v14, v12  }
0xfe: {  	v26 =	vand.u32 $0xFFFFFFF8, v25;
	v16 =	vand.u32 $0x7, v25;
	v14 =	vor.u32 v23, v24;
	v10 =	vld.idx.msk [tilespmem:v10+s25+$0x0], $0xffff  }
0xff: {  	v15 =	vadd.s32 v1, v26;
	v11 =	vld.idx.msk [tilespmem:v11+s25+$0x0], $0xffff;
	v13 =	vmul.f32 v31, v60;
	v8 =	vmul.f32 v8, v61  }
0x100: {  	v23 =	vand.u32 $0xFFFFFFF8, v21;
	v24 =	vand.u32 $0xFFFFFFF8, v22;
	v26 =	vadd.s32 $0xC, v6  }
0x101: {  	v27 =	vor.u32 v16, v15;
	v9 =	vmul.f32 v9, v57;
	v8 =	vadd.f32 v8, v13  }
0x102: {  	v15 =	vand.u32 $0x7, v28;
	v12 =	vld.idx.msk [tilespmem:v12+s25+$0x0], $0xffff;
	v31 =	vand.u32 $0xFFFFFFF8, v28;
	v28 =	vand.u32 $0xFFFFFFF8, v26  }
0x103: {  	v14 =	vld.idx.msk [tilespmem:v14+s25+$0x0], $0xffff;
	v29 =	vmul.f32 v10, v48;
	v16 =	vadd.s32 v1, v31;
	v8 =	vadd.f32 v9, v8  }
0x104: {  	v10 =	vld.idx.msk [tilespmem:v30+s25+$0x0], $0xffff;
	v30 =	vadd.s32 $0xE, v6;
	v31 =	vadd.s32 $0xF, v6;
	v20 =	vmul.f32 v11, v50  }
0x105: {  	v15 =	vor.u32 v15, v16;
	v11 =	vand.u32 $0x7, v21;
	v8 =	vadd.f32 v29, v8  }
0x106: {  	v16 =	vand.u32 $0x7, v22;
	v19 =	vand.u32 $0xFFFFFFF8, v30;
	v21 =	vadd.s32 $0x11, v6;
	v13 =	vld.idx.msk [tilespmem:v27+s25+$0x0], $0xffff  }
0x107: {  	v12 =	vmul.f32 v12, v45;
	v9 =	vadd.s32 v1, v23;
	v8 =	vadd.f32 v20, v8  }
0x108: {  	v25 =	vmul.f32 v14, v35;
	v27 =	vadd.s32 $0xD, v6;
	v9 =	vor.u32 v11, v9  }
0x109: {  	v14 =	vand.u32 $0x7, v26;
	v11 =	vadd.s32 v1, v24;
	v8 =	vadd.f32 v12, v8  }
0x10a: {  	v23 =	vadd.s32 $0x10, v7;
	v7 =	vadd.s32 $0x18, v7;
	v11 =	vor.u32 v16, v11  }
0x10b: {  	v15 =	vld.idx.msk [tilespmem:v15+s25+$0x0], $0xffff;
	v13 =	vmul.f32 v13, v36;
	v12 =	vadd.s32 v1, v28;
	v8 =	vadd.f32 v25, v8  }
0x10c: {  	v10 =	vmul.f32 v10, v34;
	v29 =	vand.u32 $0xFFFFFFF8, v27;
	v12 =	vor.u32 v14, v12  }
0x10d: {  	v16 =	vand.u32 $0x7, v27;
	v9 =	vld.idx.msk [tilespmem:v9+s25+$0x0], $0xffff;
	v14 =	vadd.s32 v1, v29;
	v8 =	vadd.f32 v13, v8  }
0x10e: {  	v26 =	vadd.s32 $0x12, v6;
	v24 =	vand.u32 $0xFFFFFFF8, v21;
	v14 =	vor.u32 v16, v14  }
0x10f: {  	v11 =	vld.idx.msk [tilespmem:v11+s25+$0x0], $0xffff;
	v13 =	vand.u32 $0x7, v30;
	v8 =	vadd.f32 v10, v8;
	v10 =	vadd.s32 v1, v19  }
0x110: {  	v20 =	vand.u32 $0xFFFFFFF8, v31;
	v7 =	vld.idx.msk [tilespmem:v7+s25+$0x0], $0xffff;
	v15 =	vmul.f32 v15, v37;
	v10 =	vor.u32 v13, v10  }
0x111: {  	v27 =	vadd.s32 $0x13, v6;
	v16 =	vand.u32 $0x7, v31;
	v12 =	vld.idx.msk [tilespmem:v12+s25+$0x0], $0xffff;
	v13 =	vadd.s32 v1, v20  }
0x112: {  	v9 =	vmul.f32 v9, v38;
	v8 =	vadd.f32 v15, v8;
	v13 =	vor.u32 v16, v13  }
0x113: {  	v28 =	vand.u32 $0xFFFFFFF8, v26;
	v29 =	vand.u32 $0xFFFFFFF8, v27;
	v31 =	vadd.s32 $0x15, v6;
	v14 =	vld.idx.msk [tilespmem:v14+s25+$0x0], $0xffff  }
0x114: {  	v30 =	vadd.s32 $0x14, v6;
	v22 =	vmul.f32 v11, v39;
	v8 =	vadd.f32 v9, v8  }
0x115: {  	v7 =	vmul.f32 v7, v55;
	v19 =	vand.u32 $0xFFFFFFF8, v30;
	v15 =	vand.u32 $0x7, v21;
	v10 =	vld.idx.msk [tilespmem:v10+s25+$0x0], $0xffff  }
0x116: {  	v16 =	vadd.s32 v1, v24;
	v25 =	vmul.f32 v12, v40;
	v8 =	vadd.f32 v22, v8  }
0x117: {  	v21 =	vadd.s32 $0x16, v6;
	v15 =	vor.u32 v15, v16;
	v9 =	vadd.s32 v1, v28;
	v13 =	vld.idx.msk [tilespmem:v13+s25+$0x0], $0xffff  }
0x118: {  	v11 =	vld.idx.msk [tilespmem:v23+s25+$0x0], $0xffff;
	v12 =	vand.u32 $0x7, v26;
	v14 =	vmul.f32 v14, v41;
	v8 =	vadd.f32 v25, v8  }
0x119: {  	v16 =	vand.u32 $0x7, v27;
	v9 =	vor.u32 v12, v9;
	v12 =	vadd.s32 v1, v29  }
0x11a: {  	v12 =	vor.u32 v16, v12;
	v8 =	vadd.f32 v14, v8;
	v10 =	vmul.f32 v10, v42  }
0x11b: {  	v20 =	vand.u32 $0xFFFFFFF8, v31;
	v23 =	vand.u32 $0xFFFFFFF8, v21;
	v14 =	vand.u32 $0x7, v30  }
0x11c: {  	v15 =	vld.idx.msk [tilespmem:v15+s25+$0x0], $0xffff;
	v13 =	vmul.f32 v13, v43;
	v8 =	vadd.f32 v10, v8;
	v10 =	vadd.s32 v1, v19  }
0x11d: {  	v11 =	vmul.f32 v11, v44;
	v22 =	vadd.s32 $0x17, v6;
	v10 =	vor.u32 v14, v10  }
0x11e: {  	v16 =	vand.u32 $0x7, v31;
	v9 =	vld.idx.msk [tilespmem:v9+s25+$0x0], $0xffff;
	v14 =	vadd.s32 v1, v20;
	v8 =	vadd.f32 v13, v8  }
0x11f: {  	v27 =	vadd.s32 $0x1C, v6;
	v24 =	vand.u32 $0xFFFFFFF8, v22;
	v12 =	vld.idx.msk [tilespmem:v12+s25+$0x0], $0xffff;
	v14 =	vor.u32 v16, v14  }
0x120: {  	v13 =	vand.u32 $0x7, v21;
	v8 =	vadd.f32 v11, v8;
	v11 =	vadd.s32 v1, v23  }
0x121: {  	v31 =	vadd.s32 $0x1B, v6;
	v15 =	vmul.f32 v15, v46;
	v11 =	vor.u32 v13, v11  }
0x122: {  	v25 =	vadd.s32 $0x19, v6;
	v16 =	vand.u32 $0x7, v22;
	v13 =	vadd.s32 v1, v24;
	v10 =	vld.idx.msk [tilespmem:v10+s25+$0x0], $0xffff  }
0x123: {  	v9 =	vmul.f32 v9, v47;
	v8 =	vadd.f32 v15, v8;
	v13 =	vor.u32 v16, v13  }
0x124: {  	v28 =	vand.u32 $0xFFFFFFF8, v25;
	v30 =	vadd.s32 $0x1A, v6;
	v26 =	vmul.f32 v12, v49;
	v14 =	vld.idx.msk [tilespmem:v14+s25+$0x0], $0xffff  }
0x125: {  	v15 =	vand.u32 $0x7, v25;
	v16 =	vadd.s32 v1, v28;
	v8 =	vadd.f32 v9, v8  }
0x126: {  	v20 =	vand.u32 $0xFFFFFFF8, v30;
	v21 =	vand.u32 $0xFFFFFFF8, v31;
	v15 =	vor.u32 v15, v16;
	v11 =	vld.idx.msk [tilespmem:v11+s25+$0x0], $0xffff  }
0x127: {  	v22 =	vand.u32 $0xFFFFFFF8, v27;
	v8 =	vadd.f32 v26, v8;
	v29 =	vmul.f32 v10, v51  }
0x128: {  	v12 =	vand.u32 $0x7, v27;
	v9 =	vadd.s32 v1, v20;
	v10 =	vand.u32 $0x7, v30;
	v13 =	vld.idx.msk [tilespmem:v13+s25+$0x0], $0xffff  }
0x129: {  	v14 =	vmul.f32 v14, v52;
	v9 =	vor.u32 v10, v9;
	v8 =	vadd.f32 v29, v8  }
0x12a: {  	v23 =	vadd.s32 $0x1D, v6;
	v16 =	vand.u32 $0x7, v31;
	v10 =	vadd.s32 v1, v21  }
0x12b: {  	v24 =	vld.idx.msk [tilespmem:v15+s25+$0x0], $0xffff;
	v10 =	vor.u32 v16, v10;
	v8 =	vadd.f32 v14, v8;
	v11 =	vmul.f32 v11, v53  }
0x12c: {  	v27 =	vadd.s32 $0x1E, v6;
	v25 =	vand.u32 $0xFFFFFFF8, v23;
	v14 =	vadd.s32 v1, v22  }
0x12d: {  	v12 =	vor.u32 v12, v14;
	v26 =	vmul.f32 v13, v54;
	v8 =	vadd.f32 v11, v8  }
0x12e: {  	v6 =	vadd.s32 $0x1F, v6;
	v15 =	vadd.s32 v1, v25;
	v16 =	vand.u32 $0x7, v23;
	v9 =	vld.idx.msk [tilespmem:v9+s25+$0x0], $0xffff  }
0x12f: {  	v28 =	vand.u32 $0xFFFFFFF8, v27;
	v15 =	vor.u32 v16, v15;
	v8 =	vadd.f32 v26, v8  }
0x130: {  	v13 =	vand.u32 $0x7, v27;
	v11 =	vadd.s32 v1, v28;
	v29 =	vmul.f32 v24, v56;
	v10 =	vld.idx.msk [tilespmem:v10+s25+$0x0], $0xffff  }
0x131: {  	v11 =	vor.u32 v13, v11;
	v7 =	vadd.f32 v7, v8;
	v8 =	vand.u32 $0xFFFFFFF8, v6  }
0x132: {  	v6 =	vand.u32 $0x7, v6;
	v1 =	vadd.s32 v1, v8;
	v8 =	vld.idx.msk [tilespmem:v12+s25+$0x0], $0xffff  }
0x133: {  	v1 =	vor.u32 v6, v1;
	v6 =	vadd.f32 v29, v7;
	v7 =	vmul.f32 v9, v58  }
0x134: {  	v30 =	vld.idx.msk [tilespmem:v15+s25+$0x0], $0xffff  }
0x135: {  	v6 =	vadd.f32 v7, v6;
	v7 =	vmul.f32 v10, v59  }
0x136: {  	v31 =	vld.idx.msk [tilespmem:v11+s25+$0x0], $0xffff  }
0x137: {  	v6 =	vadd.f32 v7, v6;
	v7 =	vmul.f32 v8, v62  }
0x138: {  	v1 =	vld.idx.msk [tilespmem:v1+s25+$0x0], $0xffff  }
0x139: {  	v6 =	vadd.f32 v7, v6;
	v7 =	vmul.f32 v30, v63;
	_ =	sdelay $0x1  }
0x13a: {  	v6 =	vadd.f32 v7, v6;
	v7 =	vmul.f32 v31, v0;
	_ =	sdelay $0x1  }
0x13b: {  	s16 =	simm.s32 $0x1;
	v7 =	vadd.f32 v7, v6;
	v1 =	vmul.f32 v1, v2  }
0x13c: {  	v6 =	vadd.s32 s16, v33  }
0x13d: {  	s13 =	sor.u32 s8, s15;
	s14 =	sshll.u32 s11, $0x1;
	s9 =	simm.s32 $0x2;
	v7 =	vadd.f32 v1, v7;
	v1 =	vadd.s32 v5, v6  }
.LBB2_9:
0x13e: {  	p1 =	sne.s32 s9, $0x13  }
0x13f: {  	v7 =	vadd.f32 v7, v3;
	_ =	sdelay $0x1  }
0x140: {  	[tilespmem:v4+s21+$0x0] =	vst.idx.msk $0xffff, v7;
	v4 =	vmov v6  }
0x141: {  	v10 =	vld.idx.msk [tilespmem:v1+s19+$0x0], $0xffff;
	_ =	sdelay $0x5  }
0x142: {  	v6 =	vshll.u32 v4, $0x7;
	v7 =	vadd.s32 $0x1F, v10  }
0x143: {  	v9 =	vadd.s32 $0x1C, v10;
	v1 =	vadd.s32 $0x1D, v10;
	v8 =	vadd.s32 $0x1E, v10  }
0x144: {  	v14 =	vadd.s32 $0x15, v10;
	v13 =	vadd.s32 $0x16, v10;
	v12 =	vadd.s32 $0x17, v10  }
0x145: {  	v11 =	vand.u32 $0xFFFFFFF8, v10;
	v15 =	vand.u32 $0x7, v10;
	v16 =	vadd.s32 $0x1, v10  }
0x146: {  	v18 =	vadd.s32 $0x2, v10;
	v11 =	vadd.s32 v6, v11;
	v17 =	vand.u32 $0xFFFFFFF8, v16  }
0x147: {  	v11 =	vor.u32 v15, v11;
	v15 =	vand.u32 $0x7, v16;
	v16 =	vadd.s32 v6, v17  }
0x148: {  	v17 =	vand.u32 $0xFFFFFFF8, v18;
	v16 =	vor.u32 v15, v16;
	v15 =	vadd.s32 $0x14, v10  }
0x149: {  	v19 =	vadd.s32 $0x3, v10;
	v18 =	vand.u32 $0x7, v18;
	v17 =	vadd.s32 v6, v17  }
0x14a: {  	v20 =	vadd.s32 $0xF, v10;
	v17 =	vor.u32 v18, v17;
	v18 =	vand.u32 $0xFFFFFFF8, v19  }
0x14b: {  	v21 =	vadd.s32 $0x4, v10;
	v19 =	vand.u32 $0x7, v19;
	v18 =	vadd.s32 v6, v18  }
0x14c: {  	v23 =	vadd.s32 $0xE, v10;
	v18 =	vor.u32 v19, v18;
	v19 =	vand.u32 $0xFFFFFFF8, v21;
	v22 =	vld.idx.msk [tilespmem:v11+s25+$0x0], $0xffff  }
0x14d: {  	v24 =	vadd.s32 $0x5, v10;
	v21 =	vand.u32 $0x7, v21;
	v19 =	vadd.s32 v6, v19;
	v16 =	vld.idx.msk [tilespmem:v16+s25+$0x0], $0xffff  }
0x14e: {  	v25 =	vadd.s32 $0xD, v10;
	v19 =	vor.u32 v21, v19;
	v21 =	vand.u32 $0xFFFFFFF8, v24  }
0x14f: {  	v26 =	vadd.s32 $0x6, v10;
	v24 =	vand.u32 $0x7, v24;
	v21 =	vadd.s32 v6, v21;
	v17 =	vld.idx.msk [tilespmem:v17+s25+$0x0], $0xffff  }
0x150: {  	v27 =	vadd.s32 $0xC, v10;
	v21 =	vor.u32 v24, v21;
	v24 =	vand.u32 $0xFFFFFFF8, v26  }
0x151: {  	v28 =	vadd.s32 $0x7, v10;
	v26 =	vand.u32 $0x7, v26;
	v24 =	vadd.s32 v6, v24;
	v18 =	vld.idx.msk [tilespmem:v18+s25+$0x0], $0xffff  }
0x152: {  	v24 =	vor.u32 v26, v24;
	v26 =	vand.u32 $0xFFFFFFF8, v28;
	v28 =	vand.u32 $0x7, v28  }
0x153: {  	v26 =	vadd.s32 v6, v26;
	v22 =	vmul.f32 v22, v60;
	v16 =	vmul.f32 v16, v61;
	v19 =	vld.idx.msk [tilespmem:v19+s25+$0x0], $0xffff  }
0x154: {  	v29 =	vadd.s32 $0xB, v10;
	v26 =	vor.u32 v28, v26;
	v28 =	vadd.s32 $0xA, v10  }
0x155: {  	v16 =	vadd.f32 v16, v22;
	v17 =	vmul.f32 v17, v57;
	v22 =	vadd.s32 $0x9, v10;
	v21 =	vld.idx.msk [tilespmem:v21+s25+$0x0], $0xffff  }
0x156: {  	v30 =	vadd.s32 $0x8, v11;
	v31 =	vand.u32 $0xFFFFFFF8, v22;
	v22 =	vand.u32 $0x7, v22  }
0x157: {  	v16 =	vadd.f32 v17, v16;
	v17 =	vmul.f32 v18, v48;
	v18 =	vld.idx.msk [tilespmem:v24+s25+$0x0], $0xffff;
	v24 =	vadd.s32 v6, v31  }
0x158: {  	v22 =	vor.u32 v22, v24;
	v24 =	vand.u32 $0xFFFFFFF8, v28;
	v28 =	vand.u32 $0x7, v28  }
0x159: {  	v16 =	vadd.f32 v17, v16;
	v17 =	vmul.f32 v19, v50;
	v19 =	vld.idx.msk [tilespmem:v26+s25+$0x0], $0xffff;
	v24 =	vadd.s32 v6, v24  }
0x15a: {  	v26 =	vand.u32 $0xFFFFFFF8, v29;
	v24 =	vor.u32 v28, v24;
	v28 =	vand.u32 $0x7, v29  }
0x15b: {  	v16 =	vadd.f32 v17, v16;
	v17 =	vmul.f32 v21, v45;
	v26 =	vadd.s32 v6, v26;
	v21 =	vld.idx.msk [tilespmem:v30+s25+$0x0], $0xffff  }
0x15c: {  	v26 =	vor.u32 v28, v26;
	v28 =	vand.u32 $0xFFFFFFF8, v27;
	v27 =	vand.u32 $0x7, v27  }
0x15d: {  	v16 =	vadd.f32 v17, v16;
	v17 =	vmul.f32 v18, v35;
	v18 =	vld.idx.msk [tilespmem:v22+s25+$0x0], $0xffff;
	v22 =	vadd.s32 v6, v28  }
0x15e: {  	v22 =	vor.u32 v27, v22;
	v27 =	vand.u32 $0xFFFFFFF8, v25;
	v25 =	vand.u32 $0x7, v25  }
0x15f: {  	v16 =	vadd.f32 v17, v16;
	v17 =	vmul.f32 v19, v36;
	v19 =	vld.idx.msk [tilespmem:v24+s25+$0x0], $0xffff;
	v24 =	vadd.s32 v6, v27  }
0x160: {  	v24 =	vor.u32 v25, v24;
	v25 =	vand.u32 $0xFFFFFFF8, v23;
	v23 =	vand.u32 $0x7, v23  }
0x161: {  	v16 =	vadd.f32 v17, v16;
	v17 =	vmul.f32 v21, v34;
	v21 =	vld.idx.msk [tilespmem:v26+s25+$0x0], $0xffff;
	v25 =	vadd.s32 v6, v25  }
0x162: {  	v23 =	vor.u32 v23, v25;
	v25 =	vand.u32 $0xFFFFFFF8, v20;
	v20 =	vand.u32 $0x7, v20  }
0x163: {  	v16 =	vadd.f32 v17, v16;
	v17 =	vmul.f32 v18, v37;
	v18 =	vld.idx.msk [tilespmem:v22+s25+$0x0], $0xffff;
	v22 =	vadd.s32 v6, v25  }
0x164: {  	v25 =	vadd.s32 $0x13, v10;
	v20 =	vor.u32 v20, v22;
	v22 =	vadd.s32 $0x12, v10  }
0x165: {  	v16 =	vadd.f32 v17, v16;
	v17 =	vmul.f32 v19, v38;
	v19 =	vld.idx.msk [tilespmem:v24+s25+$0x0], $0xffff;
	v24 =	vadd.s32 $0x11, v10  }
0x166: {  	v26 =	vadd.s32 $0x10, v11;
	v27 =	vand.u32 $0xFFFFFFF8, v24;
	v24 =	vand.u32 $0x7, v24  }
0x167: {  	v16 =	vadd.f32 v17, v16;
	v17 =	vmul.f32 v21, v39;
	v21 =	vld.idx.msk [tilespmem:v23+s25+$0x0], $0xffff;
	v23 =	vadd.s32 v6, v27  }
0x168: {  	v23 =	vor.u32 v24, v23;
	v24 =	vand.u32 $0xFFFFFFF8, v22;
	v22 =	vand.u32 $0x7, v22  }
0x169: {  	v16 =	vadd.f32 v17, v16;
	v17 =	vmul.f32 v18, v40;
	v18 =	vld.idx.msk [tilespmem:v20+s25+$0x0], $0xffff;
	v20 =	vadd.s32 v6, v24  }
0x16a: {  	v24 =	vand.u32 $0x7, v25;
	v20 =	vor.u32 v22, v20;
	v22 =	vand.u32 $0xFFFFFFF8, v25  }
0x16b: {  	v16 =	vadd.f32 v17, v16;
	v17 =	vmul.f32 v19, v41;
	v19 =	vld.idx.msk [tilespmem:v26+s25+$0x0], $0xffff;
	v22 =	vadd.s32 v6, v22  }
0x16c: {  	v22 =	vor.u32 v24, v22;
	v24 =	vand.u32 $0xFFFFFFF8, v15;
	v15 =	vand.u32 $0x7, v15  }
0x16d: {  	v16 =	vadd.f32 v17, v16;
	v17 =	vmul.f32 v21, v42;
	v21 =	vld.idx.msk [tilespmem:v23+s25+$0x0], $0xffff;
	v23 =	vadd.s32 v6, v24  }
0x16e: {  	v15 =	vor.u32 v15, v23;
	v23 =	vand.u32 $0xFFFFFFF8, v14;
	v14 =	vand.u32 $0x7, v14  }
0x16f: {  	v16 =	vadd.f32 v17, v16;
	v17 =	vmul.f32 v18, v43;
	v18 =	vld.idx.msk [tilespmem:v20+s25+$0x0], $0xffff;
	v20 =	vadd.s32 v6, v23  }
0x170: {  	v14 =	vor.u32 v14, v20;
	v20 =	vand.u32 $0xFFFFFFF8, v13;
	v13 =	vand.u32 $0x7, v13  }
0x171: {  	v16 =	vadd.f32 v17, v16;
	v17 =	vmul.f32 v19, v44;
	v19 =	vld.idx.msk [tilespmem:v22+s25+$0x0], $0xffff;
	v20 =	vadd.s32 v6, v20  }
0x172: {  	v13 =	vor.u32 v13, v20;
	v20 =	vand.u32 $0xFFFFFFF8, v12;
	v12 =	vand.u32 $0x7, v12  }
0x173: {  	v16 =	vadd.f32 v17, v16;
	v17 =	vmul.f32 v21, v46;
	v15 =	vld.idx.msk [tilespmem:v15+s25+$0x0], $0xffff;
	v20 =	vadd.s32 v6, v20  }
0x174: {  	v21 =	vadd.s32 $0x1B, v10;
	v12 =	vor.u32 v12, v20;
	v20 =	vadd.s32 $0x1A, v10  }
0x175: {  	v16 =	vadd.f32 v17, v16;
	v17 =	vmul.f32 v18, v47;
	v10 =	vadd.s32 $0x19, v10;
	v14 =	vld.idx.msk [tilespmem:v14+s25+$0x0], $0xffff  }
0x176: {  	v11 =	vadd.s32 $0x18, v11;
	v18 =	vand.u32 $0xFFFFFFF8, v10;
	v10 =	vand.u32 $0x7, v10  }
0x177: {  	v16 =	vadd.f32 v17, v16;
	v17 =	vmul.f32 v19, v49;
	v18 =	vadd.s32 v6, v18;
	v13 =	vld.idx.msk [tilespmem:v13+s25+$0x0], $0xffff  }
0x178: {  	v19 =	vand.u32 $0x7, v20;
	v10 =	vor.u32 v10, v18;
	v18 =	vand.u32 $0xFFFFFFF8, v20  }
0x179: {  	v16 =	vadd.f32 v17, v16;
	v15 =	vmul.f32 v15, v51;
	v17 =	vadd.s32 v6, v18;
	v12 =	vld.idx.msk [tilespmem:v12+s25+$0x0], $0xffff  }
0x17a: {  	v18 =	vand.u32 $0xFFFFFFF8, v21;
	v17 =	vor.u32 v19, v17;
	v19 =	vand.u32 $0x7, v21  }
0x17b: {  	v15 =	vadd.f32 v15, v16;
	v14 =	vmul.f32 v14, v52;
	v16 =	vadd.s32 v6, v18;
	v11 =	vld.idx.msk [tilespmem:v11+s25+$0x0], $0xffff  }
0x17c: {  	v18 =	vand.u32 $0xFFFFFFF8, v9;
	v9 =	vand.u32 $0x7, v9;
	v16 =	vor.u32 v19, v16  }
0x17d: {  	v14 =	vadd.f32 v14, v15;
	v13 =	vmul.f32 v13, v53;
	v15 =	vadd.s32 v6, v18;
	v10 =	vld.idx.msk [tilespmem:v10+s25+$0x0], $0xffff  }
0x17e: {  	v9 =	vor.u32 v9, v15;
	v15 =	vand.u32 $0xFFFFFFF8, v1;
	v1 =	vand.u32 $0x7, v1  }
0x17f: {  	v13 =	vadd.f32 v13, v14;
	v12 =	vmul.f32 v12, v54;
	v15 =	vadd.s32 v6, v15;
	v14 =	vld.idx.msk [tilespmem:v17+s25+$0x0], $0xffff  }
0x180: {  	v1 =	vor.u32 v1, v15;
	v15 =	vand.u32 $0xFFFFFFF8, v8;
	v8 =	vand.u32 $0x7, v8  }
0x181: {  	v12 =	vadd.f32 v12, v13;
	v11 =	vmul.f32 v11, v55;
	v15 =	vadd.s32 v6, v15;
	v13 =	vld.idx.msk [tilespmem:v16+s25+$0x0], $0xffff  }
0x182: {  	v8 =	vor.u32 v8, v15;
	v15 =	vand.u32 $0xFFFFFFF8, v7;
	v7 =	vand.u32 $0x7, v7  }
0x183: {  	v11 =	vadd.f32 v11, v12;
	v10 =	vmul.f32 v10, v56;
	v6 =	vadd.s32 v6, v15;
	v9 =	vld.idx.msk [tilespmem:v9+s25+$0x0], $0xffff  }
0x184: {  	v6 =	vor.u32 v7, v6  }
0x185: {  	v7 =	vadd.f32 v10, v11;
	v10 =	vmul.f32 v14, v58;
	v1 =	vld.idx.msk [tilespmem:v1+s25+$0x0], $0xffff;
	_ =	sdelay $0x1  }
0x186: {  	v7 =	vadd.f32 v10, v7;
	v10 =	vmul.f32 v13, v59;
	v8 =	vld.idx.msk [tilespmem:v8+s25+$0x0], $0xffff;
	_ =	sdelay $0x1  }
0x187: {  	v7 =	vadd.f32 v10, v7;
	v9 =	vmul.f32 v9, v62;
	v6 =	vld.idx.msk [tilespmem:v6+s25+$0x0], $0xffff;
	_ =	sdelay $0x1  }
0x188: {  	v7 =	vadd.f32 v9, v7;
	v1 =	vmul.f32 v1, v63;
	_ =	sdelay $0x1  }
.Ltmp3:
0x189: {  	v1 =	vadd.f32 v1, v7;
	v7 =	vmul.f32 v8, v0;
	(pc) =	sbr.rel @p1 .LBB2_9-.Ltmp3, $4  }
0x18a: {  	_ = 	snop  }
0x18b: {  	v7 =	vadd.f32 v7, v1;
	v8 =	vmul.f32 v6, v2  }
0x18c: {  	v6 =	vadd.s32 s9, v33  }
0x18d: {  	s9 =	sadd.s32 $0x1, s9;
	v1 =	vadd.s32 v5, v6;
	v7 =	vadd.f32 v8, v7  }
0x18e: {  	_ =	sdelay $0x1  }
0x18f: {  	v5 =	vadd.f32 v7, v3;
	_ =	sdelay $0x1  }
0x190: {  	[tilespmem:v4+s21+$0x0] =	vst.idx.msk $0xffff, v5  }
0x191: {  	v4 =	vld.idx.msk [tilespmem:v1+s19+$0x0], $0xffff;
	_ =	sdelay $0x4  }
0x192: {  	v1 =	vshll.u32 v6, $0x7;
	v5 =	vand.u32 $0xFFFFFFF8, v4  }
0x193: {  	v7 =	vadd.s32 $0x1, v4;
	v8 =	vand.u32 $0x7, v4;
	v5 =	vadd.s32 v1, v5  }
0x194: {  	v10 =	vand.u32 $0xFFFFFFF8, v7;
	v9 =	vor.u32 v8, v5  }
0x195: {  	v5 =	vand.u32 $0x7, v7;
	v7 =	vadd.s32 v1, v10;
	v8 =	vadd.s32 $0x2, v4  }
0x196: {  	v5 =	vor.u32 v5, v7;
	v7 =	vand.u32 $0xFFFFFFF8, v8  }
0x197: {  	v22 =	vadd.s32 $0x3, v4;
	v8 =	vand.u32 $0x7, v8;
	v7 =	vadd.s32 v1, v7  }
0x198: {  	v23 =	vadd.s32 $0x4, v4;
	v15 =	vadd.s32 $0x5, v4;
	v11 =	vor.u32 v8, v7  }
0x199: {  	v17 =	vadd.s32 $0x15, v4;
	v18 =	vadd.s32 $0x6, v4;
	v19 =	vadd.s32 $0x17, v4  }
0x19a: {  	v25 =	vadd.s32 $0x7, v4;
	v20 =	vadd.s32 $0x9, v4;
	v7 =	vand.u32 $0xFFFFFFF8, v22;
	v12 =	vld.idx.msk [tilespmem:v9+s25+$0x0], $0xffff  }
0x19b: {  	v28 =	vadd.s32 $0xA, v4;
	v8 =	vand.u32 $0x7, v22;
	v7 =	vadd.s32 v1, v7;
	v13 =	vld.idx.msk [tilespmem:v5+s25+$0x0], $0xffff  }
0x19c: {  	v21 =	vadd.s32 $0xB, v4;
	v14 =	vor.u32 v8, v7;
	v5 =	vand.u32 $0xFFFFFFF8, v23  }
0x19d: {  	v31 =	vadd.s32 $0xC, v4;
	v10 =	vand.u32 $0x7, v23;
	v5 =	vadd.s32 v1, v5;
	v11 =	vld.idx.msk [tilespmem:v11+s25+$0x0], $0xffff  }
0x19e: {  	v16 =	vand.u32 $0xFFFFFFF8, v15;
	v15 =	vand.u32 $0x7, v15;
	v10 =	vor.u32 v10, v5  }
0x19f: {  	v24 =	vand.u32 $0xFFFFFFF8, v18;
	v18 =	vand.u32 $0x7, v18;
	v26 =	vand.u32 $0xFFFFFFF8, v25  }
0x1a0: {  	v16 =	vadd.s32 v1, v16;
	v12 =	vmul.f32 v12, v60;
	v13 =	vmul.f32 v13, v61  }
0x1a1: {  	v27 =	vand.u32 $0xFFFFFFF8, v20;
	v20 =	vand.u32 $0x7, v20;
	v15 =	vor.u32 v15, v16;
	v14 =	vld.idx.msk [tilespmem:v14+s25+$0x0], $0xffff  }
0x1a2: {  	v12 =	vadd.f32 v13, v12;
	v13 =	vadd.s32 v1, v24;
	v11 =	vmul.f32 v11, v57  }
0x1a3: {  	v30 =	vand.u32 $0xFFFFFFF8, v28;
	v16 =	vadd.s32 $0x16, v4;
	v10 =	vld.idx.msk [tilespmem:v10+s25+$0x0], $0xffff;
	v13 =	vor.u32 v18, v13  }
0x1a4: {  	v18 =	vand.u32 $0x7, v25;
	v11 =	vadd.f32 v11, v12;
	v12 =	vadd.s32 v1, v26  }
0x1a5: {  	v29 =	vadd.s32 $0x8, v9;
	v22 =	vand.u32 $0xFFFFFFF8, v21;
	v12 =	vor.u32 v18, v12  }
0x1a6: {  	v21 =	vand.u32 $0x7, v21;
	v22 =	vadd.s32 v1, v22;
	v15 =	vld.idx.msk [tilespmem:v15+s25+$0x0], $0xffff;
	v14 =	vmul.f32 v14, v48  }
0x1a7: {  	v8 =	vadd.s32 $0x1C, v4;
	v7 =	vadd.s32 $0x1D, v4;
	v21 =	vor.u32 v21, v22  }
0x1a8: {  	v18 =	vadd.s32 v1, v27;
	v11 =	vadd.f32 v14, v11;
	v10 =	vmul.f32 v10, v50;
	v13 =	vld.idx.msk [tilespmem:v13+s25+$0x0], $0xffff  }
0x1a9: {  	v22 =	vadd.s32 $0x14, v4;
	v23 =	vadd.s32 $0xF, v4;
	v18 =	vor.u32 v20, v18  }
0x1aa: {  	v14 =	vand.u32 $0x7, v28;
	v10 =	vadd.f32 v10, v11;
	v11 =	vadd.s32 v1, v30;
	v12 =	vld.idx.msk [tilespmem:v12+s25+$0x0], $0xffff  }
0x1ab: {  	v15 =	vmul.f32 v15, v45;
	v24 =	vadd.s32 $0xE, v4;
	v11 =	vor.u32 v14, v11  }
0x1ac: {  	v45 =	vand.u32 $0xFFFFFFF8, v31;
	v57 =	vand.u32 $0xFFFFFFF8, v24;
	v24 =	vand.u32 $0x7, v24;
	v20 =	vld.idx.msk [tilespmem:v29+s25+$0x0], $0xffff  }
0x1ad: {  	v48 =	vadd.s32 $0xD, v4;
	v10 =	vadd.f32 v15, v10;
	v13 =	vmul.f32 v13, v35  }
0x1ae: {  	v50 =	vand.u32 $0xFFFFFFF8, v48;
	v14 =	vand.u32 $0x7, v31;
	v15 =	vadd.s32 v1, v45;
	v18 =	vld.idx.msk [tilespmem:v18+s25+$0x0], $0xffff  }
0x1af: {  	v14 =	vor.u32 v14, v15;
	v10 =	vadd.f32 v13, v10;
	v12 =	vmul.f32 v12, v36  }
0x1b0: {  	v26 =	vand.u32 $0xFFFFFFF8, v23;
	v15 =	vand.u32 $0x7, v48;
	v13 =	vadd.s32 v1, v50;
	v11 =	vld.idx.msk [tilespmem:v11+s25+$0x0], $0xffff  }
0x1b1: {  	v60 =	vmul.f32 v20, v34;
	v13 =	vor.u32 v15, v13;
	v10 =	vadd.f32 v12, v10  }
0x1b2: {  	v61 =	vld.idx.msk [tilespmem:v21+s25+$0x0], $0xffff;
	v23 =	vand.u32 $0x7, v23;
	v29 =	vadd.s32 $0x12, v4;
	v15 =	vadd.s32 v1, v57  }
0x1b3: {  	v27 =	vmul.f32 v18, v37;
	v15 =	vor.u32 v24, v15;
	v10 =	vadd.f32 v60, v10  }
0x1b4: {  	v28 =	vadd.s32 v1, v26;
	v21 =	vand.u32 $0x7, v29;
	v31 =	vadd.s32 $0x11, v4;
	v14 =	vld.idx.msk [tilespmem:v14+s25+$0x0], $0xffff  }
0x1b5: {  	v18 =	vor.u32 v23, v28;
	v11 =	vmul.f32 v11, v38;
	v10 =	vadd.f32 v27, v10  }
0x1b6: {  	v30 =	vadd.s32 $0x13, v4;
	v34 =	vadd.s32 $0x10, v9;
	v25 =	vand.u32 $0xFFFFFFF8, v31;
	v13 =	vld.idx.msk [tilespmem:v13+s25+$0x0], $0xffff  }
0x1b7: {  	v35 =	vmul.f32 v61, v39;
	v37 =	vand.u32 $0xFFFFFFF8, v29;
	v10 =	vadd.f32 v11, v10  }
0x1b8: {  	v36 =	vadd.s32 v1, v25;
	v12 =	vand.u32 $0x7, v31;
	v39 =	vadd.s32 v1, v37;
	v15 =	vld.idx.msk [tilespmem:v15+s25+$0x0], $0xffff  }
0x1b9: {  	v12 =	vor.u32 v12, v36;
	v38 =	vmul.f32 v14, v40;
	v10 =	vadd.f32 v35, v10  }
0x1ba: {  	v45 =	vand.u32 $0x7, v30;
	v24 =	vand.u32 $0xFFFFFFF8, v17;
	v18 =	vld.idx.msk [tilespmem:v18+s25+$0x0], $0xffff;
	v14 =	vor.u32 v21, v39  }
0x1bb: {  	v40 =	vand.u32 $0xFFFFFFF8, v30;
	v48 =	vmul.f32 v13, v41;
	v10 =	vadd.f32 v38, v10  }
0x1bc: {  	v57 =	vld.idx.msk [tilespmem:v34+s25+$0x0], $0xffff;
	v17 =	vand.u32 $0x7, v17;
	v60 =	vand.u32 $0xFFFFFFF8, v22;
	v50 =	vadd.s32 v1, v40  }
0x1bd: {  	v13 =	vor.u32 v45, v50;
	v61 =	vmul.f32 v15, v42;
	v10 =	vadd.f32 v48, v10  }
0x1be: {  	v26 =	vadd.s32 v1, v24;
	v22 =	vand.u32 $0x7, v22;
	v23 =	vadd.s32 v1, v60;
	v12 =	vld.idx.msk [tilespmem:v12+s25+$0x0], $0xffff  }
0x1bf: {  	v25 =	vmul.f32 v18, v43;
	v15 =	vor.u32 v22, v23;
	v10 =	vadd.f32 v61, v10  }
0x1c0: {  	v9 =	vadd.s32 $0x18, v9;
	v29 =	vand.u32 $0xFFFFFFF8, v19;
	v17 =	vor.u32 v17, v26;
	v14 =	vld.idx.msk [tilespmem:v14+s25+$0x0], $0xffff  }
0x1c1: {  	v27 =	vand.u32 $0xFFFFFFF8, v16;
	v28 =	vmul.f32 v57, v44;
	v10 =	vadd.f32 v25, v10  }
0x1c2: {  	v19 =	vand.u32 $0x7, v19;
	v16 =	vand.u32 $0x7, v16;
	v18 =	vadd.s32 v1, v27;
	v13 =	vld.idx.msk [tilespmem:v13+s25+$0x0], $0xffff  }
0x1c3: {  	v16 =	vor.u32 v16, v18;
	v30 =	vmul.f32 v12, v46;
	v10 =	vadd.f32 v28, v10  }
0x1c4: {  	v34 =	vadd.s32 $0x1A, v4;
	v31 =	vadd.s32 v1, v29;
	v35 =	vadd.s32 $0x1B, v4;
	v15 =	vld.idx.msk [tilespmem:v15+s25+$0x0], $0xffff  }
0x1c5: {  	v12 =	vor.u32 v19, v31;
	v36 =	vmul.f32 v14, v47;
	v10 =	vadd.f32 v30, v10  }
0x1c6: {  	v37 =	vadd.s32 $0x19, v4;
	v17 =	vld.idx.msk [tilespmem:v17+s25+$0x0], $0xffff;
	v41 =	vand.u32 $0xFFFFFFF8, v34;
	v43 =	vand.u32 $0xFFFFFFF8, v35  }
0x1c7: {  	v38 =	vand.u32 $0xFFFFFFF8, v37;
	v39 =	vmul.f32 v13, v49;
	v10 =	vadd.f32 v36, v10  }
0x1c8: {  	v44 =	vand.u32 $0x7, v35;
	v40 =	vadd.s32 v1, v38;
	v14 =	vand.u32 $0x7, v37;
	v16 =	vld.idx.msk [tilespmem:v16+s25+$0x0], $0xffff  }
0x1c9: {  	v9 =	vld.idx.msk [tilespmem:v9+s25+$0x0], $0xffff;
	v13 =	vor.u32 v14, v40;
	v42 =	vmul.f32 v15, v51;
	v10 =	vadd.f32 v39, v10  }
0x1ca: {  	v18 =	vand.u32 $0x7, v34;
	v46 =	vand.u32 $0xFFFFFFF8, v8;
	v12 =	vld.idx.msk [tilespmem:v12+s25+$0x0], $0xffff;
	v14 =	vadd.s32 v1, v41  }
0x1cb: {  	v45 =	vmul.f32 v17, v52;
	v14 =	vor.u32 v18, v14;
	v10 =	vadd.f32 v42, v10  }
0x1cc: {  	v8 =	vand.u32 $0x7, v8;
	v48 =	vadd.s32 v1, v46;
	v15 =	vadd.s32 v1, v43  }
0x1cd: {  	v47 =	vmul.f32 v16, v53;
	v15 =	vor.u32 v44, v15;
	v10 =	vadd.f32 v45, v10  }
0x1ce: {  	v5 =	vadd.s32 $0x1E, v4;
	v9 =	vmul.f32 v9, v55;
	v8 =	vor.u32 v8, v48;
	v13 =	vld.idx.msk [tilespmem:v13+s25+$0x0], $0xffff  }
0x1cf: {  	v49 =	vand.u32 $0xFFFFFFF8, v7;
	v50 =	vmul.f32 v12, v54;
	v10 =	vadd.f32 v47, v10  }
0x1d0: {  	v4 =	vadd.s32 $0x1F, v4;
	v7 =	vand.u32 $0x7, v7;
	v51 =	vadd.s32 v1, v49;
	v14 =	vld.idx.msk [tilespmem:v14+s25+$0x0], $0xffff  }
0x1d1: {  	v52 =	vand.u32 $0xFFFFFFF8, v5;
	v7 =	vor.u32 v7, v51;
	v10 =	vadd.f32 v50, v10  }
0x1d2: {  	v55 =	vand.u32 $0xFFFFFFF8, v4;
	v5 =	vand.u32 $0x7, v5;
	v53 =	vadd.s32 v1, v52;
	v54 =	vld.idx.msk [tilespmem:v15+s25+$0x0], $0xffff  }
0x1d3: {  	v5 =	vor.u32 v5, v53;
	v57 =	vmul.f32 v13, v56;
	v9 =	vadd.f32 v9, v10  }
0x1d4: {  	v4 =	vand.u32 $0x7, v4;
	v8 =	vld.idx.msk [tilespmem:v8+s25+$0x0], $0xffff;
	v1 =	vadd.s32 v1, v55  }
0x1d5: {  	v1 =	vor.u32 v4, v1;
	v60 =	vmul.f32 v14, v58;
	v4 =	vadd.f32 v57, v9  }
0x1d6: {  	v7 =	vld.idx.msk [tilespmem:v7+s25+$0x0], $0xffff  }
0x1d7: {  	v61 =	vmul.f32 v54, v59;
	v4 =	vadd.f32 v60, v4  }
0x1d8: {  	v5 =	vld.idx.msk [tilespmem:v5+s25+$0x0], $0xffff  }
0x1d9: {  	v8 =	vmul.f32 v8, v62;
	v4 =	vadd.f32 v61, v4  }
0x1da: {  	v1 =	vld.idx.msk [tilespmem:v1+s25+$0x0], $0xffff  }
0x1db: {  	v7 =	vmul.f32 v7, v63;
	v4 =	vadd.f32 v8, v4;
	_ =	sdelay $0x1  }
0x1dc: {  	v0 =	vmul.f32 v5, v0;
	v4 =	vadd.f32 v7, v4;
	_ =	sdelay $0x1  }
0x1dd: {  	v1 =	vmul.f32 v1, v2;
	v0 =	vadd.f32 v0, v4;
	_ =	sdelay $0x1  }
0x1de: {  	v0 =	vadd.f32 v1, v0;
	_ =	sdelay $0x1  }
0x1df: {  	s16 =	smul.u32 $0x14, s13;
	v0 =	vadd.f32 v0, v3  }
0x1e0: {  	s9 =	sshrl.u32 s13, $0x3  }
0x1e1: {  	s9 =	sadd.s32 s6, s9;
	s15 =	sshrl.u32 s16, $0x3;
	[tilespmem:v6+s21+$0x0] =	vst.idx.msk $0xffff, v0  }
0x1e2: {  	[hbm4b:s9+s3] =	stream.linear.scatter [tilespmem:s24], [sflag:$0x3], $0x10, $0x38;
	[tilespmem:$0x1E8A0] =	vst v63  }
0x1e3: {  	p1 =	seq.s32 s11, $0xF;
	s9 =	sadd.s32 s7, s15  }
0x1e4: {  	[hbm4b:s9+s3] =	stream.linear.scatter [tilespmem:s21], [sflag:$0x3], $0x140, $0x38;
	[tilespmem:$0x1E8A0] =	vst v63  }
0x1e5: {  	s9 =	sadd.s32 @!p1 $0x2, s14  }
0x1e6: {  	s16 =	simm.s32 @!p1 $0x8400;
	s13 =	sshll.u32 @!p1 s9, $0x4  }
0x1e7: {  	s15 =	simm.s32 @!p1 $0x10;
	s9 =	smul.u32 @!p1 $0x500, s9;
	s14 =	sadd.s32 @!p1 $0x2C00, s13  }
0x1e8: {  	[tilespmem:s16], [sflag:$0x1] =	stream.indirect.gather @!p1 [hbm4b:s4+s15], $0x80, s14, s15, $0xb8;
	[tilespmem:$0x1E8A0] =	vst v63  }
0x1e9: {  	s13 =	sadd.s32 @!p1 $0x2E00, s13;
	s14 =	simm.s32 @!p1 $0x9400;
	s9 =	sshra.s32 @!p1 s9, $0x2  }
0x1ea: {  	[tilespmem:s14], [sflag:$0x1] =	stream.indirect.gather @!p1 [hbm4b:s5+s15], $0x80, s13, s15, $0xb8;
	[tilespmem:$0x1E8A0] =	vst v63  }
0x1eb: {  	s13 =	sadd.s32 @!p1 $0x3000, s9;
	s14 =	simm.s32 @!p1 $0x80;
	s15 =	simm.s32 @!p1 $0xA400  }
0x1ec: {  	[tilespmem:s15], [sflag:$0x1] =	stream.indirect.gather @!p1 [hbm4b:s5+s14], $0x80, s13, s14, $0xb8;
	[tilespmem:$0x1E8A0] =	vst v63  }
0x1ed: {  	s13 =	sadd.s32 @!p1 $0x3080, s9;
	s15 =	simm.s32 @!p1 $0xE400  }
0x1ee: {  	[tilespmem:s15], [sflag:$0x1] =	stream.indirect.gather @!p1 [hbm4b:s5+s14], $0x80, s13, s14, $0xb8;
	[tilespmem:$0x1E8A0] =	vst v63  }
0x1ef: {  	s9 =	sadd.s32 @!p1 $0x3100, s9;
	s13 =	simm.s32 @!p1 $0x40;
	s14 =	simm.s32 @!p1 $0x12400  }
0x1f0: {  	[tilespmem:s14], [sflag:$0x1] =	stream.indirect.gather @!p1 [hbm4b:s5+s13], $0x80, s9, s13, $0xb8;
	[tilespmem:$0x1E8A0] =	vst v63  }
0x1f1: {  	_ =	swait.ge [sflag:s26], $0x800  }
0x1f2: {  	[sflag:s26] =	ssyncset.done $0x0  }
0x1f3: {  	[sflag:s26] =	ssyncadd.s32 $0xFFFFF800  }
0x1f4: {  	_ =	swait.ge [sflag:s26], $0x800  }
0x1f5: {  	[sflag:s26] =	ssyncset.done $0x0  }
0x1f6: {  	[sflag:s26] =	ssyncadd.s32 $0xFFFFF800  }
0x1f7: {  	_ =	swait.ge [sflag:s26], $0x4000  }
0x1f8: {  	[sflag:s26] =	ssyncset.done $0x0  }
0x1f9: {  	[sflag:s26] =	ssyncadd.s32 $0xFFFFC000  }
0x1fa: {  	_ =	swait.ge [sflag:s26], $0x4000  }
0x1fb: {  	[sflag:s26] =	ssyncset.done $0x0  }
0x1fc: {  	[sflag:s26] =	ssyncadd.s32 $0xFFFFC000  }
0x1fd: {  	_ =	swait.ge [sflag:s26], $0x2000  }
0x1fe: {  	v6 =	vld [tilespmem:$0x1FFF0]  }
0x1ff: {  	v7 =	vld [tilespmem:$0x1FE10]  }
0x200: {  	v8 =	vld [tilespmem:$0x1FE20]  }
0x201: {  	v63 =	vld [tilespmem:$0x1FE30]  }
0x202: {  	v16 =	vld [tilespmem:$0x1FE40]  }
0x203: {  	v17 =	vld [tilespmem:$0x1FE50]  }
0x204: {  	v18 =	vld [tilespmem:$0x1FE60]  }
0x205: {  	[sflag:s26] =	ssyncset.done $0x0;
	v21 =	vld [tilespmem:$0x1FE70]  }
0x206: {  	v24 =	vld [tilespmem:$0x1FE80];
	[sflag:s26] =	ssyncadd.s32 $0xFFFFE000  }
0x207: {  	v0 =	vld [tilespmem:s12+$0x5800]  }
0x208: {  	v27 =	vld [tilespmem:$0x1FE90]  }
0x209: {  	v30 =	vld [tilespmem:$0x1FEA0]  }
0x20a: {  	v45 =	vld [tilespmem:$0x1FEB0]  }
0x20b: {  	v50 =	vld [tilespmem:$0x1FEC0]  }
0x20c: {  	v53 =	vld [tilespmem:$0x1FED0];
	v2 =	vadd.s32 v6, v0  }
0x20d: {  	v56 =	vld [tilespmem:$0x1FEE0];
	v3 =	vadd.s32 v7, v0  }
0x20e: {  	v59 =	vld [tilespmem:$0x1FEF0];
	v4 =	vadd.s32 v8, v0  }
0x20f: {  	v62 =	vld [tilespmem:$0x1FF00];
	v5 =	vadd.s32 v63, v0  }
0x210: {  	v1 =	vld [tilespmem:s12+$0x5A00];
	v22 =	vadd.s32 v21, v0  }
0x211: {  	v25 =	vadd.s32 v24, v0;
	v47 =	vld.idx.msk [tilespmem:v2+s2+$0x0], $0xffff  }
0x212: {  	v28 =	vadd.s32 v27, v0;
	v49 =	vld.idx.msk [tilespmem:v3+s2+$0x0], $0xffff  }
0x213: {  	v31 =	vadd.s32 v30, v0;
	v43 =	vld.idx.msk [tilespmem:v4+s2+$0x0], $0xffff  }
0x214: {  	v46 =	vadd.s32 v45, v0;
	v35 =	vld.idx.msk [tilespmem:v5+s2+$0x0], $0xffff  }
0x215: {  	v57 =	vadd.s32 v56, v0;
	v37 =	vld.idx.msk [tilespmem:v22+s2+$0x0], $0xffff  }
0x216: {  	v2 =	vadd.s32 v6, v1;
	v39 =	vld.idx.msk [tilespmem:v25+s2+$0x0], $0xffff  }
0x217: {  	v3 =	vadd.s32 v7, v1;
	v40 =	vld.idx.msk [tilespmem:v28+s2+$0x0], $0xffff  }
0x218: {  	v6 =	vadd.s32 v16, v0;
	v41 =	vld.idx.msk [tilespmem:v31+s2+$0x0], $0xffff  }
0x219: {  	v4 =	vadd.s32 v8, v1;
	v42 =	vld.idx.msk [tilespmem:v46+s2+$0x0], $0xffff  }
0x21a: {  	v5 =	vadd.s32 v17, v0;
	v46 =	vld.idx.msk [tilespmem:v57+s2+$0x0], $0xffff  }
0x21b: {  	v8 =	vadd.s32 v18, v0;
	v2 =	vld.idx.msk [tilespmem:v2+s0+$0x0], $0xffff  }
0x21c: {  	v3 =	vld.idx.msk [tilespmem:v3+s0+$0x0], $0xffff  }
0x21d: {  	v7 =	vadd.s32 v63, v1;
	v38 =	vld.idx.msk [tilespmem:v6+s2+$0x0], $0xffff  }
0x21e: {  	v19 =	vmul.f32 v47, v47;
	v20 =	vmul.f32 v49, v49;
	v6 =	vadd.s32 v16, v1;
	v4 =	vld.idx.msk [tilespmem:v4+s0+$0x0], $0xffff  }
0x21f: {  	v36 =	vld.idx.msk [tilespmem:v5+s2+$0x0], $0xffff;
	v5 =	vadd.s32 v17, v1  }
0x220: {  	v23 =	vmul.f32 v43, v43;
	v34 =	vld.idx.msk [tilespmem:v8+s2+$0x0], $0xffff;
	v8 =	vadd.s32 v18, v1;
	v9 =	vadd.f32 v20, v19  }
0x221: {  	v57 =	vld [tilespmem:$0x1FF50]  }
0x222: {  	v26 =	vmul.f32 v35, v35;
	v7 =	vld.idx.msk [tilespmem:v7+s0+$0x0], $0xffff;
	v9 =	vadd.f32 v23, v9  }
0x223: {  	v51 =	vadd.s32 v50, v0;
	v2 =	vmul.f32 v2, v47;
	v3 =	vmul.f32 v3, v49;
	v6 =	vld.idx.msk [tilespmem:v6+s0+$0x0], $0xffff  }
0x224: {  	v29 =	vmul.f32 v38, v38;
	v5 =	vld.idx.msk [tilespmem:v5+s0+$0x0], $0xffff;
	v9 =	vadd.f32 v26, v9  }
0x225: {  	v8 =	vld.idx.msk [tilespmem:v8+s0+$0x0], $0xffff;
	v2 =	vadd.f32 v3, v2;
	v3 =	vmul.f32 v4, v43;
	v4 =	vadd.s32 v21, v1  }
0x226: {  	v60 =	vadd.s32 v59, v0;
	v44 =	vmul.f32 v36, v36;
	v21 =	vld [tilespmem:$0x1FF10];
	v9 =	vadd.f32 v29, v9  }
0x227: {  	v2 =	vadd.f32 v3, v2;
	v3 =	vmul.f32 v7, v35;
	v7 =	vadd.s32 v24, v1;
	v24 =	vld [tilespmem:$0x1FF20]  }
0x228: {  	v48 =	vmul.f32 v34, v34;
	v9 =	vadd.f32 v44, v9;
	v44 =	vld.idx.msk [tilespmem:v51+s2+$0x0], $0xffff  }
0x229: {  	v2 =	vadd.f32 v3, v2;
	v3 =	vmul.f32 v6, v38;
	v6 =	vadd.s32 v27, v1;
	v27 =	vld [tilespmem:$0x1FF30]  }
0x22a: {  	v54 =	vadd.s32 v53, v0;
	v4 =	vld.idx.msk [tilespmem:v4+s0+$0x0], $0xffff  }
0x22b: {  	v9 =	vadd.f32 v48, v9;
	v48 =	vld.idx.msk [tilespmem:v60+s2+$0x0], $0xffff  }
0x22c: {  	v63 =	vadd.s32 v62, v0;
	v22 =	vadd.s32 v21, v0;
	v60 =	vld [tilespmem:$0x1FF60]  }
0x22d: {  	v2 =	vadd.f32 v3, v2;
	v3 =	vmul.f32 v5, v36;
	v5 =	vadd.s32 v30, v1;
	v30 =	vld [tilespmem:$0x1FF40]  }
0x22e: {  	v7 =	vld.idx.msk [tilespmem:v7+s0+$0x0], $0xffff  }
0x22f: {  	v2 =	vadd.f32 v3, v2;
	v3 =	vmul.f32 v8, v34;
	v8 =	vadd.s32 v45, v1;
	v45 =	vld.idx.msk [tilespmem:v54+s2+$0x0], $0xffff  }
0x230: {  	v52 =	vmul.f32 v37, v37;
	v25 =	vadd.s32 v24, v0;
	v6 =	vld.idx.msk [tilespmem:v6+s0+$0x0], $0xffff  }
0x231: {  	v2 =	vadd.f32 v3, v2;
	v3 =	vmul.f32 v4, v37;
	v4 =	vadd.s32 v50, v1;
	v50 =	vld.idx.msk [tilespmem:v63+s2+$0x0], $0xffff  }
0x232: {  	v51 =	vld.idx.msk [tilespmem:v22+s2+$0x0], $0xffff  }
0x233: {  	v55 =	vmul.f32 v39, v39;
	v9 =	vadd.f32 v52, v9;
	v63 =	vld [tilespmem:$0x1FF70]  }
0x234: {  	v22 =	vld [tilespmem:$0x1FF80]  }
0x235: {  	v58 =	vmul.f32 v40, v40;
	v9 =	vadd.f32 v55, v9;
	v28 =	vadd.s32 v27, v0;
	v5 =	vld.idx.msk [tilespmem:v5+s0+$0x0], $0xffff  }
0x236: {  	v2 =	vadd.f32 v3, v2;
	v3 =	vmul.f32 v7, v39;
	v7 =	vadd.s32 v53, v1;
	v52 =	vld.idx.msk [tilespmem:v25+s2+$0x0], $0xffff  }
0x237: {  	v61 =	vmul.f32 v41, v41;
	v9 =	vadd.f32 v58, v9;
	v8 =	vld.idx.msk [tilespmem:v8+s0+$0x0], $0xffff  }
0x238: {  	v25 =	vld [tilespmem:$0x1FF90];
	v2 =	vadd.f32 v3, v2;
	v3 =	vmul.f32 v6, v40;
	v6 =	vadd.s32 v56, v1  }
0x239: {  	v20 =	vmul.f32 v42, v42;
	v31 =	vadd.s32 v30, v0;
	v9 =	vadd.f32 v61, v9;
	v4 =	vld.idx.msk [tilespmem:v4+s0+$0x0], $0xffff  }
0x23a: {  	v53 =	vld.idx.msk [tilespmem:v28+s2+$0x0], $0xffff;
	v2 =	vadd.f32 v3, v2;
	v3 =	vmul.f32 v5, v41;
	v5 =	vadd.s32 v59, v1  }
0x23b: {  	v23 =	vmul.f32 v44, v44;
	v58 =	vadd.s32 v57, v0;
	v9 =	vadd.f32 v20, v9;
	v7 =	vld.idx.msk [tilespmem:v7+s0+$0x0], $0xffff  }
0x23c: {  	v28 =	vld [tilespmem:$0x1FFA0];
	v2 =	vadd.f32 v3, v2;
	v3 =	vmul.f32 v8, v42;
	v8 =	vadd.s32 v62, v1  }
0x23d: {  	v26 =	vmul.f32 v45, v45;
	v9 =	vadd.f32 v23, v9;
	v6 =	vld.idx.msk [tilespmem:v6+s0+$0x0], $0xffff  }
0x23e: {  	v54 =	vld.idx.msk [tilespmem:v31+s2+$0x0], $0xffff;
	v2 =	vadd.f32 v3, v2;
	v3 =	vmul.f32 v4, v44;
	v4 =	vadd.s32 v21, v1  }
0x23f: {  	v29 =	vmul.f32 v46, v46;
	v23 =	vadd.s32 v22, v0;
	v9 =	vadd.f32 v26, v9;
	v5 =	vld.idx.msk [tilespmem:v5+s0+$0x0], $0xffff  }
0x240: {  	v55 =	vld.idx.msk [tilespmem:v58+s2+$0x0], $0xffff;
	v2 =	vadd.f32 v3, v2;
	v3 =	vmul.f32 v7, v45;
	v7 =	vadd.s32 v24, v1  }
0x241: {  	v61 =	vadd.s32 v60, v0;
	v56 =	vmul.f32 v48, v48;
	v9 =	vadd.f32 v29, v9;
	v8 =	vld.idx.msk [tilespmem:v8+s0+$0x0], $0xffff  }
0x242: {  	v31 =	vld [tilespmem:$0x1FFB0];
	v2 =	vadd.f32 v3, v2;
	v3 =	vmul.f32 v6, v46;
	v6 =	vadd.s32 v27, v1  }
0x243: {  	v59 =	vmul.f32 v50, v50;
	v26 =	vadd.s32 v25, v0;
	v9 =	vadd.f32 v56, v9;
	v4 =	vld.idx.msk [tilespmem:v4+s0+$0x0], $0xffff  }
0x244: {  	v58 =	vld.idx.msk [tilespmem:v23+s2+$0x0], $0xffff;
	v2 =	vadd.f32 v3, v2;
	v3 =	vmul.f32 v5, v48;
	v5 =	vadd.s32 v30, v1  }
0x245: {  	v20 =	vadd.s32 v63, v0;
	v62 =	vmul.f32 v51, v51;
	v9 =	vadd.f32 v59, v9;
	v7 =	vld.idx.msk [tilespmem:v7+s0+$0x0], $0xffff  }
0x246: {  	v56 =	vld.idx.msk [tilespmem:v61+s2+$0x0], $0xffff;
	v2 =	vadd.f32 v3, v2;
	v3 =	vmul.f32 v8, v50;
	v8 =	vadd.s32 v57, v1  }
0x247: {  	v21 =	vmul.f32 v52, v52;
	v9 =	vadd.f32 v62, v9;
	v6 =	vld.idx.msk [tilespmem:v6+s0+$0x0], $0xffff  }
0x248: {  	v59 =	vld.idx.msk [tilespmem:v26+s2+$0x0], $0xffff;
	v2 =	vadd.f32 v3, v2;
	v3 =	vmul.f32 v4, v51;
	v4 =	vadd.s32 v60, v1  }
0x249: {  	v24 =	vmul.f32 v53, v53;
	v9 =	vadd.f32 v21, v9;
	v5 =	vld.idx.msk [tilespmem:v5+s0+$0x0], $0xffff  }
0x24a: {  	v57 =	vld.idx.msk [tilespmem:v20+s2+$0x0], $0xffff;
	v2 =	vadd.f32 v3, v2;
	v3 =	vmul.f32 v7, v52;
	v7 =	vadd.s32 v63, v1  }
0x24b: {  	v27 =	vmul.f32 v54, v54;
	v9 =	vadd.f32 v24, v9;
	v8 =	vld.idx.msk [tilespmem:v8+s0+$0x0], $0xffff  }
0x24c: {  	v2 =	vadd.f32 v3, v2;
	v3 =	vmul.f32 v6, v53;
	v6 =	vadd.s32 v22, v1;
	v22 =	vld [tilespmem:$0x1FFC0]  }
0x24d: {  	v29 =	vadd.s32 v28, v0;
	v30 =	vmul.f32 v55, v55;
	v9 =	vadd.f32 v27, v9;
	v4 =	vld.idx.msk [tilespmem:v4+s0+$0x0], $0xffff  }
0x24e: {  	v2 =	vadd.f32 v3, v2;
	v3 =	vmul.f32 v5, v54;
	v5 =	vadd.s32 v25, v1;
	v25 =	vld [tilespmem:$0x1FFD0]  }
0x24f: {  	v20 =	vadd.s32 v31, v0;
	v21 =	vmul.f32 v56, v56;
	v9 =	vadd.f32 v30, v9;
	v7 =	vld.idx.msk [tilespmem:v7+s0+$0x0], $0xffff  }
0x250: {  	v2 =	vadd.f32 v3, v2;
	v3 =	vmul.f32 v8, v55;
	v8 =	vadd.s32 v28, v1;
	v28 =	vld [tilespmem:$0x1FFE0]  }
0x251: {  	v24 =	vmul.f32 v57, v57;
	v9 =	vadd.f32 v21, v9;
	v23 =	vadd.s32 v22, v0;
	v6 =	vld.idx.msk [tilespmem:v6+s0+$0x0], $0xffff  }
0x252: {  	v60 =	vld.idx.msk [tilespmem:v29+s2+$0x0], $0xffff;
	v2 =	vadd.f32 v3, v2;
	v3 =	vmul.f32 v4, v56;
	v4 =	vadd.s32 v31, v1  }
0x253: {  	v27 =	vmul.f32 v58, v58;
	v9 =	vadd.f32 v24, v9;
	v26 =	vadd.s32 v25, v0;
	v5 =	vld.idx.msk [tilespmem:v5+s0+$0x0], $0xffff  }
0x254: {  	v61 =	vld.idx.msk [tilespmem:v20+s2+$0x0], $0xffff;
	v2 =	vadd.f32 v3, v2;
	v3 =	vmul.f32 v7, v57;
	v7 =	vadd.s32 v22, v1  }
0x255: {  	v30 =	vmul.f32 v59, v59;
	v9 =	vadd.f32 v27, v9;
	v29 =	vadd.s32 v28, v0;
	v8 =	vld.idx.msk [tilespmem:v8+s0+$0x0], $0xffff  }
0x256: {  	v31 =	vadd.s32 v32, v0;
	v62 =	vld.idx.msk [tilespmem:v23+s2+$0x0], $0xffff;
	v2 =	vadd.f32 v3, v2;
	v3 =	vmul.f32 v6, v58  }
0x257: {  	v14 =	vmul.f32 v60, v60;
	v0 =	vadd.f32 v30, v9;
	v6 =	vadd.s32 v25, v1;
	v4 =	vld.idx.msk [tilespmem:v4+s0+$0x0], $0xffff  }
0x258: {  	v63 =	vld.idx.msk [tilespmem:v26+s2+$0x0], $0xffff;
	v3 =	vadd.f32 v3, v2;
	v5 =	vmul.f32 v5, v59  }
0x259: {  	v17 =	vmul.f32 v61, v61;
	v18 =	vadd.s32 v28, v1;
	v9 =	vadd.f32 v14, v0;
	v7 =	vld.idx.msk [tilespmem:v7+s0+$0x0], $0xffff  }
0x25a: {  	v0 =	vld.idx.msk [tilespmem:v29+s2+$0x0], $0xffff;
	v3 =	vadd.f32 v5, v3;
	v5 =	vmul.f32 v8, v60  }
0x25b: {  	v1 =	vadd.s32 v32, v1;
	v2 =	vld.idx.msk [tilespmem:v31+s2+$0x0], $0xffff;
	v9 =	vadd.f32 v17, v9;
	v19 =	vmul.f32 v62, v62  }
0x25c: {  	v6 =	vld.idx.msk [tilespmem:v6+s0+$0x0], $0xffff;
	v3 =	vadd.f32 v5, v3;
	v4 =	vmul.f32 v4, v61  }
0x25d: {  	v8 =	vadd.f32 v19, v9;
	v20 =	vmul.f32 v63, v63  }
0x25e: {  	v21 =	vld.idx.msk [tilespmem:v18+s0+$0x0], $0xffff;
	v3 =	vadd.f32 v4, v3  }
0x25f: {  	v4 =	vmul.f32 v7, v62;
	v5 =	vadd.f32 v20, v8;
	v8 =	vmul.f32 v0, v0  }
0x260: {  	v1 =	vld.idx.msk [tilespmem:v1+s0+$0x0], $0xffff;
	v7 =	vmul.f32 v2, v2  }
0x261: {  	v3 =	vadd.f32 v4, v3;
	v4 =	vmul.f32 v6, v63;
	v5 =	vadd.f32 v8, v5  }
0x262: {  	v6 =	vld [tilespmem:s12+$0x1E400]  }
0x263: {  	v3 =	vadd.f32 v4, v3;
	v4 =	vmul.f32 v21, v0;
	v5 =	vadd.f32 v7, v5  }
0x264: {  	s9 =	simm.s32 @!p0 $0x4  }
0x265: {  	s16 =	simm.s32 $0x0;
	v1 =	vmul.f32 v1, v2;
	_ =	swait.ge @!p0 [sflag:s9], $0x10;
	v3 =	vadd.f32 v4, v3;
	v7 =	vmul.f32 $-5.000000000e-01, v5  }
0x266: {  	[sflag:s9] =	ssyncset.done @!p0 $0x0;
	v4 =	vmov s31;
	v5 =	vadd.s32 s16, v33  }
0x267: {  	[sflag:s9] =	ssyncadd.s32 @!p0 $0xFFFFFFF0;
	v1 =	vadd.f32 v1, v3;
	v3 =	vadd.f32 v7, v6;
	v6 =	vadd.s32 v4, v5  }
0x268: {  	_ =	swait.ge @!p0 [sflag:s9], $0x140  }
0x269: {  	[sflag:s9] =	ssyncset.done @!p0 $0x0;
	v1 =	vadd.f32 v3, v1  }
0x26a: {  	[sflag:s9] =	ssyncadd.s32 @!p0 $0xFFFFFEC0  }
0x26b: {  	[tilespmem:$0x1E610] =	vst v1  }
0x26c: {  	v6 =	vld.idx.msk [tilespmem:v6+s19+$0x0], $0xffff;
	_ =	sdelay $0x4  }
0x26d: {  	v1 =	vshll.u32 v5, $0x7;
	v7 =	vand.u32 $0xFFFFFFF8, v6;
	v8 =	vand.u32 $0x7, v6  }
0x26e: {  	v22 =	vadd.s32 $0x1, v6;
	v24 =	vadd.s32 $0x2, v6;
	v28 =	vadd.s32 $0x3, v6  }
0x26f: {  	v30 =	vadd.s32 $0x4, v6;
	v7 =	vadd.s32 v1, v7;
	v23 =	vand.u32 $0xFFFFFFF8, v22  }
0x270: {  	v7 =	vor.u32 v8, v7;
	v8 =	vand.u32 $0x7, v22;
	v25 =	vadd.s32 v1, v23  }
0x271: {  	v19 =	vadd.s32 $0x5, v6;
	v26 =	vand.u32 $0xFFFFFFF8, v24;
	v8 =	vor.u32 v8, v25  }
0x272: {  	v21 =	vadd.s32 $0x6, v6;
	v27 =	vand.u32 $0x7, v24;
	v9 =	vadd.s32 v1, v26  }
0x273: {  	v29 =	vand.u32 $0xFFFFFFF8, v28;
	v11 =	vand.u32 $0x7, v28;
	v9 =	vor.u32 v27, v9  }
0x274: {  	v18 =	vand.u32 $0xFFFFFFF8, v30;
	v12 =	vand.u32 $0x7, v30;
	v10 =	vadd.s32 v1, v29  }
0x275: {  	v20 =	vand.u32 $0xFFFFFFF8, v19;
	v10 =	vor.u32 v11, v10;
	v11 =	vadd.s32 v1, v18;
	v31 =	vld.idx.msk [tilespmem:v7+s1+$0x0], $0xffff  }
0x276: {  	v14 =	vand.u32 $0x7, v19;
	v28 =	vadd.s32 $0x9, v6;
	v11 =	vor.u32 v12, v11;
	v8 =	vld.idx.msk [tilespmem:v8+s1+$0x0], $0xffff  }
0x277: {  	v22 =	vand.u32 $0xFFFFFFF8, v21;
	v23 =	vand.u32 $0x7, v21;
	v21 =	vadd.s32 $0xA, v6  }
0x278: {  	v24 =	vadd.s32 v1, v22;
	v25 =	vadd.s32 $0x7, v6;
	v12 =	vadd.s32 v1, v20;
	v9 =	vld.idx.msk [tilespmem:v9+s1+$0x0], $0xffff  }
0x279: {  	v30 =	vadd.s32 $0x8, v7;
	v22 =	vadd.s32 $0xB, v6;
	v12 =	vor.u32 v14, v12  }
0x27a: {  	v26 =	vand.u32 $0xFFFFFFF8, v25;
	v16 =	vand.u32 $0x7, v25;
	v14 =	vor.u32 v23, v24;
	v10 =	vld.idx.msk [tilespmem:v10+s1+$0x0], $0xffff  }
0x27b: {  	v15 =	vadd.s32 v1, v26;
	v11 =	vld.idx.msk [tilespmem:v11+s1+$0x0], $0xffff;
	v13 =	vmul.f32 v31, v47;
	v8 =	vmul.f32 v8, v49  }
0x27c: {  	v23 =	vand.u32 $0xFFFFFFF8, v21;
	v24 =	vand.u32 $0xFFFFFFF8, v22;
	v26 =	vadd.s32 $0xC, v6  }
0x27d: {  	v27 =	vor.u32 v16, v15;
	v9 =	vmul.f32 v9, v43;
	v8 =	vadd.f32 v8, v13  }
0x27e: {  	v15 =	vand.u32 $0x7, v28;
	v12 =	vld.idx.msk [tilespmem:v12+s1+$0x0], $0xffff;
	v31 =	vand.u32 $0xFFFFFFF8, v28;
	v28 =	vand.u32 $0xFFFFFFF8, v26  }
0x27f: {  	v14 =	vld.idx.msk [tilespmem:v14+s1+$0x0], $0xffff;
	v29 =	vmul.f32 v10, v35;
	v16 =	vadd.s32 v1, v31;
	v8 =	vadd.f32 v9, v8  }
0x280: {  	v10 =	vld.idx.msk [tilespmem:v30+s1+$0x0], $0xffff;
	v30 =	vadd.s32 $0xE, v6;
	v31 =	vadd.s32 $0xF, v6;
	v20 =	vmul.f32 v11, v38  }
0x281: {  	v15 =	vor.u32 v15, v16;
	v11 =	vand.u32 $0x7, v21;
	v8 =	vadd.f32 v29, v8  }
0x282: {  	v16 =	vand.u32 $0x7, v22;
	v19 =	vand.u32 $0xFFFFFFF8, v30;
	v21 =	vadd.s32 $0x11, v6;
	v13 =	vld.idx.msk [tilespmem:v27+s1+$0x0], $0xffff  }
0x283: {  	v12 =	vmul.f32 v12, v36;
	v9 =	vadd.s32 v1, v23;
	v8 =	vadd.f32 v20, v8  }
0x284: {  	v25 =	vmul.f32 v14, v34;
	v27 =	vadd.s32 $0xD, v6;
	v9 =	vor.u32 v11, v9  }
0x285: {  	v14 =	vand.u32 $0x7, v26;
	v11 =	vadd.s32 v1, v24;
	v8 =	vadd.f32 v12, v8  }
0x286: {  	v23 =	vadd.s32 $0x10, v7;
	v7 =	vadd.s32 $0x18, v7;
	v11 =	vor.u32 v16, v11  }
0x287: {  	v15 =	vld.idx.msk [tilespmem:v15+s1+$0x0], $0xffff;
	v13 =	vmul.f32 v13, v37;
	v12 =	vadd.s32 v1, v28;
	v8 =	vadd.f32 v25, v8  }
0x288: {  	v10 =	vmul.f32 v10, v39;
	v29 =	vand.u32 $0xFFFFFFF8, v27;
	v12 =	vor.u32 v14, v12  }
0x289: {  	v16 =	vand.u32 $0x7, v27;
	v9 =	vld.idx.msk [tilespmem:v9+s1+$0x0], $0xffff;
	v14 =	vadd.s32 v1, v29;
	v8 =	vadd.f32 v13, v8  }
0x28a: {  	v26 =	vadd.s32 $0x12, v6;
	v24 =	vand.u32 $0xFFFFFFF8, v21;
	v14 =	vor.u32 v16, v14  }
0x28b: {  	v11 =	vld.idx.msk [tilespmem:v11+s1+$0x0], $0xffff;
	v13 =	vand.u32 $0x7, v30;
	v8 =	vadd.f32 v10, v8;
	v10 =	vadd.s32 v1, v19  }
0x28c: {  	v20 =	vand.u32 $0xFFFFFFF8, v31;
	v7 =	vld.idx.msk [tilespmem:v7+s1+$0x0], $0xffff;
	v15 =	vmul.f32 v15, v40;
	v10 =	vor.u32 v13, v10  }
0x28d: {  	v27 =	vadd.s32 $0x13, v6;
	v16 =	vand.u32 $0x7, v31;
	v12 =	vld.idx.msk [tilespmem:v12+s1+$0x0], $0xffff;
	v13 =	vadd.s32 v1, v20  }
0x28e: {  	v9 =	vmul.f32 v9, v41;
	v8 =	vadd.f32 v15, v8;
	v13 =	vor.u32 v16, v13  }
0x28f: {  	v28 =	vand.u32 $0xFFFFFFF8, v26;
	v29 =	vand.u32 $0xFFFFFFF8, v27;
	v31 =	vadd.s32 $0x15, v6;
	v14 =	vld.idx.msk [tilespmem:v14+s1+$0x0], $0xffff  }
0x290: {  	v30 =	vadd.s32 $0x14, v6;
	v22 =	vmul.f32 v11, v42;
	v8 =	vadd.f32 v9, v8  }
0x291: {  	v7 =	vmul.f32 v7, v58;
	v19 =	vand.u32 $0xFFFFFFF8, v30;
	v15 =	vand.u32 $0x7, v21;
	v10 =	vld.idx.msk [tilespmem:v10+s1+$0x0], $0xffff  }
0x292: {  	v16 =	vadd.s32 v1, v24;
	v25 =	vmul.f32 v12, v44;
	v8 =	vadd.f32 v22, v8  }
0x293: {  	v21 =	vadd.s32 $0x16, v6;
	v15 =	vor.u32 v15, v16;
	v9 =	vadd.s32 v1, v28;
	v13 =	vld.idx.msk [tilespmem:v13+s1+$0x0], $0xffff  }
0x294: {  	v11 =	vld.idx.msk [tilespmem:v23+s1+$0x0], $0xffff;
	v12 =	vand.u32 $0x7, v26;
	v14 =	vmul.f32 v14, v45;
	v8 =	vadd.f32 v25, v8  }
0x295: {  	v16 =	vand.u32 $0x7, v27;
	v9 =	vor.u32 v12, v9;
	v12 =	vadd.s32 v1, v29  }
0x296: {  	v12 =	vor.u32 v16, v12;
	v8 =	vadd.f32 v14, v8;
	v10 =	vmul.f32 v10, v46  }
0x297: {  	v20 =	vand.u32 $0xFFFFFFF8, v31;
	v23 =	vand.u32 $0xFFFFFFF8, v21;
	v14 =	vand.u32 $0x7, v30  }
0x298: {  	v15 =	vld.idx.msk [tilespmem:v15+s1+$0x0], $0xffff;
	v13 =	vmul.f32 v13, v48;
	v8 =	vadd.f32 v10, v8;
	v10 =	vadd.s32 v1, v19  }
0x299: {  	v11 =	vmul.f32 v11, v50;
	v22 =	vadd.s32 $0x17, v6;
	v10 =	vor.u32 v14, v10  }
0x29a: {  	v16 =	vand.u32 $0x7, v31;
	v9 =	vld.idx.msk [tilespmem:v9+s1+$0x0], $0xffff;
	v14 =	vadd.s32 v1, v20;
	v8 =	vadd.f32 v13, v8  }
0x29b: {  	v27 =	vadd.s32 $0x1C, v6;
	v24 =	vand.u32 $0xFFFFFFF8, v22;
	v12 =	vld.idx.msk [tilespmem:v12+s1+$0x0], $0xffff;
	v14 =	vor.u32 v16, v14  }
0x29c: {  	v13 =	vand.u32 $0x7, v21;
	v8 =	vadd.f32 v11, v8;
	v11 =	vadd.s32 v1, v23  }
0x29d: {  	v31 =	vadd.s32 $0x1B, v6;
	v15 =	vmul.f32 v15, v51;
	v11 =	vor.u32 v13, v11  }
0x29e: {  	v25 =	vadd.s32 $0x19, v6;
	v16 =	vand.u32 $0x7, v22;
	v13 =	vadd.s32 v1, v24;
	v10 =	vld.idx.msk [tilespmem:v10+s1+$0x0], $0xffff  }
0x29f: {  	v9 =	vmul.f32 v9, v52;
	v8 =	vadd.f32 v15, v8;
	v13 =	vor.u32 v16, v13  }
0x2a0: {  	v28 =	vand.u32 $0xFFFFFFF8, v25;
	v30 =	vadd.s32 $0x1A, v6;
	v26 =	vmul.f32 v12, v53;
	v14 =	vld.idx.msk [tilespmem:v14+s1+$0x0], $0xffff  }
0x2a1: {  	v15 =	vand.u32 $0x7, v25;
	v16 =	vadd.s32 v1, v28;
	v8 =	vadd.f32 v9, v8  }
0x2a2: {  	v20 =	vand.u32 $0xFFFFFFF8, v30;
	v21 =	vand.u32 $0xFFFFFFF8, v31;
	v15 =	vor.u32 v15, v16;
	v11 =	vld.idx.msk [tilespmem:v11+s1+$0x0], $0xffff  }
0x2a3: {  	v22 =	vand.u32 $0xFFFFFFF8, v27;
	v8 =	vadd.f32 v26, v8;
	v29 =	vmul.f32 v10, v54  }
0x2a4: {  	v12 =	vand.u32 $0x7, v27;
	v9 =	vadd.s32 v1, v20;
	v10 =	vand.u32 $0x7, v30;
	v13 =	vld.idx.msk [tilespmem:v13+s1+$0x0], $0xffff  }
0x2a5: {  	v14 =	vmul.f32 v14, v55;
	v9 =	vor.u32 v10, v9;
	v8 =	vadd.f32 v29, v8  }
0x2a6: {  	v23 =	vadd.s32 $0x1D, v6;
	v16 =	vand.u32 $0x7, v31;
	v10 =	vadd.s32 v1, v21  }
0x2a7: {  	v24 =	vld.idx.msk [tilespmem:v15+s1+$0x0], $0xffff;
	v10 =	vor.u32 v16, v10;
	v8 =	vadd.f32 v14, v8;
	v11 =	vmul.f32 v11, v56  }
0x2a8: {  	v27 =	vadd.s32 $0x1E, v6;
	v25 =	vand.u32 $0xFFFFFFF8, v23;
	v14 =	vadd.s32 v1, v22  }
0x2a9: {  	v12 =	vor.u32 v12, v14;
	v26 =	vmul.f32 v13, v57;
	v8 =	vadd.f32 v11, v8  }
0x2aa: {  	v6 =	vadd.s32 $0x1F, v6;
	v15 =	vadd.s32 v1, v25;
	v16 =	vand.u32 $0x7, v23;
	v9 =	vld.idx.msk [tilespmem:v9+s1+$0x0], $0xffff  }
0x2ab: {  	v28 =	vand.u32 $0xFFFFFFF8, v27;
	v15 =	vor.u32 v16, v15;
	v8 =	vadd.f32 v26, v8  }
0x2ac: {  	v13 =	vand.u32 $0x7, v27;
	v11 =	vadd.s32 v1, v28;
	v29 =	vmul.f32 v24, v59;
	v10 =	vld.idx.msk [tilespmem:v10+s1+$0x0], $0xffff  }
0x2ad: {  	v11 =	vor.u32 v13, v11;
	v7 =	vadd.f32 v7, v8;
	v8 =	vand.u32 $0xFFFFFFF8, v6  }
0x2ae: {  	v6 =	vand.u32 $0x7, v6;
	v1 =	vadd.s32 v1, v8;
	v8 =	vld.idx.msk [tilespmem:v12+s1+$0x0], $0xffff  }
0x2af: {  	v1 =	vor.u32 v6, v1;
	v6 =	vadd.f32 v29, v7;
	v7 =	vmul.f32 v9, v60  }
0x2b0: {  	v30 =	vld.idx.msk [tilespmem:v15+s1+$0x0], $0xffff  }
0x2b1: {  	v6 =	vadd.f32 v7, v6;
	v7 =	vmul.f32 v10, v61  }
0x2b2: {  	v31 =	vld.idx.msk [tilespmem:v11+s1+$0x0], $0xffff  }
0x2b3: {  	v6 =	vadd.f32 v7, v6;
	v7 =	vmul.f32 v8, v62  }
0x2b4: {  	v1 =	vld.idx.msk [tilespmem:v1+s1+$0x0], $0xffff  }
0x2b5: {  	v6 =	vadd.f32 v7, v6;
	v7 =	vmul.f32 v30, v63;
	_ =	sdelay $0x1  }
0x2b6: {  	v6 =	vadd.f32 v7, v6;
	v7 =	vmul.f32 v31, v0;
	_ =	sdelay $0x1  }
0x2b7: {  	v6 =	vadd.f32 v7, v6;
	v1 =	vmul.f32 v1, v2  }
0x2b8: {  	s31 =	simm.s32 $0x1  }
0x2b9: {  	v7 =	vadd.f32 v1, v6;
	v6 =	vadd.s32 s31, v33  }
0x2ba: {  	v1 =	vadd.s32 v4, v6;
	_ =	sdelay $0x1  }
0x2bb: {  	s13 =	simm.s32 $0x2;
	s12 =	sor.u32 s8, s12;
	v7 =	vadd.f32 v7, v3  }
.LBB2_11:
0x2bc: {  	p0 =	sne.s32 s13, $0x13  }
0x2bd: {  	[tilespmem:v5+s28+$0x0] =	vst.idx.msk $0xffff, v7;
	v5 =	vmov v6  }
0x2be: {  	v10 =	vld.idx.msk [tilespmem:v1+s19+$0x0], $0xffff;
	_ =	sdelay $0x5  }
0x2bf: {  	v6 =	vshll.u32 v5, $0x7;
	v7 =	vadd.s32 $0x1F, v10  }
0x2c0: {  	v9 =	vadd.s32 $0x1C, v10;
	v1 =	vadd.s32 $0x1D, v10;
	v8 =	vadd.s32 $0x1E, v10  }
0x2c1: {  	v14 =	vadd.s32 $0x15, v10;
	v13 =	vadd.s32 $0x16, v10;
	v12 =	vadd.s32 $0x17, v10  }
0x2c2: {  	v11 =	vand.u32 $0xFFFFFFF8, v10;
	v15 =	vand.u32 $0x7, v10;
	v16 =	vadd.s32 $0x1, v10  }
0x2c3: {  	v18 =	vadd.s32 $0x2, v10;
	v11 =	vadd.s32 v6, v11;
	v17 =	vand.u32 $0xFFFFFFF8, v16  }
0x2c4: {  	v11 =	vor.u32 v15, v11;
	v15 =	vand.u32 $0x7, v16;
	v16 =	vadd.s32 v6, v17  }
0x2c5: {  	v17 =	vand.u32 $0xFFFFFFF8, v18;
	v16 =	vor.u32 v15, v16;
	v15 =	vadd.s32 $0x14, v10  }
0x2c6: {  	v19 =	vadd.s32 $0x3, v10;
	v18 =	vand.u32 $0x7, v18;
	v17 =	vadd.s32 v6, v17  }
0x2c7: {  	v20 =	vadd.s32 $0xF, v10;
	v17 =	vor.u32 v18, v17;
	v18 =	vand.u32 $0xFFFFFFF8, v19  }
0x2c8: {  	v21 =	vadd.s32 $0x4, v10;
	v19 =	vand.u32 $0x7, v19;
	v18 =	vadd.s32 v6, v18  }
0x2c9: {  	v23 =	vadd.s32 $0xE, v10;
	v18 =	vor.u32 v19, v18;
	v19 =	vand.u32 $0xFFFFFFF8, v21;
	v22 =	vld.idx.msk [tilespmem:v11+s1+$0x0], $0xffff  }
0x2ca: {  	v24 =	vadd.s32 $0x5, v10;
	v21 =	vand.u32 $0x7, v21;
	v19 =	vadd.s32 v6, v19;
	v16 =	vld.idx.msk [tilespmem:v16+s1+$0x0], $0xffff  }
0x2cb: {  	v25 =	vadd.s32 $0xD, v10;
	v19 =	vor.u32 v21, v19;
	v21 =	vand.u32 $0xFFFFFFF8, v24  }
0x2cc: {  	v26 =	vadd.s32 $0x6, v10;
	v24 =	vand.u32 $0x7, v24;
	v21 =	vadd.s32 v6, v21;
	v17 =	vld.idx.msk [tilespmem:v17+s1+$0x0], $0xffff  }
0x2cd: {  	v27 =	vadd.s32 $0xC, v10;
	v21 =	vor.u32 v24, v21;
	v24 =	vand.u32 $0xFFFFFFF8, v26  }
0x2ce: {  	v28 =	vadd.s32 $0x7, v10;
	v26 =	vand.u32 $0x7, v26;
	v24 =	vadd.s32 v6, v24;
	v18 =	vld.idx.msk [tilespmem:v18+s1+$0x0], $0xffff  }
0x2cf: {  	v24 =	vor.u32 v26, v24;
	v26 =	vand.u32 $0xFFFFFFF8, v28;
	v28 =	vand.u32 $0x7, v28  }
0x2d0: {  	v26 =	vadd.s32 v6, v26;
	v22 =	vmul.f32 v22, v47;
	v16 =	vmul.f32 v16, v49;
	v19 =	vld.idx.msk [tilespmem:v19+s1+$0x0], $0xffff  }
0x2d1: {  	v29 =	vadd.s32 $0xB, v10;
	v26 =	vor.u32 v28, v26;
	v28 =	vadd.s32 $0xA, v10  }
0x2d2: {  	v16 =	vadd.f32 v16, v22;
	v17 =	vmul.f32 v17, v43;
	v22 =	vadd.s32 $0x9, v10;
	v21 =	vld.idx.msk [tilespmem:v21+s1+$0x0], $0xffff  }
0x2d3: {  	v30 =	vadd.s32 $0x8, v11;
	v31 =	vand.u32 $0xFFFFFFF8, v22;
	v22 =	vand.u32 $0x7, v22  }
0x2d4: {  	v16 =	vadd.f32 v17, v16;
	v17 =	vmul.f32 v18, v35;
	v18 =	vld.idx.msk [tilespmem:v24+s1+$0x0], $0xffff;
	v24 =	vadd.s32 v6, v31  }
0x2d5: {  	v22 =	vor.u32 v22, v24;
	v24 =	vand.u32 $0xFFFFFFF8, v28;
	v28 =	vand.u32 $0x7, v28  }
0x2d6: {  	v16 =	vadd.f32 v17, v16;
	v17 =	vmul.f32 v19, v38;
	v19 =	vld.idx.msk [tilespmem:v26+s1+$0x0], $0xffff;
	v24 =	vadd.s32 v6, v24  }
0x2d7: {  	v26 =	vand.u32 $0xFFFFFFF8, v29;
	v24 =	vor.u32 v28, v24;
	v28 =	vand.u32 $0x7, v29  }
0x2d8: {  	v16 =	vadd.f32 v17, v16;
	v17 =	vmul.f32 v21, v36;
	v26 =	vadd.s32 v6, v26;
	v21 =	vld.idx.msk [tilespmem:v30+s1+$0x0], $0xffff  }
0x2d9: {  	v26 =	vor.u32 v28, v26;
	v28 =	vand.u32 $0xFFFFFFF8, v27;
	v27 =	vand.u32 $0x7, v27  }
0x2da: {  	v16 =	vadd.f32 v17, v16;
	v17 =	vmul.f32 v18, v34;
	v18 =	vld.idx.msk [tilespmem:v22+s1+$0x0], $0xffff;
	v22 =	vadd.s32 v6, v28  }
0x2db: {  	v22 =	vor.u32 v27, v22;
	v27 =	vand.u32 $0xFFFFFFF8, v25;
	v25 =	vand.u32 $0x7, v25  }
0x2dc: {  	v16 =	vadd.f32 v17, v16;
	v17 =	vmul.f32 v19, v37;
	v19 =	vld.idx.msk [tilespmem:v24+s1+$0x0], $0xffff;
	v24 =	vadd.s32 v6, v27  }
0x2dd: {  	v24 =	vor.u32 v25, v24;
	v25 =	vand.u32 $0xFFFFFFF8, v23;
	v23 =	vand.u32 $0x7, v23  }
0x2de: {  	v16 =	vadd.f32 v17, v16;
	v17 =	vmul.f32 v21, v39;
	v21 =	vld.idx.msk [tilespmem:v26+s1+$0x0], $0xffff;
	v25 =	vadd.s32 v6, v25  }
0x2df: {  	v23 =	vor.u32 v23, v25;
	v25 =	vand.u32 $0xFFFFFFF8, v20;
	v20 =	vand.u32 $0x7, v20  }
0x2e0: {  	v16 =	vadd.f32 v17, v16;
	v17 =	vmul.f32 v18, v40;
	v18 =	vld.idx.msk [tilespmem:v22+s1+$0x0], $0xffff;
	v22 =	vadd.s32 v6, v25  }
0x2e1: {  	v25 =	vadd.s32 $0x13, v10;
	v20 =	vor.u32 v20, v22;
	v22 =	vadd.s32 $0x12, v10  }
0x2e2: {  	v16 =	vadd.f32 v17, v16;
	v17 =	vmul.f32 v19, v41;
	v19 =	vld.idx.msk [tilespmem:v24+s1+$0x0], $0xffff;
	v24 =	vadd.s32 $0x11, v10  }
0x2e3: {  	v26 =	vadd.s32 $0x10, v11;
	v27 =	vand.u32 $0xFFFFFFF8, v24;
	v24 =	vand.u32 $0x7, v24  }
0x2e4: {  	v16 =	vadd.f32 v17, v16;
	v17 =	vmul.f32 v21, v42;
	v21 =	vld.idx.msk [tilespmem:v23+s1+$0x0], $0xffff;
	v23 =	vadd.s32 v6, v27  }
0x2e5: {  	v23 =	vor.u32 v24, v23;
	v24 =	vand.u32 $0xFFFFFFF8, v22;
	v22 =	vand.u32 $0x7, v22  }
0x2e6: {  	v16 =	vadd.f32 v17, v16;
	v17 =	vmul.f32 v18, v44;
	v18 =	vld.idx.msk [tilespmem:v20+s1+$0x0], $0xffff;
	v20 =	vadd.s32 v6, v24  }
0x2e7: {  	v24 =	vand.u32 $0x7, v25;
	v20 =	vor.u32 v22, v20;
	v22 =	vand.u32 $0xFFFFFFF8, v25  }
0x2e8: {  	v16 =	vadd.f32 v17, v16;
	v17 =	vmul.f32 v19, v45;
	v19 =	vld.idx.msk [tilespmem:v26+s1+$0x0], $0xffff;
	v22 =	vadd.s32 v6, v22  }
0x2e9: {  	v22 =	vor.u32 v24, v22;
	v24 =	vand.u32 $0xFFFFFFF8, v15;
	v15 =	vand.u32 $0x7, v15  }
0x2ea: {  	v16 =	vadd.f32 v17, v16;
	v17 =	vmul.f32 v21, v46;
	v21 =	vld.idx.msk [tilespmem:v23+s1+$0x0], $0xffff;
	v23 =	vadd.s32 v6, v24  }
0x2eb: {  	v15 =	vor.u32 v15, v23;
	v23 =	vand.u32 $0xFFFFFFF8, v14;
	v14 =	vand.u32 $0x7, v14  }
0x2ec: {  	v16 =	vadd.f32 v17, v16;
	v17 =	vmul.f32 v18, v48;
	v18 =	vld.idx.msk [tilespmem:v20+s1+$0x0], $0xffff;
	v20 =	vadd.s32 v6, v23  }
0x2ed: {  	v14 =	vor.u32 v14, v20;
	v20 =	vand.u32 $0xFFFFFFF8, v13;
	v13 =	vand.u32 $0x7, v13  }
0x2ee: {  	v16 =	vadd.f32 v17, v16;
	v17 =	vmul.f32 v19, v50;
	v19 =	vld.idx.msk [tilespmem:v22+s1+$0x0], $0xffff;
	v20 =	vadd.s32 v6, v20  }
0x2ef: {  	v13 =	vor.u32 v13, v20;
	v20 =	vand.u32 $0xFFFFFFF8, v12;
	v12 =	vand.u32 $0x7, v12  }
0x2f0: {  	v16 =	vadd.f32 v17, v16;
	v17 =	vmul.f32 v21, v51;
	v15 =	vld.idx.msk [tilespmem:v15+s1+$0x0], $0xffff;
	v20 =	vadd.s32 v6, v20  }
0x2f1: {  	v21 =	vadd.s32 $0x1B, v10;
	v12 =	vor.u32 v12, v20;
	v20 =	vadd.s32 $0x1A, v10  }
0x2f2: {  	v16 =	vadd.f32 v17, v16;
	v17 =	vmul.f32 v18, v52;
	v10 =	vadd.s32 $0x19, v10;
	v14 =	vld.idx.msk [tilespmem:v14+s1+$0x0], $0xffff  }
0x2f3: {  	v11 =	vadd.s32 $0x18, v11;
	v18 =	vand.u32 $0xFFFFFFF8, v10;
	v10 =	vand.u32 $0x7, v10  }
0x2f4: {  	v16 =	vadd.f32 v17, v16;
	v17 =	vmul.f32 v19, v53;
	v18 =	vadd.s32 v6, v18;
	v13 =	vld.idx.msk [tilespmem:v13+s1+$0x0], $0xffff  }
0x2f5: {  	v19 =	vand.u32 $0x7, v20;
	v10 =	vor.u32 v10, v18;
	v18 =	vand.u32 $0xFFFFFFF8, v20  }
0x2f6: {  	v16 =	vadd.f32 v17, v16;
	v15 =	vmul.f32 v15, v54;
	v17 =	vadd.s32 v6, v18;
	v12 =	vld.idx.msk [tilespmem:v12+s1+$0x0], $0xffff  }
0x2f7: {  	v18 =	vand.u32 $0xFFFFFFF8, v21;
	v17 =	vor.u32 v19, v17;
	v19 =	vand.u32 $0x7, v21  }
0x2f8: {  	v15 =	vadd.f32 v15, v16;
	v14 =	vmul.f32 v14, v55;
	v16 =	vadd.s32 v6, v18;
	v11 =	vld.idx.msk [tilespmem:v11+s1+$0x0], $0xffff  }
0x2f9: {  	v18 =	vand.u32 $0xFFFFFFF8, v9;
	v9 =	vand.u32 $0x7, v9;
	v16 =	vor.u32 v19, v16  }
0x2fa: {  	v14 =	vadd.f32 v14, v15;
	v13 =	vmul.f32 v13, v56;
	v15 =	vadd.s32 v6, v18;
	v10 =	vld.idx.msk [tilespmem:v10+s1+$0x0], $0xffff  }
0x2fb: {  	v9 =	vor.u32 v9, v15;
	v15 =	vand.u32 $0xFFFFFFF8, v1;
	v1 =	vand.u32 $0x7, v1  }
0x2fc: {  	v13 =	vadd.f32 v13, v14;
	v12 =	vmul.f32 v12, v57;
	v15 =	vadd.s32 v6, v15;
	v14 =	vld.idx.msk [tilespmem:v17+s1+$0x0], $0xffff  }
0x2fd: {  	v1 =	vor.u32 v1, v15;
	v15 =	vand.u32 $0xFFFFFFF8, v8;
	v8 =	vand.u32 $0x7, v8  }
0x2fe: {  	v12 =	vadd.f32 v12, v13;
	v11 =	vmul.f32 v11, v58;
	v15 =	vadd.s32 v6, v15;
	v13 =	vld.idx.msk [tilespmem:v16+s1+$0x0], $0xffff  }
0x2ff: {  	v8 =	vor.u32 v8, v15;
	v15 =	vand.u32 $0xFFFFFFF8, v7;
	v7 =	vand.u32 $0x7, v7  }
0x300: {  	v11 =	vadd.f32 v11, v12;
	v10 =	vmul.f32 v10, v59;
	v6 =	vadd.s32 v6, v15;
	v9 =	vld.idx.msk [tilespmem:v9+s1+$0x0], $0xffff  }
0x301: {  	v6 =	vor.u32 v7, v6  }
0x302: {  	v7 =	vadd.f32 v10, v11;
	v10 =	vmul.f32 v14, v60;
	v1 =	vld.idx.msk [tilespmem:v1+s1+$0x0], $0xffff;
	_ =	sdelay $0x1  }
0x303: {  	v7 =	vadd.f32 v10, v7;
	v10 =	vmul.f32 v13, v61;
	v8 =	vld.idx.msk [tilespmem:v8+s1+$0x0], $0xffff;
	_ =	sdelay $0x1  }
0x304: {  	v7 =	vadd.f32 v10, v7;
	v9 =	vmul.f32 v9, v62;
	v6 =	vld.idx.msk [tilespmem:v6+s1+$0x0], $0xffff;
	_ =	sdelay $0x1  }
0x305: {  	v7 =	vadd.f32 v9, v7;
	v1 =	vmul.f32 v1, v63;
	_ =	sdelay $0x1  }
0x306: {  	v1 =	vadd.f32 v1, v7;
	v7 =	vmul.f32 v8, v0;
	_ =	sdelay $0x1  }
.Ltmp4:
0x307: {  	v7 =	vadd.f32 v7, v1;
	v8 =	vmul.f32 v6, v2;
	(pc) =	sbr.rel @p0 .LBB2_11-.Ltmp4, $3  }
0x308: {  	v6 =	vadd.s32 s13, v33  }
0x309: {  	v1 =	vadd.s32 v4, v6;
	v7 =	vadd.f32 v8, v7;
	_ =	sdelay $0x1  }
0x30a: {  	s13 =	sadd.s32 $0x1, s13;
	v7 =	vadd.f32 v7, v3  }
0x30b: {  	_ =	sdelay $0x3  }
0x30c: {  	[tilespmem:v5+s28+$0x0] =	vst.idx.msk $0xffff, v7  }
0x30d: {  	v4 =	vld.idx.msk [tilespmem:v1+s19+$0x0], $0xffff;
	_ =	sdelay $0x3  }
0x30e: {  	v1 =	vshll.u32 v6, $0x7  }
0x30f: {  	v8 =	vadd.s32 $0x1C, v4;
	v7 =	vadd.s32 $0x1D, v4;
	v5 =	vadd.s32 $0x1E, v4  }
0x310: {  	v12 =	vadd.s32 $0x15, v4;
	v11 =	vadd.s32 $0x16, v4;
	v9 =	vand.u32 $0xFFFFFFF8, v4  }
0x311: {  	v13 =	vand.u32 $0x7, v4;
	v14 =	vadd.s32 $0x1, v4;
	v16 =	vadd.s32 $0x2, v4  }
0x312: {  	v17 =	vadd.s32 $0x3, v4;
	v18 =	vadd.s32 $0xF, v4;
	v19 =	vadd.s32 $0x4, v4  }
0x313: {  	v20 =	vadd.s32 $0xE, v4;
	v9 =	vadd.s32 v1, v9;
	v15 =	vand.u32 $0xFFFFFFF8, v14  }
0x314: {  	v25 =	vand.u32 $0x7, v14;
	v9 =	vor.u32 v13, v9;
	v26 =	vadd.s32 v1, v15  }
0x315: {  	v22 =	vadd.s32 $0x5, v4;
	v27 =	vand.u32 $0xFFFFFFF8, v16;
	v13 =	vor.u32 v25, v26  }
0x316: {  	v23 =	vadd.s32 $0xD, v4;
	v16 =	vand.u32 $0x7, v16;
	v14 =	vadd.s32 v1, v27  }
0x317: {  	v24 =	vadd.s32 $0x6, v4;
	v28 =	vand.u32 $0xFFFFFFF8, v17;
	v14 =	vor.u32 v16, v14  }
0x318: {  	v17 =	vand.u32 $0x7, v17;
	v29 =	vand.u32 $0xFFFFFFF8, v19;
	v16 =	vadd.s32 v1, v28  }
0x319: {  	v19 =	vand.u32 $0x7, v19;
	v30 =	vand.u32 $0xFFFFFFF8, v22;
	v16 =	vor.u32 v17, v16;
	v21 =	vld.idx.msk [tilespmem:v9+s1+$0x0], $0xffff  }
0x31a: {  	v22 =	vand.u32 $0x7, v22;
	v31 =	vand.u32 $0xFFFFFFF8, v24;
	v17 =	vadd.s32 v1, v29;
	v13 =	vld.idx.msk [tilespmem:v13+s1+$0x0], $0xffff  }
0x31b: {  	v24 =	vand.u32 $0x7, v24;
	v15 =	vadd.s32 $0x14, v4;
	v17 =	vor.u32 v19, v17  }
0x31c: {  	v27 =	vadd.s32 $0xB, v4;
	v25 =	vadd.s32 $0xC, v4;
	v19 =	vadd.s32 v1, v30;
	v14 =	vld.idx.msk [tilespmem:v14+s1+$0x0], $0xffff  }
0x31d: {  	v26 =	vadd.s32 $0x7, v4;
	v19 =	vor.u32 v22, v19;
	v22 =	vadd.s32 v1, v31  }
0x31e: {  	v33 =	vand.u32 $0xFFFFFFF8, v26;
	v26 =	vand.u32 $0x7, v26;
	v22 =	vor.u32 v24, v22;
	v16 =	vld.idx.msk [tilespmem:v16+s1+$0x0], $0xffff  }
0x31f: {  	v24 =	vadd.s32 v1, v33;
	v21 =	vmul.f32 v21, v47;
	v13 =	vmul.f32 v13, v49  }
0x320: {  	v28 =	vadd.s32 $0x8, v9;
	v30 =	vand.u32 $0xFFFFFFF8, v27;
	v24 =	vor.u32 v26, v24;
	v17 =	vld.idx.msk [tilespmem:v17+s1+$0x0], $0xffff  }
0x321: {  	v47 =	vadd.s32 $0xA, v4;
	v14 =	vmul.f32 v14, v43;
	v13 =	vadd.f32 v13, v21  }
0x322: {  	v31 =	vand.u32 $0x7, v27;
	v19 =	vld.idx.msk [tilespmem:v19+s1+$0x0], $0xffff;
	v49 =	vadd.s32 $0x9, v4;
	v43 =	vand.u32 $0xFFFFFFF8, v47  }
0x323: {  	v29 =	vand.u32 $0xFFFFFFF8, v49;
	v33 =	vmul.f32 v16, v35;
	v13 =	vadd.f32 v14, v13  }
0x324: {  	v22 =	vld.idx.msk [tilespmem:v22+s1+$0x0], $0xffff;
	v26 =	vand.u32 $0x7, v47;
	v21 =	vand.u32 $0x7, v49;
	v35 =	vadd.s32 v1, v29  }
0x325: {  	v47 =	vmul.f32 v17, v38;
	v16 =	vor.u32 v21, v35;
	v13 =	vadd.f32 v33, v13  }
0x326: {  	v49 =	vadd.s32 v1, v43;
	v29 =	vld.idx.msk [tilespmem:v24+s1+$0x0], $0xffff;
	v38 =	vand.u32 $0xFFFFFFF8, v25;
	v25 =	vand.u32 $0x7, v25  }
0x327: {  	v17 =	vor.u32 v26, v49;
	v33 =	vmul.f32 v19, v36;
	v13 =	vadd.f32 v47, v13  }
0x328: {  	v35 =	vadd.s32 v1, v30;
	v49 =	vand.u32 $0xFFFFFFF8, v23;
	v23 =	vand.u32 $0x7, v23;
	v36 =	vld.idx.msk [tilespmem:v28+s1+$0x0], $0xffff  }
0x329: {  	v43 =	vmul.f32 v22, v34;
	v19 =	vor.u32 v31, v35;
	v13 =	vadd.f32 v33, v13  }
0x32a: {  	v30 =	vand.u32 $0xFFFFFFF8, v18;
	v27 =	vadd.s32 v1, v49;
	v47 =	vadd.s32 v1, v38;
	v16 =	vld.idx.msk [tilespmem:v16+s1+$0x0], $0xffff  }
0x32b: {  	v26 =	vmul.f32 v29, v37;
	v22 =	vor.u32 v25, v47;
	v13 =	vadd.f32 v43, v13  }
0x32c: {  	v18 =	vand.u32 $0x7, v18;
	v34 =	vadd.s32 $0x12, v4;
	v21 =	vor.u32 v23, v27;
	v17 =	vld.idx.msk [tilespmem:v17+s1+$0x0], $0xffff  }
0x32d: {  	v28 =	vand.u32 $0xFFFFFFF8, v20;
	v29 =	vmul.f32 v36, v39;
	v13 =	vadd.f32 v26, v13  }
0x32e: {  	v20 =	vand.u32 $0x7, v20;
	v35 =	vadd.s32 $0x13, v4;
	v23 =	vadd.s32 v1, v28;
	v19 =	vld.idx.msk [tilespmem:v19+s1+$0x0], $0xffff  }
0x32f: {  	v20 =	vor.u32 v20, v23;
	v31 =	vmul.f32 v16, v40;
	v13 =	vadd.f32 v29, v13  }
0x330: {  	v37 =	vadd.s32 $0x11, v4;
	v38 =	vadd.s32 $0x10, v9;
	v33 =	vadd.s32 v1, v30;
	v22 =	vld.idx.msk [tilespmem:v22+s1+$0x0], $0xffff  }
0x331: {  	v21 =	vld.idx.msk [tilespmem:v21+s1+$0x0], $0xffff;
	v16 =	vor.u32 v18, v33;
	v36 =	vmul.f32 v17, v41;
	v13 =	vadd.f32 v31, v13  }
0x332: {  	v9 =	vadd.s32 $0x18, v9;
	v39 =	vand.u32 $0xFFFFFFF8, v37;
	v17 =	vand.u32 $0x7, v37  }
0x333: {  	v41 =	vadd.s32 v1, v39;
	v40 =	vmul.f32 v19, v42;
	v13 =	vadd.f32 v36, v13  }
0x334: {  	v47 =	vand.u32 $0x7, v35;
	v25 =	vand.u32 $0xFFFFFFF8, v15;
	v20 =	vld.idx.msk [tilespmem:v20+s1+$0x0], $0xffff;
	v17 =	vor.u32 v17, v41  }
0x335: {  	v42 =	vand.u32 $0xFFFFFFF8, v34;
	v43 =	vmul.f32 v22, v44;
	v13 =	vadd.f32 v40, v13  }
0x336: {  	v18 =	vand.u32 $0x7, v34;
	v49 =	vmul.f32 v21, v45;
	v19 =	vadd.s32 v1, v42;
	v16 =	vld.idx.msk [tilespmem:v16+s1+$0x0], $0xffff  }
0x337: {  	v18 =	vor.u32 v18, v19;
	v44 =	vand.u32 $0xFFFFFFF8, v35;
	v13 =	vadd.f32 v43, v13  }
0x338: {  	v15 =	vand.u32 $0x7, v15;
	v27 =	vadd.s32 v1, v25;
	v24 =	vld.idx.msk [tilespmem:v38+s1+$0x0], $0xffff;
	v19 =	vadd.s32 v1, v44  }
0x339: {  	v26 =	vmul.f32 v20, v46;
	v19 =	vor.u32 v47, v19;
	v13 =	vadd.f32 v49, v13  }
0x33a: {  	v28 =	vand.u32 $0xFFFFFFF8, v12;
	v12 =	vand.u32 $0x7, v12;
	v15 =	vor.u32 v15, v27;
	v17 =	vld.idx.msk [tilespmem:v17+s1+$0x0], $0xffff  }
0x33b: {  	v30 =	vadd.s32 v1, v28;
	v29 =	vmul.f32 v16, v48;
	v13 =	vadd.f32 v26, v13  }
0x33c: {  	v10 =	vadd.s32 $0x17, v4;
	v12 =	vor.u32 v12, v30;
	v37 =	vadd.s32 $0x1B, v4;
	v18 =	vld.idx.msk [tilespmem:v18+s1+$0x0], $0xffff  }
0x33d: {  	v9 =	vld.idx.msk [tilespmem:v9+s1+$0x0], $0xffff;
	v31 =	vand.u32 $0xFFFFFFF8, v11;
	v33 =	vmul.f32 v24, v50;
	v13 =	vadd.f32 v29, v13  }
0x33e: {  	v34 =	vand.u32 $0xFFFFFFF8, v10;
	v11 =	vand.u32 $0x7, v11;
	v16 =	vadd.s32 v1, v31;
	v19 =	vld.idx.msk [tilespmem:v19+s1+$0x0], $0xffff  }
0x33f: {  	v15 =	vld.idx.msk [tilespmem:v15+s1+$0x0], $0xffff;
	v11 =	vor.u32 v11, v16;
	v35 =	vmul.f32 v17, v51;
	v13 =	vadd.f32 v33, v13  }
0x340: {  	v39 =	vadd.s32 $0x19, v4;
	v10 =	vand.u32 $0x7, v10;
	v16 =	vadd.s32 v1, v34  }
0x341: {  	v12 =	vld.idx.msk [tilespmem:v12+s1+$0x0], $0xffff;
	v10 =	vor.u32 v10, v16;
	v38 =	vmul.f32 v18, v52;
	v13 =	vadd.f32 v35, v13  }
0x342: {  	v46 =	vand.u32 $0xFFFFFFF8, v37;
	v9 =	vmul.f32 v9, v58;
	v36 =	vadd.s32 $0x1A, v4  }
0x343: {  	v40 =	vand.u32 $0xFFFFFFF8, v39;
	v41 =	vmul.f32 v19, v53;
	v13 =	vadd.f32 v38, v13  }
0x344: {  	v44 =	vmul.f32 v15, v54;
	v42 =	vadd.s32 v1, v40;
	v18 =	vand.u32 $0x7, v39;
	v11 =	vld.idx.msk [tilespmem:v11+s1+$0x0], $0xffff  }
0x345: {  	v43 =	vand.u32 $0xFFFFFFF8, v36;
	v18 =	vor.u32 v18, v42;
	v13 =	vadd.f32 v41, v13  }
0x346: {  	v12 =	vmul.f32 v12, v55;
	v16 =	vand.u32 $0x7, v36;
	v45 =	vadd.s32 v1, v43;
	v10 =	vld.idx.msk [tilespmem:v10+s1+$0x0], $0xffff  }
0x347: {  	v47 =	vadd.s32 v1, v46;
	v15 =	vor.u32 v16, v45;
	v13 =	vadd.f32 v44, v13  }
0x348: {  	v54 =	vand.u32 $0xFFFFFFF8, v5;
	v48 =	vand.u32 $0xFFFFFFF8, v8;
	v17 =	vand.u32 $0x7, v37  }
0x349: {  	v14 =	vor.u32 v17, v47;
	v11 =	vmul.f32 v11, v56;
	v12 =	vadd.f32 v12, v13  }
0x34a: {  	v8 =	vand.u32 $0x7, v8;
	v51 =	vand.u32 $0xFFFFFFF8, v7;
	v49 =	vadd.s32 v1, v48;
	v50 =	vld.idx.msk [tilespmem:v18+s1+$0x0], $0xffff  }
0x34b: {  	v8 =	vor.u32 v8, v49;
	v10 =	vmul.f32 v10, v57;
	v11 =	vadd.f32 v11, v12  }
0x34c: {  	v5 =	vand.u32 $0x7, v5;
	v7 =	vand.u32 $0x7, v7;
	v52 =	vadd.s32 v1, v51;
	v53 =	vld.idx.msk [tilespmem:v15+s1+$0x0], $0xffff  }
0x34d: {  	v55 =	vadd.s32 v1, v54;
	v7 =	vor.u32 v7, v52;
	v10 =	vadd.f32 v10, v11  }
0x34e: {  	v4 =	vadd.s32 $0x1F, v4;
	v5 =	vor.u32 v5, v55;
	v56 =	vld.idx.msk [tilespmem:v14+s1+$0x0], $0xffff  }
0x34f: {  	v57 =	vand.u32 $0xFFFFFFF8, v4;
	v58 =	vmul.f32 v50, v59;
	v9 =	vadd.f32 v9, v10  }
0x350: {  	v8 =	vld.idx.msk [tilespmem:v8+s1+$0x0], $0xffff;
	v4 =	vand.u32 $0x7, v4;
	v1 =	vadd.s32 v1, v57  }
0x351: {  	v60 =	vmul.f32 v53, v60;
	v1 =	vor.u32 v4, v1;
	v59 =	vadd.f32 v58, v9  }
0x352: {  	v7 =	vld.idx.msk [tilespmem:v7+s1+$0x0], $0xffff  }
0x353: {  	v61 =	vmul.f32 v56, v61;
	v4 =	vadd.f32 v60, v59  }
0x354: {  	v5 =	vld.idx.msk [tilespmem:v5+s1+$0x0], $0xffff  }
0x355: {  	v8 =	vmul.f32 v8, v62;
	v4 =	vadd.f32 v61, v4  }
0x356: {  	v1 =	vld.idx.msk [tilespmem:v1+s1+$0x0], $0xffff  }
0x357: {  	v7 =	vmul.f32 v7, v63;
	v4 =	vadd.f32 v8, v4;
	_ =	sdelay $0x1  }
0x358: {  	v0 =	vmul.f32 v5, v0;
	v4 =	vadd.f32 v7, v4;
	_ =	sdelay $0x1  }
0x359: {  	v1 =	vmul.f32 v1, v2;
	v0 =	vadd.f32 v0, v4;
	_ =	sdelay $0x1  }
0x35a: {  	v0 =	vadd.f32 v1, v0  }
0x35b: {  	s11 =	sadd.s32 $0x1, s11  }
0x35c: {  	s16 =	smul.u32 $0x14, s12;
	p0 =	sne.s32 s11, $0x10;
	v0 =	vadd.f32 v0, v3  }
.Ltmp5:
0x35d: {  	s9 =	sshrl.u32 s12, $0x3;
	(pc) =	sbr.rel @p0 .LBB2_8-.Ltmp5, $4  }
0x35e: {  	s9 =	sadd.s32 s6, s9;
	s31 =	sshrl.u32 s16, $0x3;
	[tilespmem:v6+s28+$0x0] =	vst.idx.msk $0xffff, v0  }
0x35f: {  	[hbm4b:s9+s3] =	stream.linear.scatter [tilespmem:s30], [sflag:$0x4], $0x10, $0x38;
	[tilespmem:$0x1E8A0] =	vst v63  }
0x360: {  	s9 =	sadd.s32 s7, s31  }
0x361: {  	[hbm4b:s9+s3] =	stream.linear.scatter [tilespmem:s28], [sflag:$0x4], $0x140, $0x38;
	[tilespmem:$0x1E8A0] =	vst v63  }
0x362: {  	s9 =	simm.s32 $0x3  }
0x363: {  	_ =	swait.ge [sflag:s9], $0x10  }
0x364: {  	[sflag:s9] =	ssyncset.done $0x0  }
0x365: {  	[sflag:s9] =	ssyncadd.s32 $0xFFFFFFF0  }
0x366: {  	_ =	swait.ge [sflag:s9], $0x140  }
0x367: {  	[sflag:s9] =	ssyncset.done $0x0  }
0x368: {  	s10 =	simm.s32 $0x4;
	[sflag:s9] =	ssyncadd.s32 $0xFFFFFEC0  }
0x369: {  	_ =	swait.ge [sflag:s10], $0x10  }
0x36a: {  	[sflag:s10] =	ssyncset.done $0x0  }
0x36b: {  	[sflag:s10] =	ssyncadd.s32 $0xFFFFFFF0  }
0x36c: {  	_ =	swait.ge [sflag:s10], $0x140  }
0x36d: {  	s11 =	rddreg [dreg:$0x9]  }
0x36e: {  	s31 =	rddreg [dreg:$0x8];
	s11 =	sadd.s32 $0x1, s11  }
0x36f: {  	p0 =	sne.s32 s11, s31  }
.Ltmp6:
0x370: {  	_ = 	snop;
	(pc) =	sbr.rel @p0 .LBB2_1-.Ltmp6, $3  }
0x371: {  	_ =	sdelay $0x1  }
0x372: {  	[sflag:s10] =	ssyncset.done $0x0  }
0x373: {  	[sflag:s10] =	ssyncadd.s32 $0xFFFFFEC0  }
0x374: {  	_ =	sfence.sel $0x180000  }
0x375: {  	[bflag:$0x0] =	sbarrier.arrive $0xFFFF  }
0x376: {  	_ =	strace $0x90000047  }
0x377: {  	s0 =	stileid.u32;
	[bflag:$0x2] =	sbarrier.arrive $0xFFFF  }
0x378: {  	p0 =	sne.s32 s0, $0x0;
	s0 =	rddreg [dreg:$0x4]  }
0x379: {  	s0 =	sadd.s32 @!p0 $0x100000, s0  }
0x37a: {  	[sflag:s0] =	ssyncadd.tile.s32 @!p0 $0x1;
	_ =	shalt  }
.Lfunc_end2:
_tile_overlayer_lowered:
.L_overlay_start_2:
0x37b: {  	(tag) =	ssettag $0x2  }
0x37c: {  	s0 =	rddreg [dreg:$0x0];
	s2 =	stileid.u32  }
0x37d: {  	s1 =	rddreg [dreg:$0x1];
	p0 =	sne.s32 s2, $0x0  }
0x37e: {  	s3 =	rddreg [dreg:$0x2];
	[bflag:$0x3] =	sbarrier.arrive $0xFFFF;
	s2 =	simm.s32 @!p0 $0x1C05  }
0x37f: {  	[timem:s3], [sflag:s2] =	dma.local @!p0 [hbm:s0], s1  }
0x380: {  	s0 =	simm.s32 @!p0 $0x5  }
0x381: {  	_ =	swait.ge @!p0 [sflag:s0], s1  }
0x382: {  	s1 =	ssub.s32 @!p0 $0x0, s1;
	[sflag:s0] =	ssyncset.done @!p0 $0x0  }
0x383: {  	[sflag:s0] =	ssyncadd.s32 @!p0 s1  }
0x384: {  	[bflag:$0x3] =	sbarrier.arrive $0xFFFF  }
0x385: {  	_ =	shalt  }

</sc_bundles>
